<compile_context>
chip_gen: v7x
topology: tpu7x:2x2x1
jax: 0.10.2.dev20260603
libtpu: 0.0.44.dev20260713+nightly
codegen_flags: <defaults>
</compile_context>

<pallas_src>
import functools

import jax
import jax.numpy as jnp
from jax import lax
from jax.experimental import pallas as pl
from jax.experimental.pallas import tpu as pltpu
from jax.experimental.pallas import tpu_sc as plsc

N = 10000
E = 320000
D = 128
EPS = 1e-5

NC = 2
NS = 16
NW = NC * NS
CHUNK = 128
NCH = 80
EP = NW * NCH * CHUNK
EPW = NCH * CHUNK
NPAD = EP - E
PADROWS = 240
NP = N + PADROWS
STRIPE = NP // NS
HOPS = ((0, 128), (128, 128), (256, 128), (384, 128), (512, 128))
NBUF = 2
NIDX = 4

_mesh = plsc.VectorSubcoreMesh(
    core_axis_name="c", subcore_axis_name="s", num_cores=NC, num_subcores=NS
)



@functools.partial(
    pl.kernel,
    out_type=jax.ShapeDtypeStruct((NC * NP,), jnp.float32),
    mesh=_mesh,
    scratch_types=[
        [pltpu.VMEM((2, CHUNK), jnp.int32)] * NIDX,
        [pltpu.SemaphoreType.DMA] * NIDX,
        pltpu.VMEM((CHUNK,), jnp.float32),
        pltpu.VMEM((STRIPE,), jnp.float32),
        pltpu.VMEM_SHARED((NP,), jnp.float32),
    ],
)
def _deg_kernel(ei_hbm, ones_hbm, zeros_hbm, out_hbm,
                ibuf, isems, ones_v, stage_v, acc_s):
    cid = lax.axis_index("c")
    sid = lax.axis_index("s")
    wid = cid * NS + sid
    rs = pl.ds(sid * STRIPE, STRIPE)

    pltpu.sync_copy(zeros_hbm.at[rs], stage_v)
    pltpu.sync_copy(stage_v, acc_s.at[rs])
    pltpu.sync_copy(ones_hbm.at[pl.ds(0, CHUNK)], ones_v)
    plsc.subcore_barrier()

    def _fire_idx(ch, k):
        off = wid * EPW + ch * CHUNK
        pltpu.async_copy(ei_hbm.at[:, pl.ds(off, CHUNK)], ibuf[k], isems[k])

    def _wait_idx(k):
        pltpu.make_async_copy(ei_hbm.at[:, pl.ds(0, CHUNK)], ibuf[k],
                              isems[k]).wait()

    for k in range(NIDX):
        _fire_idx(k, k)

    def body(g, carry):
        for p in range(NIDX):
            ch = NIDX * g + p
            _wait_idx(p)
            pltpu.sync_copy(ones_v, acc_s.at[ibuf[p].at[1]], add=True)

            @pl.when(ch + NIDX < NCH)
            def _():
                _fire_idx(ch + NIDX, p)
        return carry

    lax.fori_loop(0, NCH // NIDX, body, 0)
    plsc.subcore_barrier()

    pltpu.sync_copy(acc_s.at[rs], stage_v)
    pltpu.sync_copy(stage_v, out_hbm.at[pl.ds(cid * NP + sid * STRIPE, STRIPE)])


@functools.partial(
    pl.kernel,
    out_type=jax.ShapeDtypeStruct((NC, NP, D), jnp.float32),
    mesh=_mesh,
    scratch_types=[
        [pltpu.VMEM((2, CHUNK), jnp.int32)] * NIDX,
        [pltpu.SemaphoreType.DMA] * NIDX,
        [pltpu.VMEM((CHUNK, D), jnp.float32)] * NBUF,
        [pltpu.SemaphoreType.DMA] * NBUF,
        pltpu.VMEM_SHARED((NP, D), jnp.float32),
    ],
)
def _agg_kernel(y_hbm, ei_hbm, zeros_hbm, out_hbm,
                ibuf, isems, rows, rsems, acc_s):
    cid = lax.axis_index("c")
    sid = lax.axis_index("s")
    wid = cid * NS + sid

    def _hop_slice(j):
        return pl.ds(sid * STRIPE + HOPS[j][0], HOPS[j][1])

    def _hop_buf(j, b):
        return rows[b].at[pl.ds(0, HOPS[j][1])]

    def _wait_hop(j, b):
        pltpu.make_async_copy(y_hbm.at[pl.ds(0, HOPS[j][1])],
                              _hop_buf(j, b), rsems[b]).wait()

    def _fire_hop(j, b):
        @pl.when(cid == 0)
        def _():
            pltpu.async_copy(y_hbm.at[_hop_slice(j)], _hop_buf(j, b),
                             rsems[b])

        @pl.when(cid == 1)
        def _():
            pltpu.async_copy(zeros_hbm.at[_hop_slice(j)], _hop_buf(j, b),
                             rsems[b])

    nhop = len(HOPS)
    _fire_hop(0, 0)
    for j in range(nhop):
        b = j % NBUF
        if j + 1 < nhop:
            _fire_hop(j + 1, (j + 1) % NBUF)
        _wait_hop(j, b)
        pltpu.sync_copy(_hop_buf(j, b), acc_s.at[_hop_slice(j)])

    plsc.subcore_barrier()

    def _fire_idx(ch, k):
        off = wid * EPW + ch * CHUNK
        pltpu.async_copy(ei_hbm.at[:, pl.ds(off, CHUNK)], ibuf[k], isems[k])

    def _wait_idx(k):
        pltpu.make_async_copy(ei_hbm.at[:, pl.ds(0, CHUNK)], ibuf[k],
                              isems[k]).wait()

    def _fire_gather(k, b):
        pltpu.async_copy(y_hbm.at[ibuf[k].at[0]], rows[b], rsems[b])

    def _wait_gather(b):
        pltpu.make_async_copy(y_hbm.at[pl.ds(0, CHUNK)], rows[b],
                              rsems[b]).wait()

    for k in range(NIDX):
        _fire_idx(k, k)
    for b in range(NBUF):
        _wait_idx(b)
        _fire_gather(b, b)

    def body(g, carry):
        for p in range(NIDX):
            ch = NIDX * g + p
            b = p % NBUF
            _wait_gather(b)
            pltpu.sync_copy(rows[b], acc_s.at[ibuf[p].at[1]], add=True)

            @pl.when(ch + NIDX < NCH)
            def _():
                _fire_idx(ch + NIDX, p)

            @pl.when(ch + NBUF < NCH)
            def _():
                _wait_idx((p + NBUF) % NIDX)
                _fire_gather((p + NBUF) % NIDX, b)
        return carry

    lax.fori_loop(0, NCH // NIDX, body, 0)
    plsc.subcore_barrier()

    for j in range(nhop):
        b = j % NBUF
        if j >= NBUF:
            _wait_hop(j - NBUF, b)
        pltpu.sync_copy(acc_s.at[_hop_slice(j)], _hop_buf(j, b))
        pltpu.async_copy(_hop_buf(j, b), out_hbm.at[cid, _hop_slice(j)],
                         rsems[b])
    for j in range(nhop - NBUF, nhop):
        _wait_hop(j, j % NBUF)



def _scale_body(dp_ref, x_ref, w_ref, dinv_ref, y_ref):
    dp = dp_ref[...]
    deg = dp[0:N] + dp[NP:NP + N] + 1.0
    dinv = lax.rsqrt(jnp.maximum(deg, 1.0))[:, None]
    dinv_ref[...] = dinv
    z = lax.dot_general(
        x_ref[...], w_ref[...], (((1,), (0,)), ((), ())),
        precision=lax.Precision.HIGHEST, preferred_element_type=jnp.float32)
    y_ref[0:N, :] = z * dinv
    y_ref[N:NP, :] = jnp.zeros((NP - N, D), jnp.float32)


_scale = pl.pallas_call(
    _scale_body,
    out_shape=[
        jax.ShapeDtypeStruct((N, 1), jnp.float32),
        jax.ShapeDtypeStruct((NP, D), jnp.float32),
    ])


def _layer_body(p_ref, dinv_ref, b_ref, g_ref, bt_ref, w_ref, y_ref):
    dinv = dinv_ref[...]
    s = p_ref[0] + p_ref[1]
    v = s[:N] * dinv + b_ref[...]
    mu = jnp.mean(v, axis=0, keepdims=True)
    vc = v - mu
    var = jnp.mean(vc * vc, axis=0, keepdims=True)
    h = vc * lax.rsqrt(var + EPS) * g_ref[...] + bt_ref[...]
    h = jnp.maximum(h, 0.0)
    z = lax.dot_general(
        h, w_ref[...], (((1,), (0,)), ((), ())),
        precision=lax.Precision.HIGHEST, preferred_element_type=jnp.float32)
    y_ref[0:N, :] = z * dinv
    y_ref[N:NP, :] = jnp.zeros((NP - N, D), jnp.float32)


_layer = pl.pallas_call(
    _layer_body, out_shape=jax.ShapeDtypeStruct((NP, D), jnp.float32))


def _final_body(p_ref, dinv_ref, b_ref, o_ref):
    s = p_ref[0] + p_ref[1]
    o_ref[...] = s[:N] * dinv_ref[...] + b_ref[...]


_final = pl.pallas_call(
    _final_body, out_shape=jax.ShapeDtypeStruct((N, D), jnp.float32))



def kernel(x, edge_index, W0, b0, W1, b1, W2, b2, g0, beta0, g1, beta1):
    pad = jnp.arange(NPAD, dtype=jnp.int32)
    eip = jnp.concatenate(
        [edge_index, jnp.stack([(pad * 37) % N, N + pad % PADROWS])],
        axis=1)
    ones_c = jnp.ones((CHUNK,), jnp.float32)
    zeros_n = jnp.zeros((NP,), jnp.float32)
    zeros_nd = jnp.zeros((NP, D), jnp.float32)

    dp = _deg_kernel(eip, ones_c, zeros_n)
    dinv, y0 = _scale(dp, x, W0)

    p = _agg_kernel(y0, eip, zeros_nd)
    y1 = _layer(p, dinv, b0.reshape(1, D), g0.reshape(1, D),
                beta0.reshape(1, D), W1)
    p = _agg_kernel(y1, eip, zeros_nd)
    y2 = _layer(p, dinv, b1.reshape(1, D), g1.reshape(1, D),
                beta1.reshape(1, D), W2)
    p = _agg_kernel(y2, eip, zeros_nd)
    return _final(p, dinv, b2.reshape(1, D))

# --- scband reference (transcript-rebuilt; emitter-appended) ---
"""Pipeline reference for scband-model-44100724195569 (READ-ONLY COPY).

The authoritative reference and input builder live on the scoring server;
editing this copy changes nothing except your own understanding.
"""

import jax, jax.numpy as jnp
import numpy as np

N = 10000
E = 320000
D_IN = 128
D_HID = 128
D_OUT = 128


def _glorot(key, shape):
    fan_in, fan_out = shape[0], shape[1]
    scale = jnp.sqrt(2.0 / (fan_in + fan_out))
    return jax.random.normal(key, shape, dtype=jnp.float32) * scale


def setup_inputs(seed: int = 0) -> dict:
    key = jax.random.key(seed)
    ks = jax.random.split(key, 12)
    x = jax.random.normal(ks[0], (N, D_IN), dtype=jnp.float32)
    edge_index = jax.random.randint(ks[1], (2, E), 0, N, dtype=jnp.int32)
    W0 = _glorot(ks[2], (D_IN, D_HID))
    b0 = jnp.zeros((D_HID,), dtype=jnp.float32)
    W1 = _glorot(ks[3], (D_HID, D_HID))
    b1 = jnp.zeros((D_HID,), dtype=jnp.float32)
    W2 = _glorot(ks[4], (D_HID, D_OUT))
    b2 = jnp.zeros((D_OUT,), dtype=jnp.float32)
    g0 = jnp.ones((D_HID,), dtype=jnp.float32)
    beta0 = jnp.zeros((D_HID,), dtype=jnp.float32)
    g1 = jnp.ones((D_HID,), dtype=jnp.float32)
    beta1 = jnp.zeros((D_HID,), dtype=jnp.float32)
    return {"x": x, "edge_index": edge_index, "W0": W0, "b0": b0, "W1": W1, "b1": b1, "W2": W2, "b2": b2, "g0": g0, "beta0": beta0, "g1": g1, "beta1": beta1}


def _gcn_layer(x, src, dst, W, b):
    # GCN backbone: D^{-1/2} (A + I) D^{-1/2} x W + b, drop_rate=0 (eval)
    n = x.shape[0]
    loop = jnp.arange(n, dtype=src.dtype)
    s = jnp.concatenate([src, loop])
    d = jnp.concatenate([dst, loop])
    deg = jax.ops.segment_sum(jnp.ones_like(s, dtype=x.dtype), d, num_segments=n)
    dinv = jax.lax.rsqrt(jnp.maximum(deg, 1.0))
    norm = dinv[s] * dinv[d]
    msg = x[s] * norm[:, None]
    agg = jax.ops.segment_sum(msg, d, num_segments=n)
    return agg @ W + b


def _batchnorm(x, gamma, beta, eps=1e-5):
    # BatchNorm1d in training mode: batch statistics over node dimension
    mu = jnp.mean(x, axis=0)
    var = jnp.var(x, axis=0)
    return (x - mu) * jax.lax.rsqrt(var + eps) * gamma + beta


def reference(x, edge_index, W0, b0, W1, b1, W2, b2, g0, beta0, g1, beta1):
    src = edge_index[0]
    dst = edge_index[1]
    h = _gcn_layer(x, src, dst, W0, b0)
    h = _batchnorm(h, g0, beta0)
    h = jax.nn.relu(h)
    h = _gcn_layer(h, src, dst, W1, b1)
    h = _batchnorm(h, g1, beta1)
    h = jax.nn.relu(h)
    h = _gcn_layer(h, src, dst, W2, b2)
    return h

if __name__ == "__main__":
    import jax
    _d = setup_inputs()
    print(jax.jit(kernel)(*tuple(_d.values())))

</pallas_src>

<mosaic_0001>
#map = affine_map<(d0, d1) -> (0, 0)>
#map1 = affine_map<(d0, d1) -> (0, 0, 0)>
module attributes {stable_mosaic.version = 14 : i64} {
  func.func @_agg_kernel(%arg0: i32, %arg1: i32, %arg2: memref<10240x128xf32, #tpu.memory_space<hbm>>, %arg3: memref<2x327680xi32, #tpu.memory_space<hbm>>, %arg4: memref<10240x128xf32, #tpu.memory_space<hbm>>, %arg5: memref<2x10240x128xf32, #tpu.memory_space<hbm>>, %arg6: memref<2x128xi32, #tpu.memory_space<vmem>>, %arg7: memref<2x128xi32, #tpu.memory_space<vmem>>, %arg8: memref<2x128xi32, #tpu.memory_space<vmem>>, %arg9: memref<2x128xi32, #tpu.memory_space<vmem>>, %arg10: memref<!tpu.dma_semaphore, #tpu.memory_space<semaphore_mem>>, %arg11: memref<!tpu.dma_semaphore, #tpu.memory_space<semaphore_mem>>, %arg12: memref<!tpu.dma_semaphore, #tpu.memory_space<semaphore_mem>>, %arg13: memref<!tpu.dma_semaphore, #tpu.memory_space<semaphore_mem>>, %arg14: memref<128x128xf32, #tpu.memory_space<vmem>>, %arg15: memref<128x128xf32, #tpu.memory_space<vmem>>, %arg16: memref<!tpu.dma_semaphore, #tpu.memory_space<semaphore_mem>>, %arg17: memref<!tpu.dma_semaphore, #tpu.memory_space<semaphore_mem>>, %arg18: memref<10240x128xf32, #tpu.memory_space<vmem_shared>>) attributes {dimension_semantics = [#tpu.dimension_semantics<core_parallel>, #tpu.dimension_semantics<subcore_parallel>], iteration_bounds = array<i64: 2, 16>, scalar_prefetch = 0 : i64, scratch_operands = 13 : i64, tpu.core_type = #tpu.core_type<sc_vector_subcore>, window_params = [{transform_indices = #map}, {transform_indices = #map}, {transform_indices = #map}, {transform_indices = #map1}]} {
    %mul3A = arith.constant 16 : i32
    %mul3A_0 = arith.muli %arg0, %mul3A : i32
    %add3A = arith.addi %mul3A_0, %arg1 : i32
    %eq3A = arith.constant 0 : i32
    %eq3A_1 = arith.cmpi eq, %arg0, %eq3A : i32
    %convert_element_type3A = arith.extui %eq3A_1 : i1 to i32
    %cond3A = arith.constant 0 : i32
    %cond3A_2 = arith.cmpi ne, %convert_element_type3A, %cond3A : i32
    scf.if %cond3A_2 {
      %mul3A_350 = arith.constant 640 : i32
      %mul3A_351 = arith.muli %arg1, %mul3A_350 : i32
      %add3A_352 = arith.constant 0 : i32
      %add3A_353 = arith.addi %mul3A_351, %add3A_352 : i32
      %dma_start3A_354 = arith.constant 0 : i32
      %dma_start3A_355 = arith.constant 0 : i32
      %dma_start3A_356 = tpu.memref_slice %arg14[%dma_start3A_354, %dma_start3A_355] : memref<128x128xf32, #tpu.memory_space<vmem>> -> memref<128x128xf32, #tpu.memory_space<vmem>>
      %dma_start3A_357 = arith.constant 0 : i32
      %dma_start3A_358 = tpu.memref_slice %arg2[%add3A_353, %dma_start3A_357] : memref<10240x128xf32, #tpu.memory_space<hbm>> -> memref<128x128xf32, #tpu.memory_space<hbm>>
      %dma_start3A_359 = arith.constant 0 : i32
      %dma_start3A_360 = arith.constant 0 : i32
      %dma_start3A_361 = tpu.memref_slice %arg14[%dma_start3A_359, %dma_start3A_360] : memref<128x128xf32, #tpu.memory_space<vmem>> -> memref<128x128xf32, #tpu.memory_space<vmem>>
      %dma_start3A_362 = arith.constant 0 : i32
      %dma_start3A_363 = tpu.memref_slice %arg2[%add3A_353, %dma_start3A_362] : memref<10240x128xf32, #tpu.memory_space<hbm>> -> memref<128x128xf32, #tpu.memory_space<hbm>>
      tpu.enqueue_dma source(%dma_start3A_363 : memref<128x128xf32, #tpu.memory_space<hbm>>) target(%dma_start3A_361 : memref<128x128xf32, #tpu.memory_space<vmem>>) target_semaphore(%arg16 : memref<!tpu.dma_semaphore, #tpu.memory_space<semaphore_mem>>)
    } else {
    }
    %eq3A_3 = arith.constant 1 : i32
    %eq3A_4 = arith.cmpi eq, %arg0, %eq3A_3 : i32
    %convert_element_type3A_5 = arith.extui %eq3A_4 : i1 to i32
    %cond3A_6 = arith.constant 0 : i32
    %cond3A_7 = arith.cmpi ne, %convert_element_type3A_5, %cond3A_6 : i32
    scf.if %cond3A_7 {
      %mul3A_350 = arith.constant 640 : i32
      %mul3A_351 = arith.muli %arg1, %mul3A_350 : i32
      %add3A_352 = arith.constant 0 : i32
      %add3A_353 = arith.addi %mul3A_351, %add3A_352 : i32
      %dma_start3A_354 = arith.constant 0 : i32
      %dma_start3A_355 = arith.constant 0 : i32
      %dma_start3A_356 = tpu.memref_slice %arg14[%dma_start3A_354, %dma_start3A_355] : memref<128x128xf32, #tpu.memory_space<vmem>> -> memref<128x128xf32, #tpu.memory_space<vmem>>
      %dma_start3A_357 = arith.constant 0 : i32
      %dma_start3A_358 = tpu.memref_slice %arg4[%add3A_353, %dma_start3A_357] : memref<10240x128xf32, #tpu.memory_space<hbm>> -> memref<128x128xf32, #tpu.memory_space<hbm>>
      %dma_start3A_359 = arith.constant 0 : i32
      %dma_start3A_360 = arith.constant 0 : i32
      %dma_start3A_361 = tpu.memref_slice %arg14[%dma_start3A_359, %dma_start3A_360] : memref<128x128xf32, #tpu.memory_space<vmem>> -> memref<128x128xf32, #tpu.memory_space<vmem>>
      %dma_start3A_362 = arith.constant 0 : i32
      %dma_start3A_363 = tpu.memref_slice %arg4[%add3A_353, %dma_start3A_362] : memref<10240x128xf32, #tpu.memory_space<hbm>> -> memref<128x128xf32, #tpu.memory_space<hbm>>
      tpu.enqueue_dma source(%dma_start3A_363 : memref<128x128xf32, #tpu.memory_space<hbm>>) target(%dma_start3A_361 : memref<128x128xf32, #tpu.memory_space<vmem>>) target_semaphore(%arg16 : memref<!tpu.dma_semaphore, #tpu.memory_space<semaphore_mem>>)
    } else {
    }
    %eq3A_8 = arith.constant 0 : i32
    %eq3A_9 = arith.cmpi eq, %arg0, %eq3A_8 : i32
    %convert_element_type3A_10 = arith.extui %eq3A_9 : i1 to i32
    %cond3A_11 = arith.constant 0 : i32
    %cond3A_12 = arith.cmpi ne, %convert_element_type3A_10, %cond3A_11 : i32
    scf.if %cond3A_12 {
      %mul3A_350 = arith.constant 640 : i32
      %mul3A_351 = arith.muli %arg1, %mul3A_350 : i32
      %add3A_352 = arith.constant 128 : i32
      %add3A_353 = arith.addi %mul3A_351, %add3A_352 : i32
      %dma_start3A_354 = arith.constant 0 : i32
      %dma_start3A_355 = arith.constant 0 : i32
      %dma_start3A_356 = tpu.memref_slice %arg15[%dma_start3A_354, %dma_start3A_355] : memref<128x128xf32, #tpu.memory_space<vmem>> -> memref<128x128xf32, #tpu.memory_space<vmem>>
      %dma_start3A_357 = arith.constant 0 : i32
      %dma_start3A_358 = tpu.memref_slice %arg2[%add3A_353, %dma_start3A_357] : memref<10240x128xf32, #tpu.memory_space<hbm>> -> memref<128x128xf32, #tpu.memory_space<hbm>>
      %dma_start3A_359 = arith.constant 0 : i32
      %dma_start3A_360 = arith.constant 0 : i32
      %dma_start3A_361 = tpu.memref_slice %arg15[%dma_start3A_359, %dma_start3A_360] : memref<128x128xf32, #tpu.memory_space<vmem>> -> memref<128x128xf32, #tpu.memory_space<vmem>>
      %dma_start3A_362 = arith.constant 0 : i32
      %dma_start3A_363 = tpu.memref_slice %arg2[%add3A_353, %dma_start3A_362] : memref<10240x128xf32, #tpu.memory_space<hbm>> -> memref<128x128xf32, #tpu.memory_space<hbm>>
      tpu.enqueue_dma source(%dma_start3A_363 : memref<128x128xf32, #tpu.memory_space<hbm>>) target(%dma_start3A_361 : memref<128x128xf32, #tpu.memory_space<vmem>>) target_semaphore(%arg17 : memref<!tpu.dma_semaphore, #tpu.memory_space<semaphore_mem>>)
    } else {
    }
    %eq3A_13 = arith.constant 1 : i32
    %eq3A_14 = arith.cmpi eq, %arg0, %eq3A_13 : i32
    %convert_element_type3A_15 = arith.extui %eq3A_14 : i1 to i32
    %cond3A_16 = arith.constant 0 : i32
    %cond3A_17 = arith.cmpi ne, %convert_element_type3A_15, %cond3A_16 : i32
    scf.if %cond3A_17 {
      %mul3A_350 = arith.constant 640 : i32
      %mul3A_351 = arith.muli %arg1, %mul3A_350 : i32
      %add3A_352 = arith.constant 128 : i32
      %add3A_353 = arith.addi %mul3A_351, %add3A_352 : i32
      %dma_start3A_354 = arith.constant 0 : i32
      %dma_start3A_355 = arith.constant 0 : i32
      %dma_start3A_356 = tpu.memref_slice %arg15[%dma_start3A_354, %dma_start3A_355] : memref<128x128xf32, #tpu.memory_space<vmem>> -> memref<128x128xf32, #tpu.memory_space<vmem>>
      %dma_start3A_357 = arith.constant 0 : i32
      %dma_start3A_358 = tpu.memref_slice %arg4[%add3A_353, %dma_start3A_357] : memref<10240x128xf32, #tpu.memory_space<hbm>> -> memref<128x128xf32, #tpu.memory_space<hbm>>
      %dma_start3A_359 = arith.constant 0 : i32
      %dma_start3A_360 = arith.constant 0 : i32
      %dma_start3A_361 = tpu.memref_slice %arg15[%dma_start3A_359, %dma_start3A_360] : memref<128x128xf32, #tpu.memory_space<vmem>> -> memref<128x128xf32, #tpu.memory_space<vmem>>
      %dma_start3A_362 = arith.constant 0 : i32
      %dma_start3A_363 = tpu.memref_slice %arg4[%add3A_353, %dma_start3A_362] : memref<10240x128xf32, #tpu.memory_space<hbm>> -> memref<128x128xf32, #tpu.memory_space<hbm>>
      tpu.enqueue_dma source(%dma_start3A_363 : memref<128x128xf32, #tpu.memory_space<hbm>>) target(%dma_start3A_361 : memref<128x128xf32, #tpu.memory_space<vmem>>) target_semaphore(%arg17 : memref<!tpu.dma_semaphore, #tpu.memory_space<semaphore_mem>>)
    } else {
    }
    %dma_wait3A = arith.constant 0 : i32
    %dma_wait3A_18 = arith.constant 0 : i32
    %dma_wait3A_19 = tpu.memref_slice %arg14[%dma_wait3A, %dma_wait3A_18] : memref<128x128xf32, #tpu.memory_space<vmem>> -> memref<128x128xf32, #tpu.memory_space<vmem>>
    %dma_wait3A_20 = arith.constant 0 : i32
    %dma_wait3A_21 = arith.constant 0 : i32
    %dma_wait3A_22 = tpu.memref_slice %arg2[%dma_wait3A_20, %dma_wait3A_21] : memref<10240x128xf32, #tpu.memory_space<hbm>> -> memref<128x128xf32, #tpu.memory_space<hbm>>
    %dma_wait3A_23 = arith.constant 0 : i32
    %dma_wait3A_24 = arith.constant 0 : i32
    %dma_wait3A_25 = tpu.memref_slice %arg14[%dma_wait3A_23, %dma_wait3A_24] : memref<128x128xf32, #tpu.memory_space<vmem>> -> memref<128x128xf32, #tpu.memory_space<vmem>>
    %dma_wait3A_26 = arith.constant 0 : i32
    %dma_wait3A_27 = arith.constant 0 : i32
    %dma_wait3A_28 = tpu.memref_slice %arg2[%dma_wait3A_26, %dma_wait3A_27] : memref<10240x128xf32, #tpu.memory_space<hbm>> -> memref<128x128xf32, #tpu.memory_space<hbm>>
    tpu.wait_dma2 semaphore(%arg16 : memref<!tpu.dma_semaphore, #tpu.memory_space<semaphore_mem>>) src(%dma_wait3A_28 : memref<128x128xf32, #tpu.memory_space<hbm>>) dst(%dma_wait3A_25 : memref<128x128xf32, #tpu.memory_space<vmem>>)
    %mul3A_29 = arith.constant 640 : i32
    %mul3A_30 = arith.muli %arg1, %mul3A_29 : i32
    %add3A_31 = arith.constant 0 : i32
    %add3A_32 = arith.addi %mul3A_30, %add3A_31 : i32
    "tpu.region"() ({
      %run_scoped3A = tpu.sem_alloc : memref<!tpu.dma_semaphore, #tpu.memory_space<semaphore_mem>>
      %dma_start3A_350 = arith.constant 0 : i32
      %dma_start3A_351 = arith.constant 0 : i32
      %dma_start3A_352 = tpu.memref_slice %arg14[%dma_start3A_350, %dma_start3A_351] : memref<128x128xf32, #tpu.memory_space<vmem>> -> memref<128x128xf32, #tpu.memory_space<vmem>>
      %dma_start3A_353 = arith.constant 0 : i32
      %dma_start3A_354 = tpu.memref_slice %arg18[%add3A_32, %dma_start3A_353] : memref<10240x128xf32, #tpu.memory_space<vmem_shared>> -> memref<128x128xf32, #tpu.memory_space<vmem_shared>>
      %dma_start3A_355 = arith.constant 0 : i32
      %dma_start3A_356 = tpu.memref_slice %arg18[%add3A_32, %dma_start3A_355] : memref<10240x128xf32, #tpu.memory_space<vmem_shared>> -> memref<128x128xf32, #tpu.memory_space<vmem_shared>>
      %dma_start3A_357 = arith.constant 0 : i32
      %dma_start3A_358 = arith.constant 0 : i32
      %dma_start3A_359 = tpu.memref_slice %arg14[%dma_start3A_357, %dma_start3A_358] : memref<128x128xf32, #tpu.memory_space<vmem>> -> memref<128x128xf32, #tpu.memory_space<vmem>>
      tpu.enqueue_dma source(%dma_start3A_359 : memref<128x128xf32, #tpu.memory_space<vmem>>) target(%dma_start3A_356 : memref<128x128xf32, #tpu.memory_space<vmem_shared>>) target_semaphore(%run_scoped3A : memref<!tpu.dma_semaphore, #tpu.memory_space<semaphore_mem>>)
      %dma_wait3A_360 = arith.constant 0 : i32
      %dma_wait3A_361 = arith.constant 0 : i32
      %dma_wait3A_362 = tpu.memref_slice %arg14[%dma_wait3A_360, %dma_wait3A_361] : memref<128x128xf32, #tpu.memory_space<vmem>> -> memref<128x128xf32, #tpu.memory_space<vmem>>
      %dma_wait3A_363 = arith.constant 0 : i32
      %dma_wait3A_364 = tpu.memref_slice %arg18[%add3A_32, %dma_wait3A_363] : memref<10240x128xf32, #tpu.memory_space<vmem_shared>> -> memref<128x128xf32, #tpu.memory_space<vmem_shared>>
      %dma_wait3A_365 = arith.constant 0 : i32
      %dma_wait3A_366 = tpu.memref_slice %arg18[%add3A_32, %dma_wait3A_365] : memref<10240x128xf32, #tpu.memory_space<vmem_shared>> -> memref<128x128xf32, #tpu.memory_space<vmem_shared>>
      %dma_wait3A_367 = arith.constant 0 : i32
      %dma_wait3A_368 = arith.constant 0 : i32
      %dma_wait3A_369 = tpu.memref_slice %arg14[%dma_wait3A_367, %dma_wait3A_368] : memref<128x128xf32, #tpu.memory_space<vmem>> -> memref<128x128xf32, #tpu.memory_space<vmem>>
      tpu.wait_dma2 semaphore(%run_scoped3A : memref<!tpu.dma_semaphore, #tpu.memory_space<semaphore_mem>>) src(%dma_wait3A_369 : memref<128x128xf32, #tpu.memory_space<vmem>>) dst(%dma_wait3A_366 : memref<128x128xf32, #tpu.memory_space<vmem_shared>>)
      tpu.yield
    }) : () -> ()
    %eq3A_33 = arith.constant 0 : i32
    %eq3A_34 = arith.cmpi eq, %arg0, %eq3A_33 : i32
    %convert_element_type3A_35 = arith.extui %eq3A_34 : i1 to i32
    %cond3A_36 = arith.constant 0 : i32
    %cond3A_37 = arith.cmpi ne, %convert_element_type3A_35, %cond3A_36 : i32
    scf.if %cond3A_37 {
      %mul3A_350 = arith.constant 640 : i32
      %mul3A_351 = arith.muli %arg1, %mul3A_350 : i32
      %add3A_352 = arith.constant 256 : i32
      %add3A_353 = arith.addi %mul3A_351, %add3A_352 : i32
      %dma_start3A_354 = arith.constant 0 : i32
      %dma_start3A_355 = arith.constant 0 : i32
      %dma_start3A_356 = tpu.memref_slice %arg14[%dma_start3A_354, %dma_start3A_355] : memref<128x128xf32, #tpu.memory_space<vmem>> -> memref<128x128xf32, #tpu.memory_space<vmem>>
      %dma_start3A_357 = arith.constant 0 : i32
      %dma_start3A_358 = tpu.memref_slice %arg2[%add3A_353, %dma_start3A_357] : memref<10240x128xf32, #tpu.memory_space<hbm>> -> memref<128x128xf32, #tpu.memory_space<hbm>>
      %dma_start3A_359 = arith.constant 0 : i32
      %dma_start3A_360 = arith.constant 0 : i32
      %dma_start3A_361 = tpu.memref_slice %arg14[%dma_start3A_359, %dma_start3A_360] : memref<128x128xf32, #tpu.memory_space<vmem>> -> memref<128x128xf32, #tpu.memory_space<vmem>>
      %dma_start3A_362 = arith.constant 0 : i32
      %dma_start3A_363 = tpu.memref_slice %arg2[%add3A_353, %dma_start3A_362] : memref<10240x128xf32, #tpu.memory_space<hbm>> -> memref<128x128xf32, #tpu.memory_space<hbm>>
      tpu.enqueue_dma source(%dma_start3A_363 : memref<128x128xf32, #tpu.memory_space<hbm>>) target(%dma_start3A_361 : memref<128x128xf32, #tpu.memory_space<vmem>>) target_semaphore(%arg16 : memref<!tpu.dma_semaphore, #tpu.memory_space<semaphore_mem>>)
    } else {
    }
    %eq3A_38 = arith.constant 1 : i32
    %eq3A_39 = arith.cmpi eq, %arg0, %eq3A_38 : i32
    %convert_element_type3A_40 = arith.extui %eq3A_39 : i1 to i32
    %cond3A_41 = arith.constant 0 : i32
    %cond3A_42 = arith.cmpi ne, %convert_element_type3A_40, %cond3A_41 : i32
    scf.if %cond3A_42 {
      %mul3A_350 = arith.constant 640 : i32
      %mul3A_351 = arith.muli %arg1, %mul3A_350 : i32
      %add3A_352 = arith.constant 256 : i32
      %add3A_353 = arith.addi %mul3A_351, %add3A_352 : i32
      %dma_start3A_354 = arith.constant 0 : i32
      %dma_start3A_355 = arith.constant 0 : i32
      %dma_start3A_356 = tpu.memref_slice %arg14[%dma_start3A_354, %dma_start3A_355] : memref<128x128xf32, #tpu.memory_space<vmem>> -> memref<128x128xf32, #tpu.memory_space<vmem>>
      %dma_start3A_357 = arith.constant 0 : i32
      %dma_start3A_358 = tpu.memref_slice %arg4[%add3A_353, %dma_start3A_357] : memref<10240x128xf32, #tpu.memory_space<hbm>> -> memref<128x128xf32, #tpu.memory_space<hbm>>
      %dma_start3A_359 = arith.constant 0 : i32
      %dma_start3A_360 = arith.constant 0 : i32
      %dma_start3A_361 = tpu.memref_slice %arg14[%dma_start3A_359, %dma_start3A_360] : memref<128x128xf32, #tpu.memory_space<vmem>> -> memref<128x128xf32, #tpu.memory_space<vmem>>
      %dma_start3A_362 = arith.constant 0 : i32
      %dma_start3A_363 = tpu.memref_slice %arg4[%add3A_353, %dma_start3A_362] : memref<10240x128xf32, #tpu.memory_space<hbm>> -> memref<128x128xf32, #tpu.memory_space<hbm>>
      tpu.enqueue_dma source(%dma_start3A_363 : memref<128x128xf32, #tpu.memory_space<hbm>>) target(%dma_start3A_361 : memref<128x128xf32, #tpu.memory_space<vmem>>) target_semaphore(%arg16 : memref<!tpu.dma_semaphore, #tpu.memory_space<semaphore_mem>>)
    } else {
    }
    %dma_wait3A_43 = arith.constant 0 : i32
    %dma_wait3A_44 = arith.constant 0 : i32
    %dma_wait3A_45 = tpu.memref_slice %arg15[%dma_wait3A_43, %dma_wait3A_44] : memref<128x128xf32, #tpu.memory_space<vmem>> -> memref<128x128xf32, #tpu.memory_space<vmem>>
    %dma_wait3A_46 = arith.constant 0 : i32
    %dma_wait3A_47 = arith.constant 0 : i32
    %dma_wait3A_48 = tpu.memref_slice %arg2[%dma_wait3A_46, %dma_wait3A_47] : memref<10240x128xf32, #tpu.memory_space<hbm>> -> memref<128x128xf32, #tpu.memory_space<hbm>>
    %dma_wait3A_49 = arith.constant 0 : i32
    %dma_wait3A_50 = arith.constant 0 : i32
    %dma_wait3A_51 = tpu.memref_slice %arg15[%dma_wait3A_49, %dma_wait3A_50] : memref<128x128xf32, #tpu.memory_space<vmem>> -> memref<128x128xf32, #tpu.memory_space<vmem>>
    %dma_wait3A_52 = arith.constant 0 : i32
    %dma_wait3A_53 = arith.constant 0 : i32
    %dma_wait3A_54 = tpu.memref_slice %arg2[%dma_wait3A_52, %dma_wait3A_53] : memref<10240x128xf32, #tpu.memory_space<hbm>> -> memref<128x128xf32, #tpu.memory_space<hbm>>
    tpu.wait_dma2 semaphore(%arg17 : memref<!tpu.dma_semaphore, #tpu.memory_space<semaphore_mem>>) src(%dma_wait3A_54 : memref<128x128xf32, #tpu.memory_space<hbm>>) dst(%dma_wait3A_51 : memref<128x128xf32, #tpu.memory_space<vmem>>)
    %mul3A_55 = arith.constant 640 : i32
    %mul3A_56 = arith.muli %arg1, %mul3A_55 : i32
    %add3A_57 = arith.constant 128 : i32
    %add3A_58 = arith.addi %mul3A_56, %add3A_57 : i32
    "tpu.region"() ({
      %run_scoped3A = tpu.sem_alloc : memref<!tpu.dma_semaphore, #tpu.memory_space<semaphore_mem>>
      %dma_start3A_350 = arith.constant 0 : i32
      %dma_start3A_351 = arith.constant 0 : i32
      %dma_start3A_352 = tpu.memref_slice %arg15[%dma_start3A_350, %dma_start3A_351] : memref<128x128xf32, #tpu.memory_space<vmem>> -> memref<128x128xf32, #tpu.memory_space<vmem>>
      %dma_start3A_353 = arith.constant 0 : i32
      %dma_start3A_354 = tpu.memref_slice %arg18[%add3A_58, %dma_start3A_353] : memref<10240x128xf32, #tpu.memory_space<vmem_shared>> -> memref<128x128xf32, #tpu.memory_space<vmem_shared>>
      %dma_start3A_355 = arith.constant 0 : i32
      %dma_start3A_356 = tpu.memref_slice %arg18[%add3A_58, %dma_start3A_355] : memref<10240x128xf32, #tpu.memory_space<vmem_shared>> -> memref<128x128xf32, #tpu.memory_space<vmem_shared>>
      %dma_start3A_357 = arith.constant 0 : i32
      %dma_start3A_358 = arith.constant 0 : i32
      %dma_start3A_359 = tpu.memref_slice %arg15[%dma_start3A_357, %dma_start3A_358] : memref<128x128xf32, #tpu.memory_space<vmem>> -> memref<128x128xf32, #tpu.memory_space<vmem>>
      tpu.enqueue_dma source(%dma_start3A_359 : memref<128x128xf32, #tpu.memory_space<vmem>>) target(%dma_start3A_356 : memref<128x128xf32, #tpu.memory_space<vmem_shared>>) target_semaphore(%run_scoped3A : memref<!tpu.dma_semaphore, #tpu.memory_space<semaphore_mem>>)
      %dma_wait3A_360 = arith.constant 0 : i32
      %dma_wait3A_361 = arith.constant 0 : i32
      %dma_wait3A_362 = tpu.memref_slice %arg15[%dma_wait3A_360, %dma_wait3A_361] : memref<128x128xf32, #tpu.memory_space<vmem>> -> memref<128x128xf32, #tpu.memory_space<vmem>>
      %dma_wait3A_363 = arith.constant 0 : i32
      %dma_wait3A_364 = tpu.memref_slice %arg18[%add3A_58, %dma_wait3A_363] : memref<10240x128xf32, #tpu.memory_space<vmem_shared>> -> memref<128x128xf32, #tpu.memory_space<vmem_shared>>
      %dma_wait3A_365 = arith.constant 0 : i32
      %dma_wait3A_366 = tpu.memref_slice %arg18[%add3A_58, %dma_wait3A_365] : memref<10240x128xf32, #tpu.memory_space<vmem_shared>> -> memref<128x128xf32, #tpu.memory_space<vmem_shared>>
      %dma_wait3A_367 = arith.constant 0 : i32
      %dma_wait3A_368 = arith.constant 0 : i32
      %dma_wait3A_369 = tpu.memref_slice %arg15[%dma_wait3A_367, %dma_wait3A_368] : memref<128x128xf32, #tpu.memory_space<vmem>> -> memref<128x128xf32, #tpu.memory_space<vmem>>
      tpu.wait_dma2 semaphore(%run_scoped3A : memref<!tpu.dma_semaphore, #tpu.memory_space<semaphore_mem>>) src(%dma_wait3A_369 : memref<128x128xf32, #tpu.memory_space<vmem>>) dst(%dma_wait3A_366 : memref<128x128xf32, #tpu.memory_space<vmem_shared>>)
      tpu.yield
    }) : () -> ()
    %eq3A_59 = arith.constant 0 : i32
    %eq3A_60 = arith.cmpi eq, %arg0, %eq3A_59 : i32
    %convert_element_type3A_61 = arith.extui %eq3A_60 : i1 to i32
    %cond3A_62 = arith.constant 0 : i32
    %cond3A_63 = arith.cmpi ne, %convert_element_type3A_61, %cond3A_62 : i32
    scf.if %cond3A_63 {
      %mul3A_350 = arith.constant 640 : i32
      %mul3A_351 = arith.muli %arg1, %mul3A_350 : i32
      %add3A_352 = arith.constant 384 : i32
      %add3A_353 = arith.addi %mul3A_351, %add3A_352 : i32
      %dma_start3A_354 = arith.constant 0 : i32
      %dma_start3A_355 = arith.constant 0 : i32
      %dma_start3A_356 = tpu.memref_slice %arg15[%dma_start3A_354, %dma_start3A_355] : memref<128x128xf32, #tpu.memory_space<vmem>> -> memref<128x128xf32, #tpu.memory_space<vmem>>
      %dma_start3A_357 = arith.constant 0 : i32
      %dma_start3A_358 = tpu.memref_slice %arg2[%add3A_353, %dma_start3A_357] : memref<10240x128xf32, #tpu.memory_space<hbm>> -> memref<128x128xf32, #tpu.memory_space<hbm>>
      %dma_start3A_359 = arith.constant 0 : i32
      %dma_start3A_360 = arith.constant 0 : i32
      %dma_start3A_361 = tpu.memref_slice %arg15[%dma_start3A_359, %dma_start3A_360] : memref<128x128xf32, #tpu.memory_space<vmem>> -> memref<128x128xf32, #tpu.memory_space<vmem>>
      %dma_start3A_362 = arith.constant 0 : i32
      %dma_start3A_363 = tpu.memref_slice %arg2[%add3A_353, %dma_start3A_362] : memref<10240x128xf32, #tpu.memory_space<hbm>> -> memref<128x128xf32, #tpu.memory_space<hbm>>
      tpu.enqueue_dma source(%dma_start3A_363 : memref<128x128xf32, #tpu.memory_space<hbm>>) target(%dma_start3A_361 : memref<128x128xf32, #tpu.memory_space<vmem>>) target_semaphore(%arg17 : memref<!tpu.dma_semaphore, #tpu.memory_space<semaphore_mem>>)
    } else {
    }
    %eq3A_64 = arith.constant 1 : i32
    %eq3A_65 = arith.cmpi eq, %arg0, %eq3A_64 : i32
    %convert_element_type3A_66 = arith.extui %eq3A_65 : i1 to i32
    %cond3A_67 = arith.constant 0 : i32
    %cond3A_68 = arith.cmpi ne, %convert_element_type3A_66, %cond3A_67 : i32
    scf.if %cond3A_68 {
      %mul3A_350 = arith.constant 640 : i32
      %mul3A_351 = arith.muli %arg1, %mul3A_350 : i32
      %add3A_352 = arith.constant 384 : i32
      %add3A_353 = arith.addi %mul3A_351, %add3A_352 : i32
      %dma_start3A_354 = arith.constant 0 : i32
      %dma_start3A_355 = arith.constant 0 : i32
      %dma_start3A_356 = tpu.memref_slice %arg15[%dma_start3A_354, %dma_start3A_355] : memref<128x128xf32, #tpu.memory_space<vmem>> -> memref<128x128xf32, #tpu.memory_space<vmem>>
      %dma_start3A_357 = arith.constant 0 : i32
      %dma_start3A_358 = tpu.memref_slice %arg4[%add3A_353, %dma_start3A_357] : memref<10240x128xf32, #tpu.memory_space<hbm>> -> memref<128x128xf32, #tpu.memory_space<hbm>>
      %dma_start3A_359 = arith.constant 0 : i32
      %dma_start3A_360 = arith.constant 0 : i32
      %dma_start3A_361 = tpu.memref_slice %arg15[%dma_start3A_359, %dma_start3A_360] : memref<128x128xf32, #tpu.memory_space<vmem>> -> memref<128x128xf32, #tpu.memory_space<vmem>>
      %dma_start3A_362 = arith.constant 0 : i32
      %dma_start3A_363 = tpu.memref_slice %arg4[%add3A_353, %dma_start3A_362] : memref<10240x128xf32, #tpu.memory_space<hbm>> -> memref<128x128xf32, #tpu.memory_space<hbm>>
      tpu.enqueue_dma source(%dma_start3A_363 : memref<128x128xf32, #tpu.memory_space<hbm>>) target(%dma_start3A_361 : memref<128x128xf32, #tpu.memory_space<vmem>>) target_semaphore(%arg17 : memref<!tpu.dma_semaphore, #tpu.memory_space<semaphore_mem>>)
    } else {
    }
    %dma_wait3A_69 = arith.constant 0 : i32
    %dma_wait3A_70 = arith.constant 0 : i32
    %dma_wait3A_71 = tpu.memref_slice %arg14[%dma_wait3A_69, %dma_wait3A_70] : memref<128x128xf32, #tpu.memory_space<vmem>> -> memref<128x128xf32, #tpu.memory_space<vmem>>
    %dma_wait3A_72 = arith.constant 0 : i32
    %dma_wait3A_73 = arith.constant 0 : i32
    %dma_wait3A_74 = tpu.memref_slice %arg2[%dma_wait3A_72, %dma_wait3A_73] : memref<10240x128xf32, #tpu.memory_space<hbm>> -> memref<128x128xf32, #tpu.memory_space<hbm>>
    %dma_wait3A_75 = arith.constant 0 : i32
    %dma_wait3A_76 = arith.constant 0 : i32
    %dma_wait3A_77 = tpu.memref_slice %arg14[%dma_wait3A_75, %dma_wait3A_76] : memref<128x128xf32, #tpu.memory_space<vmem>> -> memref<128x128xf32, #tpu.memory_space<vmem>>
    %dma_wait3A_78 = arith.constant 0 : i32
    %dma_wait3A_79 = arith.constant 0 : i32
    %dma_wait3A_80 = tpu.memref_slice %arg2[%dma_wait3A_78, %dma_wait3A_79] : memref<10240x128xf32, #tpu.memory_space<hbm>> -> memref<128x128xf32, #tpu.memory_space<hbm>>
    tpu.wait_dma2 semaphore(%arg16 : memref<!tpu.dma_semaphore, #tpu.memory_space<semaphore_mem>>) src(%dma_wait3A_80 : memref<128x128xf32, #tpu.memory_space<hbm>>) dst(%dma_wait3A_77 : memref<128x128xf32, #tpu.memory_space<vmem>>)
    %mul3A_81 = arith.constant 640 : i32
    %mul3A_82 = arith.muli %arg1, %mul3A_81 : i32
    %add3A_83 = arith.constant 256 : i32
    %add3A_84 = arith.addi %mul3A_82, %add3A_83 : i32
    "tpu.region"() ({
      %run_scoped3A = tpu.sem_alloc : memref<!tpu.dma_semaphore, #tpu.memory_space<semaphore_mem>>
      %dma_start3A_350 = arith.constant 0 : i32
      %dma_start3A_351 = arith.constant 0 : i32
      %dma_start3A_352 = tpu.memref_slice %arg14[%dma_start3A_350, %dma_start3A_351] : memref<128x128xf32, #tpu.memory_space<vmem>> -> memref<128x128xf32, #tpu.memory_space<vmem>>
      %dma_start3A_353 = arith.constant 0 : i32
      %dma_start3A_354 = tpu.memref_slice %arg18[%add3A_84, %dma_start3A_353] : memref<10240x128xf32, #tpu.memory_space<vmem_shared>> -> memref<128x128xf32, #tpu.memory_space<vmem_shared>>
      %dma_start3A_355 = arith.constant 0 : i32
      %dma_start3A_356 = tpu.memref_slice %arg18[%add3A_84, %dma_start3A_355] : memref<10240x128xf32, #tpu.memory_space<vmem_shared>> -> memref<128x128xf32, #tpu.memory_space<vmem_shared>>
      %dma_start3A_357 = arith.constant 0 : i32
      %dma_start3A_358 = arith.constant 0 : i32
      %dma_start3A_359 = tpu.memref_slice %arg14[%dma_start3A_357, %dma_start3A_358] : memref<128x128xf32, #tpu.memory_space<vmem>> -> memref<128x128xf32, #tpu.memory_space<vmem>>
      tpu.enqueue_dma source(%dma_start3A_359 : memref<128x128xf32, #tpu.memory_space<vmem>>) target(%dma_start3A_356 : memref<128x128xf32, #tpu.memory_space<vmem_shared>>) target_semaphore(%run_scoped3A : memref<!tpu.dma_semaphore, #tpu.memory_space<semaphore_mem>>)
      %dma_wait3A_360 = arith.constant 0 : i32
      %dma_wait3A_361 = arith.constant 0 : i32
      %dma_wait3A_362 = tpu.memref_slice %arg14[%dma_wait3A_360, %dma_wait3A_361] : memref<128x128xf32, #tpu.memory_space<vmem>> -> memref<128x128xf32, #tpu.memory_space<vmem>>
      %dma_wait3A_363 = arith.constant 0 : i32
      %dma_wait3A_364 = tpu.memref_slice %arg18[%add3A_84, %dma_wait3A_363] : memref<10240x128xf32, #tpu.memory_space<vmem_shared>> -> memref<128x128xf32, #tpu.memory_space<vmem_shared>>
      %dma_wait3A_365 = arith.constant 0 : i32
      %dma_wait3A_366 = tpu.memref_slice %arg18[%add3A_84, %dma_wait3A_365] : memref<10240x128xf32, #tpu.memory_space<vmem_shared>> -> memref<128x128xf32, #tpu.memory_space<vmem_shared>>
      %dma_wait3A_367 = arith.constant 0 : i32
      %dma_wait3A_368 = arith.constant 0 : i32
      %dma_wait3A_369 = tpu.memref_slice %arg14[%dma_wait3A_367, %dma_wait3A_368] : memref<128x128xf32, #tpu.memory_space<vmem>> -> memref<128x128xf32, #tpu.memory_space<vmem>>
      tpu.wait_dma2 semaphore(%run_scoped3A : memref<!tpu.dma_semaphore, #tpu.memory_space<semaphore_mem>>) src(%dma_wait3A_369 : memref<128x128xf32, #tpu.memory_space<vmem>>) dst(%dma_wait3A_366 : memref<128x128xf32, #tpu.memory_space<vmem_shared>>)
      tpu.yield
    }) : () -> ()
    %eq3A_85 = arith.constant 0 : i32
    %eq3A_86 = arith.cmpi eq, %arg0, %eq3A_85 : i32
    %convert_element_type3A_87 = arith.extui %eq3A_86 : i1 to i32
    %cond3A_88 = arith.constant 0 : i32
    %cond3A_89 = arith.cmpi ne, %convert_element_type3A_87, %cond3A_88 : i32
    scf.if %cond3A_89 {
      %mul3A_350 = arith.constant 640 : i32
      %mul3A_351 = arith.muli %arg1, %mul3A_350 : i32
      %add3A_352 = arith.constant 512 : i32
      %add3A_353 = arith.addi %mul3A_351, %add3A_352 : i32
      %dma_start3A_354 = arith.constant 0 : i32
      %dma_start3A_355 = arith.constant 0 : i32
      %dma_start3A_356 = tpu.memref_slice %arg14[%dma_start3A_354, %dma_start3A_355] : memref<128x128xf32, #tpu.memory_space<vmem>> -> memref<128x128xf32, #tpu.memory_space<vmem>>
      %dma_start3A_357 = arith.constant 0 : i32
      %dma_start3A_358 = tpu.memref_slice %arg2[%add3A_353, %dma_start3A_357] : memref<10240x128xf32, #tpu.memory_space<hbm>> -> memref<128x128xf32, #tpu.memory_space<hbm>>
      %dma_start3A_359 = arith.constant 0 : i32
      %dma_start3A_360 = arith.constant 0 : i32
      %dma_start3A_361 = tpu.memref_slice %arg14[%dma_start3A_359, %dma_start3A_360] : memref<128x128xf32, #tpu.memory_space<vmem>> -> memref<128x128xf32, #tpu.memory_space<vmem>>
      %dma_start3A_362 = arith.constant 0 : i32
      %dma_start3A_363 = tpu.memref_slice %arg2[%add3A_353, %dma_start3A_362] : memref<10240x128xf32, #tpu.memory_space<hbm>> -> memref<128x128xf32, #tpu.memory_space<hbm>>
      tpu.enqueue_dma source(%dma_start3A_363 : memref<128x128xf32, #tpu.memory_space<hbm>>) target(%dma_start3A_361 : memref<128x128xf32, #tpu.memory_space<vmem>>) target_semaphore(%arg16 : memref<!tpu.dma_semaphore, #tpu.memory_space<semaphore_mem>>)
    } else {
    }
    %eq3A_90 = arith.constant 1 : i32
    %eq3A_91 = arith.cmpi eq, %arg0, %eq3A_90 : i32
    %convert_element_type3A_92 = arith.extui %eq3A_91 : i1 to i32
    %cond3A_93 = arith.constant 0 : i32
    %cond3A_94 = arith.cmpi ne, %convert_element_type3A_92, %cond3A_93 : i32
    scf.if %cond3A_94 {
      %mul3A_350 = arith.constant 640 : i32
      %mul3A_351 = arith.muli %arg1, %mul3A_350 : i32
      %add3A_352 = arith.constant 512 : i32
      %add3A_353 = arith.addi %mul3A_351, %add3A_352 : i32
      %dma_start3A_354 = arith.constant 0 : i32
      %dma_start3A_355 = arith.constant 0 : i32
      %dma_start3A_356 = tpu.memref_slice %arg14[%dma_start3A_354, %dma_start3A_355] : memref<128x128xf32, #tpu.memory_space<vmem>> -> memref<128x128xf32, #tpu.memory_space<vmem>>
      %dma_start3A_357 = arith.constant 0 : i32
      %dma_start3A_358 = tpu.memref_slice %arg4[%add3A_353, %dma_start3A_357] : memref<10240x128xf32, #tpu.memory_space<hbm>> -> memref<128x128xf32, #tpu.memory_space<hbm>>
      %dma_start3A_359 = arith.constant 0 : i32
      %dma_start3A_360 = arith.constant 0 : i32
      %dma_start3A_361 = tpu.memref_slice %arg14[%dma_start3A_359, %dma_start3A_360] : memref<128x128xf32, #tpu.memory_space<vmem>> -> memref<128x128xf32, #tpu.memory_space<vmem>>
      %dma_start3A_362 = arith.constant 0 : i32
      %dma_start3A_363 = tpu.memref_slice %arg4[%add3A_353, %dma_start3A_362] : memref<10240x128xf32, #tpu.memory_space<hbm>> -> memref<128x128xf32, #tpu.memory_space<hbm>>
      tpu.enqueue_dma source(%dma_start3A_363 : memref<128x128xf32, #tpu.memory_space<hbm>>) target(%dma_start3A_361 : memref<128x128xf32, #tpu.memory_space<vmem>>) target_semaphore(%arg16 : memref<!tpu.dma_semaphore, #tpu.memory_space<semaphore_mem>>)
    } else {
    }
    %dma_wait3A_95 = arith.constant 0 : i32
    %dma_wait3A_96 = arith.constant 0 : i32
    %dma_wait3A_97 = tpu.memref_slice %arg15[%dma_wait3A_95, %dma_wait3A_96] : memref<128x128xf32, #tpu.memory_space<vmem>> -> memref<128x128xf32, #tpu.memory_space<vmem>>
    %dma_wait3A_98 = arith.constant 0 : i32
    %dma_wait3A_99 = arith.constant 0 : i32
    %dma_wait3A_100 = tpu.memref_slice %arg2[%dma_wait3A_98, %dma_wait3A_99] : memref<10240x128xf32, #tpu.memory_space<hbm>> -> memref<128x128xf32, #tpu.memory_space<hbm>>
    %dma_wait3A_101 = arith.constant 0 : i32
    %dma_wait3A_102 = arith.constant 0 : i32
    %dma_wait3A_103 = tpu.memref_slice %arg15[%dma_wait3A_101, %dma_wait3A_102] : memref<128x128xf32, #tpu.memory_space<vmem>> -> memref<128x128xf32, #tpu.memory_space<vmem>>
    %dma_wait3A_104 = arith.constant 0 : i32
    %dma_wait3A_105 = arith.constant 0 : i32
    %dma_wait3A_106 = tpu.memref_slice %arg2[%dma_wait3A_104, %dma_wait3A_105] : memref<10240x128xf32, #tpu.memory_space<hbm>> -> memref<128x128xf32, #tpu.memory_space<hbm>>
    tpu.wait_dma2 semaphore(%arg17 : memref<!tpu.dma_semaphore, #tpu.memory_space<semaphore_mem>>) src(%dma_wait3A_106 : memref<128x128xf32, #tpu.memory_space<hbm>>) dst(%dma_wait3A_103 : memref<128x128xf32, #tpu.memory_space<vmem>>)
    %mul3A_107 = arith.constant 640 : i32
    %mul3A_108 = arith.muli %arg1, %mul3A_107 : i32
    %add3A_109 = arith.constant 384 : i32
    %add3A_110 = arith.addi %mul3A_108, %add3A_109 : i32
    "tpu.region"() ({
      %run_scoped3A = tpu.sem_alloc : memref<!tpu.dma_semaphore, #tpu.memory_space<semaphore_mem>>
      %dma_start3A_350 = arith.constant 0 : i32
      %dma_start3A_351 = arith.constant 0 : i32
      %dma_start3A_352 = tpu.memref_slice %arg15[%dma_start3A_350, %dma_start3A_351] : memref<128x128xf32, #tpu.memory_space<vmem>> -> memref<128x128xf32, #tpu.memory_space<vmem>>
      %dma_start3A_353 = arith.constant 0 : i32
      %dma_start3A_354 = tpu.memref_slice %arg18[%add3A_110, %dma_start3A_353] : memref<10240x128xf32, #tpu.memory_space<vmem_shared>> -> memref<128x128xf32, #tpu.memory_space<vmem_shared>>
      %dma_start3A_355 = arith.constant 0 : i32
      %dma_start3A_356 = tpu.memref_slice %arg18[%add3A_110, %dma_start3A_355] : memref<10240x128xf32, #tpu.memory_space<vmem_shared>> -> memref<128x128xf32, #tpu.memory_space<vmem_shared>>
      %dma_start3A_357 = arith.constant 0 : i32
      %dma_start3A_358 = arith.constant 0 : i32
      %dma_start3A_359 = tpu.memref_slice %arg15[%dma_start3A_357, %dma_start3A_358] : memref<128x128xf32, #tpu.memory_space<vmem>> -> memref<128x128xf32, #tpu.memory_space<vmem>>
      tpu.enqueue_dma source(%dma_start3A_359 : memref<128x128xf32, #tpu.memory_space<vmem>>) target(%dma_start3A_356 : memref<128x128xf32, #tpu.memory_space<vmem_shared>>) target_semaphore(%run_scoped3A : memref<!tpu.dma_semaphore, #tpu.memory_space<semaphore_mem>>)
      %dma_wait3A_360 = arith.constant 0 : i32
      %dma_wait3A_361 = arith.constant 0 : i32
      %dma_wait3A_362 = tpu.memref_slice %arg15[%dma_wait3A_360, %dma_wait3A_361] : memref<128x128xf32, #tpu.memory_space<vmem>> -> memref<128x128xf32, #tpu.memory_space<vmem>>
      %dma_wait3A_363 = arith.constant 0 : i32
      %dma_wait3A_364 = tpu.memref_slice %arg18[%add3A_110, %dma_wait3A_363] : memref<10240x128xf32, #tpu.memory_space<vmem_shared>> -> memref<128x128xf32, #tpu.memory_space<vmem_shared>>
      %dma_wait3A_365 = arith.constant 0 : i32
      %dma_wait3A_366 = tpu.memref_slice %arg18[%add3A_110, %dma_wait3A_365] : memref<10240x128xf32, #tpu.memory_space<vmem_shared>> -> memref<128x128xf32, #tpu.memory_space<vmem_shared>>
      %dma_wait3A_367 = arith.constant 0 : i32
      %dma_wait3A_368 = arith.constant 0 : i32
      %dma_wait3A_369 = tpu.memref_slice %arg15[%dma_wait3A_367, %dma_wait3A_368] : memref<128x128xf32, #tpu.memory_space<vmem>> -> memref<128x128xf32, #tpu.memory_space<vmem>>
      tpu.wait_dma2 semaphore(%run_scoped3A : memref<!tpu.dma_semaphore, #tpu.memory_space<semaphore_mem>>) src(%dma_wait3A_369 : memref<128x128xf32, #tpu.memory_space<vmem>>) dst(%dma_wait3A_366 : memref<128x128xf32, #tpu.memory_space<vmem_shared>>)
      tpu.yield
    }) : () -> ()
    %dma_wait3A_111 = arith.constant 0 : i32
    %dma_wait3A_112 = arith.constant 0 : i32
    %dma_wait3A_113 = tpu.memref_slice %arg14[%dma_wait3A_111, %dma_wait3A_112] : memref<128x128xf32, #tpu.memory_space<vmem>> -> memref<128x128xf32, #tpu.memory_space<vmem>>
    %dma_wait3A_114 = arith.constant 0 : i32
    %dma_wait3A_115 = arith.constant 0 : i32
    %dma_wait3A_116 = tpu.memref_slice %arg2[%dma_wait3A_114, %dma_wait3A_115] : memref<10240x128xf32, #tpu.memory_space<hbm>> -> memref<128x128xf32, #tpu.memory_space<hbm>>
    %dma_wait3A_117 = arith.constant 0 : i32
    %dma_wait3A_118 = arith.constant 0 : i32
    %dma_wait3A_119 = tpu.memref_slice %arg14[%dma_wait3A_117, %dma_wait3A_118] : memref<128x128xf32, #tpu.memory_space<vmem>> -> memref<128x128xf32, #tpu.memory_space<vmem>>
    %dma_wait3A_120 = arith.constant 0 : i32
    %dma_wait3A_121 = arith.constant 0 : i32
    %dma_wait3A_122 = tpu.memref_slice %arg2[%dma_wait3A_120, %dma_wait3A_121] : memref<10240x128xf32, #tpu.memory_space<hbm>> -> memref<128x128xf32, #tpu.memory_space<hbm>>
    tpu.wait_dma2 semaphore(%arg16 : memref<!tpu.dma_semaphore, #tpu.memory_space<semaphore_mem>>) src(%dma_wait3A_122 : memref<128x128xf32, #tpu.memory_space<hbm>>) dst(%dma_wait3A_119 : memref<128x128xf32, #tpu.memory_space<vmem>>)
    %mul3A_123 = arith.constant 640 : i32
    %mul3A_124 = arith.muli %arg1, %mul3A_123 : i32
    %add3A_125 = arith.constant 512 : i32
    %add3A_126 = arith.addi %mul3A_124, %add3A_125 : i32
    "tpu.region"() ({
      %run_scoped3A = tpu.sem_alloc : memref<!tpu.dma_semaphore, #tpu.memory_space<semaphore_mem>>
      %dma_start3A_350 = arith.constant 0 : i32
      %dma_start3A_351 = arith.constant 0 : i32
      %dma_start3A_352 = tpu.memref_slice %arg14[%dma_start3A_350, %dma_start3A_351] : memref<128x128xf32, #tpu.memory_space<vmem>> -> memref<128x128xf32, #tpu.memory_space<vmem>>
      %dma_start3A_353 = arith.constant 0 : i32
      %dma_start3A_354 = tpu.memref_slice %arg18[%add3A_126, %dma_start3A_353] : memref<10240x128xf32, #tpu.memory_space<vmem_shared>> -> memref<128x128xf32, #tpu.memory_space<vmem_shared>>
      %dma_start3A_355 = arith.constant 0 : i32
      %dma_start3A_356 = tpu.memref_slice %arg18[%add3A_126, %dma_start3A_355] : memref<10240x128xf32, #tpu.memory_space<vmem_shared>> -> memref<128x128xf32, #tpu.memory_space<vmem_shared>>
      %dma_start3A_357 = arith.constant 0 : i32
      %dma_start3A_358 = arith.constant 0 : i32
      %dma_start3A_359 = tpu.memref_slice %arg14[%dma_start3A_357, %dma_start3A_358] : memref<128x128xf32, #tpu.memory_space<vmem>> -> memref<128x128xf32, #tpu.memory_space<vmem>>
      tpu.enqueue_dma source(%dma_start3A_359 : memref<128x128xf32, #tpu.memory_space<vmem>>) target(%dma_start3A_356 : memref<128x128xf32, #tpu.memory_space<vmem_shared>>) target_semaphore(%run_scoped3A : memref<!tpu.dma_semaphore, #tpu.memory_space<semaphore_mem>>)
      %dma_wait3A_360 = arith.constant 0 : i32
      %dma_wait3A_361 = arith.constant 0 : i32
      %dma_wait3A_362 = tpu.memref_slice %arg14[%dma_wait3A_360, %dma_wait3A_361] : memref<128x128xf32, #tpu.memory_space<vmem>> -> memref<128x128xf32, #tpu.memory_space<vmem>>
      %dma_wait3A_363 = arith.constant 0 : i32
      %dma_wait3A_364 = tpu.memref_slice %arg18[%add3A_126, %dma_wait3A_363] : memref<10240x128xf32, #tpu.memory_space<vmem_shared>> -> memref<128x128xf32, #tpu.memory_space<vmem_shared>>
      %dma_wait3A_365 = arith.constant 0 : i32
      %dma_wait3A_366 = tpu.memref_slice %arg18[%add3A_126, %dma_wait3A_365] : memref<10240x128xf32, #tpu.memory_space<vmem_shared>> -> memref<128x128xf32, #tpu.memory_space<vmem_shared>>
      %dma_wait3A_367 = arith.constant 0 : i32
      %dma_wait3A_368 = arith.constant 0 : i32
      %dma_wait3A_369 = tpu.memref_slice %arg14[%dma_wait3A_367, %dma_wait3A_368] : memref<128x128xf32, #tpu.memory_space<vmem>> -> memref<128x128xf32, #tpu.memory_space<vmem>>
      tpu.wait_dma2 semaphore(%run_scoped3A : memref<!tpu.dma_semaphore, #tpu.memory_space<semaphore_mem>>) src(%dma_wait3A_369 : memref<128x128xf32, #tpu.memory_space<vmem>>) dst(%dma_wait3A_366 : memref<128x128xf32, #tpu.memory_space<vmem_shared>>)
      tpu.yield
    }) : () -> ()
    %barrier3A = arith.constant 0 : index
    tpu.barrier barrier_id(%barrier3A)
    %mul3A_127 = arith.constant 10240 : i32
    %mul3A_128 = arith.muli %add3A, %mul3A_127 : i32
    %add3A_129 = arith.constant 0 : i32
    %add3A_130 = arith.addi %mul3A_128, %add3A_129 : i32
    %dma_start3A = arith.constant 0 : i32
    %dma_start3A_131 = tpu.memref_slice %arg3[%dma_start3A, %add3A_130] : memref<2x327680xi32, #tpu.memory_space<hbm>> -> memref<2x128xi32, #tpu.memory_space<hbm>>
    %dma_start3A_132 = arith.constant 0 : i32
    %dma_start3A_133 = tpu.memref_slice %arg3[%dma_start3A_132, %add3A_130] : memref<2x327680xi32, #tpu.memory_space<hbm>> -> memref<2x128xi32, #tpu.memory_space<hbm>>
    tpu.enqueue_dma source(%dma_start3A_133 : memref<2x128xi32, #tpu.memory_space<hbm>>) target(%arg6 : memref<2x128xi32, #tpu.memory_space<vmem>>) target_semaphore(%arg10 : memref<!tpu.dma_semaphore, #tpu.memory_space<semaphore_mem>>)
    %mul3A_134 = arith.constant 10240 : i32
    %mul3A_135 = arith.muli %add3A, %mul3A_134 : i32
    %add3A_136 = arith.constant 128 : i32
    %add3A_137 = arith.addi %mul3A_135, %add3A_136 : i32
    %dma_start3A_138 = arith.constant 0 : i32
    %dma_start3A_139 = tpu.memref_slice %arg3[%dma_start3A_138, %add3A_137] : memref<2x327680xi32, #tpu.memory_space<hbm>> -> memref<2x128xi32, #tpu.memory_space<hbm>>
    %dma_start3A_140 = arith.constant 0 : i32
    %dma_start3A_141 = tpu.memref_slice %arg3[%dma_start3A_140, %add3A_137] : memref<2x327680xi32, #tpu.memory_space<hbm>> -> memref<2x128xi32, #tpu.memory_space<hbm>>
    tpu.enqueue_dma source(%dma_start3A_141 : memref<2x128xi32, #tpu.memory_space<hbm>>) target(%arg7 : memref<2x128xi32, #tpu.memory_space<vmem>>) target_semaphore(%arg11 : memref<!tpu.dma_semaphore, #tpu.memory_space<semaphore_mem>>)
    %mul3A_142 = arith.constant 10240 : i32
    %mul3A_143 = arith.muli %add3A, %mul3A_142 : i32
    %add3A_144 = arith.constant 256 : i32
    %add3A_145 = arith.addi %mul3A_143, %add3A_144 : i32
    %dma_start3A_146 = arith.constant 0 : i32
    %dma_start3A_147 = tpu.memref_slice %arg3[%dma_start3A_146, %add3A_145] : memref<2x327680xi32, #tpu.memory_space<hbm>> -> memref<2x128xi32, #tpu.memory_space<hbm>>
    %dma_start3A_148 = arith.constant 0 : i32
    %dma_start3A_149 = tpu.memref_slice %arg3[%dma_start3A_148, %add3A_145] : memref<2x327680xi32, #tpu.memory_space<hbm>> -> memref<2x128xi32, #tpu.memory_space<hbm>>
    tpu.enqueue_dma source(%dma_start3A_149 : memref<2x128xi32, #tpu.memory_space<hbm>>) target(%arg8 : memref<2x128xi32, #tpu.memory_space<vmem>>) target_semaphore(%arg12 : memref<!tpu.dma_semaphore, #tpu.memory_space<semaphore_mem>>)
    %mul3A_150 = arith.constant 10240 : i32
    %mul3A_151 = arith.muli %add3A, %mul3A_150 : i32
    %add3A_152 = arith.constant 384 : i32
    %add3A_153 = arith.addi %mul3A_151, %add3A_152 : i32
    %dma_start3A_154 = arith.constant 0 : i32
    %dma_start3A_155 = tpu.memref_slice %arg3[%dma_start3A_154, %add3A_153] : memref<2x327680xi32, #tpu.memory_space<hbm>> -> memref<2x128xi32, #tpu.memory_space<hbm>>
    %dma_start3A_156 = arith.constant 0 : i32
    %dma_start3A_157 = tpu.memref_slice %arg3[%dma_start3A_156, %add3A_153] : memref<2x327680xi32, #tpu.memory_space<hbm>> -> memref<2x128xi32, #tpu.memory_space<hbm>>
    tpu.enqueue_dma source(%dma_start3A_157 : memref<2x128xi32, #tpu.memory_space<hbm>>) target(%arg9 : memref<2x128xi32, #tpu.memory_space<vmem>>) target_semaphore(%arg13 : memref<!tpu.dma_semaphore, #tpu.memory_space<semaphore_mem>>)
    %dma_wait3A_158 = arith.constant 0 : i32
    %dma_wait3A_159 = arith.constant 0 : i32
    %dma_wait3A_160 = tpu.memref_slice %arg3[%dma_wait3A_158, %dma_wait3A_159] : memref<2x327680xi32, #tpu.memory_space<hbm>> -> memref<2x128xi32, #tpu.memory_space<hbm>>
    %dma_wait3A_161 = arith.constant 0 : i32
    %dma_wait3A_162 = arith.constant 0 : i32
    %dma_wait3A_163 = tpu.memref_slice %arg3[%dma_wait3A_161, %dma_wait3A_162] : memref<2x327680xi32, #tpu.memory_space<hbm>> -> memref<2x128xi32, #tpu.memory_space<hbm>>
    tpu.wait_dma2 semaphore(%arg10 : memref<!tpu.dma_semaphore, #tpu.memory_space<semaphore_mem>>) src(%dma_wait3A_163 : memref<2x128xi32, #tpu.memory_space<hbm>>) dst(%arg6 : memref<2x128xi32, #tpu.memory_space<vmem>>)
    %dma_start3A_164 = arith.constant 0 : i32
    %dma_start3A_165 = arith.constant 0 : i32
    %dma_start3A_166 = tpu.memref_slice %arg6[%dma_start3A_164, %dma_start3A_165] : memref<2x128xi32, #tpu.memory_space<vmem>> -> memref<1x128xi32, #tpu.memory_space<vmem>>
    %dma_start3A_167 = tpu.memref_squeeze %dma_start3A_166 : memref<1x128xi32, #tpu.memory_space<vmem>> -> memref<128xi32, #tpu.memory_space<vmem>>
    %dma_start3A_168 = arith.constant 0 : i32
    %dma_start3A_169 = arith.constant 0 : i32
    %dma_start3A_170 = tpu.memref_slice %arg2[%dma_start3A_168, %dma_start3A_169] : memref<10240x128xf32, #tpu.memory_space<hbm>> -> memref<10240x128xf32, #tpu.memory_space<hbm>>
    tpu.enqueue_indirect_dma source(%dma_start3A_170 : memref<10240x128xf32, #tpu.memory_space<hbm>>) target(%arg14 : memref<128x128xf32, #tpu.memory_space<vmem>>) offsets(%dma_start3A_167 : memref<128xi32, #tpu.memory_space<vmem>>) semaphore(%arg16 : memref<!tpu.dma_semaphore, #tpu.memory_space<semaphore_mem>>)
    %dma_wait3A_171 = arith.constant 0 : i32
    %dma_wait3A_172 = arith.constant 0 : i32
    %dma_wait3A_173 = tpu.memref_slice %arg3[%dma_wait3A_171, %dma_wait3A_172] : memref<2x327680xi32, #tpu.memory_space<hbm>> -> memref<2x128xi32, #tpu.memory_space<hbm>>
    %dma_wait3A_174 = arith.constant 0 : i32
    %dma_wait3A_175 = arith.constant 0 : i32
    %dma_wait3A_176 = tpu.memref_slice %arg3[%dma_wait3A_174, %dma_wait3A_175] : memref<2x327680xi32, #tpu.memory_space<hbm>> -> memref<2x128xi32, #tpu.memory_space<hbm>>
    tpu.wait_dma2 semaphore(%arg11 : memref<!tpu.dma_semaphore, #tpu.memory_space<semaphore_mem>>) src(%dma_wait3A_176 : memref<2x128xi32, #tpu.memory_space<hbm>>) dst(%arg7 : memref<2x128xi32, #tpu.memory_space<vmem>>)
    %dma_start3A_177 = arith.constant 0 : i32
    %dma_start3A_178 = arith.constant 0 : i32
    %dma_start3A_179 = tpu.memref_slice %arg7[%dma_start3A_177, %dma_start3A_178] : memref<2x128xi32, #tpu.memory_space<vmem>> -> memref<1x128xi32, #tpu.memory_space<vmem>>
    %dma_start3A_180 = tpu.memref_squeeze %dma_start3A_179 : memref<1x128xi32, #tpu.memory_space<vmem>> -> memref<128xi32, #tpu.memory_space<vmem>>
    %dma_start3A_181 = arith.constant 0 : i32
    %dma_start3A_182 = arith.constant 0 : i32
    %dma_start3A_183 = tpu.memref_slice %arg2[%dma_start3A_181, %dma_start3A_182] : memref<10240x128xf32, #tpu.memory_space<hbm>> -> memref<10240x128xf32, #tpu.memory_space<hbm>>
    tpu.enqueue_indirect_dma source(%dma_start3A_183 : memref<10240x128xf32, #tpu.memory_space<hbm>>) target(%arg15 : memref<128x128xf32, #tpu.memory_space<vmem>>) offsets(%dma_start3A_180 : memref<128xi32, #tpu.memory_space<vmem>>) semaphore(%arg17 : memref<!tpu.dma_semaphore, #tpu.memory_space<semaphore_mem>>)
    %scan3A = arith.constant 0 : i32
    %scan3A_184 = arith.constant 0 : i32
    %scan3A_185 = arith.constant 20 : i32
    %scan3A_186 = arith.addi %scan3A_184, %scan3A_185 : i32
    %scan3A_187 = arith.constant 1 : i32
    scf.for %scan3A_350 = %scan3A_184 to %scan3A_186 step %scan3A_187  : i32 {
      %mul3A_351 = arith.constant 4 : i32
      %mul3A_352 = arith.muli %mul3A_351, %scan3A_350 : i32
      %add3A_353 = arith.constant 0 : i32
      %add3A_354 = arith.addi %mul3A_352, %add3A_353 : i32
      %dma_wait3A_355 = arith.constant 0 : i32
      %dma_wait3A_356 = arith.constant 0 : i32
      %dma_wait3A_357 = tpu.memref_slice %arg2[%dma_wait3A_355, %dma_wait3A_356] : memref<10240x128xf32, #tpu.memory_space<hbm>> -> memref<128x128xf32, #tpu.memory_space<hbm>>
      %dma_wait3A_358 = arith.constant 0 : i32
      %dma_wait3A_359 = arith.constant 0 : i32
      %dma_wait3A_360 = tpu.memref_slice %arg2[%dma_wait3A_358, %dma_wait3A_359] : memref<10240x128xf32, #tpu.memory_space<hbm>> -> memref<128x128xf32, #tpu.memory_space<hbm>>
      tpu.wait_dma2 semaphore(%arg16 : memref<!tpu.dma_semaphore, #tpu.memory_space<semaphore_mem>>) src(%dma_wait3A_360 : memref<128x128xf32, #tpu.memory_space<hbm>>) dst(%arg14 : memref<128x128xf32, #tpu.memory_space<vmem>>)
      %run_scoped3A = arith.constant 1 : i32
      "tpu.region"() ({
        %run_scoped3A_449 = tpu.sem_alloc : memref<!tpu.dma_semaphore, #tpu.memory_space<semaphore_mem>>
        %dma_start3A_450 = arith.constant 0 : i32
        %dma_start3A_451 = tpu.memref_slice %arg6[%run_scoped3A, %dma_start3A_450] : memref<2x128xi32, #tpu.memory_space<vmem>> -> memref<1x128xi32, #tpu.memory_space<vmem>>
        %dma_start3A_452 = tpu.memref_squeeze %dma_start3A_451 : memref<1x128xi32, #tpu.memory_space<vmem>> -> memref<128xi32, #tpu.memory_space<vmem>>
        %dma_start3A_453 = arith.constant 0 : i32
        %dma_start3A_454 = arith.constant 0 : i32
        %dma_start3A_455 = tpu.memref_slice %arg18[%dma_start3A_453, %dma_start3A_454] : memref<10240x128xf32, #tpu.memory_space<vmem_shared>> -> memref<10240x128xf32, #tpu.memory_space<vmem_shared>>
        tpu.enqueue_indirect_dma source(%arg14 : memref<128x128xf32, #tpu.memory_space<vmem>>) target(%dma_start3A_455 : memref<10240x128xf32, #tpu.memory_space<vmem_shared>>) offsets(%dma_start3A_452 : memref<128xi32, #tpu.memory_space<vmem>>) semaphore(%run_scoped3A_449 : memref<!tpu.dma_semaphore, #tpu.memory_space<semaphore_mem>>) {add = true}
        %dma_wait3A_456 = arith.constant 0 : i32
        %dma_wait3A_457 = tpu.memref_slice %arg6[%run_scoped3A, %dma_wait3A_456] : memref<2x128xi32, #tpu.memory_space<vmem>> -> memref<1x128xi32, #tpu.memory_space<vmem>>
        %dma_wait3A_458 = tpu.memref_squeeze %dma_wait3A_457 : memref<1x128xi32, #tpu.memory_space<vmem>> -> memref<128xi32, #tpu.memory_space<vmem>>
        %dma_wait3A_459 = arith.constant 0 : i32
        %dma_wait3A_460 = arith.constant 0 : i32
        %dma_wait3A_461 = tpu.memref_slice %arg18[%dma_wait3A_459, %dma_wait3A_460] : memref<10240x128xf32, #tpu.memory_space<vmem_shared>> -> memref<10240x128xf32, #tpu.memory_space<vmem_shared>>
        tpu.wait_indirect_dma semaphore(%run_scoped3A_449 : memref<!tpu.dma_semaphore, #tpu.memory_space<semaphore_mem>>) src(%arg14 : memref<128x128xf32, #tpu.memory_space<vmem>>) dst(%dma_wait3A_461 : memref<10240x128xf32, #tpu.memory_space<vmem_shared>>)
        tpu.yield
      }) : () -> ()
      %add3A_361 = arith.constant 4 : i32
      %add3A_362 = arith.addi %add3A_354, %add3A_361 : i32
      %lt3A = arith.constant 80 : i32
      %lt3A_363 = arith.cmpi slt, %add3A_362, %lt3A : i32
      %convert_element_type3A_364 = arith.extui %lt3A_363 : i1 to i32
      %cond3A_365 = arith.constant 0 : i32
      %cond3A_366 = arith.cmpi ne, %convert_element_type3A_364, %cond3A_365 : i32
      scf.if %cond3A_366 {
        %add3A_449 = arith.constant 4 : i32
        %add3A_450 = arith.addi %add3A_354, %add3A_449 : i32
        %mul3A_451 = arith.constant 10240 : i32
        %mul3A_452 = arith.muli %add3A, %mul3A_451 : i32
        %mul3A_453 = arith.constant 128 : i32
        %mul3A_454 = arith.muli %add3A_450, %mul3A_453 : i32
        %add3A_455 = arith.addi %mul3A_452, %mul3A_454 : i32
        %dma_start3A_456 = arith.constant 0 : i32
        %dma_start3A_457 = tpu.memref_slice %arg3[%dma_start3A_456, %add3A_455] : memref<2x327680xi32, #tpu.memory_space<hbm>> -> memref<2x128xi32, #tpu.memory_space<hbm>>
        %dma_start3A_458 = arith.constant 0 : i32
        %dma_start3A_459 = tpu.memref_slice %arg3[%dma_start3A_458, %add3A_455] : memref<2x327680xi32, #tpu.memory_space<hbm>> -> memref<2x128xi32, #tpu.memory_space<hbm>>
        tpu.enqueue_dma source(%dma_start3A_459 : memref<2x128xi32, #tpu.memory_space<hbm>>) target(%arg6 : memref<2x128xi32, #tpu.memory_space<vmem>>) target_semaphore(%arg10 : memref<!tpu.dma_semaphore, #tpu.memory_space<semaphore_mem>>)
      } else {
      }
      %add3A_367 = arith.constant 2 : i32
      %add3A_368 = arith.addi %add3A_354, %add3A_367 : i32
      %lt3A_369 = arith.constant 80 : i32
      %lt3A_370 = arith.cmpi slt, %add3A_368, %lt3A_369 : i32
      %convert_element_type3A_371 = arith.extui %lt3A_370 : i1 to i32
      %cond3A_372 = arith.constant 0 : i32
      %cond3A_373 = arith.cmpi ne, %convert_element_type3A_371, %cond3A_372 : i32
      scf.if %cond3A_373 {
        %dma_wait3A_449 = arith.constant 0 : i32
        %dma_wait3A_450 = arith.constant 0 : i32
        %dma_wait3A_451 = tpu.memref_slice %arg3[%dma_wait3A_449, %dma_wait3A_450] : memref<2x327680xi32, #tpu.memory_space<hbm>> -> memref<2x128xi32, #tpu.memory_space<hbm>>
        %dma_wait3A_452 = arith.constant 0 : i32
        %dma_wait3A_453 = arith.constant 0 : i32
        %dma_wait3A_454 = tpu.memref_slice %arg3[%dma_wait3A_452, %dma_wait3A_453] : memref<2x327680xi32, #tpu.memory_space<hbm>> -> memref<2x128xi32, #tpu.memory_space<hbm>>
        tpu.wait_dma2 semaphore(%arg12 : memref<!tpu.dma_semaphore, #tpu.memory_space<semaphore_mem>>) src(%dma_wait3A_454 : memref<2x128xi32, #tpu.memory_space<hbm>>) dst(%arg8 : memref<2x128xi32, #tpu.memory_space<vmem>>)
        %dma_start3A_455 = arith.constant 0 : i32
        %dma_start3A_456 = arith.constant 0 : i32
        %dma_start3A_457 = tpu.memref_slice %arg8[%dma_start3A_455, %dma_start3A_456] : memref<2x128xi32, #tpu.memory_space<vmem>> -> memref<1x128xi32, #tpu.memory_space<vmem>>
        %dma_start3A_458 = tpu.memref_squeeze %dma_start3A_457 : memref<1x128xi32, #tpu.memory_space<vmem>> -> memref<128xi32, #tpu.memory_space<vmem>>
        %dma_start3A_459 = arith.constant 0 : i32
        %dma_start3A_460 = arith.constant 0 : i32
        %dma_start3A_461 = tpu.memref_slice %arg2[%dma_start3A_459, %dma_start3A_460] : memref<10240x128xf32, #tpu.memory_space<hbm>> -> memref<10240x128xf32, #tpu.memory_space<hbm>>
        tpu.enqueue_indirect_dma source(%dma_start3A_461 : memref<10240x128xf32, #tpu.memory_space<hbm>>) target(%arg14 : memref<128x128xf32, #tpu.memory_space<vmem>>) offsets(%dma_start3A_458 : memref<128xi32, #tpu.memory_space<vmem>>) semaphore(%arg16 : memref<!tpu.dma_semaphore, #tpu.memory_space<semaphore_mem>>)
      } else {
      }
      %mul3A_374 = arith.constant 4 : i32
      %mul3A_375 = arith.muli %mul3A_374, %scan3A_350 : i32
      %add3A_376 = arith.constant 1 : i32
      %add3A_377 = arith.addi %mul3A_375, %add3A_376 : i32
      %dma_wait3A_378 = arith.constant 0 : i32
      %dma_wait3A_379 = arith.constant 0 : i32
      %dma_wait3A_380 = tpu.memref_slice %arg2[%dma_wait3A_378, %dma_wait3A_379] : memref<10240x128xf32, #tpu.memory_space<hbm>> -> memref<128x128xf32, #tpu.memory_space<hbm>>
      %dma_wait3A_381 = arith.constant 0 : i32
      %dma_wait3A_382 = arith.constant 0 : i32
      %dma_wait3A_383 = tpu.memref_slice %arg2[%dma_wait3A_381, %dma_wait3A_382] : memref<10240x128xf32, #tpu.memory_space<hbm>> -> memref<128x128xf32, #tpu.memory_space<hbm>>
      tpu.wait_dma2 semaphore(%arg17 : memref<!tpu.dma_semaphore, #tpu.memory_space<semaphore_mem>>) src(%dma_wait3A_383 : memref<128x128xf32, #tpu.memory_space<hbm>>) dst(%arg15 : memref<128x128xf32, #tpu.memory_space<vmem>>)
      %run_scoped3A_384 = arith.constant 1 : i32
      "tpu.region"() ({
        %run_scoped3A_449 = tpu.sem_alloc : memref<!tpu.dma_semaphore, #tpu.memory_space<semaphore_mem>>
        %dma_start3A_450 = arith.constant 0 : i32
        %dma_start3A_451 = tpu.memref_slice %arg7[%run_scoped3A_384, %dma_start3A_450] : memref<2x128xi32, #tpu.memory_space<vmem>> -> memref<1x128xi32, #tpu.memory_space<vmem>>
        %dma_start3A_452 = tpu.memref_squeeze %dma_start3A_451 : memref<1x128xi32, #tpu.memory_space<vmem>> -> memref<128xi32, #tpu.memory_space<vmem>>
        %dma_start3A_453 = arith.constant 0 : i32
        %dma_start3A_454 = arith.constant 0 : i32
        %dma_start3A_455 = tpu.memref_slice %arg18[%dma_start3A_453, %dma_start3A_454] : memref<10240x128xf32, #tpu.memory_space<vmem_shared>> -> memref<10240x128xf32, #tpu.memory_space<vmem_shared>>
        tpu.enqueue_indirect_dma source(%arg15 : memref<128x128xf32, #tpu.memory_space<vmem>>) target(%dma_start3A_455 : memref<10240x128xf32, #tpu.memory_space<vmem_shared>>) offsets(%dma_start3A_452 : memref<128xi32, #tpu.memory_space<vmem>>) semaphore(%run_scoped3A_449 : memref<!tpu.dma_semaphore, #tpu.memory_space<semaphore_mem>>) {add = true}
        %dma_wait3A_456 = arith.constant 0 : i32
        %dma_wait3A_457 = tpu.memref_slice %arg7[%run_scoped3A_384, %dma_wait3A_456] : memref<2x128xi32, #tpu.memory_space<vmem>> -> memref<1x128xi32, #tpu.memory_space<vmem>>
        %dma_wait3A_458 = tpu.memref_squeeze %dma_wait3A_457 : memref<1x128xi32, #tpu.memory_space<vmem>> -> memref<128xi32, #tpu.memory_space<vmem>>
        %dma_wait3A_459 = arith.constant 0 : i32
        %dma_wait3A_460 = arith.constant 0 : i32
        %dma_wait3A_461 = tpu.memref_slice %arg18[%dma_wait3A_459, %dma_wait3A_460] : memref<10240x128xf32, #tpu.memory_space<vmem_shared>> -> memref<10240x128xf32, #tpu.memory_space<vmem_shared>>
        tpu.wait_indirect_dma semaphore(%run_scoped3A_449 : memref<!tpu.dma_semaphore, #tpu.memory_space<semaphore_mem>>) src(%arg15 : memref<128x128xf32, #tpu.memory_space<vmem>>) dst(%dma_wait3A_461 : memref<10240x128xf32, #tpu.memory_space<vmem_shared>>)
        tpu.yield
      }) : () -> ()
      %add3A_385 = arith.constant 4 : i32
      %add3A_386 = arith.addi %add3A_377, %add3A_385 : i32
      %lt3A_387 = arith.constant 80 : i32
      %lt3A_388 = arith.cmpi slt, %add3A_386, %lt3A_387 : i32
      %convert_element_type3A_389 = arith.extui %lt3A_388 : i1 to i32
      %cond3A_390 = arith.constant 0 : i32
      %cond3A_391 = arith.cmpi ne, %convert_element_type3A_389, %cond3A_390 : i32
      scf.if %cond3A_391 {
        %add3A_449 = arith.constant 4 : i32
        %add3A_450 = arith.addi %add3A_377, %add3A_449 : i32
        %mul3A_451 = arith.constant 10240 : i32
        %mul3A_452 = arith.muli %add3A, %mul3A_451 : i32
        %mul3A_453 = arith.constant 128 : i32
        %mul3A_454 = arith.muli %add3A_450, %mul3A_453 : i32
        %add3A_455 = arith.addi %mul3A_452, %mul3A_454 : i32
        %dma_start3A_456 = arith.constant 0 : i32
        %dma_start3A_457 = tpu.memref_slice %arg3[%dma_start3A_456, %add3A_455] : memref<2x327680xi32, #tpu.memory_space<hbm>> -> memref<2x128xi32, #tpu.memory_space<hbm>>
        %dma_start3A_458 = arith.constant 0 : i32
        %dma_start3A_459 = tpu.memref_slice %arg3[%dma_start3A_458, %add3A_455] : memref<2x327680xi32, #tpu.memory_space<hbm>> -> memref<2x128xi32, #tpu.memory_space<hbm>>
        tpu.enqueue_dma source(%dma_start3A_459 : memref<2x128xi32, #tpu.memory_space<hbm>>) target(%arg7 : memref<2x128xi32, #tpu.memory_space<vmem>>) target_semaphore(%arg11 : memref<!tpu.dma_semaphore, #tpu.memory_space<semaphore_mem>>)
      } else {
      }
      %add3A_392 = arith.constant 2 : i32
      %add3A_393 = arith.addi %add3A_377, %add3A_392 : i32
      %lt3A_394 = arith.constant 80 : i32
      %lt3A_395 = arith.cmpi slt, %add3A_393, %lt3A_394 : i32
      %convert_element_type3A_396 = arith.extui %lt3A_395 : i1 to i32
      %cond3A_397 = arith.constant 0 : i32
      %cond3A_398 = arith.cmpi ne, %convert_element_type3A_396, %cond3A_397 : i32
      scf.if %cond3A_398 {
        %dma_wait3A_449 = arith.constant 0 : i32
        %dma_wait3A_450 = arith.constant 0 : i32
        %dma_wait3A_451 = tpu.memref_slice %arg3[%dma_wait3A_449, %dma_wait3A_450] : memref<2x327680xi32, #tpu.memory_space<hbm>> -> memref<2x128xi32, #tpu.memory_space<hbm>>
        %dma_wait3A_452 = arith.constant 0 : i32
        %dma_wait3A_453 = arith.constant 0 : i32
        %dma_wait3A_454 = tpu.memref_slice %arg3[%dma_wait3A_452, %dma_wait3A_453] : memref<2x327680xi32, #tpu.memory_space<hbm>> -> memref<2x128xi32, #tpu.memory_space<hbm>>
        tpu.wait_dma2 semaphore(%arg13 : memref<!tpu.dma_semaphore, #tpu.memory_space<semaphore_mem>>) src(%dma_wait3A_454 : memref<2x128xi32, #tpu.memory_space<hbm>>) dst(%arg9 : memref<2x128xi32, #tpu.memory_space<vmem>>)
        %dma_start3A_455 = arith.constant 0 : i32
        %dma_start3A_456 = arith.constant 0 : i32
        %dma_start3A_457 = tpu.memref_slice %arg9[%dma_start3A_455, %dma_start3A_456] : memref<2x128xi32, #tpu.memory_space<vmem>> -> memref<1x128xi32, #tpu.memory_space<vmem>>
        %dma_start3A_458 = tpu.memref_squeeze %dma_start3A_457 : memref<1x128xi32, #tpu.memory_space<vmem>> -> memref<128xi32, #tpu.memory_space<vmem>>
        %dma_start3A_459 = arith.constant 0 : i32
        %dma_start3A_460 = arith.constant 0 : i32
        %dma_start3A_461 = tpu.memref_slice %arg2[%dma_start3A_459, %dma_start3A_460] : memref<10240x128xf32, #tpu.memory_space<hbm>> -> memref<10240x128xf32, #tpu.memory_space<hbm>>
        tpu.enqueue_indirect_dma source(%dma_start3A_461 : memref<10240x128xf32, #tpu.memory_space<hbm>>) target(%arg15 : memref<128x128xf32, #tpu.memory_space<vmem>>) offsets(%dma_start3A_458 : memref<128xi32, #tpu.memory_space<vmem>>) semaphore(%arg17 : memref<!tpu.dma_semaphore, #tpu.memory_space<semaphore_mem>>)
      } else {
      }
      %mul3A_399 = arith.constant 4 : i32
      %mul3A_400 = arith.muli %mul3A_399, %scan3A_350 : i32
      %add3A_401 = arith.constant 2 : i32
      %add3A_402 = arith.addi %mul3A_400, %add3A_401 : i32
      %dma_wait3A_403 = arith.constant 0 : i32
      %dma_wait3A_404 = arith.constant 0 : i32
      %dma_wait3A_405 = tpu.memref_slice %arg2[%dma_wait3A_403, %dma_wait3A_404] : memref<10240x128xf32, #tpu.memory_space<hbm>> -> memref<128x128xf32, #tpu.memory_space<hbm>>
      %dma_wait3A_406 = arith.constant 0 : i32
      %dma_wait3A_407 = arith.constant 0 : i32
      %dma_wait3A_408 = tpu.memref_slice %arg2[%dma_wait3A_406, %dma_wait3A_407] : memref<10240x128xf32, #tpu.memory_space<hbm>> -> memref<128x128xf32, #tpu.memory_space<hbm>>
      tpu.wait_dma2 semaphore(%arg16 : memref<!tpu.dma_semaphore, #tpu.memory_space<semaphore_mem>>) src(%dma_wait3A_408 : memref<128x128xf32, #tpu.memory_space<hbm>>) dst(%arg14 : memref<128x128xf32, #tpu.memory_space<vmem>>)
      %run_scoped3A_409 = arith.constant 1 : i32
      "tpu.region"() ({
        %run_scoped3A_449 = tpu.sem_alloc : memref<!tpu.dma_semaphore, #tpu.memory_space<semaphore_mem>>
        %dma_start3A_450 = arith.constant 0 : i32
        %dma_start3A_451 = tpu.memref_slice %arg8[%run_scoped3A_409, %dma_start3A_450] : memref<2x128xi32, #tpu.memory_space<vmem>> -> memref<1x128xi32, #tpu.memory_space<vmem>>
        %dma_start3A_452 = tpu.memref_squeeze %dma_start3A_451 : memref<1x128xi32, #tpu.memory_space<vmem>> -> memref<128xi32, #tpu.memory_space<vmem>>
        %dma_start3A_453 = arith.constant 0 : i32
        %dma_start3A_454 = arith.constant 0 : i32
        %dma_start3A_455 = tpu.memref_slice %arg18[%dma_start3A_453, %dma_start3A_454] : memref<10240x128xf32, #tpu.memory_space<vmem_shared>> -> memref<10240x128xf32, #tpu.memory_space<vmem_shared>>
        tpu.enqueue_indirect_dma source(%arg14 : memref<128x128xf32, #tpu.memory_space<vmem>>) target(%dma_start3A_455 : memref<10240x128xf32, #tpu.memory_space<vmem_shared>>) offsets(%dma_start3A_452 : memref<128xi32, #tpu.memory_space<vmem>>) semaphore(%run_scoped3A_449 : memref<!tpu.dma_semaphore, #tpu.memory_space<semaphore_mem>>) {add = true}
        %dma_wait3A_456 = arith.constant 0 : i32
        %dma_wait3A_457 = tpu.memref_slice %arg8[%run_scoped3A_409, %dma_wait3A_456] : memref<2x128xi32, #tpu.memory_space<vmem>> -> memref<1x128xi32, #tpu.memory_space<vmem>>
        %dma_wait3A_458 = tpu.memref_squeeze %dma_wait3A_457 : memref<1x128xi32, #tpu.memory_space<vmem>> -> memref<128xi32, #tpu.memory_space<vmem>>
        %dma_wait3A_459 = arith.constant 0 : i32
        %dma_wait3A_460 = arith.constant 0 : i32
        %dma_wait3A_461 = tpu.memref_slice %arg18[%dma_wait3A_459, %dma_wait3A_460] : memref<10240x128xf32, #tpu.memory_space<vmem_shared>> -> memref<10240x128xf32, #tpu.memory_space<vmem_shared>>
        tpu.wait_indirect_dma semaphore(%run_scoped3A_449 : memref<!tpu.dma_semaphore, #tpu.memory_space<semaphore_mem>>) src(%arg14 : memref<128x128xf32, #tpu.memory_space<vmem>>) dst(%dma_wait3A_461 : memref<10240x128xf32, #tpu.memory_space<vmem_shared>>)
        tpu.yield
      }) : () -> ()
      %add3A_410 = arith.constant 4 : i32
      %add3A_411 = arith.addi %add3A_402, %add3A_410 : i32
      %lt3A_412 = arith.constant 80 : i32
      %lt3A_413 = arith.cmpi slt, %add3A_411, %lt3A_412 : i32
      %convert_element_type3A_414 = arith.extui %lt3A_413 : i1 to i32
      %cond3A_415 = arith.constant 0 : i32
      %cond3A_416 = arith.cmpi ne, %convert_element_type3A_414, %cond3A_415 : i32
      scf.if %cond3A_416 {
        %add3A_449 = arith.constant 4 : i32
        %add3A_450 = arith.addi %add3A_402, %add3A_449 : i32
        %mul3A_451 = arith.constant 10240 : i32
        %mul3A_452 = arith.muli %add3A, %mul3A_451 : i32
        %mul3A_453 = arith.constant 128 : i32
        %mul3A_454 = arith.muli %add3A_450, %mul3A_453 : i32
        %add3A_455 = arith.addi %mul3A_452, %mul3A_454 : i32
        %dma_start3A_456 = arith.constant 0 : i32
        %dma_start3A_457 = tpu.memref_slice %arg3[%dma_start3A_456, %add3A_455] : memref<2x327680xi32, #tpu.memory_space<hbm>> -> memref<2x128xi32, #tpu.memory_space<hbm>>
        %dma_start3A_458 = arith.constant 0 : i32
        %dma_start3A_459 = tpu.memref_slice %arg3[%dma_start3A_458, %add3A_455] : memref<2x327680xi32, #tpu.memory_space<hbm>> -> memref<2x128xi32, #tpu.memory_space<hbm>>
        tpu.enqueue_dma source(%dma_start3A_459 : memref<2x128xi32, #tpu.memory_space<hbm>>) target(%arg8 : memref<2x128xi32, #tpu.memory_space<vmem>>) target_semaphore(%arg12 : memref<!tpu.dma_semaphore, #tpu.memory_space<semaphore_mem>>)
      } else {
      }
      %add3A_417 = arith.constant 2 : i32
      %add3A_418 = arith.addi %add3A_402, %add3A_417 : i32
      %lt3A_419 = arith.constant 80 : i32
      %lt3A_420 = arith.cmpi slt, %add3A_418, %lt3A_419 : i32
      %convert_element_type3A_421 = arith.extui %lt3A_420 : i1 to i32
      %cond3A_422 = arith.constant 0 : i32
      %cond3A_423 = arith.cmpi ne, %convert_element_type3A_421, %cond3A_422 : i32
      scf.if %cond3A_423 {
        %dma_wait3A_449 = arith.constant 0 : i32
        %dma_wait3A_450 = arith.constant 0 : i32
        %dma_wait3A_451 = tpu.memref_slice %arg3[%dma_wait3A_449, %dma_wait3A_450] : memref<2x327680xi32, #tpu.memory_space<hbm>> -> memref<2x128xi32, #tpu.memory_space<hbm>>
        %dma_wait3A_452 = arith.constant 0 : i32
        %dma_wait3A_453 = arith.constant 0 : i32
        %dma_wait3A_454 = tpu.memref_slice %arg3[%dma_wait3A_452, %dma_wait3A_453] : memref<2x327680xi32, #tpu.memory_space<hbm>> -> memref<2x128xi32, #tpu.memory_space<hbm>>
        tpu.wait_dma2 semaphore(%arg10 : memref<!tpu.dma_semaphore, #tpu.memory_space<semaphore_mem>>) src(%dma_wait3A_454 : memref<2x128xi32, #tpu.memory_space<hbm>>) dst(%arg6 : memref<2x128xi32, #tpu.memory_space<vmem>>)
        %dma_start3A_455 = arith.constant 0 : i32
        %dma_start3A_456 = arith.constant 0 : i32
        %dma_start3A_457 = tpu.memref_slice %arg6[%dma_start3A_455, %dma_start3A_456] : memref<2x128xi32, #tpu.memory_space<vmem>> -> memref<1x128xi32, #tpu.memory_space<vmem>>
        %dma_start3A_458 = tpu.memref_squeeze %dma_start3A_457 : memref<1x128xi32, #tpu.memory_space<vmem>> -> memref<128xi32, #tpu.memory_space<vmem>>
        %dma_start3A_459 = arith.constant 0 : i32
        %dma_start3A_460 = arith.constant 0 : i32
        %dma_start3A_461 = tpu.memref_slice %arg2[%dma_start3A_459, %dma_start3A_460] : memref<10240x128xf32, #tpu.memory_space<hbm>> -> memref<10240x128xf32, #tpu.memory_space<hbm>>
        tpu.enqueue_indirect_dma source(%dma_start3A_461 : memref<10240x128xf32, #tpu.memory_space<hbm>>) target(%arg14 : memref<128x128xf32, #tpu.memory_space<vmem>>) offsets(%dma_start3A_458 : memref<128xi32, #tpu.memory_space<vmem>>) semaphore(%arg16 : memref<!tpu.dma_semaphore, #tpu.memory_space<semaphore_mem>>)
      } else {
      }
      %mul3A_424 = arith.constant 4 : i32
      %mul3A_425 = arith.muli %mul3A_424, %scan3A_350 : i32
      %add3A_426 = arith.constant 3 : i32
      %add3A_427 = arith.addi %mul3A_425, %add3A_426 : i32
      %dma_wait3A_428 = arith.constant 0 : i32
      %dma_wait3A_429 = arith.constant 0 : i32
      %dma_wait3A_430 = tpu.memref_slice %arg2[%dma_wait3A_428, %dma_wait3A_429] : memref<10240x128xf32, #tpu.memory_space<hbm>> -> memref<128x128xf32, #tpu.memory_space<hbm>>
      %dma_wait3A_431 = arith.constant 0 : i32
      %dma_wait3A_432 = arith.constant 0 : i32
      %dma_wait3A_433 = tpu.memref_slice %arg2[%dma_wait3A_431, %dma_wait3A_432] : memref<10240x128xf32, #tpu.memory_space<hbm>> -> memref<128x128xf32, #tpu.memory_space<hbm>>
      tpu.wait_dma2 semaphore(%arg17 : memref<!tpu.dma_semaphore, #tpu.memory_space<semaphore_mem>>) src(%dma_wait3A_433 : memref<128x128xf32, #tpu.memory_space<hbm>>) dst(%arg15 : memref<128x128xf32, #tpu.memory_space<vmem>>)
      %run_scoped3A_434 = arith.constant 1 : i32
      "tpu.region"() ({
        %run_scoped3A_449 = tpu.sem_alloc : memref<!tpu.dma_semaphore, #tpu.memory_space<semaphore_mem>>
        %dma_start3A_450 = arith.constant 0 : i32
        %dma_start3A_451 = tpu.memref_slice %arg9[%run_scoped3A_434, %dma_start3A_450] : memref<2x128xi32, #tpu.memory_space<vmem>> -> memref<1x128xi32, #tpu.memory_space<vmem>>
        %dma_start3A_452 = tpu.memref_squeeze %dma_start3A_451 : memref<1x128xi32, #tpu.memory_space<vmem>> -> memref<128xi32, #tpu.memory_space<vmem>>
        %dma_start3A_453 = arith.constant 0 : i32
        %dma_start3A_454 = arith.constant 0 : i32
        %dma_start3A_455 = tpu.memref_slice %arg18[%dma_start3A_453, %dma_start3A_454] : memref<10240x128xf32, #tpu.memory_space<vmem_shared>> -> memref<10240x128xf32, #tpu.memory_space<vmem_shared>>
        tpu.enqueue_indirect_dma source(%arg15 : memref<128x128xf32, #tpu.memory_space<vmem>>) target(%dma_start3A_455 : memref<10240x128xf32, #tpu.memory_space<vmem_shared>>) offsets(%dma_start3A_452 : memref<128xi32, #tpu.memory_space<vmem>>) semaphore(%run_scoped3A_449 : memref<!tpu.dma_semaphore, #tpu.memory_space<semaphore_mem>>) {add = true}
        %dma_wait3A_456 = arith.constant 0 : i32
        %dma_wait3A_457 = tpu.memref_slice %arg9[%run_scoped3A_434, %dma_wait3A_456] : memref<2x128xi32, #tpu.memory_space<vmem>> -> memref<1x128xi32, #tpu.memory_space<vmem>>
        %dma_wait3A_458 = tpu.memref_squeeze %dma_wait3A_457 : memref<1x128xi32, #tpu.memory_space<vmem>> -> memref<128xi32, #tpu.memory_space<vmem>>
        %dma_wait3A_459 = arith.constant 0 : i32
        %dma_wait3A_460 = arith.constant 0 : i32
        %dma_wait3A_461 = tpu.memref_slice %arg18[%dma_wait3A_459, %dma_wait3A_460] : memref<10240x128xf32, #tpu.memory_space<vmem_shared>> -> memref<10240x128xf32, #tpu.memory_space<vmem_shared>>
        tpu.wait_indirect_dma semaphore(%run_scoped3A_449 : memref<!tpu.dma_semaphore, #tpu.memory_space<semaphore_mem>>) src(%arg15 : memref<128x128xf32, #tpu.memory_space<vmem>>) dst(%dma_wait3A_461 : memref<10240x128xf32, #tpu.memory_space<vmem_shared>>)
        tpu.yield
      }) : () -> ()
      %add3A_435 = arith.constant 4 : i32
      %add3A_436 = arith.addi %add3A_427, %add3A_435 : i32
      %lt3A_437 = arith.constant 80 : i32
      %lt3A_438 = arith.cmpi slt, %add3A_436, %lt3A_437 : i32
      %convert_element_type3A_439 = arith.extui %lt3A_438 : i1 to i32
      %cond3A_440 = arith.constant 0 : i32
      %cond3A_441 = arith.cmpi ne, %convert_element_type3A_439, %cond3A_440 : i32
      scf.if %cond3A_441 {
        %add3A_449 = arith.constant 4 : i32
        %add3A_450 = arith.addi %add3A_427, %add3A_449 : i32
        %mul3A_451 = arith.constant 10240 : i32
        %mul3A_452 = arith.muli %add3A, %mul3A_451 : i32
        %mul3A_453 = arith.constant 128 : i32
        %mul3A_454 = arith.muli %add3A_450, %mul3A_453 : i32
        %add3A_455 = arith.addi %mul3A_452, %mul3A_454 : i32
        %dma_start3A_456 = arith.constant 0 : i32
        %dma_start3A_457 = tpu.memref_slice %arg3[%dma_start3A_456, %add3A_455] : memref<2x327680xi32, #tpu.memory_space<hbm>> -> memref<2x128xi32, #tpu.memory_space<hbm>>
        %dma_start3A_458 = arith.constant 0 : i32
        %dma_start3A_459 = tpu.memref_slice %arg3[%dma_start3A_458, %add3A_455] : memref<2x327680xi32, #tpu.memory_space<hbm>> -> memref<2x128xi32, #tpu.memory_space<hbm>>
        tpu.enqueue_dma source(%dma_start3A_459 : memref<2x128xi32, #tpu.memory_space<hbm>>) target(%arg9 : memref<2x128xi32, #tpu.memory_space<vmem>>) target_semaphore(%arg13 : memref<!tpu.dma_semaphore, #tpu.memory_space<semaphore_mem>>)
      } else {
      }
      %add3A_442 = arith.constant 2 : i32
      %add3A_443 = arith.addi %add3A_427, %add3A_442 : i32
      %lt3A_444 = arith.constant 80 : i32
      %lt3A_445 = arith.cmpi slt, %add3A_443, %lt3A_444 : i32
      %convert_element_type3A_446 = arith.extui %lt3A_445 : i1 to i32
      %cond3A_447 = arith.constant 0 : i32
      %cond3A_448 = arith.cmpi ne, %convert_element_type3A_446, %cond3A_447 : i32
      scf.if %cond3A_448 {
        %dma_wait3A_449 = arith.constant 0 : i32
        %dma_wait3A_450 = arith.constant 0 : i32
        %dma_wait3A_451 = tpu.memref_slice %arg3[%dma_wait3A_449, %dma_wait3A_450] : memref<2x327680xi32, #tpu.memory_space<hbm>> -> memref<2x128xi32, #tpu.memory_space<hbm>>
        %dma_wait3A_452 = arith.constant 0 : i32
        %dma_wait3A_453 = arith.constant 0 : i32
        %dma_wait3A_454 = tpu.memref_slice %arg3[%dma_wait3A_452, %dma_wait3A_453] : memref<2x327680xi32, #tpu.memory_space<hbm>> -> memref<2x128xi32, #tpu.memory_space<hbm>>
        tpu.wait_dma2 semaphore(%arg11 : memref<!tpu.dma_semaphore, #tpu.memory_space<semaphore_mem>>) src(%dma_wait3A_454 : memref<2x128xi32, #tpu.memory_space<hbm>>) dst(%arg7 : memref<2x128xi32, #tpu.memory_space<vmem>>)
        %dma_start3A_455 = arith.constant 0 : i32
        %dma_start3A_456 = arith.constant 0 : i32
        %dma_start3A_457 = tpu.memref_slice %arg7[%dma_start3A_455, %dma_start3A_456] : memref<2x128xi32, #tpu.memory_space<vmem>> -> memref<1x128xi32, #tpu.memory_space<vmem>>
        %dma_start3A_458 = tpu.memref_squeeze %dma_start3A_457 : memref<1x128xi32, #tpu.memory_space<vmem>> -> memref<128xi32, #tpu.memory_space<vmem>>
        %dma_start3A_459 = arith.constant 0 : i32
        %dma_start3A_460 = arith.constant 0 : i32
        %dma_start3A_461 = tpu.memref_slice %arg2[%dma_start3A_459, %dma_start3A_460] : memref<10240x128xf32, #tpu.memory_space<hbm>> -> memref<10240x128xf32, #tpu.memory_space<hbm>>
        tpu.enqueue_indirect_dma source(%dma_start3A_461 : memref<10240x128xf32, #tpu.memory_space<hbm>>) target(%arg15 : memref<128x128xf32, #tpu.memory_space<vmem>>) offsets(%dma_start3A_458 : memref<128xi32, #tpu.memory_space<vmem>>) semaphore(%arg17 : memref<!tpu.dma_semaphore, #tpu.memory_space<semaphore_mem>>)
      } else {
      }
    }
    %scan3A_188 = arith.constant 20 : i32
    %barrier3A_189 = arith.constant 0 : index
    tpu.barrier barrier_id(%barrier3A_189)
    %mul3A_190 = arith.constant 640 : i32
    %mul3A_191 = arith.muli %arg1, %mul3A_190 : i32
    %add3A_192 = arith.constant 0 : i32
    %add3A_193 = arith.addi %mul3A_191, %add3A_192 : i32
    "tpu.region"() ({
      %run_scoped3A = tpu.sem_alloc : memref<!tpu.dma_semaphore, #tpu.memory_space<semaphore_mem>>
      %dma_start3A_350 = arith.constant 0 : i32
      %dma_start3A_351 = arith.constant 0 : i32
      %dma_start3A_352 = tpu.memref_slice %arg14[%dma_start3A_350, %dma_start3A_351] : memref<128x128xf32, #tpu.memory_space<vmem>> -> memref<128x128xf32, #tpu.memory_space<vmem>>
      %dma_start3A_353 = arith.constant 0 : i32
      %dma_start3A_354 = tpu.memref_slice %arg18[%add3A_193, %dma_start3A_353] : memref<10240x128xf32, #tpu.memory_space<vmem_shared>> -> memref<128x128xf32, #tpu.memory_space<vmem_shared>>
      %dma_start3A_355 = arith.constant 0 : i32
      %dma_start3A_356 = arith.constant 0 : i32
      %dma_start3A_357 = tpu.memref_slice %arg14[%dma_start3A_355, %dma_start3A_356] : memref<128x128xf32, #tpu.memory_space<vmem>> -> memref<128x128xf32, #tpu.memory_space<vmem>>
      %dma_start3A_358 = arith.constant 0 : i32
      %dma_start3A_359 = tpu.memref_slice %arg18[%add3A_193, %dma_start3A_358] : memref<10240x128xf32, #tpu.memory_space<vmem_shared>> -> memref<128x128xf32, #tpu.memory_space<vmem_shared>>
      tpu.enqueue_dma source(%dma_start3A_359 : memref<128x128xf32, #tpu.memory_space<vmem_shared>>) target(%dma_start3A_357 : memref<128x128xf32, #tpu.memory_space<vmem>>) target_semaphore(%run_scoped3A : memref<!tpu.dma_semaphore, #tpu.memory_space<semaphore_mem>>)
      %dma_wait3A_360 = arith.constant 0 : i32
      %dma_wait3A_361 = arith.constant 0 : i32
      %dma_wait3A_362 = tpu.memref_slice %arg14[%dma_wait3A_360, %dma_wait3A_361] : memref<128x128xf32, #tpu.memory_space<vmem>> -> memref<128x128xf32, #tpu.memory_space<vmem>>
      %dma_wait3A_363 = arith.constant 0 : i32
      %dma_wait3A_364 = tpu.memref_slice %arg18[%add3A_193, %dma_wait3A_363] : memref<10240x128xf32, #tpu.memory_space<vmem_shared>> -> memref<128x128xf32, #tpu.memory_space<vmem_shared>>
      %dma_wait3A_365 = arith.constant 0 : i32
      %dma_wait3A_366 = arith.constant 0 : i32
      %dma_wait3A_367 = tpu.memref_slice %arg14[%dma_wait3A_365, %dma_wait3A_366] : memref<128x128xf32, #tpu.memory_space<vmem>> -> memref<128x128xf32, #tpu.memory_space<vmem>>
      %dma_wait3A_368 = arith.constant 0 : i32
      %dma_wait3A_369 = tpu.memref_slice %arg18[%add3A_193, %dma_wait3A_368] : memref<10240x128xf32, #tpu.memory_space<vmem_shared>> -> memref<128x128xf32, #tpu.memory_space<vmem_shared>>
      tpu.wait_dma2 semaphore(%run_scoped3A : memref<!tpu.dma_semaphore, #tpu.memory_space<semaphore_mem>>) src(%dma_wait3A_369 : memref<128x128xf32, #tpu.memory_space<vmem_shared>>) dst(%dma_wait3A_367 : memref<128x128xf32, #tpu.memory_space<vmem>>)
      tpu.yield
    }) : () -> ()
    %mul3A_194 = arith.constant 640 : i32
    %mul3A_195 = arith.muli %arg1, %mul3A_194 : i32
    %add3A_196 = arith.constant 0 : i32
    %add3A_197 = arith.addi %mul3A_195, %add3A_196 : i32
    %dma_start3A_198 = arith.constant 0 : i32
    %dma_start3A_199 = arith.constant 0 : i32
    %dma_start3A_200 = tpu.memref_slice %arg14[%dma_start3A_198, %dma_start3A_199] : memref<128x128xf32, #tpu.memory_space<vmem>> -> memref<128x128xf32, #tpu.memory_space<vmem>>
    %dma_start3A_201 = arith.constant 0 : i32
    %dma_start3A_202 = tpu.memref_slice %arg5[%arg0, %add3A_197, %dma_start3A_201] : memref<2x10240x128xf32, #tpu.memory_space<hbm>> -> memref<1x128x128xf32, #tpu.memory_space<hbm>>
    %dma_start3A_203 = tpu.memref_squeeze %dma_start3A_202 : memref<1x128x128xf32, #tpu.memory_space<hbm>> -> memref<128x128xf32, #tpu.memory_space<hbm>>
    %dma_start3A_204 = arith.constant 0 : i32
    %dma_start3A_205 = tpu.memref_slice %arg5[%arg0, %add3A_197, %dma_start3A_204] : memref<2x10240x128xf32, #tpu.memory_space<hbm>> -> memref<1x128x128xf32, #tpu.memory_space<hbm>>
    %dma_start3A_206 = tpu.memref_squeeze %dma_start3A_205 : memref<1x128x128xf32, #tpu.memory_space<hbm>> -> memref<128x128xf32, #tpu.memory_space<hbm>>
    %dma_start3A_207 = arith.constant 0 : i32
    %dma_start3A_208 = arith.constant 0 : i32
    %dma_start3A_209 = tpu.memref_slice %arg14[%dma_start3A_207, %dma_start3A_208] : memref<128x128xf32, #tpu.memory_space<vmem>> -> memref<128x128xf32, #tpu.memory_space<vmem>>
    tpu.enqueue_dma source(%dma_start3A_209 : memref<128x128xf32, #tpu.memory_space<vmem>>) target(%dma_start3A_206 : memref<128x128xf32, #tpu.memory_space<hbm>>) target_semaphore(%arg16 : memref<!tpu.dma_semaphore, #tpu.memory_space<semaphore_mem>>)
    %mul3A_210 = arith.constant 640 : i32
    %mul3A_211 = arith.muli %arg1, %mul3A_210 : i32
    %add3A_212 = arith.constant 128 : i32
    %add3A_213 = arith.addi %mul3A_211, %add3A_212 : i32
    "tpu.region"() ({
      %run_scoped3A = tpu.sem_alloc : memref<!tpu.dma_semaphore, #tpu.memory_space<semaphore_mem>>
      %dma_start3A_350 = arith.constant 0 : i32
      %dma_start3A_351 = arith.constant 0 : i32
      %dma_start3A_352 = tpu.memref_slice %arg15[%dma_start3A_350, %dma_start3A_351] : memref<128x128xf32, #tpu.memory_space<vmem>> -> memref<128x128xf32, #tpu.memory_space<vmem>>
      %dma_start3A_353 = arith.constant 0 : i32
      %dma_start3A_354 = tpu.memref_slice %arg18[%add3A_213, %dma_start3A_353] : memref<10240x128xf32, #tpu.memory_space<vmem_shared>> -> memref<128x128xf32, #tpu.memory_space<vmem_shared>>
      %dma_start3A_355 = arith.constant 0 : i32
      %dma_start3A_356 = arith.constant 0 : i32
      %dma_start3A_357 = tpu.memref_slice %arg15[%dma_start3A_355, %dma_start3A_356] : memref<128x128xf32, #tpu.memory_space<vmem>> -> memref<128x128xf32, #tpu.memory_space<vmem>>
      %dma_start3A_358 = arith.constant 0 : i32
      %dma_start3A_359 = tpu.memref_slice %arg18[%add3A_213, %dma_start3A_358] : memref<10240x128xf32, #tpu.memory_space<vmem_shared>> -> memref<128x128xf32, #tpu.memory_space<vmem_shared>>
      tpu.enqueue_dma source(%dma_start3A_359 : memref<128x128xf32, #tpu.memory_space<vmem_shared>>) target(%dma_start3A_357 : memref<128x128xf32, #tpu.memory_space<vmem>>) target_semaphore(%run_scoped3A : memref<!tpu.dma_semaphore, #tpu.memory_space<semaphore_mem>>)
      %dma_wait3A_360 = arith.constant 0 : i32
      %dma_wait3A_361 = arith.constant 0 : i32
      %dma_wait3A_362 = tpu.memref_slice %arg15[%dma_wait3A_360, %dma_wait3A_361] : memref<128x128xf32, #tpu.memory_space<vmem>> -> memref<128x128xf32, #tpu.memory_space<vmem>>
      %dma_wait3A_363 = arith.constant 0 : i32
      %dma_wait3A_364 = tpu.memref_slice %arg18[%add3A_213, %dma_wait3A_363] : memref<10240x128xf32, #tpu.memory_space<vmem_shared>> -> memref<128x128xf32, #tpu.memory_space<vmem_shared>>
      %dma_wait3A_365 = arith.constant 0 : i32
      %dma_wait3A_366 = arith.constant 0 : i32
      %dma_wait3A_367 = tpu.memref_slice %arg15[%dma_wait3A_365, %dma_wait3A_366] : memref<128x128xf32, #tpu.memory_space<vmem>> -> memref<128x128xf32, #tpu.memory_space<vmem>>
      %dma_wait3A_368 = arith.constant 0 : i32
      %dma_wait3A_369 = tpu.memref_slice %arg18[%add3A_213, %dma_wait3A_368] : memref<10240x128xf32, #tpu.memory_space<vmem_shared>> -> memref<128x128xf32, #tpu.memory_space<vmem_shared>>
      tpu.wait_dma2 semaphore(%run_scoped3A : memref<!tpu.dma_semaphore, #tpu.memory_space<semaphore_mem>>) src(%dma_wait3A_369 : memref<128x128xf32, #tpu.memory_space<vmem_shared>>) dst(%dma_wait3A_367 : memref<128x128xf32, #tpu.memory_space<vmem>>)
      tpu.yield
    }) : () -> ()
    %mul3A_214 = arith.constant 640 : i32
    %mul3A_215 = arith.muli %arg1, %mul3A_214 : i32
    %add3A_216 = arith.constant 128 : i32
    %add3A_217 = arith.addi %mul3A_215, %add3A_216 : i32
    %dma_start3A_218 = arith.constant 0 : i32
    %dma_start3A_219 = arith.constant 0 : i32
    %dma_start3A_220 = tpu.memref_slice %arg15[%dma_start3A_218, %dma_start3A_219] : memref<128x128xf32, #tpu.memory_space<vmem>> -> memref<128x128xf32, #tpu.memory_space<vmem>>
    %dma_start3A_221 = arith.constant 0 : i32
    %dma_start3A_222 = tpu.memref_slice %arg5[%arg0, %add3A_217, %dma_start3A_221] : memref<2x10240x128xf32, #tpu.memory_space<hbm>> -> memref<1x128x128xf32, #tpu.memory_space<hbm>>
    %dma_start3A_223 = tpu.memref_squeeze %dma_start3A_222 : memref<1x128x128xf32, #tpu.memory_space<hbm>> -> memref<128x128xf32, #tpu.memory_space<hbm>>
    %dma_start3A_224 = arith.constant 0 : i32
    %dma_start3A_225 = tpu.memref_slice %arg5[%arg0, %add3A_217, %dma_start3A_224] : memref<2x10240x128xf32, #tpu.memory_space<hbm>> -> memref<1x128x128xf32, #tpu.memory_space<hbm>>
    %dma_start3A_226 = tpu.memref_squeeze %dma_start3A_225 : memref<1x128x128xf32, #tpu.memory_space<hbm>> -> memref<128x128xf32, #tpu.memory_space<hbm>>
    %dma_start3A_227 = arith.constant 0 : i32
    %dma_start3A_228 = arith.constant 0 : i32
    %dma_start3A_229 = tpu.memref_slice %arg15[%dma_start3A_227, %dma_start3A_228] : memref<128x128xf32, #tpu.memory_space<vmem>> -> memref<128x128xf32, #tpu.memory_space<vmem>>
    tpu.enqueue_dma source(%dma_start3A_229 : memref<128x128xf32, #tpu.memory_space<vmem>>) target(%dma_start3A_226 : memref<128x128xf32, #tpu.memory_space<hbm>>) target_semaphore(%arg17 : memref<!tpu.dma_semaphore, #tpu.memory_space<semaphore_mem>>)
    %dma_wait3A_230 = arith.constant 0 : i32
    %dma_wait3A_231 = arith.constant 0 : i32
    %dma_wait3A_232 = tpu.memref_slice %arg14[%dma_wait3A_230, %dma_wait3A_231] : memref<128x128xf32, #tpu.memory_space<vmem>> -> memref<128x128xf32, #tpu.memory_space<vmem>>
    %dma_wait3A_233 = arith.constant 0 : i32
    %dma_wait3A_234 = arith.constant 0 : i32
    %dma_wait3A_235 = tpu.memref_slice %arg2[%dma_wait3A_233, %dma_wait3A_234] : memref<10240x128xf32, #tpu.memory_space<hbm>> -> memref<128x128xf32, #tpu.memory_space<hbm>>
    %dma_wait3A_236 = arith.constant 0 : i32
    %dma_wait3A_237 = arith.constant 0 : i32
    %dma_wait3A_238 = tpu.memref_slice %arg14[%dma_wait3A_236, %dma_wait3A_237] : memref<128x128xf32, #tpu.memory_space<vmem>> -> memref<128x128xf32, #tpu.memory_space<vmem>>
    %dma_wait3A_239 = arith.constant 0 : i32
    %dma_wait3A_240 = arith.constant 0 : i32
    %dma_wait3A_241 = tpu.memref_slice %arg2[%dma_wait3A_239, %dma_wait3A_240] : memref<10240x128xf32, #tpu.memory_space<hbm>> -> memref<128x128xf32, #tpu.memory_space<hbm>>
    tpu.wait_dma2 semaphore(%arg16 : memref<!tpu.dma_semaphore, #tpu.memory_space<semaphore_mem>>) src(%dma_wait3A_241 : memref<128x128xf32, #tpu.memory_space<hbm>>) dst(%dma_wait3A_238 : memref<128x128xf32, #tpu.memory_space<vmem>>)
    %mul3A_242 = arith.constant 640 : i32
    %mul3A_243 = arith.muli %arg1, %mul3A_242 : i32
    %add3A_244 = arith.constant 256 : i32
    %add3A_245 = arith.addi %mul3A_243, %add3A_244 : i32
    "tpu.region"() ({
      %run_scoped3A = tpu.sem_alloc : memref<!tpu.dma_semaphore, #tpu.memory_space<semaphore_mem>>
      %dma_start3A_350 = arith.constant 0 : i32
      %dma_start3A_351 = arith.constant 0 : i32
      %dma_start3A_352 = tpu.memref_slice %arg14[%dma_start3A_350, %dma_start3A_351] : memref<128x128xf32, #tpu.memory_space<vmem>> -> memref<128x128xf32, #tpu.memory_space<vmem>>
      %dma_start3A_353 = arith.constant 0 : i32
      %dma_start3A_354 = tpu.memref_slice %arg18[%add3A_245, %dma_start3A_353] : memref<10240x128xf32, #tpu.memory_space<vmem_shared>> -> memref<128x128xf32, #tpu.memory_space<vmem_shared>>
      %dma_start3A_355 = arith.constant 0 : i32
      %dma_start3A_356 = arith.constant 0 : i32
      %dma_start3A_357 = tpu.memref_slice %arg14[%dma_start3A_355, %dma_start3A_356] : memref<128x128xf32, #tpu.memory_space<vmem>> -> memref<128x128xf32, #tpu.memory_space<vmem>>
      %dma_start3A_358 = arith.constant 0 : i32
      %dma_start3A_359 = tpu.memref_slice %arg18[%add3A_245, %dma_start3A_358] : memref<10240x128xf32, #tpu.memory_space<vmem_shared>> -> memref<128x128xf32, #tpu.memory_space<vmem_shared>>
      tpu.enqueue_dma source(%dma_start3A_359 : memref<128x128xf32, #tpu.memory_space<vmem_shared>>) target(%dma_start3A_357 : memref<128x128xf32, #tpu.memory_space<vmem>>) target_semaphore(%run_scoped3A : memref<!tpu.dma_semaphore, #tpu.memory_space<semaphore_mem>>)
      %dma_wait3A_360 = arith.constant 0 : i32
      %dma_wait3A_361 = arith.constant 0 : i32
      %dma_wait3A_362 = tpu.memref_slice %arg14[%dma_wait3A_360, %dma_wait3A_361] : memref<128x128xf32, #tpu.memory_space<vmem>> -> memref<128x128xf32, #tpu.memory_space<vmem>>
      %dma_wait3A_363 = arith.constant 0 : i32
      %dma_wait3A_364 = tpu.memref_slice %arg18[%add3A_245, %dma_wait3A_363] : memref<10240x128xf32, #tpu.memory_space<vmem_shared>> -> memref<128x128xf32, #tpu.memory_space<vmem_shared>>
      %dma_wait3A_365 = arith.constant 0 : i32
      %dma_wait3A_366 = arith.constant 0 : i32
      %dma_wait3A_367 = tpu.memref_slice %arg14[%dma_wait3A_365, %dma_wait3A_366] : memref<128x128xf32, #tpu.memory_space<vmem>> -> memref<128x128xf32, #tpu.memory_space<vmem>>
      %dma_wait3A_368 = arith.constant 0 : i32
      %dma_wait3A_369 = tpu.memref_slice %arg18[%add3A_245, %dma_wait3A_368] : memref<10240x128xf32, #tpu.memory_space<vmem_shared>> -> memref<128x128xf32, #tpu.memory_space<vmem_shared>>
      tpu.wait_dma2 semaphore(%run_scoped3A : memref<!tpu.dma_semaphore, #tpu.memory_space<semaphore_mem>>) src(%dma_wait3A_369 : memref<128x128xf32, #tpu.memory_space<vmem_shared>>) dst(%dma_wait3A_367 : memref<128x128xf32, #tpu.memory_space<vmem>>)
      tpu.yield
    }) : () -> ()
    %mul3A_246 = arith.constant 640 : i32
    %mul3A_247 = arith.muli %arg1, %mul3A_246 : i32
    %add3A_248 = arith.constant 256 : i32
    %add3A_249 = arith.addi %mul3A_247, %add3A_248 : i32
    %dma_start3A_250 = arith.constant 0 : i32
    %dma_start3A_251 = arith.constant 0 : i32
    %dma_start3A_252 = tpu.memref_slice %arg14[%dma_start3A_250, %dma_start3A_251] : memref<128x128xf32, #tpu.memory_space<vmem>> -> memref<128x128xf32, #tpu.memory_space<vmem>>
    %dma_start3A_253 = arith.constant 0 : i32
    %dma_start3A_254 = tpu.memref_slice %arg5[%arg0, %add3A_249, %dma_start3A_253] : memref<2x10240x128xf32, #tpu.memory_space<hbm>> -> memref<1x128x128xf32, #tpu.memory_space<hbm>>
    %dma_start3A_255 = tpu.memref_squeeze %dma_start3A_254 : memref<1x128x128xf32, #tpu.memory_space<hbm>> -> memref<128x128xf32, #tpu.memory_space<hbm>>
    %dma_start3A_256 = arith.constant 0 : i32
    %dma_start3A_257 = tpu.memref_slice %arg5[%arg0, %add3A_249, %dma_start3A_256] : memref<2x10240x128xf32, #tpu.memory_space<hbm>> -> memref<1x128x128xf32, #tpu.memory_space<hbm>>
    %dma_start3A_258 = tpu.memref_squeeze %dma_start3A_257 : memref<1x128x128xf32, #tpu.memory_space<hbm>> -> memref<128x128xf32, #tpu.memory_space<hbm>>
    %dma_start3A_259 = arith.constant 0 : i32
    %dma_start3A_260 = arith.constant 0 : i32
    %dma_start3A_261 = tpu.memref_slice %arg14[%dma_start3A_259, %dma_start3A_260] : memref<128x128xf32, #tpu.memory_space<vmem>> -> memref<128x128xf32, #tpu.memory_space<vmem>>
    tpu.enqueue_dma source(%dma_start3A_261 : memref<128x128xf32, #tpu.memory_space<vmem>>) target(%dma_start3A_258 : memref<128x128xf32, #tpu.memory_space<hbm>>) target_semaphore(%arg16 : memref<!tpu.dma_semaphore, #tpu.memory_space<semaphore_mem>>)
    %dma_wait3A_262 = arith.constant 0 : i32
    %dma_wait3A_263 = arith.constant 0 : i32
    %dma_wait3A_264 = tpu.memref_slice %arg15[%dma_wait3A_262, %dma_wait3A_263] : memref<128x128xf32, #tpu.memory_space<vmem>> -> memref<128x128xf32, #tpu.memory_space<vmem>>
    %dma_wait3A_265 = arith.constant 0 : i32
    %dma_wait3A_266 = arith.constant 0 : i32
    %dma_wait3A_267 = tpu.memref_slice %arg2[%dma_wait3A_265, %dma_wait3A_266] : memref<10240x128xf32, #tpu.memory_space<hbm>> -> memref<128x128xf32, #tpu.memory_space<hbm>>
    %dma_wait3A_268 = arith.constant 0 : i32
    %dma_wait3A_269 = arith.constant 0 : i32
    %dma_wait3A_270 = tpu.memref_slice %arg15[%dma_wait3A_268, %dma_wait3A_269] : memref<128x128xf32, #tpu.memory_space<vmem>> -> memref<128x128xf32, #tpu.memory_space<vmem>>
    %dma_wait3A_271 = arith.constant 0 : i32
    %dma_wait3A_272 = arith.constant 0 : i32
    %dma_wait3A_273 = tpu.memref_slice %arg2[%dma_wait3A_271, %dma_wait3A_272] : memref<10240x128xf32, #tpu.memory_space<hbm>> -> memref<128x128xf32, #tpu.memory_space<hbm>>
    tpu.wait_dma2 semaphore(%arg17 : memref<!tpu.dma_semaphore, #tpu.memory_space<semaphore_mem>>) src(%dma_wait3A_273 : memref<128x128xf32, #tpu.memory_space<hbm>>) dst(%dma_wait3A_270 : memref<128x128xf32, #tpu.memory_space<vmem>>)
    %mul3A_274 = arith.constant 640 : i32
    %mul3A_275 = arith.muli %arg1, %mul3A_274 : i32
    %add3A_276 = arith.constant 384 : i32
    %add3A_277 = arith.addi %mul3A_275, %add3A_276 : i32
    "tpu.region"() ({
      %run_scoped3A = tpu.sem_alloc : memref<!tpu.dma_semaphore, #tpu.memory_space<semaphore_mem>>
      %dma_start3A_350 = arith.constant 0 : i32
      %dma_start3A_351 = arith.constant 0 : i32
      %dma_start3A_352 = tpu.memref_slice %arg15[%dma_start3A_350, %dma_start3A_351] : memref<128x128xf32, #tpu.memory_space<vmem>> -> memref<128x128xf32, #tpu.memory_space<vmem>>
      %dma_start3A_353 = arith.constant 0 : i32
      %dma_start3A_354 = tpu.memref_slice %arg18[%add3A_277, %dma_start3A_353] : memref<10240x128xf32, #tpu.memory_space<vmem_shared>> -> memref<128x128xf32, #tpu.memory_space<vmem_shared>>
      %dma_start3A_355 = arith.constant 0 : i32
      %dma_start3A_356 = arith.constant 0 : i32
      %dma_start3A_357 = tpu.memref_slice %arg15[%dma_start3A_355, %dma_start3A_356] : memref<128x128xf32, #tpu.memory_space<vmem>> -> memref<128x128xf32, #tpu.memory_space<vmem>>
      %dma_start3A_358 = arith.constant 0 : i32
      %dma_start3A_359 = tpu.memref_slice %arg18[%add3A_277, %dma_start3A_358] : memref<10240x128xf32, #tpu.memory_space<vmem_shared>> -> memref<128x128xf32, #tpu.memory_space<vmem_shared>>
      tpu.enqueue_dma source(%dma_start3A_359 : memref<128x128xf32, #tpu.memory_space<vmem_shared>>) target(%dma_start3A_357 : memref<128x128xf32, #tpu.memory_space<vmem>>) target_semaphore(%run_scoped3A : memref<!tpu.dma_semaphore, #tpu.memory_space<semaphore_mem>>)
      %dma_wait3A_360 = arith.constant 0 : i32
      %dma_wait3A_361 = arith.constant 0 : i32
      %dma_wait3A_362 = tpu.memref_slice %arg15[%dma_wait3A_360, %dma_wait3A_361] : memref<128x128xf32, #tpu.memory_space<vmem>> -> memref<128x128xf32, #tpu.memory_space<vmem>>
      %dma_wait3A_363 = arith.constant 0 : i32
      %dma_wait3A_364 = tpu.memref_slice %arg18[%add3A_277, %dma_wait3A_363] : memref<10240x128xf32, #tpu.memory_space<vmem_shared>> -> memref<128x128xf32, #tpu.memory_space<vmem_shared>>
      %dma_wait3A_365 = arith.constant 0 : i32
      %dma_wait3A_366 = arith.constant 0 : i32
      %dma_wait3A_367 = tpu.memref_slice %arg15[%dma_wait3A_365, %dma_wait3A_366] : memref<128x128xf32, #tpu.memory_space<vmem>> -> memref<128x128xf32, #tpu.memory_space<vmem>>
      %dma_wait3A_368 = arith.constant 0 : i32
      %dma_wait3A_369 = tpu.memref_slice %arg18[%add3A_277, %dma_wait3A_368] : memref<10240x128xf32, #tpu.memory_space<vmem_shared>> -> memref<128x128xf32, #tpu.memory_space<vmem_shared>>
      tpu.wait_dma2 semaphore(%run_scoped3A : memref<!tpu.dma_semaphore, #tpu.memory_space<semaphore_mem>>) src(%dma_wait3A_369 : memref<128x128xf32, #tpu.memory_space<vmem_shared>>) dst(%dma_wait3A_367 : memref<128x128xf32, #tpu.memory_space<vmem>>)
      tpu.yield
    }) : () -> ()
    %mul3A_278 = arith.constant 640 : i32
    %mul3A_279 = arith.muli %arg1, %mul3A_278 : i32
    %add3A_280 = arith.constant 384 : i32
    %add3A_281 = arith.addi %mul3A_279, %add3A_280 : i32
    %dma_start3A_282 = arith.constant 0 : i32
    %dma_start3A_283 = arith.constant 0 : i32
    %dma_start3A_284 = tpu.memref_slice %arg15[%dma_start3A_282, %dma_start3A_283] : memref<128x128xf32, #tpu.memory_space<vmem>> -> memref<128x128xf32, #tpu.memory_space<vmem>>
    %dma_start3A_285 = arith.constant 0 : i32
    %dma_start3A_286 = tpu.memref_slice %arg5[%arg0, %add3A_281, %dma_start3A_285] : memref<2x10240x128xf32, #tpu.memory_space<hbm>> -> memref<1x128x128xf32, #tpu.memory_space<hbm>>
    %dma_start3A_287 = tpu.memref_squeeze %dma_start3A_286 : memref<1x128x128xf32, #tpu.memory_space<hbm>> -> memref<128x128xf32, #tpu.memory_space<hbm>>
    %dma_start3A_288 = arith.constant 0 : i32
    %dma_start3A_289 = tpu.memref_slice %arg5[%arg0, %add3A_281, %dma_start3A_288] : memref<2x10240x128xf32, #tpu.memory_space<hbm>> -> memref<1x128x128xf32, #tpu.memory_space<hbm>>
    %dma_start3A_290 = tpu.memref_squeeze %dma_start3A_289 : memref<1x128x128xf32, #tpu.memory_space<hbm>> -> memref<128x128xf32, #tpu.memory_space<hbm>>
    %dma_start3A_291 = arith.constant 0 : i32
    %dma_start3A_292 = arith.constant 0 : i32
    %dma_start3A_293 = tpu.memref_slice %arg15[%dma_start3A_291, %dma_start3A_292] : memref<128x128xf32, #tpu.memory_space<vmem>> -> memref<128x128xf32, #tpu.memory_space<vmem>>
    tpu.enqueue_dma source(%dma_start3A_293 : memref<128x128xf32, #tpu.memory_space<vmem>>) target(%dma_start3A_290 : memref<128x128xf32, #tpu.memory_space<hbm>>) target_semaphore(%arg17 : memref<!tpu.dma_semaphore, #tpu.memory_space<semaphore_mem>>)
    %dma_wait3A_294 = arith.constant 0 : i32
    %dma_wait3A_295 = arith.constant 0 : i32
    %dma_wait3A_296 = tpu.memref_slice %arg14[%dma_wait3A_294, %dma_wait3A_295] : memref<128x128xf32, #tpu.memory_space<vmem>> -> memref<128x128xf32, #tpu.memory_space<vmem>>
    %dma_wait3A_297 = arith.constant 0 : i32
    %dma_wait3A_298 = arith.constant 0 : i32
    %dma_wait3A_299 = tpu.memref_slice %arg2[%dma_wait3A_297, %dma_wait3A_298] : memref<10240x128xf32, #tpu.memory_space<hbm>> -> memref<128x128xf32, #tpu.memory_space<hbm>>
    %dma_wait3A_300 = arith.constant 0 : i32
    %dma_wait3A_301 = arith.constant 0 : i32
    %dma_wait3A_302 = tpu.memref_slice %arg14[%dma_wait3A_300, %dma_wait3A_301] : memref<128x128xf32, #tpu.memory_space<vmem>> -> memref<128x128xf32, #tpu.memory_space<vmem>>
    %dma_wait3A_303 = arith.constant 0 : i32
    %dma_wait3A_304 = arith.constant 0 : i32
    %dma_wait3A_305 = tpu.memref_slice %arg2[%dma_wait3A_303, %dma_wait3A_304] : memref<10240x128xf32, #tpu.memory_space<hbm>> -> memref<128x128xf32, #tpu.memory_space<hbm>>
    tpu.wait_dma2 semaphore(%arg16 : memref<!tpu.dma_semaphore, #tpu.memory_space<semaphore_mem>>) src(%dma_wait3A_305 : memref<128x128xf32, #tpu.memory_space<hbm>>) dst(%dma_wait3A_302 : memref<128x128xf32, #tpu.memory_space<vmem>>)
    %mul3A_306 = arith.constant 640 : i32
    %mul3A_307 = arith.muli %arg1, %mul3A_306 : i32
    %add3A_308 = arith.constant 512 : i32
    %add3A_309 = arith.addi %mul3A_307, %add3A_308 : i32
    "tpu.region"() ({
      %run_scoped3A = tpu.sem_alloc : memref<!tpu.dma_semaphore, #tpu.memory_space<semaphore_mem>>
      %dma_start3A_350 = arith.constant 0 : i32
      %dma_start3A_351 = arith.constant 0 : i32
      %dma_start3A_352 = tpu.memref_slice %arg14[%dma_start3A_350, %dma_start3A_351] : memref<128x128xf32, #tpu.memory_space<vmem>> -> memref<128x128xf32, #tpu.memory_space<vmem>>
      %dma_start3A_353 = arith.constant 0 : i32
      %dma_start3A_354 = tpu.memref_slice %arg18[%add3A_309, %dma_start3A_353] : memref<10240x128xf32, #tpu.memory_space<vmem_shared>> -> memref<128x128xf32, #tpu.memory_space<vmem_shared>>
      %dma_start3A_355 = arith.constant 0 : i32
      %dma_start3A_356 = arith.constant 0 : i32
      %dma_start3A_357 = tpu.memref_slice %arg14[%dma_start3A_355, %dma_start3A_356] : memref<128x128xf32, #tpu.memory_space<vmem>> -> memref<128x128xf32, #tpu.memory_space<vmem>>
      %dma_start3A_358 = arith.constant 0 : i32
      %dma_start3A_359 = tpu.memref_slice %arg18[%add3A_309, %dma_start3A_358] : memref<10240x128xf32, #tpu.memory_space<vmem_shared>> -> memref<128x128xf32, #tpu.memory_space<vmem_shared>>
      tpu.enqueue_dma source(%dma_start3A_359 : memref<128x128xf32, #tpu.memory_space<vmem_shared>>) target(%dma_start3A_357 : memref<128x128xf32, #tpu.memory_space<vmem>>) target_semaphore(%run_scoped3A : memref<!tpu.dma_semaphore, #tpu.memory_space<semaphore_mem>>)
      %dma_wait3A_360 = arith.constant 0 : i32
      %dma_wait3A_361 = arith.constant 0 : i32
      %dma_wait3A_362 = tpu.memref_slice %arg14[%dma_wait3A_360, %dma_wait3A_361] : memref<128x128xf32, #tpu.memory_space<vmem>> -> memref<128x128xf32, #tpu.memory_space<vmem>>
      %dma_wait3A_363 = arith.constant 0 : i32
      %dma_wait3A_364 = tpu.memref_slice %arg18[%add3A_309, %dma_wait3A_363] : memref<10240x128xf32, #tpu.memory_space<vmem_shared>> -> memref<128x128xf32, #tpu.memory_space<vmem_shared>>
      %dma_wait3A_365 = arith.constant 0 : i32
      %dma_wait3A_366 = arith.constant 0 : i32
      %dma_wait3A_367 = tpu.memref_slice %arg14[%dma_wait3A_365, %dma_wait3A_366] : memref<128x128xf32, #tpu.memory_space<vmem>> -> memref<128x128xf32, #tpu.memory_space<vmem>>
      %dma_wait3A_368 = arith.constant 0 : i32
      %dma_wait3A_369 = tpu.memref_slice %arg18[%add3A_309, %dma_wait3A_368] : memref<10240x128xf32, #tpu.memory_space<vmem_shared>> -> memref<128x128xf32, #tpu.memory_space<vmem_shared>>
      tpu.wait_dma2 semaphore(%run_scoped3A : memref<!tpu.dma_semaphore, #tpu.memory_space<semaphore_mem>>) src(%dma_wait3A_369 : memref<128x128xf32, #tpu.memory_space<vmem_shared>>) dst(%dma_wait3A_367 : memref<128x128xf32, #tpu.memory_space<vmem>>)
      tpu.yield
    }) : () -> ()
    %mul3A_310 = arith.constant 640 : i32
    %mul3A_311 = arith.muli %arg1, %mul3A_310 : i32
    %add3A_312 = arith.constant 512 : i32
    %add3A_313 = arith.addi %mul3A_311, %add3A_312 : i32
    %dma_start3A_314 = arith.constant 0 : i32
    %dma_start3A_315 = arith.constant 0 : i32
    %dma_start3A_316 = tpu.memref_slice %arg14[%dma_start3A_314, %dma_start3A_315] : memref<128x128xf32, #tpu.memory_space<vmem>> -> memref<128x128xf32, #tpu.memory_space<vmem>>
    %dma_start3A_317 = arith.constant 0 : i32
    %dma_start3A_318 = tpu.memref_slice %arg5[%arg0, %add3A_313, %dma_start3A_317] : memref<2x10240x128xf32, #tpu.memory_space<hbm>> -> memref<1x128x128xf32, #tpu.memory_space<hbm>>
    %dma_start3A_319 = tpu.memref_squeeze %dma_start3A_318 : memref<1x128x128xf32, #tpu.memory_space<hbm>> -> memref<128x128xf32, #tpu.memory_space<hbm>>
    %dma_start3A_320 = arith.constant 0 : i32
    %dma_start3A_321 = tpu.memref_slice %arg5[%arg0, %add3A_313, %dma_start3A_320] : memref<2x10240x128xf32, #tpu.memory_space<hbm>> -> memref<1x128x128xf32, #tpu.memory_space<hbm>>
    %dma_start3A_322 = tpu.memref_squeeze %dma_start3A_321 : memref<1x128x128xf32, #tpu.memory_space<hbm>> -> memref<128x128xf32, #tpu.memory_space<hbm>>
    %dma_start3A_323 = arith.constant 0 : i32
    %dma_start3A_324 = arith.constant 0 : i32
    %dma_start3A_325 = tpu.memref_slice %arg14[%dma_start3A_323, %dma_start3A_324] : memref<128x128xf32, #tpu.memory_space<vmem>> -> memref<128x128xf32, #tpu.memory_space<vmem>>
    tpu.enqueue_dma source(%dma_start3A_325 : memref<128x128xf32, #tpu.memory_space<vmem>>) target(%dma_start3A_322 : memref<128x128xf32, #tpu.memory_space<hbm>>) target_semaphore(%arg16 : memref<!tpu.dma_semaphore, #tpu.memory_space<semaphore_mem>>)
    %dma_wait3A_326 = arith.constant 0 : i32
    %dma_wait3A_327 = arith.constant 0 : i32
    %dma_wait3A_328 = tpu.memref_slice %arg15[%dma_wait3A_326, %dma_wait3A_327] : memref<128x128xf32, #tpu.memory_space<vmem>> -> memref<128x128xf32, #tpu.memory_space<vmem>>
    %dma_wait3A_329 = arith.constant 0 : i32
    %dma_wait3A_330 = arith.constant 0 : i32
    %dma_wait3A_331 = tpu.memref_slice %arg2[%dma_wait3A_329, %dma_wait3A_330] : memref<10240x128xf32, #tpu.memory_space<hbm>> -> memref<128x128xf32, #tpu.memory_space<hbm>>
    %dma_wait3A_332 = arith.constant 0 : i32
    %dma_wait3A_333 = arith.constant 0 : i32
    %dma_wait3A_334 = tpu.memref_slice %arg15[%dma_wait3A_332, %dma_wait3A_333] : memref<128x128xf32, #tpu.memory_space<vmem>> -> memref<128x128xf32, #tpu.memory_space<vmem>>
    %dma_wait3A_335 = arith.constant 0 : i32
    %dma_wait3A_336 = arith.constant 0 : i32
    %dma_wait3A_337 = tpu.memref_slice %arg2[%dma_wait3A_335, %dma_wait3A_336] : memref<10240x128xf32, #tpu.memory_space<hbm>> -> memref<128x128xf32, #tpu.memory_space<hbm>>
    tpu.wait_dma2 semaphore(%arg17 : memref<!tpu.dma_semaphore, #tpu.memory_space<semaphore_mem>>) src(%dma_wait3A_337 : memref<128x128xf32, #tpu.memory_space<hbm>>) dst(%dma_wait3A_334 : memref<128x128xf32, #tpu.memory_space<vmem>>)
    %dma_wait3A_338 = arith.constant 0 : i32
    %dma_wait3A_339 = arith.constant 0 : i32
    %dma_wait3A_340 = tpu.memref_slice %arg14[%dma_wait3A_338, %dma_wait3A_339] : memref<128x128xf32, #tpu.memory_space<vmem>> -> memref<128x128xf32, #tpu.memory_space<vmem>>
    %dma_wait3A_341 = arith.constant 0 : i32
    %dma_wait3A_342 = arith.constant 0 : i32
    %dma_wait3A_343 = tpu.memref_slice %arg2[%dma_wait3A_341, %dma_wait3A_342] : memref<10240x128xf32, #tpu.memory_space<hbm>> -> memref<128x128xf32, #tpu.memory_space<hbm>>
    %dma_wait3A_344 = arith.constant 0 : i32
    %dma_wait3A_345 = arith.constant 0 : i32
    %dma_wait3A_346 = tpu.memref_slice %arg14[%dma_wait3A_344, %dma_wait3A_345] : memref<128x128xf32, #tpu.memory_space<vmem>> -> memref<128x128xf32, #tpu.memory_space<vmem>>
    %dma_wait3A_347 = arith.constant 0 : i32
    %dma_wait3A_348 = arith.constant 0 : i32
    %dma_wait3A_349 = tpu.memref_slice %arg2[%dma_wait3A_347, %dma_wait3A_348] : memref<10240x128xf32, #tpu.memory_space<hbm>> -> memref<128x128xf32, #tpu.memory_space<hbm>>
    tpu.wait_dma2 semaphore(%arg16 : memref<!tpu.dma_semaphore, #tpu.memory_space<semaphore_mem>>) src(%dma_wait3A_349 : memref<128x128xf32, #tpu.memory_space<hbm>>) dst(%dma_wait3A_346 : memref<128x128xf32, #tpu.memory_space<vmem>>)
    return
  }
}

#map = affine_map<(d0, d1) -> (0, 0)>
#map1 = affine_map<(d0, d1) -> (0, 0, 0)>
module attributes {stable_mosaic.version = 14 : i64} {
  func.func @_agg_kernel(%arg0: i32, %arg1: i32, %arg2: memref<10240x128xf32, #tpu.memory_space<hbm>>, %arg3: memref<2x327680xi32, #tpu.memory_space<hbm>>, %arg4: memref<10240x128xf32, #tpu.memory_space<hbm>>, %arg5: memref<2x10240x128xf32, #tpu.memory_space<hbm>>, %arg6: memref<2x128xi32, #tpu.memory_space<vmem>>, %arg7: memref<2x128xi32, #tpu.memory_space<vmem>>, %arg8: memref<2x128xi32, #tpu.memory_space<vmem>>, %arg9: memref<2x128xi32, #tpu.memory_space<vmem>>, %arg10: memref<!tpu.dma_semaphore, #tpu.memory_space<semaphore_mem>>, %arg11: memref<!tpu.dma_semaphore, #tpu.memory_space<semaphore_mem>>, %arg12: memref<!tpu.dma_semaphore, #tpu.memory_space<semaphore_mem>>, %arg13: memref<!tpu.dma_semaphore, #tpu.memory_space<semaphore_mem>>, %arg14: memref<128x128xf32, #tpu.memory_space<vmem>>, %arg15: memref<128x128xf32, #tpu.memory_space<vmem>>, %arg16: memref<!tpu.dma_semaphore, #tpu.memory_space<semaphore_mem>>, %arg17: memref<!tpu.dma_semaphore, #tpu.memory_space<semaphore_mem>>, %arg18: memref<10240x128xf32, #tpu.memory_space<vmem_shared>>) attributes {dimension_semantics = [#tpu.dimension_semantics<core_parallel>, #tpu.dimension_semantics<subcore_parallel>], iteration_bounds = array<i64: 2, 16>, scalar_prefetch = 0 : i64, scratch_operands = 13 : i64, tpu.core_type = #tpu.core_type<sc_vector_subcore>, window_params = [{transform_indices = #map}, {transform_indices = #map}, {transform_indices = #map}, {transform_indices = #map1}]} {
    %mul3A = arith.constant 16 : i32
    %mul3A_0 = arith.muli %arg0, %mul3A : i32
    %add3A = arith.addi %mul3A_0, %arg1 : i32
    %eq3A = arith.constant 0 : i32
    %eq3A_1 = arith.cmpi eq, %arg0, %eq3A : i32
    %convert_element_type3A = arith.extui %eq3A_1 : i1 to i32
    %cond3A = arith.constant 0 : i32
    %cond3A_2 = arith.cmpi ne, %convert_element_type3A, %cond3A : i32
    scf.if %cond3A_2 {
      %mul3A_350 = arith.constant 640 : i32
      %mul3A_351 = arith.muli %arg1, %mul3A_350 : i32
      %add3A_352 = arith.constant 0 : i32
      %add3A_353 = arith.addi %mul3A_351, %add3A_352 : i32
      %dma_start3A_354 = arith.constant 0 : i32
      %dma_start3A_355 = arith.constant 0 : i32
      %dma_start3A_356 = tpu.memref_slice %arg14[%dma_start3A_354, %dma_start3A_355] : memref<128x128xf32, #tpu.memory_space<vmem>> -> memref<128x128xf32, #tpu.memory_space<vmem>>
      %dma_start3A_357 = arith.constant 0 : i32
      %dma_start3A_358 = tpu.memref_slice %arg2[%add3A_353, %dma_start3A_357] : memref<10240x128xf32, #tpu.memory_space<hbm>> -> memref<128x128xf32, #tpu.memory_space<hbm>>
      %dma_start3A_359 = arith.constant 0 : i32
      %dma_start3A_360 = arith.constant 0 : i32
      %dma_start3A_361 = tpu.memref_slice %arg14[%dma_start3A_359, %dma_start3A_360] : memref<128x128xf32, #tpu.memory_space<vmem>> -> memref<128x128xf32, #tpu.memory_space<vmem>>
      %dma_start3A_362 = arith.constant 0 : i32
      %dma_start3A_363 = tpu.memref_slice %arg2[%add3A_353, %dma_start3A_362] : memref<10240x128xf32, #tpu.memory_space<hbm>> -> memref<128x128xf32, #tpu.memory_space<hbm>>
      tpu.enqueue_dma source(%dma_start3A_363 : memref<128x128xf32, #tpu.memory_space<hbm>>) target(%dma_start3A_361 : memref<128x128xf32, #tpu.memory_space<vmem>>) target_semaphore(%arg16 : memref<!tpu.dma_semaphore, #tpu.memory_space<semaphore_mem>>)
    } else {
    }
    %eq3A_3 = arith.constant 1 : i32
    %eq3A_4 = arith.cmpi eq, %arg0, %eq3A_3 : i32
    %convert_element_type3A_5 = arith.extui %eq3A_4 : i1 to i32
    %cond3A_6 = arith.constant 0 : i32
    %cond3A_7 = arith.cmpi ne, %convert_element_type3A_5, %cond3A_6 : i32
    scf.if %cond3A_7 {
      %mul3A_350 = arith.constant 640 : i32
      %mul3A_351 = arith.muli %arg1, %mul3A_350 : i32
      %add3A_352 = arith.constant 0 : i32
      %add3A_353 = arith.addi %mul3A_351, %add3A_352 : i32
      %dma_start3A_354 = arith.constant 0 : i32
      %dma_start3A_355 = arith.constant 0 : i32
      %dma_start3A_356 = tpu.memref_slice %arg14[%dma_start3A_354, %dma_start3A_355] : memref<128x128xf32, #tpu.memory_space<vmem>> -> memref<128x128xf32, #tpu.memory_space<vmem>>
      %dma_start3A_357 = arith.constant 0 : i32
      %dma_start3A_358 = tpu.memref_slice %arg4[%add3A_353, %dma_start3A_357] : memref<10240x128xf32, #tpu.memory_space<hbm>> -> memref<128x128xf32, #tpu.memory_space<hbm>>
      %dma_start3A_359 = arith.constant 0 : i32
      %dma_start3A_360 = arith.constant 0 : i32
      %dma_start3A_361 = tpu.memref_slice %arg14[%dma_start3A_359, %dma_start3A_360] : memref<128x128xf32, #tpu.memory_space<vmem>> -> memref<128x128xf32, #tpu.memory_space<vmem>>
      %dma_start3A_362 = arith.constant 0 : i32
      %dma_start3A_363 = tpu.memref_slice %arg4[%add3A_353, %dma_start3A_362] : memref<10240x128xf32, #tpu.memory_space<hbm>> -> memref<128x128xf32, #tpu.memory_space<hbm>>
      tpu.enqueue_dma source(%dma_start3A_363 : memref<128x128xf32, #tpu.memory_space<hbm>>) target(%dma_start3A_361 : memref<128x128xf32, #tpu.memory_space<vmem>>) target_semaphore(%arg16 : memref<!tpu.dma_semaphore, #tpu.memory_space<semaphore_mem>>)
    } else {
    }
    %eq3A_8 = arith.constant 0 : i32
    %eq3A_9 = arith.cmpi eq, %arg0, %eq3A_8 : i32
    %convert_element_type3A_10 = arith.extui %eq3A_9 : i1 to i32
    %cond3A_11 = arith.constant 0 : i32
    %cond3A_12 = arith.cmpi ne, %convert_element_type3A_10, %cond3A_11 : i32
    scf.if %cond3A_12 {
      %mul3A_350 = arith.constant 640 : i32
      %mul3A_351 = arith.muli %arg1, %mul3A_350 : i32
      %add3A_352 = arith.constant 128 : i32
      %add3A_353 = arith.addi %mul3A_351, %add3A_352 : i32
      %dma_start3A_354 = arith.constant 0 : i32
      %dma_start3A_355 = arith.constant 0 : i32
      %dma_start3A_356 = tpu.memref_slice %arg15[%dma_start3A_354, %dma_start3A_355] : memref<128x128xf32, #tpu.memory_space<vmem>> -> memref<128x128xf32, #tpu.memory_space<vmem>>
      %dma_start3A_357 = arith.constant 0 : i32
      %dma_start3A_358 = tpu.memref_slice %arg2[%add3A_353, %dma_start3A_357] : memref<10240x128xf32, #tpu.memory_space<hbm>> -> memref<128x128xf32, #tpu.memory_space<hbm>>
      %dma_start3A_359 = arith.constant 0 : i32
      %dma_start3A_360 = arith.constant 0 : i32
      %dma_start3A_361 = tpu.memref_slice %arg15[%dma_start3A_359, %dma_start3A_360] : memref<128x128xf32, #tpu.memory_space<vmem>> -> memref<128x128xf32, #tpu.memory_space<vmem>>
      %dma_start3A_362 = arith.constant 0 : i32
      %dma_start3A_363 = tpu.memref_slice %arg2[%add3A_353, %dma_start3A_362] : memref<10240x128xf32, #tpu.memory_space<hbm>> -> memref<128x128xf32, #tpu.memory_space<hbm>>
      tpu.enqueue_dma source(%dma_start3A_363 : memref<128x128xf32, #tpu.memory_space<hbm>>) target(%dma_start3A_361 : memref<128x128xf32, #tpu.memory_space<vmem>>) target_semaphore(%arg17 : memref<!tpu.dma_semaphore, #tpu.memory_space<semaphore_mem>>)
    } else {
    }
    %eq3A_13 = arith.constant 1 : i32
    %eq3A_14 = arith.cmpi eq, %arg0, %eq3A_13 : i32
    %convert_element_type3A_15 = arith.extui %eq3A_14 : i1 to i32
    %cond3A_16 = arith.constant 0 : i32
    %cond3A_17 = arith.cmpi ne, %convert_element_type3A_15, %cond3A_16 : i32
    scf.if %cond3A_17 {
      %mul3A_350 = arith.constant 640 : i32
      %mul3A_351 = arith.muli %arg1, %mul3A_350 : i32
      %add3A_352 = arith.constant 128 : i32
      %add3A_353 = arith.addi %mul3A_351, %add3A_352 : i32
      %dma_start3A_354 = arith.constant 0 : i32
      %dma_start3A_355 = arith.constant 0 : i32
      %dma_start3A_356 = tpu.memref_slice %arg15[%dma_start3A_354, %dma_start3A_355] : memref<128x128xf32, #tpu.memory_space<vmem>> -> memref<128x128xf32, #tpu.memory_space<vmem>>
      %dma_start3A_357 = arith.constant 0 : i32
      %dma_start3A_358 = tpu.memref_slice %arg4[%add3A_353, %dma_start3A_357] : memref<10240x128xf32, #tpu.memory_space<hbm>> -> memref<128x128xf32, #tpu.memory_space<hbm>>
      %dma_start3A_359 = arith.constant 0 : i32
      %dma_start3A_360 = arith.constant 0 : i32
      %dma_start3A_361 = tpu.memref_slice %arg15[%dma_start3A_359, %dma_start3A_360] : memref<128x128xf32, #tpu.memory_space<vmem>> -> memref<128x128xf32, #tpu.memory_space<vmem>>
      %dma_start3A_362 = arith.constant 0 : i32
      %dma_start3A_363 = tpu.memref_slice %arg4[%add3A_353, %dma_start3A_362] : memref<10240x128xf32, #tpu.memory_space<hbm>> -> memref<128x128xf32, #tpu.memory_space<hbm>>
      tpu.enqueue_dma source(%dma_start3A_363 : memref<128x128xf32, #tpu.memory_space<hbm>>) target(%dma_start3A_361 : memref<128x128xf32, #tpu.memory_space<vmem>>) target_semaphore(%arg17 : memref<!tpu.dma_semaphore, #tpu.memory_space<semaphore_mem>>)
    } else {
    }
    %dma_wait3A = arith.constant 0 : i32
    %dma_wait3A_18 = arith.constant 0 : i32
    %dma_wait3A_19 = tpu.memref_slice %arg14[%dma_wait3A, %dma_wait3A_18] : memref<128x128xf32, #tpu.memory_space<vmem>> -> memref<128x128xf32, #tpu.memory_space<vmem>>
    %dma_wait3A_20 = arith.constant 0 : i32
    %dma_wait3A_21 = arith.constant 0 : i32
    %dma_wait3A_22 = tpu.memref_slice %arg2[%dma_wait3A_20, %dma_wait3A_21] : memref<10240x128xf32, #tpu.memory_space<hbm>> -> memref<128x128xf32, #tpu.memory_space<hbm>>
    %dma_wait3A_23 = arith.constant 0 : i32
    %dma_wait3A_24 = arith.constant 0 : i32
    %dma_wait3A_25 = tpu.memref_slice %arg14[%dma_wait3A_23, %dma_wait3A_24] : memref<128x128xf32, #tpu.memory_space<vmem>> -> memref<128x128xf32, #tpu.memory_space<vmem>>
    %dma_wait3A_26 = arith.constant 0 : i32
    %dma_wait3A_27 = arith.constant 0 : i32
    %dma_wait3A_28 = tpu.memref_slice %arg2[%dma_wait3A_26, %dma_wait3A_27] : memref<10240x128xf32, #tpu.memory_space<hbm>> -> memref<128x128xf32, #tpu.memory_space<hbm>>
    tpu.wait_dma2 semaphore(%arg16 : memref<!tpu.dma_semaphore, #tpu.memory_space<semaphore_mem>>) src(%dma_wait3A_28 : memref<128x128xf32, #tpu.memory_space<hbm>>) dst(%dma_wait3A_25 : memref<128x128xf32, #tpu.memory_space<vmem>>)
    %mul3A_29 = arith.constant 640 : i32
    %mul3A_30 = arith.muli %arg1, %mul3A_29 : i32
    %add3A_31 = arith.constant 0 : i32
    %add3A_32 = arith.addi %mul3A_30, %add3A_31 : i32
    "tpu.region"() ({
      %run_scoped3A = tpu.sem_alloc : memref<!tpu.dma_semaphore, #tpu.memory_space<semaphore_mem>>
      %dma_start3A_350 = arith.constant 0 : i32
      %dma_start3A_351 = arith.constant 0 : i32
      %dma_start3A_352 = tpu.memref_slice %arg14[%dma_start3A_350, %dma_start3A_351] : memref<128x128xf32, #tpu.memory_space<vmem>> -> memref<128x128xf32, #tpu.memory_space<vmem>>
      %dma_start3A_353 = arith.constant 0 : i32
      %dma_start3A_354 = tpu.memref_slice %arg18[%add3A_32, %dma_start3A_353] : memref<10240x128xf32, #tpu.memory_space<vmem_shared>> -> memref<128x128xf32, #tpu.memory_space<vmem_shared>>
      %dma_start3A_355 = arith.constant 0 : i32
      %dma_start3A_356 = tpu.memref_slice %arg18[%add3A_32, %dma_start3A_355] : memref<10240x128xf32, #tpu.memory_space<vmem_shared>> -> memref<128x128xf32, #tpu.memory_space<vmem_shared>>
      %dma_start3A_357 = arith.constant 0 : i32
      %dma_start3A_358 = arith.constant 0 : i32
      %dma_start3A_359 = tpu.memref_slice %arg14[%dma_start3A_357, %dma_start3A_358] : memref<128x128xf32, #tpu.memory_space<vmem>> -> memref<128x128xf32, #tpu.memory_space<vmem>>
      tpu.enqueue_dma source(%dma_start3A_359 : memref<128x128xf32, #tpu.memory_space<vmem>>) target(%dma_start3A_356 : memref<128x128xf32, #tpu.memory_space<vmem_shared>>) target_semaphore(%run_scoped3A : memref<!tpu.dma_semaphore, #tpu.memory_space<semaphore_mem>>)
      %dma_wait3A_360 = arith.constant 0 : i32
      %dma_wait3A_361 = arith.constant 0 : i32
      %dma_wait3A_362 = tpu.memref_slice %arg14[%dma_wait3A_360, %dma_wait3A_361] : memref<128x128xf32, #tpu.memory_space<vmem>> -> memref<128x128xf32, #tpu.memory_space<vmem>>
      %dma_wait3A_363 = arith.constant 0 : i32
      %dma_wait3A_364 = tpu.memref_slice %arg18[%add3A_32, %dma_wait3A_363] : memref<10240x128xf32, #tpu.memory_space<vmem_shared>> -> memref<128x128xf32, #tpu.memory_space<vmem_shared>>
      %dma_wait3A_365 = arith.constant 0 : i32
      %dma_wait3A_366 = tpu.memref_slice %arg18[%add3A_32, %dma_wait3A_365] : memref<10240x128xf32, #tpu.memory_space<vmem_shared>> -> memref<128x128xf32, #tpu.memory_space<vmem_shared>>
      %dma_wait3A_367 = arith.constant 0 : i32
      %dma_wait3A_368 = arith.constant 0 : i32
      %dma_wait3A_369 = tpu.memref_slice %arg14[%dma_wait3A_367, %dma_wait3A_368] : memref<128x128xf32, #tpu.memory_space<vmem>> -> memref<128x128xf32, #tpu.memory_space<vmem>>
      tpu.wait_dma2 semaphore(%run_scoped3A : memref<!tpu.dma_semaphore, #tpu.memory_space<semaphore_mem>>) src(%dma_wait3A_369 : memref<128x128xf32, #tpu.memory_space<vmem>>) dst(%dma_wait3A_366 : memref<128x128xf32, #tpu.memory_space<vmem_shared>>)
      tpu.yield
    }) : () -> ()
    %eq3A_33 = arith.constant 0 : i32
    %eq3A_34 = arith.cmpi eq, %arg0, %eq3A_33 : i32
    %convert_element_type3A_35 = arith.extui %eq3A_34 : i1 to i32
    %cond3A_36 = arith.constant 0 : i32
    %cond3A_37 = arith.cmpi ne, %convert_element_type3A_35, %cond3A_36 : i32
    scf.if %cond3A_37 {
      %mul3A_350 = arith.constant 640 : i32
      %mul3A_351 = arith.muli %arg1, %mul3A_350 : i32
      %add3A_352 = arith.constant 256 : i32
      %add3A_353 = arith.addi %mul3A_351, %add3A_352 : i32
      %dma_start3A_354 = arith.constant 0 : i32
      %dma_start3A_355 = arith.constant 0 : i32
      %dma_start3A_356 = tpu.memref_slice %arg14[%dma_start3A_354, %dma_start3A_355] : memref<128x128xf32, #tpu.memory_space<vmem>> -> memref<128x128xf32, #tpu.memory_space<vmem>>
      %dma_start3A_357 = arith.constant 0 : i32
      %dma_start3A_358 = tpu.memref_slice %arg2[%add3A_353, %dma_start3A_357] : memref<10240x128xf32, #tpu.memory_space<hbm>> -> memref<128x128xf32, #tpu.memory_space<hbm>>
      %dma_start3A_359 = arith.constant 0 : i32
      %dma_start3A_360 = arith.constant 0 : i32
      %dma_start3A_361 = tpu.memref_slice %arg14[%dma_start3A_359, %dma_start3A_360] : memref<128x128xf32, #tpu.memory_space<vmem>> -> memref<128x128xf32, #tpu.memory_space<vmem>>
      %dma_start3A_362 = arith.constant 0 : i32
      %dma_start3A_363 = tpu.memref_slice %arg2[%add3A_353, %dma_start3A_362] : memref<10240x128xf32, #tpu.memory_space<hbm>> -> memref<128x128xf32, #tpu.memory_space<hbm>>
      tpu.enqueue_dma source(%dma_start3A_363 : memref<128x128xf32, #tpu.memory_space<hbm>>) target(%dma_start3A_361 : memref<128x128xf32, #tpu.memory_space<vmem>>) target_semaphore(%arg16 : memref<!tpu.dma_semaphore, #tpu.memory_space<semaphore_mem>>)
    } else {
    }
    %eq3A_38 = arith.constant 1 : i32
    %eq3A_39 = arith.cmpi eq, %arg0, %eq3A_38 : i32
    %convert_element_type3A_40 = arith.extui %eq3A_39 : i1 to i32
    %cond3A_41 = arith.constant 0 : i32
    %cond3A_42 = arith.cmpi ne, %convert_element_type3A_40, %cond3A_41 : i32
    scf.if %cond3A_42 {
      %mul3A_350 = arith.constant 640 : i32
      %mul3A_351 = arith.muli %arg1, %mul3A_350 : i32
      %add3A_352 = arith.constant 256 : i32
      %add3A_353 = arith.addi %mul3A_351, %add3A_352 : i32
      %dma_start3A_354 = arith.constant 0 : i32
      %dma_start3A_355 = arith.constant 0 : i32
      %dma_start3A_356 = tpu.memref_slice %arg14[%dma_start3A_354, %dma_start3A_355] : memref<128x128xf32, #tpu.memory_space<vmem>> -> memref<128x128xf32, #tpu.memory_space<vmem>>
      %dma_start3A_357 = arith.constant 0 : i32
      %dma_start3A_358 = tpu.memref_slice %arg4[%add3A_353, %dma_start3A_357] : memref<10240x128xf32, #tpu.memory_space<hbm>> -> memref<128x128xf32, #tpu.memory_space<hbm>>
      %dma_start3A_359 = arith.constant 0 : i32
      %dma_start3A_360 = arith.constant 0 : i32
      %dma_start3A_361 = tpu.memref_slice %arg14[%dma_start3A_359, %dma_start3A_360] : memref<128x128xf32, #tpu.memory_space<vmem>> -> memref<128x128xf32, #tpu.memory_space<vmem>>
      %dma_start3A_362 = arith.constant 0 : i32
      %dma_start3A_363 = tpu.memref_slice %arg4[%add3A_353, %dma_start3A_362] : memref<10240x128xf32, #tpu.memory_space<hbm>> -> memref<128x128xf32, #tpu.memory_space<hbm>>
      tpu.enqueue_dma source(%dma_start3A_363 : memref<128x128xf32, #tpu.memory_space<hbm>>) target(%dma_start3A_361 : memref<128x128xf32, #tpu.memory_space<vmem>>) target_semaphore(%arg16 : memref<!tpu.dma_semaphore, #tpu.memory_space<semaphore_mem>>)
    } else {
    }
    %dma_wait3A_43 = arith.constant 0 : i32
    %dma_wait3A_44 = arith.constant 0 : i32
    %dma_wait3A_45 = tpu.memref_slice %arg15[%dma_wait3A_43, %dma_wait3A_44] : memref<128x128xf32, #tpu.memory_space<vmem>> -> memref<128x128xf32, #tpu.memory_space<vmem>>
    %dma_wait3A_46 = arith.constant 0 : i32
    %dma_wait3A_47 = arith.constant 0 : i32
    %dma_wait3A_48 = tpu.memref_slice %arg2[%dma_wait3A_46, %dma_wait3A_47] : memref<10240x128xf32, #tpu.memory_space<hbm>> -> memref<128x128xf32, #tpu.memory_space<hbm>>
    %dma_wait3A_49 = arith.constant 0 : i32
    %dma_wait3A_50 = arith.constant 0 : i32
    %dma_wait3A_51 = tpu.memref_slice %arg15[%dma_wait3A_49, %dma_wait3A_50] : memref<128x128xf32, #tpu.memory_space<vmem>> -> memref<128x128xf32, #tpu.memory_space<vmem>>
    %dma_wait3A_52 = arith.constant 0 : i32
    %dma_wait3A_53 = arith.constant 0 : i32
    %dma_wait3A_54 = tpu.memref_slice %arg2[%dma_wait3A_52, %dma_wait3A_53] : memref<10240x128xf32, #tpu.memory_space<hbm>> -> memref<128x128xf32, #tpu.memory_space<hbm>>
    tpu.wait_dma2 semaphore(%arg17 : memref<!tpu.dma_semaphore, #tpu.memory_space<semaphore_mem>>) src(%dma_wait3A_54 : memref<128x128xf32, #tpu.memory_space<hbm>>) dst(%dma_wait3A_51 : memref<128x128xf32, #tpu.memory_space<vmem>>)
    %mul3A_55 = arith.constant 640 : i32
    %mul3A_56 = arith.muli %arg1, %mul3A_55 : i32
    %add3A_57 = arith.constant 128 : i32
    %add3A_58 = arith.addi %mul3A_56, %add3A_57 : i32
    "tpu.region"() ({
      %run_scoped3A = tpu.sem_alloc : memref<!tpu.dma_semaphore, #tpu.memory_space<semaphore_mem>>
      %dma_start3A_350 = arith.constant 0 : i32
      %dma_start3A_351 = arith.constant 0 : i32
      %dma_start3A_352 = tpu.memref_slice %arg15[%dma_start3A_350, %dma_start3A_351] : memref<128x128xf32, #tpu.memory_space<vmem>> -> memref<128x128xf32, #tpu.memory_space<vmem>>
      %dma_start3A_353 = arith.constant 0 : i32
      %dma_start3A_354 = tpu.memref_slice %arg18[%add3A_58, %dma_start3A_353] : memref<10240x128xf32, #tpu.memory_space<vmem_shared>> -> memref<128x128xf32, #tpu.memory_space<vmem_shared>>
      %dma_start3A_355 = arith.constant 0 : i32
      %dma_start3A_356 = tpu.memref_slice %arg18[%add3A_58, %dma_start3A_355] : memref<10240x128xf32, #tpu.memory_space<vmem_shared>> -> memref<128x128xf32, #tpu.memory_space<vmem_shared>>
      %dma_start3A_357 = arith.constant 0 : i32
      %dma_start3A_358 = arith.constant 0 : i32
      %dma_start3A_359 = tpu.memref_slice %arg15[%dma_start3A_357, %dma_start3A_358] : memref<128x128xf32, #tpu.memory_space<vmem>> -> memref<128x128xf32, #tpu.memory_space<vmem>>
      tpu.enqueue_dma source(%dma_start3A_359 : memref<128x128xf32, #tpu.memory_space<vmem>>) target(%dma_start3A_356 : memref<128x128xf32, #tpu.memory_space<vmem_shared>>) target_semaphore(%run_scoped3A : memref<!tpu.dma_semaphore, #tpu.memory_space<semaphore_mem>>)
      %dma_wait3A_360 = arith.constant 0 : i32
      %dma_wait3A_361 = arith.constant 0 : i32
      %dma_wait3A_362 = tpu.memref_slice %arg15[%dma_wait3A_360, %dma_wait3A_361] : memref<128x128xf32, #tpu.memory_space<vmem>> -> memref<128x128xf32, #tpu.memory_space<vmem>>
      %dma_wait3A_363 = arith.constant 0 : i32
      %dma_wait3A_364 = tpu.memref_slice %arg18[%add3A_58, %dma_wait3A_363] : memref<10240x128xf32, #tpu.memory_space<vmem_shared>> -> memref<128x128xf32, #tpu.memory_space<vmem_shared>>
      %dma_wait3A_365 = arith.constant 0 : i32
      %dma_wait3A_366 = tpu.memref_slice %arg18[%add3A_58, %dma_wait3A_365] : memref<10240x128xf32, #tpu.memory_space<vmem_shared>> -> memref<128x128xf32, #tpu.memory_space<vmem_shared>>
      %dma_wait3A_367 = arith.constant 0 : i32
      %dma_wait3A_368 = arith.constant 0 : i32
      %dma_wait3A_369 = tpu.memref_slice %arg15[%dma_wait3A_367, %dma_wait3A_368] : memref<128x128xf32, #tpu.memory_space<vmem>> -> memref<128x128xf32, #tpu.memory_space<vmem>>
      tpu.wait_dma2 semaphore(%run_scoped3A : memref<!tpu.dma_semaphore, #tpu.memory_space<semaphore_mem>>) src(%dma_wait3A_369 : memref<128x128xf32, #tpu.memory_space<vmem>>) dst(%dma_wait3A_366 : memref<128x128xf32, #tpu.memory_space<vmem_shared>>)
      tpu.yield
    }) : () -> ()
    %eq3A_59 = arith.constant 0 : i32
    %eq3A_60 = arith.cmpi eq, %arg0, %eq3A_59 : i32
    %convert_element_type3A_61 = arith.extui %eq3A_60 : i1 to i32
    %cond3A_62 = arith.constant 0 : i32
    %cond3A_63 = arith.cmpi ne, %convert_element_type3A_61, %cond3A_62 : i32
    scf.if %cond3A_63 {
      %mul3A_350 = arith.constant 640 : i32
      %mul3A_351 = arith.muli %arg1, %mul3A_350 : i32
      %add3A_352 = arith.constant 384 : i32
      %add3A_353 = arith.addi %mul3A_351, %add3A_352 : i32
      %dma_start3A_354 = arith.constant 0 : i32
      %dma_start3A_355 = arith.constant 0 : i32
      %dma_start3A_356 = tpu.memref_slice %arg15[%dma_start3A_354, %dma_start3A_355] : memref<128x128xf32, #tpu.memory_space<vmem>> -> memref<128x128xf32, #tpu.memory_space<vmem>>
      %dma_start3A_357 = arith.constant 0 : i32
      %dma_start3A_358 = tpu.memref_slice %arg2[%add3A_353, %dma_start3A_357] : memref<10240x128xf32, #tpu.memory_space<hbm>> -> memref<128x128xf32, #tpu.memory_space<hbm>>
      %dma_start3A_359 = arith.constant 0 : i32
      %dma_start3A_360 = arith.constant 0 : i32
      %dma_start3A_361 = tpu.memref_slice %arg15[%dma_start3A_359, %dma_start3A_360] : memref<128x128xf32, #tpu.memory_space<vmem>> -> memref<128x128xf32, #tpu.memory_space<vmem>>
      %dma_start3A_362 = arith.constant 0 : i32
      %dma_start3A_363 = tpu.memref_slice %arg2[%add3A_353, %dma_start3A_362] : memref<10240x128xf32, #tpu.memory_space<hbm>> -> memref<128x128xf32, #tpu.memory_space<hbm>>
      tpu.enqueue_dma source(%dma_start3A_363 : memref<128x128xf32, #tpu.memory_space<hbm>>) target(%dma_start3A_361 : memref<128x128xf32, #tpu.memory_space<vmem>>) target_semaphore(%arg17 : memref<!tpu.dma_semaphore, #tpu.memory_space<semaphore_mem>>)
    } else {
    }
    %eq3A_64 = arith.constant 1 : i32
    %eq3A_65 = arith.cmpi eq, %arg0, %eq3A_64 : i32
    %convert_element_type3A_66 = arith.extui %eq3A_65 : i1 to i32
    %cond3A_67 = arith.constant 0 : i32
    %cond3A_68 = arith.cmpi ne, %convert_element_type3A_66, %cond3A_67 : i32
    scf.if %cond3A_68 {
      %mul3A_350 = arith.constant 640 : i32
      %mul3A_351 = arith.muli %arg1, %mul3A_350 : i32
      %add3A_352 = arith.constant 384 : i32
      %add3A_353 = arith.addi %mul3A_351, %add3A_352 : i32
      %dma_start3A_354 = arith.constant 0 : i32
      %dma_start3A_355 = arith.constant 0 : i32
      %dma_start3A_356 = tpu.memref_slice %arg15[%dma_start3A_354, %dma_start3A_355] : memref<128x128xf32, #tpu.memory_space<vmem>> -> memref<128x128xf32, #tpu.memory_space<vmem>>
      %dma_start3A_357 = arith.constant 0 : i32
      %dma_start3A_358 = tpu.memref_slice %arg4[%add3A_353, %dma_start3A_357] : memref<10240x128xf32, #tpu.memory_space<hbm>> -> memref<128x128xf32, #tpu.memory_space<hbm>>
      %dma_start3A_359 = arith.constant 0 : i32
      %dma_start3A_360 = arith.constant 0 : i32
      %dma_start3A_361 = tpu.memref_slice %arg15[%dma_start3A_359, %dma_start3A_360] : memref<128x128xf32, #tpu.memory_space<vmem>> -> memref<128x128xf32, #tpu.memory_space<vmem>>
      %dma_start3A_362 = arith.constant 0 : i32
      %dma_start3A_363 = tpu.memref_slice %arg4[%add3A_353, %dma_start3A_362] : memref<10240x128xf32, #tpu.memory_space<hbm>> -> memref<128x128xf32, #tpu.memory_space<hbm>>
      tpu.enqueue_dma source(%dma_start3A_363 : memref<128x128xf32, #tpu.memory_space<hbm>>) target(%dma_start3A_361 : memref<128x128xf32, #tpu.memory_space<vmem>>) target_semaphore(%arg17 : memref<!tpu.dma_semaphore, #tpu.memory_space<semaphore_mem>>)
    } else {
    }
    %dma_wait3A_69 = arith.constant 0 : i32
    %dma_wait3A_70 = arith.constant 0 : i32
    %dma_wait3A_71 = tpu.memref_slice %arg14[%dma_wait3A_69, %dma_wait3A_70] : memref<128x128xf32, #tpu.memory_space<vmem>> -> memref<128x128xf32, #tpu.memory_space<vmem>>
    %dma_wait3A_72 = arith.constant 0 : i32
    %dma_wait3A_73 = arith.constant 0 : i32
    %dma_wait3A_74 = tpu.memref_slice %arg2[%dma_wait3A_72, %dma_wait3A_73] : memref<10240x128xf32, #tpu.memory_space<hbm>> -> memref<128x128xf32, #tpu.memory_space<hbm>>
    %dma_wait3A_75 = arith.constant 0 : i32
    %dma_wait3A_76 = arith.constant 0 : i32
    %dma_wait3A_77 = tpu.memref_slice %arg14[%dma_wait3A_75, %dma_wait3A_76] : memref<128x128xf32, #tpu.memory_space<vmem>> -> memref<128x128xf32, #tpu.memory_space<vmem>>
    %dma_wait3A_78 = arith.constant 0 : i32
    %dma_wait3A_79 = arith.constant 0 : i32
    %dma_wait3A_80 = tpu.memref_slice %arg2[%dma_wait3A_78, %dma_wait3A_79] : memref<10240x128xf32, #tpu.memory_space<hbm>> -> memref<128x128xf32, #tpu.memory_space<hbm>>
    tpu.wait_dma2 semaphore(%arg16 : memref<!tpu.dma_semaphore, #tpu.memory_space<semaphore_mem>>) src(%dma_wait3A_80 : memref<128x128xf32, #tpu.memory_space<hbm>>) dst(%dma_wait3A_77 : memref<128x128xf32, #tpu.memory_space<vmem>>)
    %mul3A_81 = arith.constant 640 : i32
    %mul3A_82 = arith.muli %arg1, %mul3A_81 : i32
    %add3A_83 = arith.constant 256 : i32
    %add3A_84 = arith.addi %mul3A_82, %add3A_83 : i32
    "tpu.region"() ({
      %run_scoped3A = tpu.sem_alloc : memref<!tpu.dma_semaphore, #tpu.memory_space<semaphore_mem>>
      %dma_start3A_350 = arith.constant 0 : i32
      %dma_start3A_351 = arith.constant 0 : i32
      %dma_start3A_352 = tpu.memref_slice %arg14[%dma_start3A_350, %dma_start3A_351] : memref<128x128xf32, #tpu.memory_space<vmem>> -> memref<128x128xf32, #tpu.memory_space<vmem>>
      %dma_start3A_353 = arith.constant 0 : i32
      %dma_start3A_354 = tpu.memref_slice %arg18[%add3A_84, %dma_start3A_353] : memref<10240x128xf32, #tpu.memory_space<vmem_shared>> -> memref<128x128xf32, #tpu.memory_space<vmem_shared>>
      %dma_start3A_355 = arith.constant 0 : i32
      %dma_start3A_356 = tpu.memref_slice %arg18[%add3A_84, %dma_start3A_355] : memref<10240x128xf32, #tpu.memory_space<vmem_shared>> -> memref<128x128xf32, #tpu.memory_space<vmem_shared>>
      %dma_start3A_357 = arith.constant 0 : i32
      %dma_start3A_358 = arith.constant 0 : i32
      %dma_start3A_359 = tpu.memref_slice %arg14[%dma_start3A_357, %dma_start3A_358] : memref<128x128xf32, #tpu.memory_space<vmem>> -> memref<128x128xf32, #tpu.memory_space<vmem>>
      tpu.enqueue_dma source(%dma_start3A_359 : memref<128x128xf32, #tpu.memory_space<vmem>>) target(%dma_start3A_356 : memref<128x128xf32, #tpu.memory_space<vmem_shared>>) target_semaphore(%run_scoped3A : memref<!tpu.dma_semaphore, #tpu.memory_space<semaphore_mem>>)
      %dma_wait3A_360 = arith.constant 0 : i32
      %dma_wait3A_361 = arith.constant 0 : i32
      %dma_wait3A_362 = tpu.memref_slice %arg14[%dma_wait3A_360, %dma_wait3A_361] : memref<128x128xf32, #tpu.memory_space<vmem>> -> memref<128x128xf32, #tpu.memory_space<vmem>>
      %dma_wait3A_363 = arith.constant 0 : i32
      %dma_wait3A_364 = tpu.memref_slice %arg18[%add3A_84, %dma_wait3A_363] : memref<10240x128xf32, #tpu.memory_space<vmem_shared>> -> memref<128x128xf32, #tpu.memory_space<vmem_shared>>
      %dma_wait3A_365 = arith.constant 0 : i32
      %dma_wait3A_366 = tpu.memref_slice %arg18[%add3A_84, %dma_wait3A_365] : memref<10240x128xf32, #tpu.memory_space<vmem_shared>> -> memref<128x128xf32, #tpu.memory_space<vmem_shared>>
      %dma_wait3A_367 = arith.constant 0 : i32
      %dma_wait3A_368 = arith.constant 0 : i32
      %dma_wait3A_369 = tpu.memref_slice %arg14[%dma_wait3A_367, %dma_wait3A_368] : memref<128x128xf32, #tpu.memory_space<vmem>> -> memref<128x128xf32, #tpu.memory_space<vmem>>
      tpu.wait_dma2 semaphore(%run_scoped3A : memref<!tpu.dma_semaphore, #tpu.memory_space<semaphore_mem>>) src(%dma_wait3A_369 : memref<128x128xf32, #tpu.memory_space<vmem>>) dst(%dma_wait3A_366 : memref<128x128xf32, #tpu.memory_space<vmem_shared>>)
      tpu.yield
    }) : () -> ()
    %eq3A_85 = arith.constant 0 : i32
    %eq3A_86 = arith.cmpi eq, %arg0, %eq3A_85 : i32
    %convert_element_type3A_87 = arith.extui %eq3A_86 : i1 to i32
    %cond3A_88 = arith.constant 0 : i32
    %cond3A_89 = arith.cmpi ne, %convert_element_type3A_87, %cond3A_88 : i32
    scf.if %cond3A_89 {
      %mul3A_350 = arith.constant 640 : i32
      %mul3A_351 = arith.muli %arg1, %mul3A_350 : i32
      %add3A_352 = arith.constant 512 : i32
      %add3A_353 = arith.addi %mul3A_351, %add3A_352 : i32
      %dma_start3A_354 = arith.constant 0 : i32
      %dma_start3A_355 = arith.constant 0 : i32
      %dma_start3A_356 = tpu.memref_slice %arg14[%dma_start3A_354, %dma_start3A_355] : memref<128x128xf32, #tpu.memory_space<vmem>> -> memref<128x128xf32, #tpu.memory_space<vmem>>
      %dma_start3A_357 = arith.constant 0 : i32
      %dma_start3A_358 = tpu.memref_slice %arg2[%add3A_353, %dma_start3A_357] : memref<10240x128xf32, #tpu.memory_space<hbm>> -> memref<128x128xf32, #tpu.memory_space<hbm>>
      %dma_start3A_359 = arith.constant 0 : i32
      %dma_start3A_360 = arith.constant 0 : i32
      %dma_start3A_361 = tpu.memref_slice %arg14[%dma_start3A_359, %dma_start3A_360] : memref<128x128xf32, #tpu.memory_space<vmem>> -> memref<128x128xf32, #tpu.memory_space<vmem>>
      %dma_start3A_362 = arith.constant 0 : i32
      %dma_start3A_363 = tpu.memref_slice %arg2[%add3A_353, %dma_start3A_362] : memref<10240x128xf32, #tpu.memory_space<hbm>> -> memref<128x128xf32, #tpu.memory_space<hbm>>
      tpu.enqueue_dma source(%dma_start3A_363 : memref<128x128xf32, #tpu.memory_space<hbm>>) target(%dma_start3A_361 : memref<128x128xf32, #tpu.memory_space<vmem>>) target_semaphore(%arg16 : memref<!tpu.dma_semaphore, #tpu.memory_space<semaphore_mem>>)
    } else {
    }
    %eq3A_90 = arith.constant 1 : i32
    %eq3A_91 = arith.cmpi eq, %arg0, %eq3A_90 : i32
    %convert_element_type3A_92 = arith.extui %eq3A_91 : i1 to i32
    %cond3A_93 = arith.constant 0 : i32
    %cond3A_94 = arith.cmpi ne, %convert_element_type3A_92, %cond3A_93 : i32
    scf.if %cond3A_94 {
      %mul3A_350 = arith.constant 640 : i32
      %mul3A_351 = arith.muli %arg1, %mul3A_350 : i32
      %add3A_352 = arith.constant 512 : i32
      %add3A_353 = arith.addi %mul3A_351, %add3A_352 : i32
      %dma_start3A_354 = arith.constant 0 : i32
      %dma_start3A_355 = arith.constant 0 : i32
      %dma_start3A_356 = tpu.memref_slice %arg14[%dma_start3A_354, %dma_start3A_355] : memref<128x128xf32, #tpu.memory_space<vmem>> -> memref<128x128xf32, #tpu.memory_space<vmem>>
      %dma_start3A_357 = arith.constant 0 : i32
      %dma_start3A_358 = tpu.memref_slice %arg4[%add3A_353, %dma_start3A_357] : memref<10240x128xf32, #tpu.memory_space<hbm>> -> memref<128x128xf32, #tpu.memory_space<hbm>>
      %dma_start3A_359 = arith.constant 0 : i32
      %dma_start3A_360 = arith.constant 0 : i32
      %dma_start3A_361 = tpu.memref_slice %arg14[%dma_start3A_359, %dma_start3A_360] : memref<128x128xf32, #tpu.memory_space<vmem>> -> memref<128x128xf32, #tpu.memory_space<vmem>>
      %dma_start3A_362 = arith.constant 0 : i32
      %dma_start3A_363 = tpu.memref_slice %arg4[%add3A_353, %dma_start3A_362] : memref<10240x128xf32, #tpu.memory_space<hbm>> -> memref<128x128xf32, #tpu.memory_space<hbm>>
      tpu.enqueue_dma source(%dma_start3A_363 : memref<128x128xf32, #tpu.memory_space<hbm>>) target(%dma_start3A_361 : memref<128x128xf32, #tpu.memory_space<vmem>>) target_semaphore(%arg16 : memref<!tpu.dma_semaphore, #tpu.memory_space<semaphore_mem>>)
    } else {
    }
    %dma_wait3A_95 = arith.constant 0 : i32
    %dma_wait3A_96 = arith.constant 0 : i32
    %dma_wait3A_97 = tpu.memref_slice %arg15[%dma_wait3A_95, %dma_wait3A_96] : memref<128x128xf32, #tpu.memory_space<vmem>> -> memref<128x128xf32, #tpu.memory_space<vmem>>
    %dma_wait3A_98 = arith.constant 0 : i32
    %dma_wait3A_99 = arith.constant 0 : i32
    %dma_wait3A_100 = tpu.memref_slice %arg2[%dma_wait3A_98, %dma_wait3A_99] : memref<10240x128xf32, #tpu.memory_space<hbm>> -> memref<128x128xf32, #tpu.memory_space<hbm>>
    %dma_wait3A_101 = arith.constant 0 : i32
    %dma_wait3A_102 = arith.constant 0 : i32
    %dma_wait3A_103 = tpu.memref_slice %arg15[%dma_wait3A_101, %dma_wait3A_102] : memref<128x128xf32, #tpu.memory_space<vmem>> -> memref<128x128xf32, #tpu.memory_space<vmem>>
    %dma_wait3A_104 = arith.constant 0 : i32
    %dma_wait3A_105 = arith.constant 0 : i32
    %dma_wait3A_106 = tpu.memref_slice %arg2[%dma_wait3A_104, %dma_wait3A_105] : memref<10240x128xf32, #tpu.memory_space<hbm>> -> memref<128x128xf32, #tpu.memory_space<hbm>>
    tpu.wait_dma2 semaphore(%arg17 : memref<!tpu.dma_semaphore, #tpu.memory_space<semaphore_mem>>) src(%dma_wait3A_106 : memref<128x128xf32, #tpu.memory_space<hbm>>) dst(%dma_wait3A_103 : memref<128x128xf32, #tpu.memory_space<vmem>>)
    %mul3A_107 = arith.constant 640 : i32
    %mul3A_108 = arith.muli %arg1, %mul3A_107 : i32
    %add3A_109 = arith.constant 384 : i32
    %add3A_110 = arith.addi %mul3A_108, %add3A_109 : i32
    "tpu.region"() ({
      %run_scoped3A = tpu.sem_alloc : memref<!tpu.dma_semaphore, #tpu.memory_space<semaphore_mem>>
      %dma_start3A_350 = arith.constant 0 : i32
      %dma_start3A_351 = arith.constant 0 : i32
      %dma_start3A_352 = tpu.memref_slice %arg15[%dma_start3A_350, %dma_start3A_351] : memref<128x128xf32, #tpu.memory_space<vmem>> -> memref<128x128xf32, #tpu.memory_space<vmem>>
      %dma_start3A_353 = arith.constant 0 : i32
      %dma_start3A_354 = tpu.memref_slice %arg18[%add3A_110, %dma_start3A_353] : memref<10240x128xf32, #tpu.memory_space<vmem_shared>> -> memref<128x128xf32, #tpu.memory_space<vmem_shared>>
      %dma_start3A_355 = arith.constant 0 : i32
      %dma_start3A_356 = tpu.memref_slice %arg18[%add3A_110, %dma_start3A_355] : memref<10240x128xf32, #tpu.memory_space<vmem_shared>> -> memref<128x128xf32, #tpu.memory_space<vmem_shared>>
      %dma_start3A_357 = arith.constant 0 : i32
      %dma_start3A_358 = arith.constant 0 : i32
      %dma_start3A_359 = tpu.memref_slice %arg15[%dma_start3A_357, %dma_start3A_358] : memref<128x128xf32, #tpu.memory_space<vmem>> -> memref<128x128xf32, #tpu.memory_space<vmem>>
      tpu.enqueue_dma source(%dma_start3A_359 : memref<128x128xf32, #tpu.memory_space<vmem>>) target(%dma_start3A_356 : memref<128x128xf32, #tpu.memory_space<vmem_shared>>) target_semaphore(%run_scoped3A : memref<!tpu.dma_semaphore, #tpu.memory_space<semaphore_mem>>)
      %dma_wait3A_360 = arith.constant 0 : i32
      %dma_wait3A_361 = arith.constant 0 : i32
      %dma_wait3A_362 = tpu.memref_slice %arg15[%dma_wait3A_360, %dma_wait3A_361] : memref<128x128xf32, #tpu.memory_space<vmem>> -> memref<128x128xf32, #tpu.memory_space<vmem>>
      %dma_wait3A_363 = arith.constant 0 : i32
      %dma_wait3A_364 = tpu.memref_slice %arg18[%add3A_110, %dma_wait3A_363] : memref<10240x128xf32, #tpu.memory_space<vmem_shared>> -> memref<128x128xf32, #tpu.memory_space<vmem_shared>>
      %dma_wait3A_365 = arith.constant 0 : i32
      %dma_wait3A_366 = tpu.memref_slice %arg18[%add3A_110, %dma_wait3A_365] : memref<10240x128xf32, #tpu.memory_space<vmem_shared>> -> memref<128x128xf32, #tpu.memory_space<vmem_shared>>
      %dma_wait3A_367 = arith.constant 0 : i32
      %dma_wait3A_368 = arith.constant 0 : i32
      %dma_wait3A_369 = tpu.memref_slice %arg15[%dma_wait3A_367, %dma_wait3A_368] : memref<128x128xf32, #tpu.memory_space<vmem>> -> memref<128x128xf32, #tpu.memory_space<vmem>>
      tpu.wait_dma2 semaphore(%run_scoped3A : memref<!tpu.dma_semaphore, #tpu.memory_space<semaphore_mem>>) src(%dma_wait3A_369 : memref<128x128xf32, #tpu.memory_space<vmem>>) dst(%dma_wait3A_366 : memref<128x128xf32, #tpu.memory_space<vmem_shared>>)
      tpu.yield
    }) : () -> ()
    %dma_wait3A_111 = arith.constant 0 : i32
    %dma_wait3A_112 = arith.constant 0 : i32
    %dma_wait3A_113 = tpu.memref_slice %arg14[%dma_wait3A_111, %dma_wait3A_112] : memref<128x128xf32, #tpu.memory_space<vmem>> -> memref<128x128xf32, #tpu.memory_space<vmem>>
    %dma_wait3A_114 = arith.constant 0 : i32
    %dma_wait3A_115 = arith.constant 0 : i32
    %dma_wait3A_116 = tpu.memref_slice %arg2[%dma_wait3A_114, %dma_wait3A_115] : memref<10240x128xf32, #tpu.memory_space<hbm>> -> memref<128x128xf32, #tpu.memory_space<hbm>>
    %dma_wait3A_117 = arith.constant 0 : i32
    %dma_wait3A_118 = arith.constant 0 : i32
    %dma_wait3A_119 = tpu.memref_slice %arg14[%dma_wait3A_117, %dma_wait3A_118] : memref<128x128xf32, #tpu.memory_space<vmem>> -> memref<128x128xf32, #tpu.memory_space<vmem>>
    %dma_wait3A_120 = arith.constant 0 : i32
    %dma_wait3A_121 = arith.constant 0 : i32
    %dma_wait3A_122 = tpu.memref_slice %arg2[%dma_wait3A_120, %dma_wait3A_121] : memref<10240x128xf32, #tpu.memory_space<hbm>> -> memref<128x128xf32, #tpu.memory_space<hbm>>
    tpu.wait_dma2 semaphore(%arg16 : memref<!tpu.dma_semaphore, #tpu.memory_space<semaphore_mem>>) src(%dma_wait3A_122 : memref<128x128xf32, #tpu.memory_space<hbm>>) dst(%dma_wait3A_119 : memref<128x128xf32, #tpu.memory_space<vmem>>)
    %mul3A_123 = arith.constant 640 : i32
    %mul3A_124 = arith.muli %arg1, %mul3A_123 : i32
    %add3A_125 = arith.constant 512 : i32
    %add3A_126 = arith.addi %mul3A_124, %add3A_125 : i32
    "tpu.region"() ({
      %run_scoped3A = tpu.sem_alloc : memref<!tpu.dma_semaphore, #tpu.memory_space<semaphore_mem>>
      %dma_start3A_350 = arith.constant 0 : i32
      %dma_start3A_351 = arith.constant 0 : i32
      %dma_start3A_352 = tpu.memref_slice %arg14[%dma_start3A_350, %dma_start3A_351] : memref<128x128xf32, #tpu.memory_space<vmem>> -> memref<128x128xf32, #tpu.memory_space<vmem>>
      %dma_start3A_353 = arith.constant 0 : i32
      %dma_start3A_354 = tpu.memref_slice %arg18[%add3A_126, %dma_start3A_353] : memref<10240x128xf32, #tpu.memory_space<vmem_shared>> -> memref<128x128xf32, #tpu.memory_space<vmem_shared>>
      %dma_start3A_355 = arith.constant 0 : i32
      %dma_start3A_356 = tpu.memref_slice %arg18[%add3A_126, %dma_start3A_355] : memref<10240x128xf32, #tpu.memory_space<vmem_shared>> -> memref<128x128xf32, #tpu.memory_space<vmem_shared>>
      %dma_start3A_357 = arith.constant 0 : i32
      %dma_start3A_358 = arith.constant 0 : i32
      %dma_start3A_359 = tpu.memref_slice %arg14[%dma_start3A_357, %dma_start3A_358] : memref<128x128xf32, #tpu.memory_space<vmem>> -> memref<128x128xf32, #tpu.memory_space<vmem>>
      tpu.enqueue_dma source(%dma_start3A_359 : memref<128x128xf32, #tpu.memory_space<vmem>>) target(%dma_start3A_356 : memref<128x128xf32, #tpu.memory_space<vmem_shared>>) target_semaphore(%run_scoped3A : memref<!tpu.dma_semaphore, #tpu.memory_space<semaphore_mem>>)
      %dma_wait3A_360 = arith.constant 0 : i32
      %dma_wait3A_361 = arith.constant 0 : i32
      %dma_wait3A_362 = tpu.memref_slice %arg14[%dma_wait3A_360, %dma_wait3A_361] : memref<128x128xf32, #tpu.memory_space<vmem>> -> memref<128x128xf32, #tpu.memory_space<vmem>>
      %dma_wait3A_363 = arith.constant 0 : i32
      %dma_wait3A_364 = tpu.memref_slice %arg18[%add3A_126, %dma_wait3A_363] : memref<10240x128xf32, #tpu.memory_space<vmem_shared>> -> memref<128x128xf32, #tpu.memory_space<vmem_shared>>
      %dma_wait3A_365 = arith.constant 0 : i32
      %dma_wait3A_366 = tpu.memref_slice %arg18[%add3A_126, %dma_wait3A_365] : memref<10240x128xf32, #tpu.memory_space<vmem_shared>> -> memref<128x128xf32, #tpu.memory_space<vmem_shared>>
      %dma_wait3A_367 = arith.constant 0 : i32
      %dma_wait3A_368 = arith.constant 0 : i32
      %dma_wait3A_369 = tpu.memref_slice %arg14[%dma_wait3A_367, %dma_wait3A_368] : memref<128x128xf32, #tpu.memory_space<vmem>> -> memref<128x128xf32, #tpu.memory_space<vmem>>
      tpu.wait_dma2 semaphore(%run_scoped3A : memref<!tpu.dma_semaphore, #tpu.memory_space<semaphore_mem>>) src(%dma_wait3A_369 : memref<128x128xf32, #tpu.memory_space<vmem>>) dst(%dma_wait3A_366 : memref<128x128xf32, #tpu.memory_space<vmem_shared>>)
      tpu.yield
    }) : () -> ()
    %barrier3A = arith.constant 0 : index
    tpu.barrier barrier_id(%barrier3A)
    %mul3A_127 = arith.constant 10240 : i32
    %mul3A_128 = arith.muli %add3A, %mul3A_127 : i32
    %add3A_129 = arith.constant 0 : i32
    %add3A_130 = arith.addi %mul3A_128, %add3A_129 : i32
    %dma_start3A = arith.constant 0 : i32
    %dma_start3A_131 = tpu.memref_slice %arg3[%dma_start3A, %add3A_130] : memref<2x327680xi32, #tpu.memory_space<hbm>> -> memref<2x128xi32, #tpu.memory_space<hbm>>
    %dma_start3A_132 = arith.constant 0 : i32
    %dma_start3A_133 = tpu.memref_slice %arg3[%dma_start3A_132, %add3A_130] : memref<2x327680xi32, #tpu.memory_space<hbm>> -> memref<2x128xi32, #tpu.memory_space<hbm>>
    tpu.enqueue_dma source(%dma_start3A_133 : memref<2x128xi32, #tpu.memory_space<hbm>>) target(%arg6 : memref<2x128xi32, #tpu.memory_space<vmem>>) target_semaphore(%arg10 : memref<!tpu.dma_semaphore, #tpu.memory_space<semaphore_mem>>)
    %mul3A_134 = arith.constant 10240 : i32
    %mul3A_135 = arith.muli %add3A, %mul3A_134 : i32
    %add3A_136 = arith.constant 128 : i32
    %add3A_137 = arith.addi %mul3A_135, %add3A_136 : i32
    %dma_start3A_138 = arith.constant 0 : i32
    %dma_start3A_139 = tpu.memref_slice %arg3[%dma_start3A_138, %add3A_137] : memref<2x327680xi32, #tpu.memory_space<hbm>> -> memref<2x128xi32, #tpu.memory_space<hbm>>
    %dma_start3A_140 = arith.constant 0 : i32
    %dma_start3A_141 = tpu.memref_slice %arg3[%dma_start3A_140, %add3A_137] : memref<2x327680xi32, #tpu.memory_space<hbm>> -> memref<2x128xi32, #tpu.memory_space<hbm>>
    tpu.enqueue_dma source(%dma_start3A_141 : memref<2x128xi32, #tpu.memory_space<hbm>>) target(%arg7 : memref<2x128xi32, #tpu.memory_space<vmem>>) target_semaphore(%arg11 : memref<!tpu.dma_semaphore, #tpu.memory_space<semaphore_mem>>)
    %mul3A_142 = arith.constant 10240 : i32
    %mul3A_143 = arith.muli %add3A, %mul3A_142 : i32
    %add3A_144 = arith.constant 256 : i32
    %add3A_145 = arith.addi %mul3A_143, %add3A_144 : i32
    %dma_start3A_146 = arith.constant 0 : i32
    %dma_start3A_147 = tpu.memref_slice %arg3[%dma_start3A_146, %add3A_145] : memref<2x327680xi32, #tpu.memory_space<hbm>> -> memref<2x128xi32, #tpu.memory_space<hbm>>
    %dma_start3A_148 = arith.constant 0 : i32
    %dma_start3A_149 = tpu.memref_slice %arg3[%dma_start3A_148, %add3A_145] : memref<2x327680xi32, #tpu.memory_space<hbm>> -> memref<2x128xi32, #tpu.memory_space<hbm>>
    tpu.enqueue_dma source(%dma_start3A_149 : memref<2x128xi32, #tpu.memory_space<hbm>>) target(%arg8 : memref<2x128xi32, #tpu.memory_space<vmem>>) target_semaphore(%arg12 : memref<!tpu.dma_semaphore, #tpu.memory_space<semaphore_mem>>)
    %mul3A_150 = arith.constant 10240 : i32
    %mul3A_151 = arith.muli %add3A, %mul3A_150 : i32
    %add3A_152 = arith.constant 384 : i32
    %add3A_153 = arith.addi %mul3A_151, %add3A_152 : i32
    %dma_start3A_154 = arith.constant 0 : i32
    %dma_start3A_155 = tpu.memref_slice %arg3[%dma_start3A_154, %add3A_153] : memref<2x327680xi32, #tpu.memory_space<hbm>> -> memref<2x128xi32, #tpu.memory_space<hbm>>
    %dma_start3A_156 = arith.constant 0 : i32
    %dma_start3A_157 = tpu.memref_slice %arg3[%dma_start3A_156, %add3A_153] : memref<2x327680xi32, #tpu.memory_space<hbm>> -> memref<2x128xi32, #tpu.memory_space<hbm>>
    tpu.enqueue_dma source(%dma_start3A_157 : memref<2x128xi32, #tpu.memory_space<hbm>>) target(%arg9 : memref<2x128xi32, #tpu.memory_space<vmem>>) target_semaphore(%arg13 : memref<!tpu.dma_semaphore, #tpu.memory_space<semaphore_mem>>)
    %dma_wait3A_158 = arith.constant 0 : i32
    %dma_wait3A_159 = arith.constant 0 : i32
    %dma_wait3A_160 = tpu.memref_slice %arg3[%dma_wait3A_158, %dma_wait3A_159] : memref<2x327680xi32, #tpu.memory_space<hbm>> -> memref<2x128xi32, #tpu.memory_space<hbm>>
    %dma_wait3A_161 = arith.constant 0 : i32
    %dma_wait3A_162 = arith.constant 0 : i32
    %dma_wait3A_163 = tpu.memref_slice %arg3[%dma_wait3A_161, %dma_wait3A_162] : memref<2x327680xi32, #tpu.memory_space<hbm>> -> memref<2x128xi32, #tpu.memory_space<hbm>>
    tpu.wait_dma2 semaphore(%arg10 : memref<!tpu.dma_semaphore, #tpu.memory_space<semaphore_mem>>) src(%dma_wait3A_163 : memref<2x128xi32, #tpu.memory_space<hbm>>) dst(%arg6 : memref<2x128xi32, #tpu.memory_space<vmem>>)
    %dma_start3A_164 = arith.constant 0 : i32
    %dma_start3A_165 = arith.constant 0 : i32
    %dma_start3A_166 = tpu.memref_slice %arg6[%dma_start3A_164, %dma_start3A_165] : memref<2x128xi32, #tpu.memory_space<vmem>> -> memref<1x128xi32, #tpu.memory_space<vmem>>
    %dma_start3A_167 = tpu.memref_squeeze %dma_start3A_166 : memref<1x128xi32, #tpu.memory_space<vmem>> -> memref<128xi32, #tpu.memory_space<vmem>>
    %dma_start3A_168 = arith.constant 0 : i32
    %dma_start3A_169 = arith.constant 0 : i32
    %dma_start3A_170 = tpu.memref_slice %arg2[%dma_start3A_168, %dma_start3A_169] : memref<10240x128xf32, #tpu.memory_space<hbm>> -> memref<10240x128xf32, #tpu.memory_space<hbm>>
    tpu.enqueue_indirect_dma source(%dma_start3A_170 : memref<10240x128xf32, #tpu.memory_space<hbm>>) target(%arg14 : memref<128x128xf32, #tpu.memory_space<vmem>>) offsets(%dma_start3A_167 : memref<128xi32, #tpu.memory_space<vmem>>) semaphore(%arg16 : memref<!tpu.dma_semaphore, #tpu.memory_space<semaphore_mem>>)
    %dma_wait3A_171 = arith.constant 0 : i32
    %dma_wait3A_172 = arith.constant 0 : i32
    %dma_wait3A_173 = tpu.memref_slice %arg3[%dma_wait3A_171, %dma_wait3A_172] : memref<2x327680xi32, #tpu.memory_space<hbm>> -> memref<2x128xi32, #tpu.memory_space<hbm>>
    %dma_wait3A_174 = arith.constant 0 : i32
    %dma_wait3A_175 = arith.constant 0 : i32
    %dma_wait3A_176 = tpu.memref_slice %arg3[%dma_wait3A_174, %dma_wait3A_175] : memref<2x327680xi32, #tpu.memory_space<hbm>> -> memref<2x128xi32, #tpu.memory_space<hbm>>
    tpu.wait_dma2 semaphore(%arg11 : memref<!tpu.dma_semaphore, #tpu.memory_space<semaphore_mem>>) src(%dma_wait3A_176 : memref<2x128xi32, #tpu.memory_space<hbm>>) dst(%arg7 : memref<2x128xi32, #tpu.memory_space<vmem>>)
    %dma_start3A_177 = arith.constant 0 : i32
    %dma_start3A_178 = arith.constant 0 : i32
    %dma_start3A_179 = tpu.memref_slice %arg7[%dma_start3A_177, %dma_start3A_178] : memref<2x128xi32, #tpu.memory_space<vmem>> -> memref<1x128xi32, #tpu.memory_space<vmem>>
    %dma_start3A_180 = tpu.memref_squeeze %dma_start3A_179 : memref<1x128xi32, #tpu.memory_space<vmem>> -> memref<128xi32, #tpu.memory_space<vmem>>
    %dma_start3A_181 = arith.constant 0 : i32
    %dma_start3A_182 = arith.constant 0 : i32
    %dma_start3A_183 = tpu.memref_slice %arg2[%dma_start3A_181, %dma_start3A_182] : memref<10240x128xf32, #tpu.memory_space<hbm>> -> memref<10240x128xf32, #tpu.memory_space<hbm>>
    tpu.enqueue_indirect_dma source(%dma_start3A_183 : memref<10240x128xf32, #tpu.memory_space<hbm>>) target(%arg15 : memref<128x128xf32, #tpu.memory_space<vmem>>) offsets(%dma_start3A_180 : memref<128xi32, #tpu.memory_space<vmem>>) semaphore(%arg17 : memref<!tpu.dma_semaphore, #tpu.memory_space<semaphore_mem>>)
    %scan3A = arith.constant 0 : i32
    %scan3A_184 = arith.constant 0 : i32
    %scan3A_185 = arith.constant 20 : i32
    %scan3A_186 = arith.addi %scan3A_184, %scan3A_185 : i32
    %scan3A_187 = arith.constant 1 : i32
    scf.for %scan3A_350 = %scan3A_184 to %scan3A_186 step %scan3A_187  : i32 {
      %mul3A_351 = arith.constant 4 : i32
      %mul3A_352 = arith.muli %mul3A_351, %scan3A_350 : i32
      %add3A_353 = arith.constant 0 : i32
      %add3A_354 = arith.addi %mul3A_352, %add3A_353 : i32
      %dma_wait3A_355 = arith.constant 0 : i32
      %dma_wait3A_356 = arith.constant 0 : i32
      %dma_wait3A_357 = tpu.memref_slice %arg2[%dma_wait3A_355, %dma_wait3A_356] : memref<10240x128xf32, #tpu.memory_space<hbm>> -> memref<128x128xf32, #tpu.memory_space<hbm>>
      %dma_wait3A_358 = arith.constant 0 : i32
      %dma_wait3A_359 = arith.constant 0 : i32
      %dma_wait3A_360 = tpu.memref_slice %arg2[%dma_wait3A_358, %dma_wait3A_359] : memref<10240x128xf32, #tpu.memory_space<hbm>> -> memref<128x128xf32, #tpu.memory_space<hbm>>
      tpu.wait_dma2 semaphore(%arg16 : memref<!tpu.dma_semaphore, #tpu.memory_space<semaphore_mem>>) src(%dma_wait3A_360 : memref<128x128xf32, #tpu.memory_space<hbm>>) dst(%arg14 : memref<128x128xf32, #tpu.memory_space<vmem>>)
      %run_scoped3A = arith.constant 1 : i32
      "tpu.region"() ({
        %run_scoped3A_449 = tpu.sem_alloc : memref<!tpu.dma_semaphore, #tpu.memory_space<semaphore_mem>>
        %dma_start3A_450 = arith.constant 0 : i32
        %dma_start3A_451 = tpu.memref_slice %arg6[%run_scoped3A, %dma_start3A_450] : memref<2x128xi32, #tpu.memory_space<vmem>> -> memref<1x128xi32, #tpu.memory_space<vmem>>
        %dma_start3A_452 = tpu.memref_squeeze %dma_start3A_451 : memref<1x128xi32, #tpu.memory_space<vmem>> -> memref<128xi32, #tpu.memory_space<vmem>>
        %dma_start3A_453 = arith.constant 0 : i32
        %dma_start3A_454 = arith.constant 0 : i32
        %dma_start3A_455 = tpu.memref_slice %arg18[%dma_start3A_453, %dma_start3A_454] : memref<10240x128xf32, #tpu.memory_space<vmem_shared>> -> memref<10240x128xf32, #tpu.memory_space<vmem_shared>>
        tpu.enqueue_indirect_dma source(%arg14 : memref<128x128xf32, #tpu.memory_space<vmem>>) target(%dma_start3A_455 : memref<10240x128xf32, #tpu.memory_space<vmem_shared>>) offsets(%dma_start3A_452 : memref<128xi32, #tpu.memory_space<vmem>>) semaphore(%run_scoped3A_449 : memref<!tpu.dma_semaphore, #tpu.memory_space<semaphore_mem>>) {add = true}
        %dma_wait3A_456 = arith.constant 0 : i32
        %dma_wait3A_457 = tpu.memref_slice %arg6[%run_scoped3A, %dma_wait3A_456] : memref<2x128xi32, #tpu.memory_space<vmem>> -> memref<1x128xi32, #tpu.memory_space<vmem>>
        %dma_wait3A_458 = tpu.memref_squeeze %dma_wait3A_457 : memref<1x128xi32, #tpu.memory_space<vmem>> -> memref<128xi32, #tpu.memory_space<vmem>>
        %dma_wait3A_459 = arith.constant 0 : i32
        %dma_wait3A_460 = arith.constant 0 : i32
        %dma_wait3A_461 = tpu.memref_slice %arg18[%dma_wait3A_459, %dma_wait3A_460] : memref<10240x128xf32, #tpu.memory_space<vmem_shared>> -> memref<10240x128xf32, #tpu.memory_space<vmem_shared>>
        tpu.wait_indirect_dma semaphore(%run_scoped3A_449 : memref<!tpu.dma_semaphore, #tpu.memory_space<semaphore_mem>>) src(%arg14 : memref<128x128xf32, #tpu.memory_space<vmem>>) dst(%dma_wait3A_461 : memref<10240x128xf32, #tpu.memory_space<vmem_shared>>)
        tpu.yield
      }) : () -> ()
      %add3A_361 = arith.constant 4 : i32
      %add3A_362 = arith.addi %add3A_354, %add3A_361 : i32
      %lt3A = arith.constant 80 : i32
      %lt3A_363 = arith.cmpi slt, %add3A_362, %lt3A : i32
      %convert_element_type3A_364 = arith.extui %lt3A_363 : i1 to i32
      %cond3A_365 = arith.constant 0 : i32
      %cond3A_366 = arith.cmpi ne, %convert_element_type3A_364, %cond3A_365 : i32
      scf.if %cond3A_366 {
        %add3A_449 = arith.constant 4 : i32
        %add3A_450 = arith.addi %add3A_354, %add3A_449 : i32
        %mul3A_451 = arith.constant 10240 : i32
        %mul3A_452 = arith.muli %add3A, %mul3A_451 : i32
        %mul3A_453 = arith.constant 128 : i32
        %mul3A_454 = arith.muli %add3A_450, %mul3A_453 : i32
        %add3A_455 = arith.addi %mul3A_452, %mul3A_454 : i32
        %dma_start3A_456 = arith.constant 0 : i32
        %dma_start3A_457 = tpu.memref_slice %arg3[%dma_start3A_456, %add3A_455] : memref<2x327680xi32, #tpu.memory_space<hbm>> -> memref<2x128xi32, #tpu.memory_space<hbm>>
        %dma_start3A_458 = arith.constant 0 : i32
        %dma_start3A_459 = tpu.memref_slice %arg3[%dma_start3A_458, %add3A_455] : memref<2x327680xi32, #tpu.memory_space<hbm>> -> memref<2x128xi32, #tpu.memory_space<hbm>>
        tpu.enqueue_dma source(%dma_start3A_459 : memref<2x128xi32, #tpu.memory_space<hbm>>) target(%arg6 : memref<2x128xi32, #tpu.memory_space<vmem>>) target_semaphore(%arg10 : memref<!tpu.dma_semaphore, #tpu.memory_space<semaphore_mem>>)
      } else {
      }
      %add3A_367 = arith.constant 2 : i32
      %add3A_368 = arith.addi %add3A_354, %add3A_367 : i32
      %lt3A_369 = arith.constant 80 : i32
      %lt3A_370 = arith.cmpi slt, %add3A_368, %lt3A_369 : i32
      %convert_element_type3A_371 = arith.extui %lt3A_370 : i1 to i32
      %cond3A_372 = arith.constant 0 : i32
      %cond3A_373 = arith.cmpi ne, %convert_element_type3A_371, %cond3A_372 : i32
      scf.if %cond3A_373 {
        %dma_wait3A_449 = arith.constant 0 : i32
        %dma_wait3A_450 = arith.constant 0 : i32
        %dma_wait3A_451 = tpu.memref_slice %arg3[%dma_wait3A_449, %dma_wait3A_450] : memref<2x327680xi32, #tpu.memory_space<hbm>> -> memref<2x128xi32, #tpu.memory_space<hbm>>
        %dma_wait3A_452 = arith.constant 0 : i32
        %dma_wait3A_453 = arith.constant 0 : i32
        %dma_wait3A_454 = tpu.memref_slice %arg3[%dma_wait3A_452, %dma_wait3A_453] : memref<2x327680xi32, #tpu.memory_space<hbm>> -> memref<2x128xi32, #tpu.memory_space<hbm>>
        tpu.wait_dma2 semaphore(%arg12 : memref<!tpu.dma_semaphore, #tpu.memory_space<semaphore_mem>>) src(%dma_wait3A_454 : memref<2x128xi32, #tpu.memory_space<hbm>>) dst(%arg8 : memref<2x128xi32, #tpu.memory_space<vmem>>)
        %dma_start3A_455 = arith.constant 0 : i32
        %dma_start3A_456 = arith.constant 0 : i32
        %dma_start3A_457 = tpu.memref_slice %arg8[%dma_start3A_455, %dma_start3A_456] : memref<2x128xi32, #tpu.memory_space<vmem>> -> memref<1x128xi32, #tpu.memory_space<vmem>>
        %dma_start3A_458 = tpu.memref_squeeze %dma_start3A_457 : memref<1x128xi32, #tpu.memory_space<vmem>> -> memref<128xi32, #tpu.memory_space<vmem>>
        %dma_start3A_459 = arith.constant 0 : i32
        %dma_start3A_460 = arith.constant 0 : i32
        %dma_start3A_461 = tpu.memref_slice %arg2[%dma_start3A_459, %dma_start3A_460] : memref<10240x128xf32, #tpu.memory_space<hbm>> -> memref<10240x128xf32, #tpu.memory_space<hbm>>
        tpu.enqueue_indirect_dma source(%dma_start3A_461 : memref<10240x128xf32, #tpu.memory_space<hbm>>) target(%arg14 : memref<128x128xf32, #tpu.memory_space<vmem>>) offsets(%dma_start3A_458 : memref<128xi32, #tpu.memory_space<vmem>>) semaphore(%arg16 : memref<!tpu.dma_semaphore, #tpu.memory_space<semaphore_mem>>)
      } else {
      }
      %mul3A_374 = arith.constant 4 : i32
      %mul3A_375 = arith.muli %mul3A_374, %scan3A_350 : i32
      %add3A_376 = arith.constant 1 : i32
      %add3A_377 = arith.addi %mul3A_375, %add3A_376 : i32
      %dma_wait3A_378 = arith.constant 0 : i32
      %dma_wait3A_379 = arith.constant 0 : i32
      %dma_wait3A_380 = tpu.memref_slice %arg2[%dma_wait3A_378, %dma_wait3A_379] : memref<10240x128xf32, #tpu.memory_space<hbm>> -> memref<128x128xf32, #tpu.memory_space<hbm>>
      %dma_wait3A_381 = arith.constant 0 : i32
      %dma_wait3A_382 = arith.constant 0 : i32
      %dma_wait3A_383 = tpu.memref_slice %arg2[%dma_wait3A_381, %dma_wait3A_382] : memref<10240x128xf32, #tpu.memory_space<hbm>> -> memref<128x128xf32, #tpu.memory_space<hbm>>
      tpu.wait_dma2 semaphore(%arg17 : memref<!tpu.dma_semaphore, #tpu.memory_space<semaphore_mem>>) src(%dma_wait3A_383 : memref<128x128xf32, #tpu.memory_space<hbm>>) dst(%arg15 : memref<128x128xf32, #tpu.memory_space<vmem>>)
      %run_scoped3A_384 = arith.constant 1 : i32
      "tpu.region"() ({
        %run_scoped3A_449 = tpu.sem_alloc : memref<!tpu.dma_semaphore, #tpu.memory_space<semaphore_mem>>
        %dma_start3A_450 = arith.constant 0 : i32
        %dma_start3A_451 = tpu.memref_slice %arg7[%run_scoped3A_384, %dma_start3A_450] : memref<2x128xi32, #tpu.memory_space<vmem>> -> memref<1x128xi32, #tpu.memory_space<vmem>>
        %dma_start3A_452 = tpu.memref_squeeze %dma_start3A_451 : memref<1x128xi32, #tpu.memory_space<vmem>> -> memref<128xi32, #tpu.memory_space<vmem>>
        %dma_start3A_453 = arith.constant 0 : i32
        %dma_start3A_454 = arith.constant 0 : i32
        %dma_start3A_455 = tpu.memref_slice %arg18[%dma_start3A_453, %dma_start3A_454] : memref<10240x128xf32, #tpu.memory_space<vmem_shared>> -> memref<10240x128xf32, #tpu.memory_space<vmem_shared>>
        tpu.enqueue_indirect_dma source(%arg15 : memref<128x128xf32, #tpu.memory_space<vmem>>) target(%dma_start3A_455 : memref<10240x128xf32, #tpu.memory_space<vmem_shared>>) offsets(%dma_start3A_452 : memref<128xi32, #tpu.memory_space<vmem>>) semaphore(%run_scoped3A_449 : memref<!tpu.dma_semaphore, #tpu.memory_space<semaphore_mem>>) {add = true}
        %dma_wait3A_456 = arith.constant 0 : i32
        %dma_wait3A_457 = tpu.memref_slice %arg7[%run_scoped3A_384, %dma_wait3A_456] : memref<2x128xi32, #tpu.memory_space<vmem>> -> memref<1x128xi32, #tpu.memory_space<vmem>>
        %dma_wait3A_458 = tpu.memref_squeeze %dma_wait3A_457 : memref<1x128xi32, #tpu.memory_space<vmem>> -> memref<128xi32, #tpu.memory_space<vmem>>
        %dma_wait3A_459 = arith.constant 0 : i32
        %dma_wait3A_460 = arith.constant 0 : i32
        %dma_wait3A_461 = tpu.memref_slice %arg18[%dma_wait3A_459, %dma_wait3A_460] : memref<10240x128xf32, #tpu.memory_space<vmem_shared>> -> memref<10240x128xf32, #tpu.memory_space<vmem_shared>>
        tpu.wait_indirect_dma semaphore(%run_scoped3A_449 : memref<!tpu.dma_semaphore, #tpu.memory_space<semaphore_mem>>) src(%arg15 : memref<128x128xf32, #tpu.memory_space<vmem>>) dst(%dma_wait3A_461 : memref<10240x128xf32, #tpu.memory_space<vmem_shared>>)
        tpu.yield
      }) : () -> ()
      %add3A_385 = arith.constant 4 : i32
      %add3A_386 = arith.addi %add3A_377, %add3A_385 : i32
      %lt3A_387 = arith.constant 80 : i32
      %lt3A_388 = arith.cmpi slt, %add3A_386, %lt3A_387 : i32
      %convert_element_type3A_389 = arith.extui %lt3A_388 : i1 to i32
      %cond3A_390 = arith.constant 0 : i32
      %cond3A_391 = arith.cmpi ne, %convert_element_type3A_389, %cond3A_390 : i32
      scf.if %cond3A_391 {
        %add3A_449 = arith.constant 4 : i32
        %add3A_450 = arith.addi %add3A_377, %add3A_449 : i32
        %mul3A_451 = arith.constant 10240 : i32
        %mul3A_452 = arith.muli %add3A, %mul3A_451 : i32
        %mul3A_453 = arith.constant 128 : i32
        %mul3A_454 = arith.muli %add3A_450, %mul3A_453 : i32
        %add3A_455 = arith.addi %mul3A_452, %mul3A_454 : i32
        %dma_start3A_456 = arith.constant 0 : i32
        %dma_start3A_457 = tpu.memref_slice %arg3[%dma_start3A_456, %add3A_455] : memref<2x327680xi32, #tpu.memory_space<hbm>> -> memref<2x128xi32, #tpu.memory_space<hbm>>
        %dma_start3A_458 = arith.constant 0 : i32
        %dma_start3A_459 = tpu.memref_slice %arg3[%dma_start3A_458, %add3A_455] : memref<2x327680xi32, #tpu.memory_space<hbm>> -> memref<2x128xi32, #tpu.memory_space<hbm>>
        tpu.enqueue_dma source(%dma_start3A_459 : memref<2x128xi32, #tpu.memory_space<hbm>>) target(%arg7 : memref<2x128xi32, #tpu.memory_space<vmem>>) target_semaphore(%arg11 : memref<!tpu.dma_semaphore, #tpu.memory_space<semaphore_mem>>)
      } else {
      }
      %add3A_392 = arith.constant 2 : i32
      %add3A_393 = arith.addi %add3A_377, %add3A_392 : i32
      %lt3A_394 = arith.constant 80 : i32
      %lt3A_395 = arith.cmpi slt, %add3A_393, %lt3A_394 : i32
      %convert_element_type3A_396 = arith.extui %lt3A_395 : i1 to i32
      %cond3A_397 = arith.constant 0 : i32
      %cond3A_398 = arith.cmpi ne, %convert_element_type3A_396, %cond3A_397 : i32
      scf.if %cond3A_398 {
        %dma_wait3A_449 = arith.constant 0 : i32
        %dma_wait3A_450 = arith.constant 0 : i32
        %dma_wait3A_451 = tpu.memref_slice %arg3[%dma_wait3A_449, %dma_wait3A_450] : memref<2x327680xi32, #tpu.memory_space<hbm>> -> memref<2x128xi32, #tpu.memory_space<hbm>>
        %dma_wait3A_452 = arith.constant 0 : i32
        %dma_wait3A_453 = arith.constant 0 : i32
        %dma_wait3A_454 = tpu.memref_slice %arg3[%dma_wait3A_452, %dma_wait3A_453] : memref<2x327680xi32, #tpu.memory_space<hbm>> -> memref<2x128xi32, #tpu.memory_space<hbm>>
        tpu.wait_dma2 semaphore(%arg13 : memref<!tpu.dma_semaphore, #tpu.memory_space<semaphore_mem>>) src(%dma_wait3A_454 : memref<2x128xi32, #tpu.memory_space<hbm>>) dst(%arg9 : memref<2x128xi32, #tpu.memory_space<vmem>>)
        %dma_start3A_455 = arith.constant 0 : i32
        %dma_start3A_456 = arith.constant 0 : i32
        %dma_start3A_457 = tpu.memref_slice %arg9[%dma_start3A_455, %dma_start3A_456] : memref<2x128xi32, #tpu.memory_space<vmem>> -> memref<1x128xi32, #tpu.memory_space<vmem>>
        %dma_start3A_458 = tpu.memref_squeeze %dma_start3A_457 : memref<1x128xi32, #tpu.memory_space<vmem>> -> memref<128xi32, #tpu.memory_space<vmem>>
        %dma_start3A_459 = arith.constant 0 : i32
        %dma_start3A_460 = arith.constant 0 : i32
        %dma_start3A_461 = tpu.memref_slice %arg2[%dma_start3A_459, %dma_start3A_460] : memref<10240x128xf32, #tpu.memory_space<hbm>> -> memref<10240x128xf32, #tpu.memory_space<hbm>>
        tpu.enqueue_indirect_dma source(%dma_start3A_461 : memref<10240x128xf32, #tpu.memory_space<hbm>>) target(%arg15 : memref<128x128xf32, #tpu.memory_space<vmem>>) offsets(%dma_start3A_458 : memref<128xi32, #tpu.memory_space<vmem>>) semaphore(%arg17 : memref<!tpu.dma_semaphore, #tpu.memory_space<semaphore_mem>>)
      } else {
      }
      %mul3A_399 = arith.constant 4 : i32
      %mul3A_400 = arith.muli %mul3A_399, %scan3A_350 : i32
      %add3A_401 = arith.constant 2 : i32
      %add3A_402 = arith.addi %mul3A_400, %add3A_401 : i32
      %dma_wait3A_403 = arith.constant 0 : i32
      %dma_wait3A_404 = arith.constant 0 : i32
      %dma_wait3A_405 = tpu.memref_slice %arg2[%dma_wait3A_403, %dma_wait3A_404] : memref<10240x128xf32, #tpu.memory_space<hbm>> -> memref<128x128xf32, #tpu.memory_space<hbm>>
      %dma_wait3A_406 = arith.constant 0 : i32
      %dma_wait3A_407 = arith.constant 0 : i32
      %dma_wait3A_408 = tpu.memref_slice %arg2[%dma_wait3A_406, %dma_wait3A_407] : memref<10240x128xf32, #tpu.memory_space<hbm>> -> memref<128x128xf32, #tpu.memory_space<hbm>>
      tpu.wait_dma2 semaphore(%arg16 : memref<!tpu.dma_semaphore, #tpu.memory_space<semaphore_mem>>) src(%dma_wait3A_408 : memref<128x128xf32, #tpu.memory_space<hbm>>) dst(%arg14 : memref<128x128xf32, #tpu.memory_space<vmem>>)
      %run_scoped3A_409 = arith.constant 1 : i32
      "tpu.region"() ({
        %run_scoped3A_449 = tpu.sem_alloc : memref<!tpu.dma_semaphore, #tpu.memory_space<semaphore_mem>>
        %dma_start3A_450 = arith.constant 0 : i32
        %dma_start3A_451 = tpu.memref_slice %arg8[%run_scoped3A_409, %dma_start3A_450] : memref<2x128xi32, #tpu.memory_space<vmem>> -> memref<1x128xi32, #tpu.memory_space<vmem>>
        %dma_start3A_452 = tpu.memref_squeeze %dma_start3A_451 : memref<1x128xi32, #tpu.memory_space<vmem>> -> memref<128xi32, #tpu.memory_space<vmem>>
        %dma_start3A_453 = arith.constant 0 : i32
        %dma_start3A_454 = arith.constant 0 : i32
        %dma_start3A_455 = tpu.memref_slice %arg18[%dma_start3A_453, %dma_start3A_454] : memref<10240x128xf32, #tpu.memory_space<vmem_shared>> -> memref<10240x128xf32, #tpu.memory_space<vmem_shared>>
        tpu.enqueue_indirect_dma source(%arg14 : memref<128x128xf32, #tpu.memory_space<vmem>>) target(%dma_start3A_455 : memref<10240x128xf32, #tpu.memory_space<vmem_shared>>) offsets(%dma_start3A_452 : memref<128xi32, #tpu.memory_space<vmem>>) semaphore(%run_scoped3A_449 : memref<!tpu.dma_semaphore, #tpu.memory_space<semaphore_mem>>) {add = true}
        %dma_wait3A_456 = arith.constant 0 : i32
        %dma_wait3A_457 = tpu.memref_slice %arg8[%run_scoped3A_409, %dma_wait3A_456] : memref<2x128xi32, #tpu.memory_space<vmem>> -> memref<1x128xi32, #tpu.memory_space<vmem>>
        %dma_wait3A_458 = tpu.memref_squeeze %dma_wait3A_457 : memref<1x128xi32, #tpu.memory_space<vmem>> -> memref<128xi32, #tpu.memory_space<vmem>>
        %dma_wait3A_459 = arith.constant 0 : i32
        %dma_wait3A_460 = arith.constant 0 : i32
        %dma_wait3A_461 = tpu.memref_slice %arg18[%dma_wait3A_459, %dma_wait3A_460] : memref<10240x128xf32, #tpu.memory_space<vmem_shared>> -> memref<10240x128xf32, #tpu.memory_space<vmem_shared>>
        tpu.wait_indirect_dma semaphore(%run_scoped3A_449 : memref<!tpu.dma_semaphore, #tpu.memory_space<semaphore_mem>>) src(%arg14 : memref<128x128xf32, #tpu.memory_space<vmem>>) dst(%dma_wait3A_461 : memref<10240x128xf32, #tpu.memory_space<vmem_shared>>)
        tpu.yield
      }) : () -> ()
      %add3A_410 = arith.constant 4 : i32
      %add3A_411 = arith.addi %add3A_402, %add3A_410 : i32
      %lt3A_412 = arith.constant 80 : i32
      %lt3A_413 = arith.cmpi slt, %add3A_411, %lt3A_412 : i32
      %convert_element_type3A_414 = arith.extui %lt3A_413 : i1 to i32
      %cond3A_415 = arith.constant 0 : i32
      %cond3A_416 = arith.cmpi ne, %convert_element_type3A_414, %cond3A_415 : i32
      scf.if %cond3A_416 {
        %add3A_449 = arith.constant 4 : i32
        %add3A_450 = arith.addi %add3A_402, %add3A_449 : i32
        %mul3A_451 = arith.constant 10240 : i32
        %mul3A_452 = arith.muli %add3A, %mul3A_451 : i32
        %mul3A_453 = arith.constant 128 : i32
        %mul3A_454 = arith.muli %add3A_450, %mul3A_453 : i32
        %add3A_455 = arith.addi %mul3A_452, %mul3A_454 : i32
        %dma_start3A_456 = arith.constant 0 : i32
        %dma_start3A_457 = tpu.memref_slice %arg3[%dma_start3A_456, %add3A_455] : memref<2x327680xi32, #tpu.memory_space<hbm>> -> memref<2x128xi32, #tpu.memory_space<hbm>>
        %dma_start3A_458 = arith.constant 0 : i32
        %dma_start3A_459 = tpu.memref_slice %arg3[%dma_start3A_458, %add3A_455] : memref<2x327680xi32, #tpu.memory_space<hbm>> -> memref<2x128xi32, #tpu.memory_space<hbm>>
        tpu.enqueue_dma source(%dma_start3A_459 : memref<2x128xi32, #tpu.memory_space<hbm>>) target(%arg8 : memref<2x128xi32, #tpu.memory_space<vmem>>) target_semaphore(%arg12 : memref<!tpu.dma_semaphore, #tpu.memory_space<semaphore_mem>>)
      } else {
      }
      %add3A_417 = arith.constant 2 : i32
      %add3A_418 = arith.addi %add3A_402, %add3A_417 : i32
      %lt3A_419 = arith.constant 80 : i32
      %lt3A_420 = arith.cmpi slt, %add3A_418, %lt3A_419 : i32
      %convert_element_type3A_421 = arith.extui %lt3A_420 : i1 to i32
      %cond3A_422 = arith.constant 0 : i32
      %cond3A_423 = arith.cmpi ne, %convert_element_type3A_421, %cond3A_422 : i32
      scf.if %cond3A_423 {
        %dma_wait3A_449 = arith.constant 0 : i32
        %dma_wait3A_450 = arith.constant 0 : i32
        %dma_wait3A_451 = tpu.memref_slice %arg3[%dma_wait3A_449, %dma_wait3A_450] : memref<2x327680xi32, #tpu.memory_space<hbm>> -> memref<2x128xi32, #tpu.memory_space<hbm>>
        %dma_wait3A_452 = arith.constant 0 : i32
        %dma_wait3A_453 = arith.constant 0 : i32
        %dma_wait3A_454 = tpu.memref_slice %arg3[%dma_wait3A_452, %dma_wait3A_453] : memref<2x327680xi32, #tpu.memory_space<hbm>> -> memref<2x128xi32, #tpu.memory_space<hbm>>
        tpu.wait_dma2 semaphore(%arg10 : memref<!tpu.dma_semaphore, #tpu.memory_space<semaphore_mem>>) src(%dma_wait3A_454 : memref<2x128xi32, #tpu.memory_space<hbm>>) dst(%arg6 : memref<2x128xi32, #tpu.memory_space<vmem>>)
        %dma_start3A_455 = arith.constant 0 : i32
        %dma_start3A_456 = arith.constant 0 : i32
        %dma_start3A_457 = tpu.memref_slice %arg6[%dma_start3A_455, %dma_start3A_456] : memref<2x128xi32, #tpu.memory_space<vmem>> -> memref<1x128xi32, #tpu.memory_space<vmem>>
        %dma_start3A_458 = tpu.memref_squeeze %dma_start3A_457 : memref<1x128xi32, #tpu.memory_space<vmem>> -> memref<128xi32, #tpu.memory_space<vmem>>
        %dma_start3A_459 = arith.constant 0 : i32
        %dma_start3A_460 = arith.constant 0 : i32
        %dma_start3A_461 = tpu.memref_slice %arg2[%dma_start3A_459, %dma_start3A_460] : memref<10240x128xf32, #tpu.memory_space<hbm>> -> memref<10240x128xf32, #tpu.memory_space<hbm>>
        tpu.enqueue_indirect_dma source(%dma_start3A_461 : memref<10240x128xf32, #tpu.memory_space<hbm>>) target(%arg14 : memref<128x128xf32, #tpu.memory_space<vmem>>) offsets(%dma_start3A_458 : memref<128xi32, #tpu.memory_space<vmem>>) semaphore(%arg16 : memref<!tpu.dma_semaphore, #tpu.memory_space<semaphore_mem>>)
      } else {
      }
      %mul3A_424 = arith.constant 4 : i32
      %mul3A_425 = arith.muli %mul3A_424, %scan3A_350 : i32
      %add3A_426 = arith.constant 3 : i32
      %add3A_427 = arith.addi %mul3A_425, %add3A_426 : i32
      %dma_wait3A_428 = arith.constant 0 : i32
      %dma_wait3A_429 = arith.constant 0 : i32
      %dma_wait3A_430 = tpu.memref_slice %arg2[%dma_wait3A_428, %dma_wait3A_429] : memref<10240x128xf32, #tpu.memory_space<hbm>> -> memref<128x128xf32, #tpu.memory_space<hbm>>
      %dma_wait3A_431 = arith.constant 0 : i32
      %dma_wait3A_432 = arith.constant 0 : i32
      %dma_wait3A_433 = tpu.memref_slice %arg2[%dma_wait3A_431, %dma_wait3A_432] : memref<10240x128xf32, #tpu.memory_space<hbm>> -> memref<128x128xf32, #tpu.memory_space<hbm>>
      tpu.wait_dma2 semaphore(%arg17 : memref<!tpu.dma_semaphore, #tpu.memory_space<semaphore_mem>>) src(%dma_wait3A_433 : memref<128x128xf32, #tpu.memory_space<hbm>>) dst(%arg15 : memref<128x128xf32, #tpu.memory_space<vmem>>)
      %run_scoped3A_434 = arith.constant 1 : i32
      "tpu.region"() ({
        %run_scoped3A_449 = tpu.sem_alloc : memref<!tpu.dma_semaphore, #tpu.memory_space<semaphore_mem>>
        %dma_start3A_450 = arith.constant 0 : i32
        %dma_start3A_451 = tpu.memref_slice %arg9[%run_scoped3A_434, %dma_start3A_450] : memref<2x128xi32, #tpu.memory_space<vmem>> -> memref<1x128xi32, #tpu.memory_space<vmem>>
        %dma_start3A_452 = tpu.memref_squeeze %dma_start3A_451 : memref<1x128xi32, #tpu.memory_space<vmem>> -> memref<128xi32, #tpu.memory_space<vmem>>
        %dma_start3A_453 = arith.constant 0 : i32
        %dma_start3A_454 = arith.constant 0 : i32
        %dma_start3A_455 = tpu.memref_slice %arg18[%dma_start3A_453, %dma_start3A_454] : memref<10240x128xf32, #tpu.memory_space<vmem_shared>> -> memref<10240x128xf32, #tpu.memory_space<vmem_shared>>
        tpu.enqueue_indirect_dma source(%arg15 : memref<128x128xf32, #tpu.memory_space<vmem>>) target(%dma_start3A_455 : memref<10240x128xf32, #tpu.memory_space<vmem_shared>>) offsets(%dma_start3A_452 : memref<128xi32, #tpu.memory_space<vmem>>) semaphore(%run_scoped3A_449 : memref<!tpu.dma_semaphore, #tpu.memory_space<semaphore_mem>>) {add = true}
        %dma_wait3A_456 = arith.constant 0 : i32
        %dma_wait3A_457 = tpu.memref_slice %arg9[%run_scoped3A_434, %dma_wait3A_456] : memref<2x128xi32, #tpu.memory_space<vmem>> -> memref<1x128xi32, #tpu.memory_space<vmem>>
        %dma_wait3A_458 = tpu.memref_squeeze %dma_wait3A_457 : memref<1x128xi32, #tpu.memory_space<vmem>> -> memref<128xi32, #tpu.memory_space<vmem>>
        %dma_wait3A_459 = arith.constant 0 : i32
        %dma_wait3A_460 = arith.constant 0 : i32
        %dma_wait3A_461 = tpu.memref_slice %arg18[%dma_wait3A_459, %dma_wait3A_460] : memref<10240x128xf32, #tpu.memory_space<vmem_shared>> -> memref<10240x128xf32, #tpu.memory_space<vmem_shared>>
        tpu.wait_indirect_dma semaphore(%run_scoped3A_449 : memref<!tpu.dma_semaphore, #tpu.memory_space<semaphore_mem>>) src(%arg15 : memref<128x128xf32, #tpu.memory_space<vmem>>) dst(%dma_wait3A_461 : memref<10240x128xf32, #tpu.memory_space<vmem_shared>>)
        tpu.yield
      }) : () -> ()
      %add3A_435 = arith.constant 4 : i32
      %add3A_436 = arith.addi %add3A_427, %add3A_435 : i32
      %lt3A_437 = arith.constant 80 : i32
      %lt3A_438 = arith.cmpi slt, %add3A_436, %lt3A_437 : i32
      %convert_element_type3A_439 = arith.extui %lt3A_438 : i1 to i32
      %cond3A_440 = arith.constant 0 : i32
      %cond3A_441 = arith.cmpi ne, %convert_element_type3A_439, %cond3A_440 : i32
      scf.if %cond3A_441 {
        %add3A_449 = arith.constant 4 : i32
        %add3A_450 = arith.addi %add3A_427, %add3A_449 : i32
        %mul3A_451 = arith.constant 10240 : i32
        %mul3A_452 = arith.muli %add3A, %mul3A_451 : i32
        %mul3A_453 = arith.constant 128 : i32
        %mul3A_454 = arith.muli %add3A_450, %mul3A_453 : i32
        %add3A_455 = arith.addi %mul3A_452, %mul3A_454 : i32
        %dma_start3A_456 = arith.constant 0 : i32
        %dma_start3A_457 = tpu.memref_slice %arg3[%dma_start3A_456, %add3A_455] : memref<2x327680xi32, #tpu.memory_space<hbm>> -> memref<2x128xi32, #tpu.memory_space<hbm>>
        %dma_start3A_458 = arith.constant 0 : i32
        %dma_start3A_459 = tpu.memref_slice %arg3[%dma_start3A_458, %add3A_455] : memref<2x327680xi32, #tpu.memory_space<hbm>> -> memref<2x128xi32, #tpu.memory_space<hbm>>
        tpu.enqueue_dma source(%dma_start3A_459 : memref<2x128xi32, #tpu.memory_space<hbm>>) target(%arg9 : memref<2x128xi32, #tpu.memory_space<vmem>>) target_semaphore(%arg13 : memref<!tpu.dma_semaphore, #tpu.memory_space<semaphore_mem>>)
      } else {
      }
      %add3A_442 = arith.constant 2 : i32
      %add3A_443 = arith.addi %add3A_427, %add3A_442 : i32
      %lt3A_444 = arith.constant 80 : i32
      %lt3A_445 = arith.cmpi slt, %add3A_443, %lt3A_444 : i32
      %convert_element_type3A_446 = arith.extui %lt3A_445 : i1 to i32
      %cond3A_447 = arith.constant 0 : i32
      %cond3A_448 = arith.cmpi ne, %convert_element_type3A_446, %cond3A_447 : i32
      scf.if %cond3A_448 {
        %dma_wait3A_449 = arith.constant 0 : i32
        %dma_wait3A_450 = arith.constant 0 : i32
        %dma_wait3A_451 = tpu.memref_slice %arg3[%dma_wait3A_449, %dma_wait3A_450] : memref<2x327680xi32, #tpu.memory_space<hbm>> -> memref<2x128xi32, #tpu.memory_space<hbm>>
        %dma_wait3A_452 = arith.constant 0 : i32
        %dma_wait3A_453 = arith.constant 0 : i32
        %dma_wait3A_454 = tpu.memref_slice %arg3[%dma_wait3A_452, %dma_wait3A_453] : memref<2x327680xi32, #tpu.memory_space<hbm>> -> memref<2x128xi32, #tpu.memory_space<hbm>>
        tpu.wait_dma2 semaphore(%arg11 : memref<!tpu.dma_semaphore, #tpu.memory_space<semaphore_mem>>) src(%dma_wait3A_454 : memref<2x128xi32, #tpu.memory_space<hbm>>) dst(%arg7 : memref<2x128xi32, #tpu.memory_space<vmem>>)
        %dma_start3A_455 = arith.constant 0 : i32
        %dma_start3A_456 = arith.constant 0 : i32
        %dma_start3A_457 = tpu.memref_slice %arg7[%dma_start3A_455, %dma_start3A_456] : memref<2x128xi32, #tpu.memory_space<vmem>> -> memref<1x128xi32, #tpu.memory_space<vmem>>
        %dma_start3A_458 = tpu.memref_squeeze %dma_start3A_457 : memref<1x128xi32, #tpu.memory_space<vmem>> -> memref<128xi32, #tpu.memory_space<vmem>>
        %dma_start3A_459 = arith.constant 0 : i32
        %dma_start3A_460 = arith.constant 0 : i32
        %dma_start3A_461 = tpu.memref_slice %arg2[%dma_start3A_459, %dma_start3A_460] : memref<10240x128xf32, #tpu.memory_space<hbm>> -> memref<10240x128xf32, #tpu.memory_space<hbm>>
        tpu.enqueue_indirect_dma source(%dma_start3A_461 : memref<10240x128xf32, #tpu.memory_space<hbm>>) target(%arg15 : memref<128x128xf32, #tpu.memory_space<vmem>>) offsets(%dma_start3A_458 : memref<128xi32, #tpu.memory_space<vmem>>) semaphore(%arg17 : memref<!tpu.dma_semaphore, #tpu.memory_space<semaphore_mem>>)
      } else {
      }
    }
    %scan3A_188 = arith.constant 20 : i32
    %barrier3A_189 = arith.constant 0 : index
    tpu.barrier barrier_id(%barrier3A_189)
    %mul3A_190 = arith.constant 640 : i32
    %mul3A_191 = arith.muli %arg1, %mul3A_190 : i32
    %add3A_192 = arith.constant 0 : i32
    %add3A_193 = arith.addi %mul3A_191, %add3A_192 : i32
    "tpu.region"() ({
      %run_scoped3A = tpu.sem_alloc : memref<!tpu.dma_semaphore, #tpu.memory_space<semaphore_mem>>
      %dma_start3A_350 = arith.constant 0 : i32
      %dma_start3A_351 = arith.constant 0 : i32
      %dma_start3A_352 = tpu.memref_slice %arg14[%dma_start3A_350, %dma_start3A_351] : memref<128x128xf32, #tpu.memory_space<vmem>> -> memref<128x128xf32, #tpu.memory_space<vmem>>
      %dma_start3A_353 = arith.constant 0 : i32
      %dma_start3A_354 = tpu.memref_slice %arg18[%add3A_193, %dma_start3A_353] : memref<10240x128xf32, #tpu.memory_space<vmem_shared>> -> memref<128x128xf32, #tpu.memory_space<vmem_shared>>
      %dma_start3A_355 = arith.constant 0 : i32
      %dma_start3A_356 = arith.constant 0 : i32
      %dma_start3A_357 = tpu.memref_slice %arg14[%dma_start3A_355, %dma_start3A_356] : memref<128x128xf32, #tpu.memory_space<vmem>> -> memref<128x128xf32, #tpu.memory_space<vmem>>
      %dma_start3A_358 = arith.constant 0 : i32
      %dma_start3A_359 = tpu.memref_slice %arg18[%add3A_193, %dma_start3A_358] : memref<10240x128xf32, #tpu.memory_space<vmem_shared>> -> memref<128x128xf32, #tpu.memory_space<vmem_shared>>
      tpu.enqueue_dma source(%dma_start3A_359 : memref<128x128xf32, #tpu.memory_space<vmem_shared>>) target(%dma_start3A_357 : memref<128x128xf32, #tpu.memory_space<vmem>>) target_semaphore(%run_scoped3A : memref<!tpu.dma_semaphore, #tpu.memory_space<semaphore_mem>>)
      %dma_wait3A_360 = arith.constant 0 : i32
      %dma_wait3A_361 = arith.constant 0 : i32
      %dma_wait3A_362 = tpu.memref_slice %arg14[%dma_wait3A_360, %dma_wait3A_361] : memref<128x128xf32, #tpu.memory_space<vmem>> -> memref<128x128xf32, #tpu.memory_space<vmem>>
      %dma_wait3A_363 = arith.constant 0 : i32
      %dma_wait3A_364 = tpu.memref_slice %arg18[%add3A_193, %dma_wait3A_363] : memref<10240x128xf32, #tpu.memory_space<vmem_shared>> -> memref<128x128xf32, #tpu.memory_space<vmem_shared>>
      %dma_wait3A_365 = arith.constant 0 : i32
      %dma_wait3A_366 = arith.constant 0 : i32
      %dma_wait3A_367 = tpu.memref_slice %arg14[%dma_wait3A_365, %dma_wait3A_366] : memref<128x128xf32, #tpu.memory_space<vmem>> -> memref<128x128xf32, #tpu.memory_space<vmem>>
      %dma_wait3A_368 = arith.constant 0 : i32
      %dma_wait3A_369 = tpu.memref_slice %arg18[%add3A_193, %dma_wait3A_368] : memref<10240x128xf32, #tpu.memory_space<vmem_shared>> -> memref<128x128xf32, #tpu.memory_space<vmem_shared>>
      tpu.wait_dma2 semaphore(%run_scoped3A : memref<!tpu.dma_semaphore, #tpu.memory_space<semaphore_mem>>) src(%dma_wait3A_369 : memref<128x128xf32, #tpu.memory_space<vmem_shared>>) dst(%dma_wait3A_367 : memref<128x128xf32, #tpu.memory_space<vmem>>)
      tpu.yield
    }) : () -> ()
    %mul3A_194 = arith.constant 640 : i32
    %mul3A_195 = arith.muli %arg1, %mul3A_194 : i32
    %add3A_196 = arith.constant 0 : i32
    %add3A_197 = arith.addi %mul3A_195, %add3A_196 : i32
    %dma_start3A_198 = arith.constant 0 : i32
    %dma_start3A_199 = arith.constant 0 : i32
    %dma_start3A_200 = tpu.memref_slice %arg14[%dma_start3A_198, %dma_start3A_199] : memref<128x128xf32, #tpu.memory_space<vmem>> -> memref<128x128xf32, #tpu.memory_space<vmem>>
    %dma_start3A_201 = arith.constant 0 : i32
    %dma_start3A_202 = tpu.memref_slice %arg5[%arg0, %add3A_197, %dma_start3A_201] : memref<2x10240x128xf32, #tpu.memory_space<hbm>> -> memref<1x128x128xf32, #tpu.memory_space<hbm>>
    %dma_start3A_203 = tpu.memref_squeeze %dma_start3A_202 : memref<1x128x128xf32, #tpu.memory_space<hbm>> -> memref<128x128xf32, #tpu.memory_space<hbm>>
    %dma_start3A_204 = arith.constant 0 : i32
    %dma_start3A_205 = tpu.memref_slice %arg5[%arg0, %add3A_197, %dma_start3A_204] : memref<2x10240x128xf32, #tpu.memory_space<hbm>> -> memref<1x128x128xf32, #tpu.memory_space<hbm>>
    %dma_start3A_206 = tpu.memref_squeeze %dma_start3A_205 : memref<1x128x128xf32, #tpu.memory_space<hbm>> -> memref<128x128xf32, #tpu.memory_space<hbm>>
    %dma_start3A_207 = arith.constant 0 : i32
    %dma_start3A_208 = arith.constant 0 : i32
    %dma_start3A_209 = tpu.memref_slice %arg14[%dma_start3A_207, %dma_start3A_208] : memref<128x128xf32, #tpu.memory_space<vmem>> -> memref<128x128xf32, #tpu.memory_space<vmem>>
    tpu.enqueue_dma source(%dma_start3A_209 : memref<128x128xf32, #tpu.memory_space<vmem>>) target(%dma_start3A_206 : memref<128x128xf32, #tpu.memory_space<hbm>>) target_semaphore(%arg16 : memref<!tpu.dma_semaphore, #tpu.memory_space<semaphore_mem>>)
    %mul3A_210 = arith.constant 640 : i32
    %mul3A_211 = arith.muli %arg1, %mul3A_210 : i32
    %add3A_212 = arith.constant 128 : i32
    %add3A_213 = arith.addi %mul3A_211, %add3A_212 : i32
    "tpu.region"() ({
      %run_scoped3A = tpu.sem_alloc : memref<!tpu.dma_semaphore, #tpu.memory_space<semaphore_mem>>
      %dma_start3A_350 = arith.constant 0 : i32
      %dma_start3A_351 = arith.constant 0 : i32
      %dma_start3A_352 = tpu.memref_slice %arg15[%dma_start3A_350, %dma_start3A_351] : memref<128x128xf32, #tpu.memory_space<vmem>> -> memref<128x128xf32, #tpu.memory_space<vmem>>
      %dma_start3A_353 = arith.constant 0 : i32
      %dma_start3A_354 = tpu.memref_slice %arg18[%add3A_213, %dma_start3A_353] : memref<10240x128xf32, #tpu.memory_space<vmem_shared>> -> memref<128x128xf32, #tpu.memory_space<vmem_shared>>
      %dma_start3A_355 = arith.constant 0 : i32
      %dma_start3A_356 = arith.constant 0 : i32
      %dma_start3A_357 = tpu.memref_slice %arg15[%dma_start3A_355, %dma_start3A_356] : memref<128x128xf32, #tpu.memory_space<vmem>> -> memref<128x128xf32, #tpu.memory_space<vmem>>
      %dma_start3A_358 = arith.constant 0 : i32
      %dma_start3A_359 = tpu.memref_slice %arg18[%add3A_213, %dma_start3A_358] : memref<10240x128xf32, #tpu.memory_space<vmem_shared>> -> memref<128x128xf32, #tpu.memory_space<vmem_shared>>
      tpu.enqueue_dma source(%dma_start3A_359 : memref<128x128xf32, #tpu.memory_space<vmem_shared>>) target(%dma_start3A_357 : memref<128x128xf32, #tpu.memory_space<vmem>>) target_semaphore(%run_scoped3A : memref<!tpu.dma_semaphore, #tpu.memory_space<semaphore_mem>>)
      %dma_wait3A_360 = arith.constant 0 : i32
      %dma_wait3A_361 = arith.constant 0 : i32
      %dma_wait3A_362 = tpu.memref_slice %arg15[%dma_wait3A_360, %dma_wait3A_361] : memref<128x128xf32, #tpu.memory_space<vmem>> -> memref<128x128xf32, #tpu.memory_space<vmem>>
      %dma_wait3A_363 = arith.constant 0 : i32
      %dma_wait3A_364 = tpu.memref_slice %arg18[%add3A_213, %dma_wait3A_363] : memref<10240x128xf32, #tpu.memory_space<vmem_shared>> -> memref<128x128xf32, #tpu.memory_space<vmem_shared>>
      %dma_wait3A_365 = arith.constant 0 : i32
      %dma_wait3A_366 = arith.constant 0 : i32
      %dma_wait3A_367 = tpu.memref_slice %arg15[%dma_wait3A_365, %dma_wait3A_366] : memref<128x128xf32, #tpu.memory_space<vmem>> -> memref<128x128xf32, #tpu.memory_space<vmem>>
      %dma_wait3A_368 = arith.constant 0 : i32
      %dma_wait3A_369 = tpu.memref_slice %arg18[%add3A_213, %dma_wait3A_368] : memref<10240x128xf32, #tpu.memory_space<vmem_shared>> -> memref<128x128xf32, #tpu.memory_space<vmem_shared>>
      tpu.wait_dma2 semaphore(%run_scoped3A : memref<!tpu.dma_semaphore, #tpu.memory_space<semaphore_mem>>) src(%dma_wait3A_369 : memref<128x128xf32, #tpu.memory_space<vmem_shared>>) dst(%dma_wait3A_367 : memref<128x128xf32, #tpu.memory_space<vmem>>)
      tpu.yield
    }) : () -> ()
    %mul3A_214 = arith.constant 640 : i32
    %mul3A_215 = arith.muli %arg1, %mul3A_214 : i32
    %add3A_216 = arith.constant 128 : i32
    %add3A_217 = arith.addi %mul3A_215, %add3A_216 : i32
    %dma_start3A_218 = arith.constant 0 : i32
    %dma_start3A_219 = arith.constant 0 : i32
    %dma_start3A_220 = tpu.memref_slice %arg15[%dma_start3A_218, %dma_start3A_219] : memref<128x128xf32, #tpu.memory_space<vmem>> -> memref<128x128xf32, #tpu.memory_space<vmem>>
    %dma_start3A_221 = arith.constant 0 : i32
    %dma_start3A_222 = tpu.memref_slice %arg5[%arg0, %add3A_217, %dma_start3A_221] : memref<2x10240x128xf32, #tpu.memory_space<hbm>> -> memref<1x128x128xf32, #tpu.memory_space<hbm>>
    %dma_start3A_223 = tpu.memref_squeeze %dma_start3A_222 : memref<1x128x128xf32, #tpu.memory_space<hbm>> -> memref<128x128xf32, #tpu.memory_space<hbm>>
    %dma_start3A_224 = arith.constant 0 : i32
    %dma_start3A_225 = tpu.memref_slice %arg5[%arg0, %add3A_217, %dma_start3A_224] : memref<2x10240x128xf32, #tpu.memory_space<hbm>> -> memref<1x128x128xf32, #tpu.memory_space<hbm>>
    %dma_start3A_226 = tpu.memref_squeeze %dma_start3A_225 : memref<1x128x128xf32, #tpu.memory_space<hbm>> -> memref<128x128xf32, #tpu.memory_space<hbm>>
    %dma_start3A_227 = arith.constant 0 : i32
    %dma_start3A_228 = arith.constant 0 : i32
    %dma_start3A_229 = tpu.memref_slice %arg15[%dma_start3A_227, %dma_start3A_228] : memref<128x128xf32, #tpu.memory_space<vmem>> -> memref<128x128xf32, #tpu.memory_space<vmem>>
    tpu.enqueue_dma source(%dma_start3A_229 : memref<128x128xf32, #tpu.memory_space<vmem>>) target(%dma_start3A_226 : memref<128x128xf32, #tpu.memory_space<hbm>>) target_semaphore(%arg17 : memref<!tpu.dma_semaphore, #tpu.memory_space<semaphore_mem>>)
    %dma_wait3A_230 = arith.constant 0 : i32
    %dma_wait3A_231 = arith.constant 0 : i32
    %dma_wait3A_232 = tpu.memref_slice %arg14[%dma_wait3A_230, %dma_wait3A_231] : memref<128x128xf32, #tpu.memory_space<vmem>> -> memref<128x128xf32, #tpu.memory_space<vmem>>
    %dma_wait3A_233 = arith.constant 0 : i32
    %dma_wait3A_234 = arith.constant 0 : i32
    %dma_wait3A_235 = tpu.memref_slice %arg2[%dma_wait3A_233, %dma_wait3A_234] : memref<10240x128xf32, #tpu.memory_space<hbm>> -> memref<128x128xf32, #tpu.memory_space<hbm>>
    %dma_wait3A_236 = arith.constant 0 : i32
    %dma_wait3A_237 = arith.constant 0 : i32
    %dma_wait3A_238 = tpu.memref_slice %arg14[%dma_wait3A_236, %dma_wait3A_237] : memref<128x128xf32, #tpu.memory_space<vmem>> -> memref<128x128xf32, #tpu.memory_space<vmem>>
    %dma_wait3A_239 = arith.constant 0 : i32
    %dma_wait3A_240 = arith.constant 0 : i32
    %dma_wait3A_241 = tpu.memref_slice %arg2[%dma_wait3A_239, %dma_wait3A_240] : memref<10240x128xf32, #tpu.memory_space<hbm>> -> memref<128x128xf32, #tpu.memory_space<hbm>>
    tpu.wait_dma2 semaphore(%arg16 : memref<!tpu.dma_semaphore, #tpu.memory_space<semaphore_mem>>) src(%dma_wait3A_241 : memref<128x128xf32, #tpu.memory_space<hbm>>) dst(%dma_wait3A_238 : memref<128x128xf32, #tpu.memory_space<vmem>>)
    %mul3A_242 = arith.constant 640 : i32
    %mul3A_243 = arith.muli %arg1, %mul3A_242 : i32
    %add3A_244 = arith.constant 256 : i32
    %add3A_245 = arith.addi %mul3A_243, %add3A_244 : i32
    "tpu.region"() ({
      %run_scoped3A = tpu.sem_alloc : memref<!tpu.dma_semaphore, #tpu.memory_space<semaphore_mem>>
      %dma_start3A_350 = arith.constant 0 : i32
      %dma_start3A_351 = arith.constant 0 : i32
      %dma_start3A_352 = tpu.memref_slice %arg14[%dma_start3A_350, %dma_start3A_351] : memref<128x128xf32, #tpu.memory_space<vmem>> -> memref<128x128xf32, #tpu.memory_space<vmem>>
      %dma_start3A_353 = arith.constant 0 : i32
      %dma_start3A_354 = tpu.memref_slice %arg18[%add3A_245, %dma_start3A_353] : memref<10240x128xf32, #tpu.memory_space<vmem_shared>> -> memref<128x128xf32, #tpu.memory_space<vmem_shared>>
      %dma_start3A_355 = arith.constant 0 : i32
      %dma_start3A_356 = arith.constant 0 : i32
      %dma_start3A_357 = tpu.memref_slice %arg14[%dma_start3A_355, %dma_start3A_356] : memref<128x128xf32, #tpu.memory_space<vmem>> -> memref<128x128xf32, #tpu.memory_space<vmem>>
      %dma_start3A_358 = arith.constant 0 : i32
      %dma_start3A_359 = tpu.memref_slice %arg18[%add3A_245, %dma_start3A_358] : memref<10240x128xf32, #tpu.memory_space<vmem_shared>> -> memref<128x128xf32, #tpu.memory_space<vmem_shared>>
      tpu.enqueue_dma source(%dma_start3A_359 : memref<128x128xf32, #tpu.memory_space<vmem_shared>>) target(%dma_start3A_357 : memref<128x128xf32, #tpu.memory_space<vmem>>) target_semaphore(%run_scoped3A : memref<!tpu.dma_semaphore, #tpu.memory_space<semaphore_mem>>)
      %dma_wait3A_360 = arith.constant 0 : i32
      %dma_wait3A_361 = arith.constant 0 : i32
      %dma_wait3A_362 = tpu.memref_slice %arg14[%dma_wait3A_360, %dma_wait3A_361] : memref<128x128xf32, #tpu.memory_space<vmem>> -> memref<128x128xf32, #tpu.memory_space<vmem>>
      %dma_wait3A_363 = arith.constant 0 : i32
      %dma_wait3A_364 = tpu.memref_slice %arg18[%add3A_245, %dma_wait3A_363] : memref<10240x128xf32, #tpu.memory_space<vmem_shared>> -> memref<128x128xf32, #tpu.memory_space<vmem_shared>>
      %dma_wait3A_365 = arith.constant 0 : i32
      %dma_wait3A_366 = arith.constant 0 : i32
      %dma_wait3A_367 = tpu.memref_slice %arg14[%dma_wait3A_365, %dma_wait3A_366] : memref<128x128xf32, #tpu.memory_space<vmem>> -> memref<128x128xf32, #tpu.memory_space<vmem>>
      %dma_wait3A_368 = arith.constant 0 : i32
      %dma_wait3A_369 = tpu.memref_slice %arg18[%add3A_245, %dma_wait3A_368] : memref<10240x128xf32, #tpu.memory_space<vmem_shared>> -> memref<128x128xf32, #tpu.memory_space<vmem_shared>>
      tpu.wait_dma2 semaphore(%run_scoped3A : memref<!tpu.dma_semaphore, #tpu.memory_space<semaphore_mem>>) src(%dma_wait3A_369 : memref<128x128xf32, #tpu.memory_space<vmem_shared>>) dst(%dma_wait3A_367 : memref<128x128xf32, #tpu.memory_space<vmem>>)
      tpu.yield
    }) : () -> ()
    %mul3A_246 = arith.constant 640 : i32
    %mul3A_247 = arith.muli %arg1, %mul3A_246 : i32
    %add3A_248 = arith.constant 256 : i32
    %add3A_249 = arith.addi %mul3A_247, %add3A_248 : i32
    %dma_start3A_250 = arith.constant 0 : i32
    %dma_start3A_251 = arith.constant 0 : i32
    %dma_start3A_252 = tpu.memref_slice %arg14[%dma_start3A_250, %dma_start3A_251] : memref<128x128xf32, #tpu.memory_space<vmem>> -> memref<128x128xf32, #tpu.memory_space<vmem>>
    %dma_start3A_253 = arith.constant 0 : i32
    %dma_start3A_254 = tpu.memref_slice %arg5[%arg0, %add3A_249, %dma_start3A_253] : memref<2x10240x128xf32, #tpu.memory_space<hbm>> -> memref<1x128x128xf32, #tpu.memory_space<hbm>>
    %dma_start3A_255 = tpu.memref_squeeze %dma_start3A_254 : memref<1x128x128xf32, #tpu.memory_space<hbm>> -> memref<128x128xf32, #tpu.memory_space<hbm>>
    %dma_start3A_256 = arith.constant 0 : i32
    %dma_start3A_257 = tpu.memref_slice %arg5[%arg0, %add3A_249, %dma_start3A_256] : memref<2x10240x128xf32, #tpu.memory_space<hbm>> -> memref<1x128x128xf32, #tpu.memory_space<hbm>>
    %dma_start3A_258 = tpu.memref_squeeze %dma_start3A_257 : memref<1x128x128xf32, #tpu.memory_space<hbm>> -> memref<128x128xf32, #tpu.memory_space<hbm>>
    %dma_start3A_259 = arith.constant 0 : i32
    %dma_start3A_260 = arith.constant 0 : i32
    %dma_start3A_261 = tpu.memref_slice %arg14[%dma_start3A_259, %dma_start3A_260] : memref<128x128xf32, #tpu.memory_space<vmem>> -> memref<128x128xf32, #tpu.memory_space<vmem>>
    tpu.enqueue_dma source(%dma_start3A_261 : memref<128x128xf32, #tpu.memory_space<vmem>>) target(%dma_start3A_258 : memref<128x128xf32, #tpu.memory_space<hbm>>) target_semaphore(%arg16 : memref<!tpu.dma_semaphore, #tpu.memory_space<semaphore_mem>>)
    %dma_wait3A_262 = arith.constant 0 : i32
    %dma_wait3A_263 = arith.constant 0 : i32
    %dma_wait3A_264 = tpu.memref_slice %arg15[%dma_wait3A_262, %dma_wait3A_263] : memref<128x128xf32, #tpu.memory_space<vmem>> -> memref<128x128xf32, #tpu.memory_space<vmem>>
    %dma_wait3A_265 = arith.constant 0 : i32
    %dma_wait3A_266 = arith.constant 0 : i32
    %dma_wait3A_267 = tpu.memref_slice %arg2[%dma_wait3A_265, %dma_wait3A_266] : memref<10240x128xf32, #tpu.memory_space<hbm>> -> memref<128x128xf32, #tpu.memory_space<hbm>>
    %dma_wait3A_268 = arith.constant 0 : i32
    %dma_wait3A_269 = arith.constant 0 : i32
    %dma_wait3A_270 = tpu.memref_slice %arg15[%dma_wait3A_268, %dma_wait3A_269] : memref<128x128xf32, #tpu.memory_space<vmem>> -> memref<128x128xf32, #tpu.memory_space<vmem>>
    %dma_wait3A_271 = arith.constant 0 : i32
    %dma_wait3A_272 = arith.constant 0 : i32
    %dma_wait3A_273 = tpu.memref_slice %arg2[%dma_wait3A_271, %dma_wait3A_272] : memref<10240x128xf32, #tpu.memory_space<hbm>> -> memref<128x128xf32, #tpu.memory_space<hbm>>
    tpu.wait_dma2 semaphore(%arg17 : memref<!tpu.dma_semaphore, #tpu.memory_space<semaphore_mem>>) src(%dma_wait3A_273 : memref<128x128xf32, #tpu.memory_space<hbm>>) dst(%dma_wait3A_270 : memref<128x128xf32, #tpu.memory_space<vmem>>)
    %mul3A_274 = arith.constant 640 : i32
    %mul3A_275 = arith.muli %arg1, %mul3A_274 : i32
    %add3A_276 = arith.constant 384 : i32
    %add3A_277 = arith.addi %mul3A_275, %add3A_276 : i32
    "tpu.region"() ({
      %run_scoped3A = tpu.sem_alloc : memref<!tpu.dma_semaphore, #tpu.memory_space<semaphore_mem>>
      %dma_start3A_350 = arith.constant 0 : i32
      %dma_start3A_351 = arith.constant 0 : i32
      %dma_start3A_352 = tpu.memref_slice %arg15[%dma_start3A_350, %dma_start3A_351] : memref<128x128xf32, #tpu.memory_space<vmem>> -> memref<128x128xf32, #tpu.memory_space<vmem>>
      %dma_start3A_353 = arith.constant 0 : i32
      %dma_start3A_354 = tpu.memref_slice %arg18[%add3A_277, %dma_start3A_353] : memref<10240x128xf32, #tpu.memory_space<vmem_shared>> -> memref<128x128xf32, #tpu.memory_space<vmem_shared>>
      %dma_start3A_355 = arith.constant 0 : i32
      %dma_start3A_356 = arith.constant 0 : i32
      %dma_start3A_357 = tpu.memref_slice %arg15[%dma_start3A_355, %dma_start3A_356] : memref<128x128xf32, #tpu.memory_space<vmem>> -> memref<128x128xf32, #tpu.memory_space<vmem>>
      %dma_start3A_358 = arith.constant 0 : i32
      %dma_start3A_359 = tpu.memref_slice %arg18[%add3A_277, %dma_start3A_358] : memref<10240x128xf32, #tpu.memory_space<vmem_shared>> -> memref<128x128xf32, #tpu.memory_space<vmem_shared>>
      tpu.enqueue_dma source(%dma_start3A_359 : memref<128x128xf32, #tpu.memory_space<vmem_shared>>) target(%dma_start3A_357 : memref<128x128xf32, #tpu.memory_space<vmem>>) target_semaphore(%run_scoped3A : memref<!tpu.dma_semaphore, #tpu.memory_space<semaphore_mem>>)
      %dma_wait3A_360 = arith.constant 0 : i32
      %dma_wait3A_361 = arith.constant 0 : i32
      %dma_wait3A_362 = tpu.memref_slice %arg15[%dma_wait3A_360, %dma_wait3A_361] : memref<128x128xf32, #tpu.memory_space<vmem>> -> memref<128x128xf32, #tpu.memory_space<vmem>>
      %dma_wait3A_363 = arith.constant 0 : i32
      %dma_wait3A_364 = tpu.memref_slice %arg18[%add3A_277, %dma_wait3A_363] : memref<10240x128xf32, #tpu.memory_space<vmem_shared>> -> memref<128x128xf32, #tpu.memory_space<vmem_shared>>
      %dma_wait3A_365 = arith.constant 0 : i32
      %dma_wait3A_366 = arith.constant 0 : i32
      %dma_wait3A_367 = tpu.memref_slice %arg15[%dma_wait3A_365, %dma_wait3A_366] : memref<128x128xf32, #tpu.memory_space<vmem>> -> memref<128x128xf32, #tpu.memory_space<vmem>>
      %dma_wait3A_368 = arith.constant 0 : i32
      %dma_wait3A_369 = tpu.memref_slice %arg18[%add3A_277, %dma_wait3A_368] : memref<10240x128xf32, #tpu.memory_space<vmem_shared>> -> memref<128x128xf32, #tpu.memory_space<vmem_shared>>
      tpu.wait_dma2 semaphore(%run_scoped3A : memref<!tpu.dma_semaphore, #tpu.memory_space<semaphore_mem>>) src(%dma_wait3A_369 : memref<128x128xf32, #tpu.memory_space<vmem_shared>>) dst(%dma_wait3A_367 : memref<128x128xf32, #tpu.memory_space<vmem>>)
      tpu.yield
    }) : () -> ()
    %mul3A_278 = arith.constant 640 : i32
    %mul3A_279 = arith.muli %arg1, %mul3A_278 : i32
    %add3A_280 = arith.constant 384 : i32
    %add3A_281 = arith.addi %mul3A_279, %add3A_280 : i32
    %dma_start3A_282 = arith.constant 0 : i32
    %dma_start3A_283 = arith.constant 0 : i32
    %dma_start3A_284 = tpu.memref_slice %arg15[%dma_start3A_282, %dma_start3A_283] : memref<128x128xf32, #tpu.memory_space<vmem>> -> memref<128x128xf32, #tpu.memory_space<vmem>>
    %dma_start3A_285 = arith.constant 0 : i32
    %dma_start3A_286 = tpu.memref_slice %arg5[%arg0, %add3A_281, %dma_start3A_285] : memref<2x10240x128xf32, #tpu.memory_space<hbm>> -> memref<1x128x128xf32, #tpu.memory_space<hbm>>
    %dma_start3A_287 = tpu.memref_squeeze %dma_start3A_286 : memref<1x128x128xf32, #tpu.memory_space<hbm>> -> memref<128x128xf32, #tpu.memory_space<hbm>>
    %dma_start3A_288 = arith.constant 0 : i32
    %dma_start3A_289 = tpu.memref_slice %arg5[%arg0, %add3A_281, %dma_start3A_288] : memref<2x10240x128xf32, #tpu.memory_space<hbm>> -> memref<1x128x128xf32, #tpu.memory_space<hbm>>
    %dma_start3A_290 = tpu.memref_squeeze %dma_start3A_289 : memref<1x128x128xf32, #tpu.memory_space<hbm>> -> memref<128x128xf32, #tpu.memory_space<hbm>>
    %dma_start3A_291 = arith.constant 0 : i32
    %dma_start3A_292 = arith.constant 0 : i32
    %dma_start3A_293 = tpu.memref_slice %arg15[%dma_start3A_291, %dma_start3A_292] : memref<128x128xf32, #tpu.memory_space<vmem>> -> memref<128x128xf32, #tpu.memory_space<vmem>>
    tpu.enqueue_dma source(%dma_start3A_293 : memref<128x128xf32, #tpu.memory_space<vmem>>) target(%dma_start3A_290 : memref<128x128xf32, #tpu.memory_space<hbm>>) target_semaphore(%arg17 : memref<!tpu.dma_semaphore, #tpu.memory_space<semaphore_mem>>)
    %dma_wait3A_294 = arith.constant 0 : i32
    %dma_wait3A_295 = arith.constant 0 : i32
    %dma_wait3A_296 = tpu.memref_slice %arg14[%dma_wait3A_294, %dma_wait3A_295] : memref<128x128xf32, #tpu.memory_space<vmem>> -> memref<128x128xf32, #tpu.memory_space<vmem>>
    %dma_wait3A_297 = arith.constant 0 : i32
    %dma_wait3A_298 = arith.constant 0 : i32
    %dma_wait3A_299 = tpu.memref_slice %arg2[%dma_wait3A_297, %dma_wait3A_298] : memref<10240x128xf32, #tpu.memory_space<hbm>> -> memref<128x128xf32, #tpu.memory_space<hbm>>
    %dma_wait3A_300 = arith.constant 0 : i32
    %dma_wait3A_301 = arith.constant 0 : i32
    %dma_wait3A_302 = tpu.memref_slice %arg14[%dma_wait3A_300, %dma_wait3A_301] : memref<128x128xf32, #tpu.memory_space<vmem>> -> memref<128x128xf32, #tpu.memory_space<vmem>>
    %dma_wait3A_303 = arith.constant 0 : i32
    %dma_wait3A_304 = arith.constant 0 : i32
    %dma_wait3A_305 = tpu.memref_slice %arg2[%dma_wait3A_303, %dma_wait3A_304] : memref<10240x128xf32, #tpu.memory_space<hbm>> -> memref<128x128xf32, #tpu.memory_space<hbm>>
    tpu.wait_dma2 semaphore(%arg16 : memref<!tpu.dma_semaphore, #tpu.memory_space<semaphore_mem>>) src(%dma_wait3A_305 : memref<128x128xf32, #tpu.memory_space<hbm>>) dst(%dma_wait3A_302 : memref<128x128xf32, #tpu.memory_space<vmem>>)
    %mul3A_306 = arith.constant 640 : i32
    %mul3A_307 = arith.muli %arg1, %mul3A_306 : i32
    %add3A_308 = arith.constant 512 : i32
    %add3A_309 = arith.addi %mul3A_307, %add3A_308 : i32
    "tpu.region"() ({
      %run_scoped3A = tpu.sem_alloc : memref<!tpu.dma_semaphore, #tpu.memory_space<semaphore_mem>>
      %dma_start3A_350 = arith.constant 0 : i32
      %dma_start3A_351 = arith.constant 0 : i32
      %dma_start3A_352 = tpu.memref_slice %arg14[%dma_start3A_350, %dma_start3A_351] : memref<128x128xf32, #tpu.memory_space<vmem>> -> memref<128x128xf32, #tpu.memory_space<vmem>>
      %dma_start3A_353 = arith.constant 0 : i32
      %dma_start3A_354 = tpu.memref_slice %arg18[%add3A_309, %dma_start3A_353] : memref<10240x128xf32, #tpu.memory_space<vmem_shared>> -> memref<128x128xf32, #tpu.memory_space<vmem_shared>>
      %dma_start3A_355 = arith.constant 0 : i32
      %dma_start3A_356 = arith.constant 0 : i32
      %dma_start3A_357 = tpu.memref_slice %arg14[%dma_start3A_355, %dma_start3A_356] : memref<128x128xf32, #tpu.memory_space<vmem>> -> memref<128x128xf32, #tpu.memory_space<vmem>>
      %dma_start3A_358 = arith.constant 0 : i32
      %dma_start3A_359 = tpu.memref_slice %arg18[%add3A_309, %dma_start3A_358] : memref<10240x128xf32, #tpu.memory_space<vmem_shared>> -> memref<128x128xf32, #tpu.memory_space<vmem_shared>>
      tpu.enqueue_dma source(%dma_start3A_359 : memref<128x128xf32, #tpu.memory_space<vmem_shared>>) target(%dma_start3A_357 : memref<128x128xf32, #tpu.memory_space<vmem>>) target_semaphore(%run_scoped3A : memref<!tpu.dma_semaphore, #tpu.memory_space<semaphore_mem>>)
      %dma_wait3A_360 = arith.constant 0 : i32
      %dma_wait3A_361 = arith.constant 0 : i32
      %dma_wait3A_362 = tpu.memref_slice %arg14[%dma_wait3A_360, %dma_wait3A_361] : memref<128x128xf32, #tpu.memory_space<vmem>> -> memref<128x128xf32, #tpu.memory_space<vmem>>
      %dma_wait3A_363 = arith.constant 0 : i32
      %dma_wait3A_364 = tpu.memref_slice %arg18[%add3A_309, %dma_wait3A_363] : memref<10240x128xf32, #tpu.memory_space<vmem_shared>> -> memref<128x128xf32, #tpu.memory_space<vmem_shared>>
      %dma_wait3A_365 = arith.constant 0 : i32
      %dma_wait3A_366 = arith.constant 0 : i32
      %dma_wait3A_367 = tpu.memref_slice %arg14[%dma_wait3A_365, %dma_wait3A_366] : memref<128x128xf32, #tpu.memory_space<vmem>> -> memref<128x128xf32, #tpu.memory_space<vmem>>
      %dma_wait3A_368 = arith.constant 0 : i32
      %dma_wait3A_369 = tpu.memref_slice %arg18[%add3A_309, %dma_wait3A_368] : memref<10240x128xf32, #tpu.memory_space<vmem_shared>> -> memref<128x128xf32, #tpu.memory_space<vmem_shared>>
      tpu.wait_dma2 semaphore(%run_scoped3A : memref<!tpu.dma_semaphore, #tpu.memory_space<semaphore_mem>>) src(%dma_wait3A_369 : memref<128x128xf32, #tpu.memory_space<vmem_shared>>) dst(%dma_wait3A_367 : memref<128x128xf32, #tpu.memory_space<vmem>>)
      tpu.yield
    }) : () -> ()
    %mul3A_310 = arith.constant 640 : i32
    %mul3A_311 = arith.muli %arg1, %mul3A_310 : i32
    %add3A_312 = arith.constant 512 : i32
    %add3A_313 = arith.addi %mul3A_311, %add3A_312 : i32
    %dma_start3A_314 = arith.constant 0 : i32
    %dma_start3A_315 = arith.constant 0 : i32
    %dma_start3A_316 = tpu.memref_slice %arg14[%dma_start3A_314, %dma_start3A_315] : memref<128x128xf32, #tpu.memory_space<vmem>> -> memref<128x128xf32, #tpu.memory_space<vmem>>
    %dma_start3A_317 = arith.constant 0 : i32
    %dma_start3A_318 = tpu.memref_slice %arg5[%arg0, %add3A_313, %dma_start3A_317] : memref<2x10240x128xf32, #tpu.memory_space<hbm>> -> memref<1x128x128xf32, #tpu.memory_space<hbm>>
    %dma_start3A_319 = tpu.memref_squeeze %dma_start3A_318 : memref<1x128x128xf32, #tpu.memory_space<hbm>> -> memref<128x128xf32, #tpu.memory_space<hbm>>
    %dma_start3A_320 = arith.constant 0 : i32
    %dma_start3A_321 = tpu.memref_slice %arg5[%arg0, %add3A_313, %dma_start3A_320] : memref<2x10240x128xf32, #tpu.memory_space<hbm>> -> memref<1x128x128xf32, #tpu.memory_space<hbm>>
    %dma_start3A_322 = tpu.memref_squeeze %dma_start3A_321 : memref<1x128x128xf32, #tpu.memory_space<hbm>> -> memref<128x128xf32, #tpu.memory_space<hbm>>
    %dma_start3A_323 = arith.constant 0 : i32
    %dma_start3A_324 = arith.constant 0 : i32
    %dma_start3A_325 = tpu.memref_slice %arg14[%dma_start3A_323, %dma_start3A_324] : memref<128x128xf32, #tpu.memory_space<vmem>> -> memref<128x128xf32, #tpu.memory_space<vmem>>
    tpu.enqueue_dma source(%dma_start3A_325 : memref<128x128xf32, #tpu.memory_space<vmem>>) target(%dma_start3A_322 : memref<128x128xf32, #tpu.memory_space<hbm>>) target_semaphore(%arg16 : memref<!tpu.dma_semaphore, #tpu.memory_space<semaphore_mem>>)
    %dma_wait3A_326 = arith.constant 0 : i32
    %dma_wait3A_327 = arith.constant 0 : i32
    %dma_wait3A_328 = tpu.memref_slice %arg15[%dma_wait3A_326, %dma_wait3A_327] : memref<128x128xf32, #tpu.memory_space<vmem>> -> memref<128x128xf32, #tpu.memory_space<vmem>>
    %dma_wait3A_329 = arith.constant 0 : i32
    %dma_wait3A_330 = arith.constant 0 : i32
    %dma_wait3A_331 = tpu.memref_slice %arg2[%dma_wait3A_329, %dma_wait3A_330] : memref<10240x128xf32, #tpu.memory_space<hbm>> -> memref<128x128xf32, #tpu.memory_space<hbm>>
    %dma_wait3A_332 = arith.constant 0 : i32
    %dma_wait3A_333 = arith.constant 0 : i32
    %dma_wait3A_334 = tpu.memref_slice %arg15[%dma_wait3A_332, %dma_wait3A_333] : memref<128x128xf32, #tpu.memory_space<vmem>> -> memref<128x128xf32, #tpu.memory_space<vmem>>
    %dma_wait3A_335 = arith.constant 0 : i32
    %dma_wait3A_336 = arith.constant 0 : i32
    %dma_wait3A_337 = tpu.memref_slice %arg2[%dma_wait3A_335, %dma_wait3A_336] : memref<10240x128xf32, #tpu.memory_space<hbm>> -> memref<128x128xf32, #tpu.memory_space<hbm>>
    tpu.wait_dma2 semaphore(%arg17 : memref<!tpu.dma_semaphore, #tpu.memory_space<semaphore_mem>>) src(%dma_wait3A_337 : memref<128x128xf32, #tpu.memory_space<hbm>>) dst(%dma_wait3A_334 : memref<128x128xf32, #tpu.memory_space<vmem>>)
    %dma_wait3A_338 = arith.constant 0 : i32
    %dma_wait3A_339 = arith.constant 0 : i32
    %dma_wait3A_340 = tpu.memref_slice %arg14[%dma_wait3A_338, %dma_wait3A_339] : memref<128x128xf32, #tpu.memory_space<vmem>> -> memref<128x128xf32, #tpu.memory_space<vmem>>
    %dma_wait3A_341 = arith.constant 0 : i32
    %dma_wait3A_342 = arith.constant 0 : i32
    %dma_wait3A_343 = tpu.memref_slice %arg2[%dma_wait3A_341, %dma_wait3A_342] : memref<10240x128xf32, #tpu.memory_space<hbm>> -> memref<128x128xf32, #tpu.memory_space<hbm>>
    %dma_wait3A_344 = arith.constant 0 : i32
    %dma_wait3A_345 = arith.constant 0 : i32
    %dma_wait3A_346 = tpu.memref_slice %arg14[%dma_wait3A_344, %dma_wait3A_345] : memref<128x128xf32, #tpu.memory_space<vmem>> -> memref<128x128xf32, #tpu.memory_space<vmem>>
    %dma_wait3A_347 = arith.constant 0 : i32
    %dma_wait3A_348 = arith.constant 0 : i32
    %dma_wait3A_349 = tpu.memref_slice %arg2[%dma_wait3A_347, %dma_wait3A_348] : memref<10240x128xf32, #tpu.memory_space<hbm>> -> memref<128x128xf32, #tpu.memory_space<hbm>>
    tpu.wait_dma2 semaphore(%arg16 : memref<!tpu.dma_semaphore, #tpu.memory_space<semaphore_mem>>) src(%dma_wait3A_349 : memref<128x128xf32, #tpu.memory_space<hbm>>) dst(%dma_wait3A_346 : memref<128x128xf32, #tpu.memory_space<vmem>>)
    return
  }
}

#map = affine_map<(d0, d1) -> (0, 0)>
#map1 = affine_map<(d0, d1) -> (0)>
module attributes {stable_mosaic.version = 14 : i64} {
  func.func @_deg_kernel(%arg0: i32, %arg1: i32, %arg2: memref<2x327680xi32, #tpu.memory_space<hbm>>, %arg3: memref<128xf32, #tpu.memory_space<hbm>>, %arg4: memref<10240xf32, #tpu.memory_space<hbm>>, %arg5: memref<20480xf32, #tpu.memory_space<hbm>>, %arg6: memref<2x128xi32, #tpu.memory_space<vmem>>, %arg7: memref<2x128xi32, #tpu.memory_space<vmem>>, %arg8: memref<2x128xi32, #tpu.memory_space<vmem>>, %arg9: memref<2x128xi32, #tpu.memory_space<vmem>>, %arg10: memref<!tpu.dma_semaphore, #tpu.memory_space<semaphore_mem>>, %arg11: memref<!tpu.dma_semaphore, #tpu.memory_space<semaphore_mem>>, %arg12: memref<!tpu.dma_semaphore, #tpu.memory_space<semaphore_mem>>, %arg13: memref<!tpu.dma_semaphore, #tpu.memory_space<semaphore_mem>>, %arg14: memref<128xf32, #tpu.memory_space<vmem>>, %arg15: memref<640xf32, #tpu.memory_space<vmem>>, %arg16: memref<10240xf32, #tpu.memory_space<vmem_shared>>) attributes {dimension_semantics = [#tpu.dimension_semantics<core_parallel>, #tpu.dimension_semantics<subcore_parallel>], iteration_bounds = array<i64: 2, 16>, scalar_prefetch = 0 : i64, scratch_operands = 11 : i64, tpu.core_type = #tpu.core_type<sc_vector_subcore>, window_params = [{transform_indices = #map}, {transform_indices = #map1}, {transform_indices = #map1}, {transform_indices = #map1}]} {
    %mul3A = arith.constant 16 : i32
    %mul3A_0 = arith.muli %arg0, %mul3A : i32
    %add3A = arith.addi %mul3A_0, %arg1 : i32
    %mul3A_1 = arith.constant 640 : i32
    %mul3A_2 = arith.muli %arg1, %mul3A_1 : i32
    "tpu.region"() ({
      %run_scoped3A = tpu.sem_alloc : memref<!tpu.dma_semaphore, #tpu.memory_space<semaphore_mem>>
      %dma_start3A_45 = tpu.memref_slice %arg4[%mul3A_2] : memref<10240xf32, #tpu.memory_space<hbm>> -> memref<640xf32, #tpu.memory_space<hbm>>
      %dma_start3A_46 = tpu.memref_slice %arg4[%mul3A_2] : memref<10240xf32, #tpu.memory_space<hbm>> -> memref<640xf32, #tpu.memory_space<hbm>>
      tpu.enqueue_dma source(%dma_start3A_46 : memref<640xf32, #tpu.memory_space<hbm>>) target(%arg15 : memref<640xf32, #tpu.memory_space<vmem>>) target_semaphore(%run_scoped3A : memref<!tpu.dma_semaphore, #tpu.memory_space<semaphore_mem>>)
      %dma_wait3A = tpu.memref_slice %arg4[%mul3A_2] : memref<10240xf32, #tpu.memory_space<hbm>> -> memref<640xf32, #tpu.memory_space<hbm>>
      %dma_wait3A_47 = tpu.memref_slice %arg4[%mul3A_2] : memref<10240xf32, #tpu.memory_space<hbm>> -> memref<640xf32, #tpu.memory_space<hbm>>
      tpu.wait_dma2 semaphore(%run_scoped3A : memref<!tpu.dma_semaphore, #tpu.memory_space<semaphore_mem>>) src(%dma_wait3A_47 : memref<640xf32, #tpu.memory_space<hbm>>) dst(%arg15 : memref<640xf32, #tpu.memory_space<vmem>>)
      tpu.yield
    }) : () -> ()
    "tpu.region"() ({
      %run_scoped3A = tpu.sem_alloc : memref<!tpu.dma_semaphore, #tpu.memory_space<semaphore_mem>>
      %dma_start3A_45 = tpu.memref_slice %arg16[%mul3A_2] : memref<10240xf32, #tpu.memory_space<vmem_shared>> -> memref<640xf32, #tpu.memory_space<vmem_shared>>
      %dma_start3A_46 = tpu.memref_slice %arg16[%mul3A_2] : memref<10240xf32, #tpu.memory_space<vmem_shared>> -> memref<640xf32, #tpu.memory_space<vmem_shared>>
      tpu.enqueue_dma source(%arg15 : memref<640xf32, #tpu.memory_space<vmem>>) target(%dma_start3A_46 : memref<640xf32, #tpu.memory_space<vmem_shared>>) target_semaphore(%run_scoped3A : memref<!tpu.dma_semaphore, #tpu.memory_space<semaphore_mem>>)
      %dma_wait3A = tpu.memref_slice %arg16[%mul3A_2] : memref<10240xf32, #tpu.memory_space<vmem_shared>> -> memref<640xf32, #tpu.memory_space<vmem_shared>>
      %dma_wait3A_47 = tpu.memref_slice %arg16[%mul3A_2] : memref<10240xf32, #tpu.memory_space<vmem_shared>> -> memref<640xf32, #tpu.memory_space<vmem_shared>>
      tpu.wait_dma2 semaphore(%run_scoped3A : memref<!tpu.dma_semaphore, #tpu.memory_space<semaphore_mem>>) src(%arg15 : memref<640xf32, #tpu.memory_space<vmem>>) dst(%dma_wait3A_47 : memref<640xf32, #tpu.memory_space<vmem_shared>>)
      tpu.yield
    }) : () -> ()
    "tpu.region"() ({
      %run_scoped3A = tpu.sem_alloc : memref<!tpu.dma_semaphore, #tpu.memory_space<semaphore_mem>>
      %dma_start3A_45 = arith.constant 0 : i32
      %dma_start3A_46 = tpu.memref_slice %arg3[%dma_start3A_45] : memref<128xf32, #tpu.memory_space<hbm>> -> memref<128xf32, #tpu.memory_space<hbm>>
      %dma_start3A_47 = arith.constant 0 : i32
      %dma_start3A_48 = tpu.memref_slice %arg3[%dma_start3A_47] : memref<128xf32, #tpu.memory_space<hbm>> -> memref<128xf32, #tpu.memory_space<hbm>>
      tpu.enqueue_dma source(%dma_start3A_48 : memref<128xf32, #tpu.memory_space<hbm>>) target(%arg14 : memref<128xf32, #tpu.memory_space<vmem>>) target_semaphore(%run_scoped3A : memref<!tpu.dma_semaphore, #tpu.memory_space<semaphore_mem>>)
      %dma_wait3A = arith.constant 0 : i32
      %dma_wait3A_49 = tpu.memref_slice %arg3[%dma_wait3A] : memref<128xf32, #tpu.memory_space<hbm>> -> memref<128xf32, #tpu.memory_space<hbm>>
      %dma_wait3A_50 = arith.constant 0 : i32
      %dma_wait3A_51 = tpu.memref_slice %arg3[%dma_wait3A_50] : memref<128xf32, #tpu.memory_space<hbm>> -> memref<128xf32, #tpu.memory_space<hbm>>
      tpu.wait_dma2 semaphore(%run_scoped3A : memref<!tpu.dma_semaphore, #tpu.memory_space<semaphore_mem>>) src(%dma_wait3A_51 : memref<128xf32, #tpu.memory_space<hbm>>) dst(%arg14 : memref<128xf32, #tpu.memory_space<vmem>>)
      tpu.yield
    }) : () -> ()
    %barrier3A = arith.constant 0 : index
    tpu.barrier barrier_id(%barrier3A)
    %mul3A_3 = arith.constant 10240 : i32
    %mul3A_4 = arith.muli %add3A, %mul3A_3 : i32
    %add3A_5 = arith.constant 0 : i32
    %add3A_6 = arith.addi %mul3A_4, %add3A_5 : i32
    %dma_start3A = arith.constant 0 : i32
    %dma_start3A_7 = tpu.memref_slice %arg2[%dma_start3A, %add3A_6] : memref<2x327680xi32, #tpu.memory_space<hbm>> -> memref<2x128xi32, #tpu.memory_space<hbm>>
    %dma_start3A_8 = arith.constant 0 : i32
    %dma_start3A_9 = tpu.memref_slice %arg2[%dma_start3A_8, %add3A_6] : memref<2x327680xi32, #tpu.memory_space<hbm>> -> memref<2x128xi32, #tpu.memory_space<hbm>>
    tpu.enqueue_dma source(%dma_start3A_9 : memref<2x128xi32, #tpu.memory_space<hbm>>) target(%arg6 : memref<2x128xi32, #tpu.memory_space<vmem>>) target_semaphore(%arg10 : memref<!tpu.dma_semaphore, #tpu.memory_space<semaphore_mem>>)
    %mul3A_10 = arith.constant 10240 : i32
    %mul3A_11 = arith.muli %add3A, %mul3A_10 : i32
    %add3A_12 = arith.constant 128 : i32
    %add3A_13 = arith.addi %mul3A_11, %add3A_12 : i32
    %dma_start3A_14 = arith.constant 0 : i32
    %dma_start3A_15 = tpu.memref_slice %arg2[%dma_start3A_14, %add3A_13] : memref<2x327680xi32, #tpu.memory_space<hbm>> -> memref<2x128xi32, #tpu.memory_space<hbm>>
    %dma_start3A_16 = arith.constant 0 : i32
    %dma_start3A_17 = tpu.memref_slice %arg2[%dma_start3A_16, %add3A_13] : memref<2x327680xi32, #tpu.memory_space<hbm>> -> memref<2x128xi32, #tpu.memory_space<hbm>>
    tpu.enqueue_dma source(%dma_start3A_17 : memref<2x128xi32, #tpu.memory_space<hbm>>) target(%arg7 : memref<2x128xi32, #tpu.memory_space<vmem>>) target_semaphore(%arg11 : memref<!tpu.dma_semaphore, #tpu.memory_space<semaphore_mem>>)
    %mul3A_18 = arith.constant 10240 : i32
    %mul3A_19 = arith.muli %add3A, %mul3A_18 : i32
    %add3A_20 = arith.constant 256 : i32
    %add3A_21 = arith.addi %mul3A_19, %add3A_20 : i32
    %dma_start3A_22 = arith.constant 0 : i32
    %dma_start3A_23 = tpu.memref_slice %arg2[%dma_start3A_22, %add3A_21] : memref<2x327680xi32, #tpu.memory_space<hbm>> -> memref<2x128xi32, #tpu.memory_space<hbm>>
    %dma_start3A_24 = arith.constant 0 : i32
    %dma_start3A_25 = tpu.memref_slice %arg2[%dma_start3A_24, %add3A_21] : memref<2x327680xi32, #tpu.memory_space<hbm>> -> memref<2x128xi32, #tpu.memory_space<hbm>>
    tpu.enqueue_dma source(%dma_start3A_25 : memref<2x128xi32, #tpu.memory_space<hbm>>) target(%arg8 : memref<2x128xi32, #tpu.memory_space<vmem>>) target_semaphore(%arg12 : memref<!tpu.dma_semaphore, #tpu.memory_space<semaphore_mem>>)
    %mul3A_26 = arith.constant 10240 : i32
    %mul3A_27 = arith.muli %add3A, %mul3A_26 : i32
    %add3A_28 = arith.constant 384 : i32
    %add3A_29 = arith.addi %mul3A_27, %add3A_28 : i32
    %dma_start3A_30 = arith.constant 0 : i32
    %dma_start3A_31 = tpu.memref_slice %arg2[%dma_start3A_30, %add3A_29] : memref<2x327680xi32, #tpu.memory_space<hbm>> -> memref<2x128xi32, #tpu.memory_space<hbm>>
    %dma_start3A_32 = arith.constant 0 : i32
    %dma_start3A_33 = tpu.memref_slice %arg2[%dma_start3A_32, %add3A_29] : memref<2x327680xi32, #tpu.memory_space<hbm>> -> memref<2x128xi32, #tpu.memory_space<hbm>>
    tpu.enqueue_dma source(%dma_start3A_33 : memref<2x128xi32, #tpu.memory_space<hbm>>) target(%arg9 : memref<2x128xi32, #tpu.memory_space<vmem>>) target_semaphore(%arg13 : memref<!tpu.dma_semaphore, #tpu.memory_space<semaphore_mem>>)
    %scan3A = arith.constant 0 : i32
    %scan3A_34 = arith.constant 0 : i32
    %scan3A_35 = arith.constant 20 : i32
    %scan3A_36 = arith.addi %scan3A_34, %scan3A_35 : i32
    %scan3A_37 = arith.constant 1 : i32
    scf.for %scan3A_45 = %scan3A_34 to %scan3A_36 step %scan3A_37  : i32 {
      %mul3A_46 = arith.constant 4 : i32
      %mul3A_47 = arith.muli %mul3A_46, %scan3A_45 : i32
      %add3A_48 = arith.constant 0 : i32
      %add3A_49 = arith.addi %mul3A_47, %add3A_48 : i32
      %dma_wait3A = arith.constant 0 : i32
      %dma_wait3A_50 = arith.constant 0 : i32
      %dma_wait3A_51 = tpu.memref_slice %arg2[%dma_wait3A, %dma_wait3A_50] : memref<2x327680xi32, #tpu.memory_space<hbm>> -> memref<2x128xi32, #tpu.memory_space<hbm>>
      %dma_wait3A_52 = arith.constant 0 : i32
      %dma_wait3A_53 = arith.constant 0 : i32
      %dma_wait3A_54 = tpu.memref_slice %arg2[%dma_wait3A_52, %dma_wait3A_53] : memref<2x327680xi32, #tpu.memory_space<hbm>> -> memref<2x128xi32, #tpu.memory_space<hbm>>
      tpu.wait_dma2 semaphore(%arg10 : memref<!tpu.dma_semaphore, #tpu.memory_space<semaphore_mem>>) src(%dma_wait3A_54 : memref<2x128xi32, #tpu.memory_space<hbm>>) dst(%arg6 : memref<2x128xi32, #tpu.memory_space<vmem>>)
      %run_scoped3A = arith.constant 1 : i32
      "tpu.region"() ({
        %run_scoped3A_113 = tpu.sem_alloc : memref<!tpu.dma_semaphore, #tpu.memory_space<semaphore_mem>>
        %dma_start3A_114 = arith.constant 0 : i32
        %dma_start3A_115 = tpu.memref_slice %arg6[%run_scoped3A, %dma_start3A_114] : memref<2x128xi32, #tpu.memory_space<vmem>> -> memref<1x128xi32, #tpu.memory_space<vmem>>
        %dma_start3A_116 = tpu.memref_squeeze %dma_start3A_115 : memref<1x128xi32, #tpu.memory_space<vmem>> -> memref<128xi32, #tpu.memory_space<vmem>>
        %dma_start3A_117 = arith.constant 0 : i32
        %dma_start3A_118 = tpu.memref_slice %arg16[%dma_start3A_117] : memref<10240xf32, #tpu.memory_space<vmem_shared>> -> memref<10240xf32, #tpu.memory_space<vmem_shared>>
        tpu.enqueue_indirect_dma source(%arg14 : memref<128xf32, #tpu.memory_space<vmem>>) target(%dma_start3A_118 : memref<10240xf32, #tpu.memory_space<vmem_shared>>) offsets(%dma_start3A_116 : memref<128xi32, #tpu.memory_space<vmem>>) semaphore(%run_scoped3A_113 : memref<!tpu.dma_semaphore, #tpu.memory_space<semaphore_mem>>) {add = true}
        %dma_wait3A_119 = arith.constant 0 : i32
        %dma_wait3A_120 = tpu.memref_slice %arg6[%run_scoped3A, %dma_wait3A_119] : memref<2x128xi32, #tpu.memory_space<vmem>> -> memref<1x128xi32, #tpu.memory_space<vmem>>
        %dma_wait3A_121 = tpu.memref_squeeze %dma_wait3A_120 : memref<1x128xi32, #tpu.memory_space<vmem>> -> memref<128xi32, #tpu.memory_space<vmem>>
        %dma_wait3A_122 = arith.constant 0 : i32
        %dma_wait3A_123 = tpu.memref_slice %arg16[%dma_wait3A_122] : memref<10240xf32, #tpu.memory_space<vmem_shared>> -> memref<10240xf32, #tpu.memory_space<vmem_shared>>
        tpu.wait_indirect_dma semaphore(%run_scoped3A_113 : memref<!tpu.dma_semaphore, #tpu.memory_space<semaphore_mem>>) src(%arg14 : memref<128xf32, #tpu.memory_space<vmem>>) dst(%dma_wait3A_123 : memref<10240xf32, #tpu.memory_space<vmem_shared>>)
        tpu.yield
      }) : () -> ()
      %add3A_55 = arith.constant 4 : i32
      %add3A_56 = arith.addi %add3A_49, %add3A_55 : i32
      %lt3A = arith.constant 80 : i32
      %lt3A_57 = arith.cmpi slt, %add3A_56, %lt3A : i32
      %convert_element_type3A = arith.extui %lt3A_57 : i1 to i32
      %cond3A = arith.constant 0 : i32
      %cond3A_58 = arith.cmpi ne, %convert_element_type3A, %cond3A : i32
      scf.if %cond3A_58 {
        %add3A_113 = arith.constant 4 : i32
        %add3A_114 = arith.addi %add3A_49, %add3A_113 : i32
        %mul3A_115 = arith.constant 10240 : i32
        %mul3A_116 = arith.muli %add3A, %mul3A_115 : i32
        %mul3A_117 = arith.constant 128 : i32
        %mul3A_118 = arith.muli %add3A_114, %mul3A_117 : i32
        %add3A_119 = arith.addi %mul3A_116, %mul3A_118 : i32
        %dma_start3A_120 = arith.constant 0 : i32
        %dma_start3A_121 = tpu.memref_slice %arg2[%dma_start3A_120, %add3A_119] : memref<2x327680xi32, #tpu.memory_space<hbm>> -> memref<2x128xi32, #tpu.memory_space<hbm>>
        %dma_start3A_122 = arith.constant 0 : i32
        %dma_start3A_123 = tpu.memref_slice %arg2[%dma_start3A_122, %add3A_119] : memref<2x327680xi32, #tpu.memory_space<hbm>> -> memref<2x128xi32, #tpu.memory_space<hbm>>
        tpu.enqueue_dma source(%dma_start3A_123 : memref<2x128xi32, #tpu.memory_space<hbm>>) target(%arg6 : memref<2x128xi32, #tpu.memory_space<vmem>>) target_semaphore(%arg10 : memref<!tpu.dma_semaphore, #tpu.memory_space<semaphore_mem>>)
      } else {
      }
      %mul3A_59 = arith.constant 4 : i32
      %mul3A_60 = arith.muli %mul3A_59, %scan3A_45 : i32
      %add3A_61 = arith.constant 1 : i32
      %add3A_62 = arith.addi %mul3A_60, %add3A_61 : i32
      %dma_wait3A_63 = arith.constant 0 : i32
      %dma_wait3A_64 = arith.constant 0 : i32
      %dma_wait3A_65 = tpu.memref_slice %arg2[%dma_wait3A_63, %dma_wait3A_64] : memref<2x327680xi32, #tpu.memory_space<hbm>> -> memref<2x128xi32, #tpu.memory_space<hbm>>
      %dma_wait3A_66 = arith.constant 0 : i32
      %dma_wait3A_67 = arith.constant 0 : i32
      %dma_wait3A_68 = tpu.memref_slice %arg2[%dma_wait3A_66, %dma_wait3A_67] : memref<2x327680xi32, #tpu.memory_space<hbm>> -> memref<2x128xi32, #tpu.memory_space<hbm>>
      tpu.wait_dma2 semaphore(%arg11 : memref<!tpu.dma_semaphore, #tpu.memory_space<semaphore_mem>>) src(%dma_wait3A_68 : memref<2x128xi32, #tpu.memory_space<hbm>>) dst(%arg7 : memref<2x128xi32, #tpu.memory_space<vmem>>)
      %run_scoped3A_69 = arith.constant 1 : i32
      "tpu.region"() ({
        %run_scoped3A_113 = tpu.sem_alloc : memref<!tpu.dma_semaphore, #tpu.memory_space<semaphore_mem>>
        %dma_start3A_114 = arith.constant 0 : i32
        %dma_start3A_115 = tpu.memref_slice %arg7[%run_scoped3A_69, %dma_start3A_114] : memref<2x128xi32, #tpu.memory_space<vmem>> -> memref<1x128xi32, #tpu.memory_space<vmem>>
        %dma_start3A_116 = tpu.memref_squeeze %dma_start3A_115 : memref<1x128xi32, #tpu.memory_space<vmem>> -> memref<128xi32, #tpu.memory_space<vmem>>
        %dma_start3A_117 = arith.constant 0 : i32
        %dma_start3A_118 = tpu.memref_slice %arg16[%dma_start3A_117] : memref<10240xf32, #tpu.memory_space<vmem_shared>> -> memref<10240xf32, #tpu.memory_space<vmem_shared>>
        tpu.enqueue_indirect_dma source(%arg14 : memref<128xf32, #tpu.memory_space<vmem>>) target(%dma_start3A_118 : memref<10240xf32, #tpu.memory_space<vmem_shared>>) offsets(%dma_start3A_116 : memref<128xi32, #tpu.memory_space<vmem>>) semaphore(%run_scoped3A_113 : memref<!tpu.dma_semaphore, #tpu.memory_space<semaphore_mem>>) {add = true}
        %dma_wait3A_119 = arith.constant 0 : i32
        %dma_wait3A_120 = tpu.memref_slice %arg7[%run_scoped3A_69, %dma_wait3A_119] : memref<2x128xi32, #tpu.memory_space<vmem>> -> memref<1x128xi32, #tpu.memory_space<vmem>>
        %dma_wait3A_121 = tpu.memref_squeeze %dma_wait3A_120 : memref<1x128xi32, #tpu.memory_space<vmem>> -> memref<128xi32, #tpu.memory_space<vmem>>
        %dma_wait3A_122 = arith.constant 0 : i32
        %dma_wait3A_123 = tpu.memref_slice %arg16[%dma_wait3A_122] : memref<10240xf32, #tpu.memory_space<vmem_shared>> -> memref<10240xf32, #tpu.memory_space<vmem_shared>>
        tpu.wait_indirect_dma semaphore(%run_scoped3A_113 : memref<!tpu.dma_semaphore, #tpu.memory_space<semaphore_mem>>) src(%arg14 : memref<128xf32, #tpu.memory_space<vmem>>) dst(%dma_wait3A_123 : memref<10240xf32, #tpu.memory_space<vmem_shared>>)
        tpu.yield
      }) : () -> ()
      %add3A_70 = arith.constant 4 : i32
      %add3A_71 = arith.addi %add3A_62, %add3A_70 : i32
      %lt3A_72 = arith.constant 80 : i32
      %lt3A_73 = arith.cmpi slt, %add3A_71, %lt3A_72 : i32
      %convert_element_type3A_74 = arith.extui %lt3A_73 : i1 to i32
      %cond3A_75 = arith.constant 0 : i32
      %cond3A_76 = arith.cmpi ne, %convert_element_type3A_74, %cond3A_75 : i32
      scf.if %cond3A_76 {
        %add3A_113 = arith.constant 4 : i32
        %add3A_114 = arith.addi %add3A_62, %add3A_113 : i32
        %mul3A_115 = arith.constant 10240 : i32
        %mul3A_116 = arith.muli %add3A, %mul3A_115 : i32
        %mul3A_117 = arith.constant 128 : i32
        %mul3A_118 = arith.muli %add3A_114, %mul3A_117 : i32
        %add3A_119 = arith.addi %mul3A_116, %mul3A_118 : i32
        %dma_start3A_120 = arith.constant 0 : i32
        %dma_start3A_121 = tpu.memref_slice %arg2[%dma_start3A_120, %add3A_119] : memref<2x327680xi32, #tpu.memory_space<hbm>> -> memref<2x128xi32, #tpu.memory_space<hbm>>
        %dma_start3A_122 = arith.constant 0 : i32
        %dma_start3A_123 = tpu.memref_slice %arg2[%dma_start3A_122, %add3A_119] : memref<2x327680xi32, #tpu.memory_space<hbm>> -> memref<2x128xi32, #tpu.memory_space<hbm>>
        tpu.enqueue_dma source(%dma_start3A_123 : memref<2x128xi32, #tpu.memory_space<hbm>>) target(%arg7 : memref<2x128xi32, #tpu.memory_space<vmem>>) target_semaphore(%arg11 : memref<!tpu.dma_semaphore, #tpu.memory_space<semaphore_mem>>)
      } else {
      }
      %mul3A_77 = arith.constant 4 : i32
      %mul3A_78 = arith.muli %mul3A_77, %scan3A_45 : i32
      %add3A_79 = arith.constant 2 : i32
      %add3A_80 = arith.addi %mul3A_78, %add3A_79 : i32
      %dma_wait3A_81 = arith.constant 0 : i32
      %dma_wait3A_82 = arith.constant 0 : i32
      %dma_wait3A_83 = tpu.memref_slice %arg2[%dma_wait3A_81, %dma_wait3A_82] : memref<2x327680xi32, #tpu.memory_space<hbm>> -> memref<2x128xi32, #tpu.memory_space<hbm>>
      %dma_wait3A_84 = arith.constant 0 : i32
      %dma_wait3A_85 = arith.constant 0 : i32
      %dma_wait3A_86 = tpu.memref_slice %arg2[%dma_wait3A_84, %dma_wait3A_85] : memref<2x327680xi32, #tpu.memory_space<hbm>> -> memref<2x128xi32, #tpu.memory_space<hbm>>
      tpu.wait_dma2 semaphore(%arg12 : memref<!tpu.dma_semaphore, #tpu.memory_space<semaphore_mem>>) src(%dma_wait3A_86 : memref<2x128xi32, #tpu.memory_space<hbm>>) dst(%arg8 : memref<2x128xi32, #tpu.memory_space<vmem>>)
      %run_scoped3A_87 = arith.constant 1 : i32
      "tpu.region"() ({
        %run_scoped3A_113 = tpu.sem_alloc : memref<!tpu.dma_semaphore, #tpu.memory_space<semaphore_mem>>
        %dma_start3A_114 = arith.constant 0 : i32
        %dma_start3A_115 = tpu.memref_slice %arg8[%run_scoped3A_87, %dma_start3A_114] : memref<2x128xi32, #tpu.memory_space<vmem>> -> memref<1x128xi32, #tpu.memory_space<vmem>>
        %dma_start3A_116 = tpu.memref_squeeze %dma_start3A_115 : memref<1x128xi32, #tpu.memory_space<vmem>> -> memref<128xi32, #tpu.memory_space<vmem>>
        %dma_start3A_117 = arith.constant 0 : i32
        %dma_start3A_118 = tpu.memref_slice %arg16[%dma_start3A_117] : memref<10240xf32, #tpu.memory_space<vmem_shared>> -> memref<10240xf32, #tpu.memory_space<vmem_shared>>
        tpu.enqueue_indirect_dma source(%arg14 : memref<128xf32, #tpu.memory_space<vmem>>) target(%dma_start3A_118 : memref<10240xf32, #tpu.memory_space<vmem_shared>>) offsets(%dma_start3A_116 : memref<128xi32, #tpu.memory_space<vmem>>) semaphore(%run_scoped3A_113 : memref<!tpu.dma_semaphore, #tpu.memory_space<semaphore_mem>>) {add = true}
        %dma_wait3A_119 = arith.constant 0 : i32
        %dma_wait3A_120 = tpu.memref_slice %arg8[%run_scoped3A_87, %dma_wait3A_119] : memref<2x128xi32, #tpu.memory_space<vmem>> -> memref<1x128xi32, #tpu.memory_space<vmem>>
        %dma_wait3A_121 = tpu.memref_squeeze %dma_wait3A_120 : memref<1x128xi32, #tpu.memory_space<vmem>> -> memref<128xi32, #tpu.memory_space<vmem>>
        %dma_wait3A_122 = arith.constant 0 : i32
        %dma_wait3A_123 = tpu.memref_slice %arg16[%dma_wait3A_122] : memref<10240xf32, #tpu.memory_space<vmem_shared>> -> memref<10240xf32, #tpu.memory_space<vmem_shared>>
        tpu.wait_indirect_dma semaphore(%run_scoped3A_113 : memref<!tpu.dma_semaphore, #tpu.memory_space<semaphore_mem>>) src(%arg14 : memref<128xf32, #tpu.memory_space<vmem>>) dst(%dma_wait3A_123 : memref<10240xf32, #tpu.memory_space<vmem_shared>>)
        tpu.yield
      }) : () -> ()
      %add3A_88 = arith.constant 4 : i32
      %add3A_89 = arith.addi %add3A_80, %add3A_88 : i32
      %lt3A_90 = arith.constant 80 : i32
      %lt3A_91 = arith.cmpi slt, %add3A_89, %lt3A_90 : i32
      %convert_element_type3A_92 = arith.extui %lt3A_91 : i1 to i32
      %cond3A_93 = arith.constant 0 : i32
      %cond3A_94 = arith.cmpi ne, %convert_element_type3A_92, %cond3A_93 : i32
      scf.if %cond3A_94 {
        %add3A_113 = arith.constant 4 : i32
        %add3A_114 = arith.addi %add3A_80, %add3A_113 : i32
        %mul3A_115 = arith.constant 10240 : i32
        %mul3A_116 = arith.muli %add3A, %mul3A_115 : i32
        %mul3A_117 = arith.constant 128 : i32
        %mul3A_118 = arith.muli %add3A_114, %mul3A_117 : i32
        %add3A_119 = arith.addi %mul3A_116, %mul3A_118 : i32
        %dma_start3A_120 = arith.constant 0 : i32
        %dma_start3A_121 = tpu.memref_slice %arg2[%dma_start3A_120, %add3A_119] : memref<2x327680xi32, #tpu.memory_space<hbm>> -> memref<2x128xi32, #tpu.memory_space<hbm>>
        %dma_start3A_122 = arith.constant 0 : i32
        %dma_start3A_123 = tpu.memref_slice %arg2[%dma_start3A_122, %add3A_119] : memref<2x327680xi32, #tpu.memory_space<hbm>> -> memref<2x128xi32, #tpu.memory_space<hbm>>
        tpu.enqueue_dma source(%dma_start3A_123 : memref<2x128xi32, #tpu.memory_space<hbm>>) target(%arg8 : memref<2x128xi32, #tpu.memory_space<vmem>>) target_semaphore(%arg12 : memref<!tpu.dma_semaphore, #tpu.memory_space<semaphore_mem>>)
      } else {
      }
      %mul3A_95 = arith.constant 4 : i32
      %mul3A_96 = arith.muli %mul3A_95, %scan3A_45 : i32
      %add3A_97 = arith.constant 3 : i32
      %add3A_98 = arith.addi %mul3A_96, %add3A_97 : i32
      %dma_wait3A_99 = arith.constant 0 : i32
      %dma_wait3A_100 = arith.constant 0 : i32
      %dma_wait3A_101 = tpu.memref_slice %arg2[%dma_wait3A_99, %dma_wait3A_100] : memref<2x327680xi32, #tpu.memory_space<hbm>> -> memref<2x128xi32, #tpu.memory_space<hbm>>
      %dma_wait3A_102 = arith.constant 0 : i32
      %dma_wait3A_103 = arith.constant 0 : i32
      %dma_wait3A_104 = tpu.memref_slice %arg2[%dma_wait3A_102, %dma_wait3A_103] : memref<2x327680xi32, #tpu.memory_space<hbm>> -> memref<2x128xi32, #tpu.memory_space<hbm>>
      tpu.wait_dma2 semaphore(%arg13 : memref<!tpu.dma_semaphore, #tpu.memory_space<semaphore_mem>>) src(%dma_wait3A_104 : memref<2x128xi32, #tpu.memory_space<hbm>>) dst(%arg9 : memref<2x128xi32, #tpu.memory_space<vmem>>)
      %run_scoped3A_105 = arith.constant 1 : i32
      "tpu.region"() ({
        %run_scoped3A_113 = tpu.sem_alloc : memref<!tpu.dma_semaphore, #tpu.memory_space<semaphore_mem>>
        %dma_start3A_114 = arith.constant 0 : i32
        %dma_start3A_115 = tpu.memref_slice %arg9[%run_scoped3A_105, %dma_start3A_114] : memref<2x128xi32, #tpu.memory_space<vmem>> -> memref<1x128xi32, #tpu.memory_space<vmem>>
        %dma_start3A_116 = tpu.memref_squeeze %dma_start3A_115 : memref<1x128xi32, #tpu.memory_space<vmem>> -> memref<128xi32, #tpu.memory_space<vmem>>
        %dma_start3A_117 = arith.constant 0 : i32
        %dma_start3A_118 = tpu.memref_slice %arg16[%dma_start3A_117] : memref<10240xf32, #tpu.memory_space<vmem_shared>> -> memref<10240xf32, #tpu.memory_space<vmem_shared>>
        tpu.enqueue_indirect_dma source(%arg14 : memref<128xf32, #tpu.memory_space<vmem>>) target(%dma_start3A_118 : memref<10240xf32, #tpu.memory_space<vmem_shared>>) offsets(%dma_start3A_116 : memref<128xi32, #tpu.memory_space<vmem>>) semaphore(%run_scoped3A_113 : memref<!tpu.dma_semaphore, #tpu.memory_space<semaphore_mem>>) {add = true}
        %dma_wait3A_119 = arith.constant 0 : i32
        %dma_wait3A_120 = tpu.memref_slice %arg9[%run_scoped3A_105, %dma_wait3A_119] : memref<2x128xi32, #tpu.memory_space<vmem>> -> memref<1x128xi32, #tpu.memory_space<vmem>>
        %dma_wait3A_121 = tpu.memref_squeeze %dma_wait3A_120 : memref<1x128xi32, #tpu.memory_space<vmem>> -> memref<128xi32, #tpu.memory_space<vmem>>
        %dma_wait3A_122 = arith.constant 0 : i32
        %dma_wait3A_123 = tpu.memref_slice %arg16[%dma_wait3A_122] : memref<10240xf32, #tpu.memory_space<vmem_shared>> -> memref<10240xf32, #tpu.memory_space<vmem_shared>>
        tpu.wait_indirect_dma semaphore(%run_scoped3A_113 : memref<!tpu.dma_semaphore, #tpu.memory_space<semaphore_mem>>) src(%arg14 : memref<128xf32, #tpu.memory_space<vmem>>) dst(%dma_wait3A_123 : memref<10240xf32, #tpu.memory_space<vmem_shared>>)
        tpu.yield
      }) : () -> ()
      %add3A_106 = arith.constant 4 : i32
      %add3A_107 = arith.addi %add3A_98, %add3A_106 : i32
      %lt3A_108 = arith.constant 80 : i32
      %lt3A_109 = arith.cmpi slt, %add3A_107, %lt3A_108 : i32
      %convert_element_type3A_110 = arith.extui %lt3A_109 : i1 to i32
      %cond3A_111 = arith.constant 0 : i32
      %cond3A_112 = arith.cmpi ne, %convert_element_type3A_110, %cond3A_111 : i32
      scf.if %cond3A_112 {
        %add3A_113 = arith.constant 4 : i32
        %add3A_114 = arith.addi %add3A_98, %add3A_113 : i32
        %mul3A_115 = arith.constant 10240 : i32
        %mul3A_116 = arith.muli %add3A, %mul3A_115 : i32
        %mul3A_117 = arith.constant 128 : i32
        %mul3A_118 = arith.muli %add3A_114, %mul3A_117 : i32
        %add3A_119 = arith.addi %mul3A_116, %mul3A_118 : i32
        %dma_start3A_120 = arith.constant 0 : i32
        %dma_start3A_121 = tpu.memref_slice %arg2[%dma_start3A_120, %add3A_119] : memref<2x327680xi32, #tpu.memory_space<hbm>> -> memref<2x128xi32, #tpu.memory_space<hbm>>
        %dma_start3A_122 = arith.constant 0 : i32
        %dma_start3A_123 = tpu.memref_slice %arg2[%dma_start3A_122, %add3A_119] : memref<2x327680xi32, #tpu.memory_space<hbm>> -> memref<2x128xi32, #tpu.memory_space<hbm>>
        tpu.enqueue_dma source(%dma_start3A_123 : memref<2x128xi32, #tpu.memory_space<hbm>>) target(%arg9 : memref<2x128xi32, #tpu.memory_space<vmem>>) target_semaphore(%arg13 : memref<!tpu.dma_semaphore, #tpu.memory_space<semaphore_mem>>)
      } else {
      }
    }
    %scan3A_38 = arith.constant 20 : i32
    %barrier3A_39 = arith.constant 0 : index
    tpu.barrier barrier_id(%barrier3A_39)
    "tpu.region"() ({
      %run_scoped3A = tpu.sem_alloc : memref<!tpu.dma_semaphore, #tpu.memory_space<semaphore_mem>>
      %dma_start3A_45 = tpu.memref_slice %arg16[%mul3A_2] : memref<10240xf32, #tpu.memory_space<vmem_shared>> -> memref<640xf32, #tpu.memory_space<vmem_shared>>
      %dma_start3A_46 = tpu.memref_slice %arg16[%mul3A_2] : memref<10240xf32, #tpu.memory_space<vmem_shared>> -> memref<640xf32, #tpu.memory_space<vmem_shared>>
      tpu.enqueue_dma source(%dma_start3A_46 : memref<640xf32, #tpu.memory_space<vmem_shared>>) target(%arg15 : memref<640xf32, #tpu.memory_space<vmem>>) target_semaphore(%run_scoped3A : memref<!tpu.dma_semaphore, #tpu.memory_space<semaphore_mem>>)
      %dma_wait3A = tpu.memref_slice %arg16[%mul3A_2] : memref<10240xf32, #tpu.memory_space<vmem_shared>> -> memref<640xf32, #tpu.memory_space<vmem_shared>>
      %dma_wait3A_47 = tpu.memref_slice %arg16[%mul3A_2] : memref<10240xf32, #tpu.memory_space<vmem_shared>> -> memref<640xf32, #tpu.memory_space<vmem_shared>>
      tpu.wait_dma2 semaphore(%run_scoped3A : memref<!tpu.dma_semaphore, #tpu.memory_space<semaphore_mem>>) src(%dma_wait3A_47 : memref<640xf32, #tpu.memory_space<vmem_shared>>) dst(%arg15 : memref<640xf32, #tpu.memory_space<vmem>>)
      tpu.yield
    }) : () -> ()
    %mul3A_40 = arith.constant 10240 : i32
    %mul3A_41 = arith.muli %arg0, %mul3A_40 : i32
    %mul3A_42 = arith.constant 640 : i32
    %mul3A_43 = arith.muli %arg1, %mul3A_42 : i32
    %add3A_44 = arith.addi %mul3A_41, %mul3A_43 : i32
    "tpu.region"() ({
      %run_scoped3A = tpu.sem_alloc : memref<!tpu.dma_semaphore, #tpu.memory_space<semaphore_mem>>
      %dma_start3A_45 = tpu.memref_slice %arg5[%add3A_44] : memref<20480xf32, #tpu.memory_space<hbm>> -> memref<640xf32, #tpu.memory_space<hbm>>
      %dma_start3A_46 = tpu.memref_slice %arg5[%add3A_44] : memref<20480xf32, #tpu.memory_space<hbm>> -> memref<640xf32, #tpu.memory_space<hbm>>
      tpu.enqueue_dma source(%arg15 : memref<640xf32, #tpu.memory_space<vmem>>) target(%dma_start3A_46 : memref<640xf32, #tpu.memory_space<hbm>>) target_semaphore(%run_scoped3A : memref<!tpu.dma_semaphore, #tpu.memory_space<semaphore_mem>>)
      %dma_wait3A = tpu.memref_slice %arg5[%add3A_44] : memref<20480xf32, #tpu.memory_space<hbm>> -> memref<640xf32, #tpu.memory_space<hbm>>
      %dma_wait3A_47 = tpu.memref_slice %arg5[%add3A_44] : memref<20480xf32, #tpu.memory_space<hbm>> -> memref<640xf32, #tpu.memory_space<hbm>>
      tpu.wait_dma2 semaphore(%run_scoped3A : memref<!tpu.dma_semaphore, #tpu.memory_space<semaphore_mem>>) src(%arg15 : memref<640xf32, #tpu.memory_space<vmem>>) dst(%dma_wait3A_47 : memref<640xf32, #tpu.memory_space<hbm>>)
      tpu.yield
    }) : () -> ()
    return
  }
}

#map = affine_map<(d0, d1) -> (0, 0)>
#map1 = affine_map<(d0, d1) -> (0, 0, 0)>
module attributes {stable_mosaic.version = 14 : i64} {
  func.func @_agg_kernel(%arg0: i32, %arg1: i32, %arg2: memref<10240x128xf32, #tpu.memory_space<hbm>>, %arg3: memref<2x327680xi32, #tpu.memory_space<hbm>>, %arg4: memref<10240x128xf32, #tpu.memory_space<hbm>>, %arg5: memref<2x10240x128xf32, #tpu.memory_space<hbm>>, %arg6: memref<2x128xi32, #tpu.memory_space<vmem>>, %arg7: memref<2x128xi32, #tpu.memory_space<vmem>>, %arg8: memref<2x128xi32, #tpu.memory_space<vmem>>, %arg9: memref<2x128xi32, #tpu.memory_space<vmem>>, %arg10: memref<!tpu.dma_semaphore, #tpu.memory_space<semaphore_mem>>, %arg11: memref<!tpu.dma_semaphore, #tpu.memory_space<semaphore_mem>>, %arg12: memref<!tpu.dma_semaphore, #tpu.memory_space<semaphore_mem>>, %arg13: memref<!tpu.dma_semaphore, #tpu.memory_space<semaphore_mem>>, %arg14: memref<128x128xf32, #tpu.memory_space<vmem>>, %arg15: memref<128x128xf32, #tpu.memory_space<vmem>>, %arg16: memref<!tpu.dma_semaphore, #tpu.memory_space<semaphore_mem>>, %arg17: memref<!tpu.dma_semaphore, #tpu.memory_space<semaphore_mem>>, %arg18: memref<10240x128xf32, #tpu.memory_space<vmem_shared>>) attributes {dimension_semantics = [#tpu.dimension_semantics<core_parallel>, #tpu.dimension_semantics<subcore_parallel>], iteration_bounds = array<i64: 2, 16>, scalar_prefetch = 0 : i64, scratch_operands = 13 : i64, tpu.core_type = #tpu.core_type<sc_vector_subcore>, window_params = [{transform_indices = #map}, {transform_indices = #map}, {transform_indices = #map}, {transform_indices = #map1}]} {
    %mul3A = arith.constant 16 : i32
    %mul3A_0 = arith.muli %arg0, %mul3A : i32
    %add3A = arith.addi %mul3A_0, %arg1 : i32
    %eq3A = arith.constant 0 : i32
    %eq3A_1 = arith.cmpi eq, %arg0, %eq3A : i32
    %convert_element_type3A = arith.extui %eq3A_1 : i1 to i32
    %cond3A = arith.constant 0 : i32
    %cond3A_2 = arith.cmpi ne, %convert_element_type3A, %cond3A : i32
    scf.if %cond3A_2 {
      %mul3A_350 = arith.constant 640 : i32
      %mul3A_351 = arith.muli %arg1, %mul3A_350 : i32
      %add3A_352 = arith.constant 0 : i32
      %add3A_353 = arith.addi %mul3A_351, %add3A_352 : i32
      %dma_start3A_354 = arith.constant 0 : i32
      %dma_start3A_355 = arith.constant 0 : i32
      %dma_start3A_356 = tpu.memref_slice %arg14[%dma_start3A_354, %dma_start3A_355] : memref<128x128xf32, #tpu.memory_space<vmem>> -> memref<128x128xf32, #tpu.memory_space<vmem>>
      %dma_start3A_357 = arith.constant 0 : i32
      %dma_start3A_358 = tpu.memref_slice %arg2[%add3A_353, %dma_start3A_357] : memref<10240x128xf32, #tpu.memory_space<hbm>> -> memref<128x128xf32, #tpu.memory_space<hbm>>
      %dma_start3A_359 = arith.constant 0 : i32
      %dma_start3A_360 = arith.constant 0 : i32
      %dma_start3A_361 = tpu.memref_slice %arg14[%dma_start3A_359, %dma_start3A_360] : memref<128x128xf32, #tpu.memory_space<vmem>> -> memref<128x128xf32, #tpu.memory_space<vmem>>
      %dma_start3A_362 = arith.constant 0 : i32
      %dma_start3A_363 = tpu.memref_slice %arg2[%add3A_353, %dma_start3A_362] : memref<10240x128xf32, #tpu.memory_space<hbm>> -> memref<128x128xf32, #tpu.memory_space<hbm>>
      tpu.enqueue_dma source(%dma_start3A_363 : memref<128x128xf32, #tpu.memory_space<hbm>>) target(%dma_start3A_361 : memref<128x128xf32, #tpu.memory_space<vmem>>) target_semaphore(%arg16 : memref<!tpu.dma_semaphore, #tpu.memory_space<semaphore_mem>>)
    } else {
    }
    %eq3A_3 = arith.constant 1 : i32
    %eq3A_4 = arith.cmpi eq, %arg0, %eq3A_3 : i32
    %convert_element_type3A_5 = arith.extui %eq3A_4 : i1 to i32
    %cond3A_6 = arith.constant 0 : i32
    %cond3A_7 = arith.cmpi ne, %convert_element_type3A_5, %cond3A_6 : i32
    scf.if %cond3A_7 {
      %mul3A_350 = arith.constant 640 : i32
      %mul3A_351 = arith.muli %arg1, %mul3A_350 : i32
      %add3A_352 = arith.constant 0 : i32
      %add3A_353 = arith.addi %mul3A_351, %add3A_352 : i32
      %dma_start3A_354 = arith.constant 0 : i32
      %dma_start3A_355 = arith.constant 0 : i32
      %dma_start3A_356 = tpu.memref_slice %arg14[%dma_start3A_354, %dma_start3A_355] : memref<128x128xf32, #tpu.memory_space<vmem>> -> memref<128x128xf32, #tpu.memory_space<vmem>>
      %dma_start3A_357 = arith.constant 0 : i32
      %dma_start3A_358 = tpu.memref_slice %arg4[%add3A_353, %dma_start3A_357] : memref<10240x128xf32, #tpu.memory_space<hbm>> -> memref<128x128xf32, #tpu.memory_space<hbm>>
      %dma_start3A_359 = arith.constant 0 : i32
      %dma_start3A_360 = arith.constant 0 : i32
      %dma_start3A_361 = tpu.memref_slice %arg14[%dma_start3A_359, %dma_start3A_360] : memref<128x128xf32, #tpu.memory_space<vmem>> -> memref<128x128xf32, #tpu.memory_space<vmem>>
      %dma_start3A_362 = arith.constant 0 : i32
      %dma_start3A_363 = tpu.memref_slice %arg4[%add3A_353, %dma_start3A_362] : memref<10240x128xf32, #tpu.memory_space<hbm>> -> memref<128x128xf32, #tpu.memory_space<hbm>>
      tpu.enqueue_dma source(%dma_start3A_363 : memref<128x128xf32, #tpu.memory_space<hbm>>) target(%dma_start3A_361 : memref<128x128xf32, #tpu.memory_space<vmem>>) target_semaphore(%arg16 : memref<!tpu.dma_semaphore, #tpu.memory_space<semaphore_mem>>)
    } else {
    }
    %eq3A_8 = arith.constant 0 : i32
    %eq3A_9 = arith.cmpi eq, %arg0, %eq3A_8 : i32
    %convert_element_type3A_10 = arith.extui %eq3A_9 : i1 to i32
    %cond3A_11 = arith.constant 0 : i32
    %cond3A_12 = arith.cmpi ne, %convert_element_type3A_10, %cond3A_11 : i32
    scf.if %cond3A_12 {
      %mul3A_350 = arith.constant 640 : i32
      %mul3A_351 = arith.muli %arg1, %mul3A_350 : i32
      %add3A_352 = arith.constant 128 : i32
      %add3A_353 = arith.addi %mul3A_351, %add3A_352 : i32
      %dma_start3A_354 = arith.constant 0 : i32
      %dma_start3A_355 = arith.constant 0 : i32
      %dma_start3A_356 = tpu.memref_slice %arg15[%dma_start3A_354, %dma_start3A_355] : memref<128x128xf32, #tpu.memory_space<vmem>> -> memref<128x128xf32, #tpu.memory_space<vmem>>
      %dma_start3A_357 = arith.constant 0 : i32
      %dma_start3A_358 = tpu.memref_slice %arg2[%add3A_353, %dma_start3A_357] : memref<10240x128xf32, #tpu.memory_space<hbm>> -> memref<128x128xf32, #tpu.memory_space<hbm>>
      %dma_start3A_359 = arith.constant 0 : i32
      %dma_start3A_360 = arith.constant 0 : i32
      %dma_start3A_361 = tpu.memref_slice %arg15[%dma_start3A_359, %dma_start3A_360] : memref<128x128xf32, #tpu.memory_space<vmem>> -> memref<128x128xf32, #tpu.memory_space<vmem>>
      %dma_start3A_362 = arith.constant 0 : i32
      %dma_start3A_363 = tpu.memref_slice %arg2[%add3A_353, %dma_start3A_362] : memref<10240x128xf32, #tpu.memory_space<hbm>> -> memref<128x128xf32, #tpu.memory_space<hbm>>
      tpu.enqueue_dma source(%dma_start3A_363 : memref<128x128xf32, #tpu.memory_space<hbm>>) target(%dma_start3A_361 : memref<128x128xf32, #tpu.memory_space<vmem>>) target_semaphore(%arg17 : memref<!tpu.dma_semaphore, #tpu.memory_space<semaphore_mem>>)
    } else {
    }
    %eq3A_13 = arith.constant 1 : i32
    %eq3A_14 = arith.cmpi eq, %arg0, %eq3A_13 : i32
    %convert_element_type3A_15 = arith.extui %eq3A_14 : i1 to i32
    %cond3A_16 = arith.constant 0 : i32
    %cond3A_17 = arith.cmpi ne, %convert_element_type3A_15, %cond3A_16 : i32
    scf.if %cond3A_17 {
      %mul3A_350 = arith.constant 640 : i32
      %mul3A_351 = arith.muli %arg1, %mul3A_350 : i32
      %add3A_352 = arith.constant 128 : i32
      %add3A_353 = arith.addi %mul3A_351, %add3A_352 : i32
      %dma_start3A_354 = arith.constant 0 : i32
      %dma_start3A_355 = arith.constant 0 : i32
      %dma_start3A_356 = tpu.memref_slice %arg15[%dma_start3A_354, %dma_start3A_355] : memref<128x128xf32, #tpu.memory_space<vmem>> -> memref<128x128xf32, #tpu.memory_space<vmem>>
      %dma_start3A_357 = arith.constant 0 : i32
      %dma_start3A_358 = tpu.memref_slice %arg4[%add3A_353, %dma_start3A_357] : memref<10240x128xf32, #tpu.memory_space<hbm>> -> memref<128x128xf32, #tpu.memory_space<hbm>>
      %dma_start3A_359 = arith.constant 0 : i32
      %dma_start3A_360 = arith.constant 0 : i32
      %dma_start3A_361 = tpu.memref_slice %arg15[%dma_start3A_359, %dma_start3A_360] : memref<128x128xf32, #tpu.memory_space<vmem>> -> memref<128x128xf32, #tpu.memory_space<vmem>>
      %dma_start3A_362 = arith.constant 0 : i32
      %dma_start3A_363 = tpu.memref_slice %arg4[%add3A_353, %dma_start3A_362] : memref<10240x128xf32, #tpu.memory_space<hbm>> -> memref<128x128xf32, #tpu.memory_space<hbm>>
      tpu.enqueue_dma source(%dma_start3A_363 : memref<128x128xf32, #tpu.memory_space<hbm>>) target(%dma_start3A_361 : memref<128x128xf32, #tpu.memory_space<vmem>>) target_semaphore(%arg17 : memref<!tpu.dma_semaphore, #tpu.memory_space<semaphore_mem>>)
    } else {
    }
    %dma_wait3A = arith.constant 0 : i32
    %dma_wait3A_18 = arith.constant 0 : i32
    %dma_wait3A_19 = tpu.memref_slice %arg14[%dma_wait3A, %dma_wait3A_18] : memref<128x128xf32, #tpu.memory_space<vmem>> -> memref<128x128xf32, #tpu.memory_space<vmem>>
    %dma_wait3A_20 = arith.constant 0 : i32
    %dma_wait3A_21 = arith.constant 0 : i32
    %dma_wait3A_22 = tpu.memref_slice %arg2[%dma_wait3A_20, %dma_wait3A_21] : memref<10240x128xf32, #tpu.memory_space<hbm>> -> memref<128x128xf32, #tpu.memory_space<hbm>>
    %dma_wait3A_23 = arith.constant 0 : i32
    %dma_wait3A_24 = arith.constant 0 : i32
    %dma_wait3A_25 = tpu.memref_slice %arg14[%dma_wait3A_23, %dma_wait3A_24] : memref<128x128xf32, #tpu.memory_space<vmem>> -> memref<128x128xf32, #tpu.memory_space<vmem>>
    %dma_wait3A_26 = arith.constant 0 : i32
    %dma_wait3A_27 = arith.constant 0 : i32
    %dma_wait3A_28 = tpu.memref_slice %arg2[%dma_wait3A_26, %dma_wait3A_27] : memref<10240x128xf32, #tpu.memory_space<hbm>> -> memref<128x128xf32, #tpu.memory_space<hbm>>
    tpu.wait_dma2 semaphore(%arg16 : memref<!tpu.dma_semaphore, #tpu.memory_space<semaphore_mem>>) src(%dma_wait3A_28 : memref<128x128xf32, #tpu.memory_space<hbm>>) dst(%dma_wait3A_25 : memref<128x128xf32, #tpu.memory_space<vmem>>)
    %mul3A_29 = arith.constant 640 : i32
    %mul3A_30 = arith.muli %arg1, %mul3A_29 : i32
    %add3A_31 = arith.constant 0 : i32
    %add3A_32 = arith.addi %mul3A_30, %add3A_31 : i32
    "tpu.region"() ({
      %run_scoped3A = tpu.sem_alloc : memref<!tpu.dma_semaphore, #tpu.memory_space<semaphore_mem>>
      %dma_start3A_350 = arith.constant 0 : i32
      %dma_start3A_351 = arith.constant 0 : i32
      %dma_start3A_352 = tpu.memref_slice %arg14[%dma_start3A_350, %dma_start3A_351] : memref<128x128xf32, #tpu.memory_space<vmem>> -> memref<128x128xf32, #tpu.memory_space<vmem>>
      %dma_start3A_353 = arith.constant 0 : i32
      %dma_start3A_354 = tpu.memref_slice %arg18[%add3A_32, %dma_start3A_353] : memref<10240x128xf32, #tpu.memory_space<vmem_shared>> -> memref<128x128xf32, #tpu.memory_space<vmem_shared>>
      %dma_start3A_355 = arith.constant 0 : i32
      %dma_start3A_356 = tpu.memref_slice %arg18[%add3A_32, %dma_start3A_355] : memref<10240x128xf32, #tpu.memory_space<vmem_shared>> -> memref<128x128xf32, #tpu.memory_space<vmem_shared>>
      %dma_start3A_357 = arith.constant 0 : i32
      %dma_start3A_358 = arith.constant 0 : i32
      %dma_start3A_359 = tpu.memref_slice %arg14[%dma_start3A_357, %dma_start3A_358] : memref<128x128xf32, #tpu.memory_space<vmem>> -> memref<128x128xf32, #tpu.memory_space<vmem>>
      tpu.enqueue_dma source(%dma_start3A_359 : memref<128x128xf32, #tpu.memory_space<vmem>>) target(%dma_start3A_356 : memref<128x128xf32, #tpu.memory_space<vmem_shared>>) target_semaphore(%run_scoped3A : memref<!tpu.dma_semaphore, #tpu.memory_space<semaphore_mem>>)
      %dma_wait3A_360 = arith.constant 0 : i32
      %dma_wait3A_361 = arith.constant 0 : i32
      %dma_wait3A_362 = tpu.memref_slice %arg14[%dma_wait3A_360, %dma_wait3A_361] : memref<128x128xf32, #tpu.memory_space<vmem>> -> memref<128x128xf32, #tpu.memory_space<vmem>>
      %dma_wait3A_363 = arith.constant 0 : i32
      %dma_wait3A_364 = tpu.memref_slice %arg18[%add3A_32, %dma_wait3A_363] : memref<10240x128xf32, #tpu.memory_space<vmem_shared>> -> memref<128x128xf32, #tpu.memory_space<vmem_shared>>
      %dma_wait3A_365 = arith.constant 0 : i32
      %dma_wait3A_366 = tpu.memref_slice %arg18[%add3A_32, %dma_wait3A_365] : memref<10240x128xf32, #tpu.memory_space<vmem_shared>> -> memref<128x128xf32, #tpu.memory_space<vmem_shared>>
      %dma_wait3A_367 = arith.constant 0 : i32
      %dma_wait3A_368 = arith.constant 0 : i32
      %dma_wait3A_369 = tpu.memref_slice %arg14[%dma_wait3A_367, %dma_wait3A_368] : memref<128x128xf32, #tpu.memory_space<vmem>> -> memref<128x128xf32, #tpu.memory_space<vmem>>
      tpu.wait_dma2 semaphore(%run_scoped3A : memref<!tpu.dma_semaphore, #tpu.memory_space<semaphore_mem>>) src(%dma_wait3A_369 : memref<128x128xf32, #tpu.memory_space<vmem>>) dst(%dma_wait3A_366 : memref<128x128xf32, #tpu.memory_space<vmem_shared>>)
      tpu.yield
    }) : () -> ()
    %eq3A_33 = arith.constant 0 : i32
    %eq3A_34 = arith.cmpi eq, %arg0, %eq3A_33 : i32
    %convert_element_type3A_35 = arith.extui %eq3A_34 : i1 to i32
    %cond3A_36 = arith.constant 0 : i32
    %cond3A_37 = arith.cmpi ne, %convert_element_type3A_35, %cond3A_36 : i32
    scf.if %cond3A_37 {
      %mul3A_350 = arith.constant 640 : i32
      %mul3A_351 = arith.muli %arg1, %mul3A_350 : i32
      %add3A_352 = arith.constant 256 : i32
      %add3A_353 = arith.addi %mul3A_351, %add3A_352 : i32
      %dma_start3A_354 = arith.constant 0 : i32
      %dma_start3A_355 = arith.constant 0 : i32
      %dma_start3A_356 = tpu.memref_slice %arg14[%dma_start3A_354, %dma_start3A_355] : memref<128x128xf32, #tpu.memory_space<vmem>> -> memref<128x128xf32, #tpu.memory_space<vmem>>
      %dma_start3A_357 = arith.constant 0 : i32
      %dma_start3A_358 = tpu.memref_slice %arg2[%add3A_353, %dma_start3A_357] : memref<10240x128xf32, #tpu.memory_space<hbm>> -> memref<128x128xf32, #tpu.memory_space<hbm>>
      %dma_start3A_359 = arith.constant 0 : i32
      %dma_start3A_360 = arith.constant 0 : i32
      %dma_start3A_361 = tpu.memref_slice %arg14[%dma_start3A_359, %dma_start3A_360] : memref<128x128xf32, #tpu.memory_space<vmem>> -> memref<128x128xf32, #tpu.memory_space<vmem>>
      %dma_start3A_362 = arith.constant 0 : i32
      %dma_start3A_363 = tpu.memref_slice %arg2[%add3A_353, %dma_start3A_362] : memref<10240x128xf32, #tpu.memory_space<hbm>> -> memref<128x128xf32, #tpu.memory_space<hbm>>
      tpu.enqueue_dma source(%dma_start3A_363 : memref<128x128xf32, #tpu.memory_space<hbm>>) target(%dma_start3A_361 : memref<128x128xf32, #tpu.memory_space<vmem>>) target_semaphore(%arg16 : memref<!tpu.dma_semaphore, #tpu.memory_space<semaphore_mem>>)
    } else {
    }
    %eq3A_38 = arith.constant 1 : i32
    %eq3A_39 = arith.cmpi eq, %arg0, %eq3A_38 : i32
    %convert_element_type3A_40 = arith.extui %eq3A_39 : i1 to i32
    %cond3A_41 = arith.constant 0 : i32
    %cond3A_42 = arith.cmpi ne, %convert_element_type3A_40, %cond3A_41 : i32
    scf.if %cond3A_42 {
      %mul3A_350 = arith.constant 640 : i32
      %mul3A_351 = arith.muli %arg1, %mul3A_350 : i32
      %add3A_352 = arith.constant 256 : i32
      %add3A_353 = arith.addi %mul3A_351, %add3A_352 : i32
      %dma_start3A_354 = arith.constant 0 : i32
      %dma_start3A_355 = arith.constant 0 : i32
      %dma_start3A_356 = tpu.memref_slice %arg14[%dma_start3A_354, %dma_start3A_355] : memref<128x128xf32, #tpu.memory_space<vmem>> -> memref<128x128xf32, #tpu.memory_space<vmem>>
      %dma_start3A_357 = arith.constant 0 : i32
      %dma_start3A_358 = tpu.memref_slice %arg4[%add3A_353, %dma_start3A_357] : memref<10240x128xf32, #tpu.memory_space<hbm>> -> memref<128x128xf32, #tpu.memory_space<hbm>>
      %dma_start3A_359 = arith.constant 0 : i32
      %dma_start3A_360 = arith.constant 0 : i32
      %dma_start3A_361 = tpu.memref_slice %arg14[%dma_start3A_359, %dma_start3A_360] : memref<128x128xf32, #tpu.memory_space<vmem>> -> memref<128x128xf32, #tpu.memory_space<vmem>>
      %dma_start3A_362 = arith.constant 0 : i32
      %dma_start3A_363 = tpu.memref_slice %arg4[%add3A_353, %dma_start3A_362] : memref<10240x128xf32, #tpu.memory_space<hbm>> -> memref<128x128xf32, #tpu.memory_space<hbm>>
      tpu.enqueue_dma source(%dma_start3A_363 : memref<128x128xf32, #tpu.memory_space<hbm>>) target(%dma_start3A_361 : memref<128x128xf32, #tpu.memory_space<vmem>>) target_semaphore(%arg16 : memref<!tpu.dma_semaphore, #tpu.memory_space<semaphore_mem>>)
    } else {
    }
    %dma_wait3A_43 = arith.constant 0 : i32
    %dma_wait3A_44 = arith.constant 0 : i32
    %dma_wait3A_45 = tpu.memref_slice %arg15[%dma_wait3A_43, %dma_wait3A_44] : memref<128x128xf32, #tpu.memory_space<vmem>> -> memref<128x128xf32, #tpu.memory_space<vmem>>
    %dma_wait3A_46 = arith.constant 0 : i32
    %dma_wait3A_47 = arith.constant 0 : i32
    %dma_wait3A_48 = tpu.memref_slice %arg2[%dma_wait3A_46, %dma_wait3A_47] : memref<10240x128xf32, #tpu.memory_space<hbm>> -> memref<128x128xf32, #tpu.memory_space<hbm>>
    %dma_wait3A_49 = arith.constant 0 : i32
    %dma_wait3A_50 = arith.constant 0 : i32
    %dma_wait3A_51 = tpu.memref_slice %arg15[%dma_wait3A_49, %dma_wait3A_50] : memref<128x128xf32, #tpu.memory_space<vmem>> -> memref<128x128xf32, #tpu.memory_space<vmem>>
    %dma_wait3A_52 = arith.constant 0 : i32
    %dma_wait3A_53 = arith.constant 0 : i32
    %dma_wait3A_54 = tpu.memref_slice %arg2[%dma_wait3A_52, %dma_wait3A_53] : memref<10240x128xf32, #tpu.memory_space<hbm>> -> memref<128x128xf32, #tpu.memory_space<hbm>>
    tpu.wait_dma2 semaphore(%arg17 : memref<!tpu.dma_semaphore, #tpu.memory_space<semaphore_mem>>) src(%dma_wait3A_54 : memref<128x128xf32, #tpu.memory_space<hbm>>) dst(%dma_wait3A_51 : memref<128x128xf32, #tpu.memory_space<vmem>>)
    %mul3A_55 = arith.constant 640 : i32
    %mul3A_56 = arith.muli %arg1, %mul3A_55 : i32
    %add3A_57 = arith.constant 128 : i32
    %add3A_58 = arith.addi %mul3A_56, %add3A_57 : i32
    "tpu.region"() ({
      %run_scoped3A = tpu.sem_alloc : memref<!tpu.dma_semaphore, #tpu.memory_space<semaphore_mem>>
      %dma_start3A_350 = arith.constant 0 : i32
      %dma_start3A_351 = arith.constant 0 : i32
      %dma_start3A_352 = tpu.memref_slice %arg15[%dma_start3A_350, %dma_start3A_351] : memref<128x128xf32, #tpu.memory_space<vmem>> -> memref<128x128xf32, #tpu.memory_space<vmem>>
      %dma_start3A_353 = arith.constant 0 : i32
      %dma_start3A_354 = tpu.memref_slice %arg18[%add3A_58, %dma_start3A_353] : memref<10240x128xf32, #tpu.memory_space<vmem_shared>> -> memref<128x128xf32, #tpu.memory_space<vmem_shared>>
      %dma_start3A_355 = arith.constant 0 : i32
      %dma_start3A_356 = tpu.memref_slice %arg18[%add3A_58, %dma_start3A_355] : memref<10240x128xf32, #tpu.memory_space<vmem_shared>> -> memref<128x128xf32, #tpu.memory_space<vmem_shared>>
      %dma_start3A_357 = arith.constant 0 : i32
      %dma_start3A_358 = arith.constant 0 : i32
      %dma_start3A_359 = tpu.memref_slice %arg15[%dma_start3A_357, %dma_start3A_358] : memref<128x128xf32, #tpu.memory_space<vmem>> -> memref<128x128xf32, #tpu.memory_space<vmem>>
      tpu.enqueue_dma source(%dma_start3A_359 : memref<128x128xf32, #tpu.memory_space<vmem>>) target(%dma_start3A_356 : memref<128x128xf32, #tpu.memory_space<vmem_shared>>) target_semaphore(%run_scoped3A : memref<!tpu.dma_semaphore, #tpu.memory_space<semaphore_mem>>)
      %dma_wait3A_360 = arith.constant 0 : i32
      %dma_wait3A_361 = arith.constant 0 : i32
      %dma_wait3A_362 = tpu.memref_slice %arg15[%dma_wait3A_360, %dma_wait3A_361] : memref<128x128xf32, #tpu.memory_space<vmem>> -> memref<128x128xf32, #tpu.memory_space<vmem>>
      %dma_wait3A_363 = arith.constant 0 : i32
      %dma_wait3A_364 = tpu.memref_slice %arg18[%add3A_58, %dma_wait3A_363] : memref<10240x128xf32, #tpu.memory_space<vmem_shared>> -> memref<128x128xf32, #tpu.memory_space<vmem_shared>>
      %dma_wait3A_365 = arith.constant 0 : i32
      %dma_wait3A_366 = tpu.memref_slice %arg18[%add3A_58, %dma_wait3A_365] : memref<10240x128xf32, #tpu.memory_space<vmem_shared>> -> memref<128x128xf32, #tpu.memory_space<vmem_shared>>
      %dma_wait3A_367 = arith.constant 0 : i32
      %dma_wait3A_368 = arith.constant 0 : i32
      %dma_wait3A_369 = tpu.memref_slice %arg15[%dma_wait3A_367, %dma_wait3A_368] : memref<128x128xf32, #tpu.memory_space<vmem>> -> memref<128x128xf32, #tpu.memory_space<vmem>>
      tpu.wait_dma2 semaphore(%run_scoped3A : memref<!tpu.dma_semaphore, #tpu.memory_space<semaphore_mem>>) src(%dma_wait3A_369 : memref<128x128xf32, #tpu.memory_space<vmem>>) dst(%dma_wait3A_366 : memref<128x128xf32, #tpu.memory_space<vmem_shared>>)
      tpu.yield
    }) : () -> ()
    %eq3A_59 = arith.constant 0 : i32
    %eq3A_60 = arith.cmpi eq, %arg0, %eq3A_59 : i32
    %convert_element_type3A_61 = arith.extui %eq3A_60 : i1 to i32
    %cond3A_62 = arith.constant 0 : i32
    %cond3A_63 = arith.cmpi ne, %convert_element_type3A_61, %cond3A_62 : i32
    scf.if %cond3A_63 {
      %mul3A_350 = arith.constant 640 : i32
      %mul3A_351 = arith.muli %arg1, %mul3A_350 : i32
      %add3A_352 = arith.constant 384 : i32
      %add3A_353 = arith.addi %mul3A_351, %add3A_352 : i32
      %dma_start3A_354 = arith.constant 0 : i32
      %dma_start3A_355 = arith.constant 0 : i32
      %dma_start3A_356 = tpu.memref_slice %arg15[%dma_start3A_354, %dma_start3A_355] : memref<128x128xf32, #tpu.memory_space<vmem>> -> memref<128x128xf32, #tpu.memory_space<vmem>>
      %dma_start3A_357 = arith.constant 0 : i32
      %dma_start3A_358 = tpu.memref_slice %arg2[%add3A_353, %dma_start3A_357] : memref<10240x128xf32, #tpu.memory_space<hbm>> -> memref<128x128xf32, #tpu.memory_space<hbm>>
      %dma_start3A_359 = arith.constant 0 : i32
      %dma_start3A_360 = arith.constant 0 : i32
      %dma_start3A_361 = tpu.memref_slice %arg15[%dma_start3A_359, %dma_start3A_360] : memref<128x128xf32, #tpu.memory_space<vmem>> -> memref<128x128xf32, #tpu.memory_space<vmem>>
      %dma_start3A_362 = arith.constant 0 : i32
      %dma_start3A_363 = tpu.memref_slice %arg2[%add3A_353, %dma_start3A_362] : memref<10240x128xf32, #tpu.memory_space<hbm>> -> memref<128x128xf32, #tpu.memory_space<hbm>>
      tpu.enqueue_dma source(%dma_start3A_363 : memref<128x128xf32, #tpu.memory_space<hbm>>) target(%dma_start3A_361 : memref<128x128xf32, #tpu.memory_space<vmem>>) target_semaphore(%arg17 : memref<!tpu.dma_semaphore, #tpu.memory_space<semaphore_mem>>)
    } else {
    }
    %eq3A_64 = arith.constant 1 : i32
    %eq3A_65 = arith.cmpi eq, %arg0, %eq3A_64 : i32
    %convert_element_type3A_66 = arith.extui %eq3A_65 : i1 to i32
    %cond3A_67 = arith.constant 0 : i32
    %cond3A_68 = arith.cmpi ne, %convert_element_type3A_66, %cond3A_67 : i32
    scf.if %cond3A_68 {
      %mul3A_350 = arith.constant 640 : i32
      %mul3A_351 = arith.muli %arg1, %mul3A_350 : i32
      %add3A_352 = arith.constant 384 : i32
      %add3A_353 = arith.addi %mul3A_351, %add3A_352 : i32
      %dma_start3A_354 = arith.constant 0 : i32
      %dma_start3A_355 = arith.constant 0 : i32
      %dma_start3A_356 = tpu.memref_slice %arg15[%dma_start3A_354, %dma_start3A_355] : memref<128x128xf32, #tpu.memory_space<vmem>> -> memref<128x128xf32, #tpu.memory_space<vmem>>
      %dma_start3A_357 = arith.constant 0 : i32
      %dma_start3A_358 = tpu.memref_slice %arg4[%add3A_353, %dma_start3A_357] : memref<10240x128xf32, #tpu.memory_space<hbm>> -> memref<128x128xf32, #tpu.memory_space<hbm>>
      %dma_start3A_359 = arith.constant 0 : i32
      %dma_start3A_360 = arith.constant 0 : i32
      %dma_start3A_361 = tpu.memref_slice %arg15[%dma_start3A_359, %dma_start3A_360] : memref<128x128xf32, #tpu.memory_space<vmem>> -> memref<128x128xf32, #tpu.memory_space<vmem>>
      %dma_start3A_362 = arith.constant 0 : i32
      %dma_start3A_363 = tpu.memref_slice %arg4[%add3A_353, %dma_start3A_362] : memref<10240x128xf32, #tpu.memory_space<hbm>> -> memref<128x128xf32, #tpu.memory_space<hbm>>
      tpu.enqueue_dma source(%dma_start3A_363 : memref<128x128xf32, #tpu.memory_space<hbm>>) target(%dma_start3A_361 : memref<128x128xf32, #tpu.memory_space<vmem>>) target_semaphore(%arg17 : memref<!tpu.dma_semaphore, #tpu.memory_space<semaphore_mem>>)
    } else {
    }
    %dma_wait3A_69 = arith.constant 0 : i32
    %dma_wait3A_70 = arith.constant 0 : i32
    %dma_wait3A_71 = tpu.memref_slice %arg14[%dma_wait3A_69, %dma_wait3A_70] : memref<128x128xf32, #tpu.memory_space<vmem>> -> memref<128x128xf32, #tpu.memory_space<vmem>>
    %dma_wait3A_72 = arith.constant 0 : i32
    %dma_wait3A_73 = arith.constant 0 : i32
    %dma_wait3A_74 = tpu.memref_slice %arg2[%dma_wait3A_72, %dma_wait3A_73] : memref<10240x128xf32, #tpu.memory_space<hbm>> -> memref<128x128xf32, #tpu.memory_space<hbm>>
    %dma_wait3A_75 = arith.constant 0 : i32
    %dma_wait3A_76 = arith.constant 0 : i32
    %dma_wait3A_77 = tpu.memref_slice %arg14[%dma_wait3A_75, %dma_wait3A_76] : memref<128x128xf32, #tpu.memory_space<vmem>> -> memref<128x128xf32, #tpu.memory_space<vmem>>
    %dma_wait3A_78 = arith.constant 0 : i32
    %dma_wait3A_79 = arith.constant 0 : i32
    %dma_wait3A_80 = tpu.memref_slice %arg2[%dma_wait3A_78, %dma_wait3A_79] : memref<10240x128xf32, #tpu.memory_space<hbm>> -> memref<128x128xf32, #tpu.memory_space<hbm>>
    tpu.wait_dma2 semaphore(%arg16 : memref<!tpu.dma_semaphore, #tpu.memory_space<semaphore_mem>>) src(%dma_wait3A_80 : memref<128x128xf32, #tpu.memory_space<hbm>>) dst(%dma_wait3A_77 : memref<128x128xf32, #tpu.memory_space<vmem>>)
    %mul3A_81 = arith.constant 640 : i32
    %mul3A_82 = arith.muli %arg1, %mul3A_81 : i32
    %add3A_83 = arith.constant 256 : i32
    %add3A_84 = arith.addi %mul3A_82, %add3A_83 : i32
    "tpu.region"() ({
      %run_scoped3A = tpu.sem_alloc : memref<!tpu.dma_semaphore, #tpu.memory_space<semaphore_mem>>
      %dma_start3A_350 = arith.constant 0 : i32
      %dma_start3A_351 = arith.constant 0 : i32
      %dma_start3A_352 = tpu.memref_slice %arg14[%dma_start3A_350, %dma_start3A_351] : memref<128x128xf32, #tpu.memory_space<vmem>> -> memref<128x128xf32, #tpu.memory_space<vmem>>
      %dma_start3A_353 = arith.constant 0 : i32
      %dma_start3A_354 = tpu.memref_slice %arg18[%add3A_84, %dma_start3A_353] : memref<10240x128xf32, #tpu.memory_space<vmem_shared>> -> memref<128x128xf32, #tpu.memory_space<vmem_shared>>
      %dma_start3A_355 = arith.constant 0 : i32
      %dma_start3A_356 = tpu.memref_slice %arg18[%add3A_84, %dma_start3A_355] : memref<10240x128xf32, #tpu.memory_space<vmem_shared>> -> memref<128x128xf32, #tpu.memory_space<vmem_shared>>
      %dma_start3A_357 = arith.constant 0 : i32
      %dma_start3A_358 = arith.constant 0 : i32
      %dma_start3A_359 = tpu.memref_slice %arg14[%dma_start3A_357, %dma_start3A_358] : memref<128x128xf32, #tpu.memory_space<vmem>> -> memref<128x128xf32, #tpu.memory_space<vmem>>
      tpu.enqueue_dma source(%dma_start3A_359 : memref<128x128xf32, #tpu.memory_space<vmem>>) target(%dma_start3A_356 : memref<128x128xf32, #tpu.memory_space<vmem_shared>>) target_semaphore(%run_scoped3A : memref<!tpu.dma_semaphore, #tpu.memory_space<semaphore_mem>>)
      %dma_wait3A_360 = arith.constant 0 : i32
      %dma_wait3A_361 = arith.constant 0 : i32
      %dma_wait3A_362 = tpu.memref_slice %arg14[%dma_wait3A_360, %dma_wait3A_361] : memref<128x128xf32, #tpu.memory_space<vmem>> -> memref<128x128xf32, #tpu.memory_space<vmem>>
      %dma_wait3A_363 = arith.constant 0 : i32
      %dma_wait3A_364 = tpu.memref_slice %arg18[%add3A_84, %dma_wait3A_363] : memref<10240x128xf32, #tpu.memory_space<vmem_shared>> -> memref<128x128xf32, #tpu.memory_space<vmem_shared>>
      %dma_wait3A_365 = arith.constant 0 : i32
      %dma_wait3A_366 = tpu.memref_slice %arg18[%add3A_84, %dma_wait3A_365] : memref<10240x128xf32, #tpu.memory_space<vmem_shared>> -> memref<128x128xf32, #tpu.memory_space<vmem_shared>>
      %dma_wait3A_367 = arith.constant 0 : i32
      %dma_wait3A_368 = arith.constant 0 : i32
      %dma_wait3A_369 = tpu.memref_slice %arg14[%dma_wait3A_367, %dma_wait3A_368] : memref<128x128xf32, #tpu.memory_space<vmem>> -> memref<128x128xf32, #tpu.memory_space<vmem>>
      tpu.wait_dma2 semaphore(%run_scoped3A : memref<!tpu.dma_semaphore, #tpu.memory_space<semaphore_mem>>) src(%dma_wait3A_369 : memref<128x128xf32, #tpu.memory_space<vmem>>) dst(%dma_wait3A_366 : memref<128x128xf32, #tpu.memory_space<vmem_shared>>)
      tpu.yield
    }) : () -> ()
    %eq3A_85 = arith.constant 0 : i32
    %eq3A_86 = arith.cmpi eq, %arg0, %eq3A_85 : i32
    %convert_element_type3A_87 = arith.extui %eq3A_86 : i1 to i32
    %cond3A_88 = arith.constant 0 : i32
    %cond3A_89 = arith.cmpi ne, %convert_element_type3A_87, %cond3A_88 : i32
    scf.if %cond3A_89 {
      %mul3A_350 = arith.constant 640 : i32
      %mul3A_351 = arith.muli %arg1, %mul3A_350 : i32
      %add3A_352 = arith.constant 512 : i32
      %add3A_353 = arith.addi %mul3A_351, %add3A_352 : i32
      %dma_start3A_354 = arith.constant 0 : i32
      %dma_start3A_355 = arith.constant 0 : i32
      %dma_start3A_356 = tpu.memref_slice %arg14[%dma_start3A_354, %dma_start3A_355] : memref<128x128xf32, #tpu.memory_space<vmem>> -> memref<128x128xf32, #tpu.memory_space<vmem>>
      %dma_start3A_357 = arith.constant 0 : i32
      %dma_start3A_358 = tpu.memref_slice %arg2[%add3A_353, %dma_start3A_357] : memref<10240x128xf32, #tpu.memory_space<hbm>> -> memref<128x128xf32, #tpu.memory_space<hbm>>
      %dma_start3A_359 = arith.constant 0 : i32
      %dma_start3A_360 = arith.constant 0 : i32
      %dma_start3A_361 = tpu.memref_slice %arg14[%dma_start3A_359, %dma_start3A_360] : memref<128x128xf32, #tpu.memory_space<vmem>> -> memref<128x128xf32, #tpu.memory_space<vmem>>
      %dma_start3A_362 = arith.constant 0 : i32
      %dma_start3A_363 = tpu.memref_slice %arg2[%add3A_353, %dma_start3A_362] : memref<10240x128xf32, #tpu.memory_space<hbm>> -> memref<128x128xf32, #tpu.memory_space<hbm>>
      tpu.enqueue_dma source(%dma_start3A_363 : memref<128x128xf32, #tpu.memory_space<hbm>>) target(%dma_start3A_361 : memref<128x128xf32, #tpu.memory_space<vmem>>) target_semaphore(%arg16 : memref<!tpu.dma_semaphore, #tpu.memory_space<semaphore_mem>>)
    } else {
    }
    %eq3A_90 = arith.constant 1 : i32
    %eq3A_91 = arith.cmpi eq, %arg0, %eq3A_90 : i32
    %convert_element_type3A_92 = arith.extui %eq3A_91 : i1 to i32
    %cond3A_93 = arith.constant 0 : i32
    %cond3A_94 = arith.cmpi ne, %convert_element_type3A_92, %cond3A_93 : i32
    scf.if %cond3A_94 {
      %mul3A_350 = arith.constant 640 : i32
      %mul3A_351 = arith.muli %arg1, %mul3A_350 : i32
      %add3A_352 = arith.constant 512 : i32
      %add3A_353 = arith.addi %mul3A_351, %add3A_352 : i32
      %dma_start3A_354 = arith.constant 0 : i32
      %dma_start3A_355 = arith.constant 0 : i32
      %dma_start3A_356 = tpu.memref_slice %arg14[%dma_start3A_354, %dma_start3A_355] : memref<128x128xf32, #tpu.memory_space<vmem>> -> memref<128x128xf32, #tpu.memory_space<vmem>>
      %dma_start3A_357 = arith.constant 0 : i32
      %dma_start3A_358 = tpu.memref_slice %arg4[%add3A_353, %dma_start3A_357] : memref<10240x128xf32, #tpu.memory_space<hbm>> -> memref<128x128xf32, #tpu.memory_space<hbm>>
      %dma_start3A_359 = arith.constant 0 : i32
      %dma_start3A_360 = arith.constant 0 : i32
      %dma_start3A_361 = tpu.memref_slice %arg14[%dma_start3A_359, %dma_start3A_360] : memref<128x128xf32, #tpu.memory_space<vmem>> -> memref<128x128xf32, #tpu.memory_space<vmem>>
      %dma_start3A_362 = arith.constant 0 : i32
      %dma_start3A_363 = tpu.memref_slice %arg4[%add3A_353, %dma_start3A_362] : memref<10240x128xf32, #tpu.memory_space<hbm>> -> memref<128x128xf32, #tpu.memory_space<hbm>>
      tpu.enqueue_dma source(%dma_start3A_363 : memref<128x128xf32, #tpu.memory_space<hbm>>) target(%dma_start3A_361 : memref<128x128xf32, #tpu.memory_space<vmem>>) target_semaphore(%arg16 : memref<!tpu.dma_semaphore, #tpu.memory_space<semaphore_mem>>)
    } else {
    }
    %dma_wait3A_95 = arith.constant 0 : i32
    %dma_wait3A_96 = arith.constant 0 : i32
    %dma_wait3A_97 = tpu.memref_slice %arg15[%dma_wait3A_95, %dma_wait3A_96] : memref<128x128xf32, #tpu.memory_space<vmem>> -> memref<128x128xf32, #tpu.memory_space<vmem>>
    %dma_wait3A_98 = arith.constant 0 : i32
    %dma_wait3A_99 = arith.constant 0 : i32
    %dma_wait3A_100 = tpu.memref_slice %arg2[%dma_wait3A_98, %dma_wait3A_99] : memref<10240x128xf32, #tpu.memory_space<hbm>> -> memref<128x128xf32, #tpu.memory_space<hbm>>
    %dma_wait3A_101 = arith.constant 0 : i32
    %dma_wait3A_102 = arith.constant 0 : i32
    %dma_wait3A_103 = tpu.memref_slice %arg15[%dma_wait3A_101, %dma_wait3A_102] : memref<128x128xf32, #tpu.memory_space<vmem>> -> memref<128x128xf32, #tpu.memory_space<vmem>>
    %dma_wait3A_104 = arith.constant 0 : i32
    %dma_wait3A_105 = arith.constant 0 : i32
    %dma_wait3A_106 = tpu.memref_slice %arg2[%dma_wait3A_104, %dma_wait3A_105] : memref<10240x128xf32, #tpu.memory_space<hbm>> -> memref<128x128xf32, #tpu.memory_space<hbm>>
    tpu.wait_dma2 semaphore(%arg17 : memref<!tpu.dma_semaphore, #tpu.memory_space<semaphore_mem>>) src(%dma_wait3A_106 : memref<128x128xf32, #tpu.memory_space<hbm>>) dst(%dma_wait3A_103 : memref<128x128xf32, #tpu.memory_space<vmem>>)
    %mul3A_107 = arith.constant 640 : i32
    %mul3A_108 = arith.muli %arg1, %mul3A_107 : i32
    %add3A_109 = arith.constant 384 : i32
    %add3A_110 = arith.addi %mul3A_108, %add3A_109 : i32
    "tpu.region"() ({
      %run_scoped3A = tpu.sem_alloc : memref<!tpu.dma_semaphore, #tpu.memory_space<semaphore_mem>>
      %dma_start3A_350 = arith.constant 0 : i32
      %dma_start3A_351 = arith.constant 0 : i32
      %dma_start3A_352 = tpu.memref_slice %arg15[%dma_start3A_350, %dma_start3A_351] : memref<128x128xf32, #tpu.memory_space<vmem>> -> memref<128x128xf32, #tpu.memory_space<vmem>>
      %dma_start3A_353 = arith.constant 0 : i32
      %dma_start3A_354 = tpu.memref_slice %arg18[%add3A_110, %dma_start3A_353] : memref<10240x128xf32, #tpu.memory_space<vmem_shared>> -> memref<128x128xf32, #tpu.memory_space<vmem_shared>>
      %dma_start3A_355 = arith.constant 0 : i32
      %dma_start3A_356 = tpu.memref_slice %arg18[%add3A_110, %dma_start3A_355] : memref<10240x128xf32, #tpu.memory_space<vmem_shared>> -> memref<128x128xf32, #tpu.memory_space<vmem_shared>>
      %dma_start3A_357 = arith.constant 0 : i32
      %dma_start3A_358 = arith.constant 0 : i32
      %dma_start3A_359 = tpu.memref_slice %arg15[%dma_start3A_357, %dma_start3A_358] : memref<128x128xf32, #tpu.memory_space<vmem>> -> memref<128x128xf32, #tpu.memory_space<vmem>>
      tpu.enqueue_dma source(%dma_start3A_359 : memref<128x128xf32, #tpu.memory_space<vmem>>) target(%dma_start3A_356 : memref<128x128xf32, #tpu.memory_space<vmem_shared>>) target_semaphore(%run_scoped3A : memref<!tpu.dma_semaphore, #tpu.memory_space<semaphore_mem>>)
      %dma_wait3A_360 = arith.constant 0 : i32
      %dma_wait3A_361 = arith.constant 0 : i32
      %dma_wait3A_362 = tpu.memref_slice %arg15[%dma_wait3A_360, %dma_wait3A_361] : memref<128x128xf32, #tpu.memory_space<vmem>> -> memref<128x128xf32, #tpu.memory_space<vmem>>
      %dma_wait3A_363 = arith.constant 0 : i32
      %dma_wait3A_364 = tpu.memref_slice %arg18[%add3A_110, %dma_wait3A_363] : memref<10240x128xf32, #tpu.memory_space<vmem_shared>> -> memref<128x128xf32, #tpu.memory_space<vmem_shared>>
      %dma_wait3A_365 = arith.constant 0 : i32
      %dma_wait3A_366 = tpu.memref_slice %arg18[%add3A_110, %dma_wait3A_365] : memref<10240x128xf32, #tpu.memory_space<vmem_shared>> -> memref<128x128xf32, #tpu.memory_space<vmem_shared>>
      %dma_wait3A_367 = arith.constant 0 : i32
      %dma_wait3A_368 = arith.constant 0 : i32
      %dma_wait3A_369 = tpu.memref_slice %arg15[%dma_wait3A_367, %dma_wait3A_368] : memref<128x128xf32, #tpu.memory_space<vmem>> -> memref<128x128xf32, #tpu.memory_space<vmem>>
      tpu.wait_dma2 semaphore(%run_scoped3A : memref<!tpu.dma_semaphore, #tpu.memory_space<semaphore_mem>>) src(%dma_wait3A_369 : memref<128x128xf32, #tpu.memory_space<vmem>>) dst(%dma_wait3A_366 : memref<128x128xf32, #tpu.memory_space<vmem_shared>>)
      tpu.yield
    }) : () -> ()
    %dma_wait3A_111 = arith.constant 0 : i32
    %dma_wait3A_112 = arith.constant 0 : i32
    %dma_wait3A_113 = tpu.memref_slice %arg14[%dma_wait3A_111, %dma_wait3A_112] : memref<128x128xf32, #tpu.memory_space<vmem>> -> memref<128x128xf32, #tpu.memory_space<vmem>>
    %dma_wait3A_114 = arith.constant 0 : i32
    %dma_wait3A_115 = arith.constant 0 : i32
    %dma_wait3A_116 = tpu.memref_slice %arg2[%dma_wait3A_114, %dma_wait3A_115] : memref<10240x128xf32, #tpu.memory_space<hbm>> -> memref<128x128xf32, #tpu.memory_space<hbm>>
    %dma_wait3A_117 = arith.constant 0 : i32
    %dma_wait3A_118 = arith.constant 0 : i32
    %dma_wait3A_119 = tpu.memref_slice %arg14[%dma_wait3A_117, %dma_wait3A_118] : memref<128x128xf32, #tpu.memory_space<vmem>> -> memref<128x128xf32, #tpu.memory_space<vmem>>
    %dma_wait3A_120 = arith.constant 0 : i32
    %dma_wait3A_121 = arith.constant 0 : i32
    %dma_wait3A_122 = tpu.memref_slice %arg2[%dma_wait3A_120, %dma_wait3A_121] : memref<10240x128xf32, #tpu.memory_space<hbm>> -> memref<128x128xf32, #tpu.memory_space<hbm>>
    tpu.wait_dma2 semaphore(%arg16 : memref<!tpu.dma_semaphore, #tpu.memory_space<semaphore_mem>>) src(%dma_wait3A_122 : memref<128x128xf32, #tpu.memory_space<hbm>>) dst(%dma_wait3A_119 : memref<128x128xf32, #tpu.memory_space<vmem>>)
    %mul3A_123 = arith.constant 640 : i32
    %mul3A_124 = arith.muli %arg1, %mul3A_123 : i32
    %add3A_125 = arith.constant 512 : i32
    %add3A_126 = arith.addi %mul3A_124, %add3A_125 : i32
    "tpu.region"() ({
      %run_scoped3A = tpu.sem_alloc : memref<!tpu.dma_semaphore, #tpu.memory_space<semaphore_mem>>
      %dma_start3A_350 = arith.constant 0 : i32
      %dma_start3A_351 = arith.constant 0 : i32
      %dma_start3A_352 = tpu.memref_slice %arg14[%dma_start3A_350, %dma_start3A_351] : memref<128x128xf32, #tpu.memory_space<vmem>> -> memref<128x128xf32, #tpu.memory_space<vmem>>
      %dma_start3A_353 = arith.constant 0 : i32
      %dma_start3A_354 = tpu.memref_slice %arg18[%add3A_126, %dma_start3A_353] : memref<10240x128xf32, #tpu.memory_space<vmem_shared>> -> memref<128x128xf32, #tpu.memory_space<vmem_shared>>
      %dma_start3A_355 = arith.constant 0 : i32
      %dma_start3A_356 = tpu.memref_slice %arg18[%add3A_126, %dma_start3A_355] : memref<10240x128xf32, #tpu.memory_space<vmem_shared>> -> memref<128x128xf32, #tpu.memory_space<vmem_shared>>
      %dma_start3A_357 = arith.constant 0 : i32
      %dma_start3A_358 = arith.constant 0 : i32
      %dma_start3A_359 = tpu.memref_slice %arg14[%dma_start3A_357, %dma_start3A_358] : memref<128x128xf32, #tpu.memory_space<vmem>> -> memref<128x128xf32, #tpu.memory_space<vmem>>
      tpu.enqueue_dma source(%dma_start3A_359 : memref<128x128xf32, #tpu.memory_space<vmem>>) target(%dma_start3A_356 : memref<128x128xf32, #tpu.memory_space<vmem_shared>>) target_semaphore(%run_scoped3A : memref<!tpu.dma_semaphore, #tpu.memory_space<semaphore_mem>>)
      %dma_wait3A_360 = arith.constant 0 : i32
      %dma_wait3A_361 = arith.constant 0 : i32
      %dma_wait3A_362 = tpu.memref_slice %arg14[%dma_wait3A_360, %dma_wait3A_361] : memref<128x128xf32, #tpu.memory_space<vmem>> -> memref<128x128xf32, #tpu.memory_space<vmem>>
      %dma_wait3A_363 = arith.constant 0 : i32
      %dma_wait3A_364 = tpu.memref_slice %arg18[%add3A_126, %dma_wait3A_363] : memref<10240x128xf32, #tpu.memory_space<vmem_shared>> -> memref<128x128xf32, #tpu.memory_space<vmem_shared>>
      %dma_wait3A_365 = arith.constant 0 : i32
      %dma_wait3A_366 = tpu.memref_slice %arg18[%add3A_126, %dma_wait3A_365] : memref<10240x128xf32, #tpu.memory_space<vmem_shared>> -> memref<128x128xf32, #tpu.memory_space<vmem_shared>>
      %dma_wait3A_367 = arith.constant 0 : i32
      %dma_wait3A_368 = arith.constant 0 : i32
      %dma_wait3A_369 = tpu.memref_slice %arg14[%dma_wait3A_367, %dma_wait3A_368] : memref<128x128xf32, #tpu.memory_space<vmem>> -> memref<128x128xf32, #tpu.memory_space<vmem>>
      tpu.wait_dma2 semaphore(%run_scoped3A : memref<!tpu.dma_semaphore, #tpu.memory_space<semaphore_mem>>) src(%dma_wait3A_369 : memref<128x128xf32, #tpu.memory_space<vmem>>) dst(%dma_wait3A_366 : memref<128x128xf32, #tpu.memory_space<vmem_shared>>)
      tpu.yield
    }) : () -> ()
    %barrier3A = arith.constant 0 : index
    tpu.barrier barrier_id(%barrier3A)
    %mul3A_127 = arith.constant 10240 : i32
    %mul3A_128 = arith.muli %add3A, %mul3A_127 : i32
    %add3A_129 = arith.constant 0 : i32
    %add3A_130 = arith.addi %mul3A_128, %add3A_129 : i32
    %dma_start3A = arith.constant 0 : i32
    %dma_start3A_131 = tpu.memref_slice %arg3[%dma_start3A, %add3A_130] : memref<2x327680xi32, #tpu.memory_space<hbm>> -> memref<2x128xi32, #tpu.memory_space<hbm>>
    %dma_start3A_132 = arith.constant 0 : i32
    %dma_start3A_133 = tpu.memref_slice %arg3[%dma_start3A_132, %add3A_130] : memref<2x327680xi32, #tpu.memory_space<hbm>> -> memref<2x128xi32, #tpu.memory_space<hbm>>
    tpu.enqueue_dma source(%dma_start3A_133 : memref<2x128xi32, #tpu.memory_space<hbm>>) target(%arg6 : memref<2x128xi32, #tpu.memory_space<vmem>>) target_semaphore(%arg10 : memref<!tpu.dma_semaphore, #tpu.memory_space<semaphore_mem>>)
    %mul3A_134 = arith.constant 10240 : i32
    %mul3A_135 = arith.muli %add3A, %mul3A_134 : i32
    %add3A_136 = arith.constant 128 : i32
    %add3A_137 = arith.addi %mul3A_135, %add3A_136 : i32
    %dma_start3A_138 = arith.constant 0 : i32
    %dma_start3A_139 = tpu.memref_slice %arg3[%dma_start3A_138, %add3A_137] : memref<2x327680xi32, #tpu.memory_space<hbm>> -> memref<2x128xi32, #tpu.memory_space<hbm>>
    %dma_start3A_140 = arith.constant 0 : i32
    %dma_start3A_141 = tpu.memref_slice %arg3[%dma_start3A_140, %add3A_137] : memref<2x327680xi32, #tpu.memory_space<hbm>> -> memref<2x128xi32, #tpu.memory_space<hbm>>
    tpu.enqueue_dma source(%dma_start3A_141 : memref<2x128xi32, #tpu.memory_space<hbm>>) target(%arg7 : memref<2x128xi32, #tpu.memory_space<vmem>>) target_semaphore(%arg11 : memref<!tpu.dma_semaphore, #tpu.memory_space<semaphore_mem>>)
    %mul3A_142 = arith.constant 10240 : i32
    %mul3A_143 = arith.muli %add3A, %mul3A_142 : i32
    %add3A_144 = arith.constant 256 : i32
    %add3A_145 = arith.addi %mul3A_143, %add3A_144 : i32
    %dma_start3A_146 = arith.constant 0 : i32
    %dma_start3A_147 = tpu.memref_slice %arg3[%dma_start3A_146, %add3A_145] : memref<2x327680xi32, #tpu.memory_space<hbm>> -> memref<2x128xi32, #tpu.memory_space<hbm>>
    %dma_start3A_148 = arith.constant 0 : i32
    %dma_start3A_149 = tpu.memref_slice %arg3[%dma_start3A_148, %add3A_145] : memref<2x327680xi32, #tpu.memory_space<hbm>> -> memref<2x128xi32, #tpu.memory_space<hbm>>
    tpu.enqueue_dma source(%dma_start3A_149 : memref<2x128xi32, #tpu.memory_space<hbm>>) target(%arg8 : memref<2x128xi32, #tpu.memory_space<vmem>>) target_semaphore(%arg12 : memref<!tpu.dma_semaphore, #tpu.memory_space<semaphore_mem>>)
    %mul3A_150 = arith.constant 10240 : i32
    %mul3A_151 = arith.muli %add3A, %mul3A_150 : i32
    %add3A_152 = arith.constant 384 : i32
    %add3A_153 = arith.addi %mul3A_151, %add3A_152 : i32
    %dma_start3A_154 = arith.constant 0 : i32
    %dma_start3A_155 = tpu.memref_slice %arg3[%dma_start3A_154, %add3A_153] : memref<2x327680xi32, #tpu.memory_space<hbm>> -> memref<2x128xi32, #tpu.memory_space<hbm>>
    %dma_start3A_156 = arith.constant 0 : i32
    %dma_start3A_157 = tpu.memref_slice %arg3[%dma_start3A_156, %add3A_153] : memref<2x327680xi32, #tpu.memory_space<hbm>> -> memref<2x128xi32, #tpu.memory_space<hbm>>
    tpu.enqueue_dma source(%dma_start3A_157 : memref<2x128xi32, #tpu.memory_space<hbm>>) target(%arg9 : memref<2x128xi32, #tpu.memory_space<vmem>>) target_semaphore(%arg13 : memref<!tpu.dma_semaphore, #tpu.memory_space<semaphore_mem>>)
    %dma_wait3A_158 = arith.constant 0 : i32
    %dma_wait3A_159 = arith.constant 0 : i32
    %dma_wait3A_160 = tpu.memref_slice %arg3[%dma_wait3A_158, %dma_wait3A_159] : memref<2x327680xi32, #tpu.memory_space<hbm>> -> memref<2x128xi32, #tpu.memory_space<hbm>>
    %dma_wait3A_161 = arith.constant 0 : i32
    %dma_wait3A_162 = arith.constant 0 : i32
    %dma_wait3A_163 = tpu.memref_slice %arg3[%dma_wait3A_161, %dma_wait3A_162] : memref<2x327680xi32, #tpu.memory_space<hbm>> -> memref<2x128xi32, #tpu.memory_space<hbm>>
    tpu.wait_dma2 semaphore(%arg10 : memref<!tpu.dma_semaphore, #tpu.memory_space<semaphore_mem>>) src(%dma_wait3A_163 : memref<2x128xi32, #tpu.memory_space<hbm>>) dst(%arg6 : memref<2x128xi32, #tpu.memory_space<vmem>>)
    %dma_start3A_164 = arith.constant 0 : i32
    %dma_start3A_165 = arith.constant 0 : i32
    %dma_start3A_166 = tpu.memref_slice %arg6[%dma_start3A_164, %dma_start3A_165] : memref<2x128xi32, #tpu.memory_space<vmem>> -> memref<1x128xi32, #tpu.memory_space<vmem>>
    %dma_start3A_167 = tpu.memref_squeeze %dma_start3A_166 : memref<1x128xi32, #tpu.memory_space<vmem>> -> memref<128xi32, #tpu.memory_space<vmem>>
    %dma_start3A_168 = arith.constant 0 : i32
    %dma_start3A_169 = arith.constant 0 : i32
    %dma_start3A_170 = tpu.memref_slice %arg2[%dma_start3A_168, %dma_start3A_169] : memref<10240x128xf32, #tpu.memory_space<hbm>> -> memref<10240x128xf32, #tpu.memory_space<hbm>>
    tpu.enqueue_indirect_dma source(%dma_start3A_170 : memref<10240x128xf32, #tpu.memory_space<hbm>>) target(%arg14 : memref<128x128xf32, #tpu.memory_space<vmem>>) offsets(%dma_start3A_167 : memref<128xi32, #tpu.memory_space<vmem>>) semaphore(%arg16 : memref<!tpu.dma_semaphore, #tpu.memory_space<semaphore_mem>>)
    %dma_wait3A_171 = arith.constant 0 : i32
    %dma_wait3A_172 = arith.constant 0 : i32
    %dma_wait3A_173 = tpu.memref_slice %arg3[%dma_wait3A_171, %dma_wait3A_172] : memref<2x327680xi32, #tpu.memory_space<hbm>> -> memref<2x128xi32, #tpu.memory_space<hbm>>
    %dma_wait3A_174 = arith.constant 0 : i32
    %dma_wait3A_175 = arith.constant 0 : i32
    %dma_wait3A_176 = tpu.memref_slice %arg3[%dma_wait3A_174, %dma_wait3A_175] : memref<2x327680xi32, #tpu.memory_space<hbm>> -> memref<2x128xi32, #tpu.memory_space<hbm>>
    tpu.wait_dma2 semaphore(%arg11 : memref<!tpu.dma_semaphore, #tpu.memory_space<semaphore_mem>>) src(%dma_wait3A_176 : memref<2x128xi32, #tpu.memory_space<hbm>>) dst(%arg7 : memref<2x128xi32, #tpu.memory_space<vmem>>)
    %dma_start3A_177 = arith.constant 0 : i32
    %dma_start3A_178 = arith.constant 0 : i32
    %dma_start3A_179 = tpu.memref_slice %arg7[%dma_start3A_177, %dma_start3A_178] : memref<2x128xi32, #tpu.memory_space<vmem>> -> memref<1x128xi32, #tpu.memory_space<vmem>>
    %dma_start3A_180 = tpu.memref_squeeze %dma_start3A_179 : memref<1x128xi32, #tpu.memory_space<vmem>> -> memref<128xi32, #tpu.memory_space<vmem>>
    %dma_start3A_181 = arith.constant 0 : i32
    %dma_start3A_182 = arith.constant 0 : i32
    %dma_start3A_183 = tpu.memref_slice %arg2[%dma_start3A_181, %dma_start3A_182] : memref<10240x128xf32, #tpu.memory_space<hbm>> -> memref<10240x128xf32, #tpu.memory_space<hbm>>
    tpu.enqueue_indirect_dma source(%dma_start3A_183 : memref<10240x128xf32, #tpu.memory_space<hbm>>) target(%arg15 : memref<128x128xf32, #tpu.memory_space<vmem>>) offsets(%dma_start3A_180 : memref<128xi32, #tpu.memory_space<vmem>>) semaphore(%arg17 : memref<!tpu.dma_semaphore, #tpu.memory_space<semaphore_mem>>)
    %scan3A = arith.constant 0 : i32
    %scan3A_184 = arith.constant 0 : i32
    %scan3A_185 = arith.constant 20 : i32
    %scan3A_186 = arith.addi %scan3A_184, %scan3A_185 : i32
    %scan3A_187 = arith.constant 1 : i32
    scf.for %scan3A_350 = %scan3A_184 to %scan3A_186 step %scan3A_187  : i32 {
      %mul3A_351 = arith.constant 4 : i32
      %mul3A_352 = arith.muli %mul3A_351, %scan3A_350 : i32
      %add3A_353 = arith.constant 0 : i32
      %add3A_354 = arith.addi %mul3A_352, %add3A_353 : i32
      %dma_wait3A_355 = arith.constant 0 : i32
      %dma_wait3A_356 = arith.constant 0 : i32
      %dma_wait3A_357 = tpu.memref_slice %arg2[%dma_wait3A_355, %dma_wait3A_356] : memref<10240x128xf32, #tpu.memory_space<hbm>> -> memref<128x128xf32, #tpu.memory_space<hbm>>
      %dma_wait3A_358 = arith.constant 0 : i32
      %dma_wait3A_359 = arith.constant 0 : i32
      %dma_wait3A_360 = tpu.memref_slice %arg2[%dma_wait3A_358, %dma_wait3A_359] : memref<10240x128xf32, #tpu.memory_space<hbm>> -> memref<128x128xf32, #tpu.memory_space<hbm>>
      tpu.wait_dma2 semaphore(%arg16 : memref<!tpu.dma_semaphore, #tpu.memory_space<semaphore_mem>>) src(%dma_wait3A_360 : memref<128x128xf32, #tpu.memory_space<hbm>>) dst(%arg14 : memref<128x128xf32, #tpu.memory_space<vmem>>)
      %run_scoped3A = arith.constant 1 : i32
      "tpu.region"() ({
        %run_scoped3A_449 = tpu.sem_alloc : memref<!tpu.dma_semaphore, #tpu.memory_space<semaphore_mem>>
        %dma_start3A_450 = arith.constant 0 : i32
        %dma_start3A_451 = tpu.memref_slice %arg6[%run_scoped3A, %dma_start3A_450] : memref<2x128xi32, #tpu.memory_space<vmem>> -> memref<1x128xi32, #tpu.memory_space<vmem>>
        %dma_start3A_452 = tpu.memref_squeeze %dma_start3A_451 : memref<1x128xi32, #tpu.memory_space<vmem>> -> memref<128xi32, #tpu.memory_space<vmem>>
        %dma_start3A_453 = arith.constant 0 : i32
        %dma_start3A_454 = arith.constant 0 : i32
        %dma_start3A_455 = tpu.memref_slice %arg18[%dma_start3A_453, %dma_start3A_454] : memref<10240x128xf32, #tpu.memory_space<vmem_shared>> -> memref<10240x128xf32, #tpu.memory_space<vmem_shared>>
        tpu.enqueue_indirect_dma source(%arg14 : memref<128x128xf32, #tpu.memory_space<vmem>>) target(%dma_start3A_455 : memref<10240x128xf32, #tpu.memory_space<vmem_shared>>) offsets(%dma_start3A_452 : memref<128xi32, #tpu.memory_space<vmem>>) semaphore(%run_scoped3A_449 : memref<!tpu.dma_semaphore, #tpu.memory_space<semaphore_mem>>) {add = true}
        %dma_wait3A_456 = arith.constant 0 : i32
        %dma_wait3A_457 = tpu.memref_slice %arg6[%run_scoped3A, %dma_wait3A_456] : memref<2x128xi32, #tpu.memory_space<vmem>> -> memref<1x128xi32, #tpu.memory_space<vmem>>
        %dma_wait3A_458 = tpu.memref_squeeze %dma_wait3A_457 : memref<1x128xi32, #tpu.memory_space<vmem>> -> memref<128xi32, #tpu.memory_space<vmem>>
        %dma_wait3A_459 = arith.constant 0 : i32
        %dma_wait3A_460 = arith.constant 0 : i32
        %dma_wait3A_461 = tpu.memref_slice %arg18[%dma_wait3A_459, %dma_wait3A_460] : memref<10240x128xf32, #tpu.memory_space<vmem_shared>> -> memref<10240x128xf32, #tpu.memory_space<vmem_shared>>
        tpu.wait_indirect_dma semaphore(%run_scoped3A_449 : memref<!tpu.dma_semaphore, #tpu.memory_space<semaphore_mem>>) src(%arg14 : memref<128x128xf32, #tpu.memory_space<vmem>>) dst(%dma_wait3A_461 : memref<10240x128xf32, #tpu.memory_space<vmem_shared>>)
        tpu.yield
      }) : () -> ()
      %add3A_361 = arith.constant 4 : i32
      %add3A_362 = arith.addi %add3A_354, %add3A_361 : i32
      %lt3A = arith.constant 80 : i32
      %lt3A_363 = arith.cmpi slt, %add3A_362, %lt3A : i32
      %convert_element_type3A_364 = arith.extui %lt3A_363 : i1 to i32
      %cond3A_365 = arith.constant 0 : i32
      %cond3A_366 = arith.cmpi ne, %convert_element_type3A_364, %cond3A_365 : i32
      scf.if %cond3A_366 {
        %add3A_449 = arith.constant 4 : i32
        %add3A_450 = arith.addi %add3A_354, %add3A_449 : i32
        %mul3A_451 = arith.constant 10240 : i32
        %mul3A_452 = arith.muli %add3A, %mul3A_451 : i32
        %mul3A_453 = arith.constant 128 : i32
        %mul3A_454 = arith.muli %add3A_450, %mul3A_453 : i32
        %add3A_455 = arith.addi %mul3A_452, %mul3A_454 : i32
        %dma_start3A_456 = arith.constant 0 : i32
        %dma_start3A_457 = tpu.memref_slice %arg3[%dma_start3A_456, %add3A_455] : memref<2x327680xi32, #tpu.memory_space<hbm>> -> memref<2x128xi32, #tpu.memory_space<hbm>>
        %dma_start3A_458 = arith.constant 0 : i32
        %dma_start3A_459 = tpu.memref_slice %arg3[%dma_start3A_458, %add3A_455] : memref<2x327680xi32, #tpu.memory_space<hbm>> -> memref<2x128xi32, #tpu.memory_space<hbm>>
        tpu.enqueue_dma source(%dma_start3A_459 : memref<2x128xi32, #tpu.memory_space<hbm>>) target(%arg6 : memref<2x128xi32, #tpu.memory_space<vmem>>) target_semaphore(%arg10 : memref<!tpu.dma_semaphore, #tpu.memory_space<semaphore_mem>>)
      } else {
      }
      %add3A_367 = arith.constant 2 : i32
      %add3A_368 = arith.addi %add3A_354, %add3A_367 : i32
      %lt3A_369 = arith.constant 80 : i32
      %lt3A_370 = arith.cmpi slt, %add3A_368, %lt3A_369 : i32
      %convert_element_type3A_371 = arith.extui %lt3A_370 : i1 to i32
      %cond3A_372 = arith.constant 0 : i32
      %cond3A_373 = arith.cmpi ne, %convert_element_type3A_371, %cond3A_372 : i32
      scf.if %cond3A_373 {
        %dma_wait3A_449 = arith.constant 0 : i32
        %dma_wait3A_450 = arith.constant 0 : i32
        %dma_wait3A_451 = tpu.memref_slice %arg3[%dma_wait3A_449, %dma_wait3A_450] : memref<2x327680xi32, #tpu.memory_space<hbm>> -> memref<2x128xi32, #tpu.memory_space<hbm>>
        %dma_wait3A_452 = arith.constant 0 : i32
        %dma_wait3A_453 = arith.constant 0 : i32
        %dma_wait3A_454 = tpu.memref_slice %arg3[%dma_wait3A_452, %dma_wait3A_453] : memref<2x327680xi32, #tpu.memory_space<hbm>> -> memref<2x128xi32, #tpu.memory_space<hbm>>
        tpu.wait_dma2 semaphore(%arg12 : memref<!tpu.dma_semaphore, #tpu.memory_space<semaphore_mem>>) src(%dma_wait3A_454 : memref<2x128xi32, #tpu.memory_space<hbm>>) dst(%arg8 : memref<2x128xi32, #tpu.memory_space<vmem>>)
        %dma_start3A_455 = arith.constant 0 : i32
        %dma_start3A_456 = arith.constant 0 : i32
        %dma_start3A_457 = tpu.memref_slice %arg8[%dma_start3A_455, %dma_start3A_456] : memref<2x128xi32, #tpu.memory_space<vmem>> -> memref<1x128xi32, #tpu.memory_space<vmem>>
        %dma_start3A_458 = tpu.memref_squeeze %dma_start3A_457 : memref<1x128xi32, #tpu.memory_space<vmem>> -> memref<128xi32, #tpu.memory_space<vmem>>
        %dma_start3A_459 = arith.constant 0 : i32
        %dma_start3A_460 = arith.constant 0 : i32
        %dma_start3A_461 = tpu.memref_slice %arg2[%dma_start3A_459, %dma_start3A_460] : memref<10240x128xf32, #tpu.memory_space<hbm>> -> memref<10240x128xf32, #tpu.memory_space<hbm>>
        tpu.enqueue_indirect_dma source(%dma_start3A_461 : memref<10240x128xf32, #tpu.memory_space<hbm>>) target(%arg14 : memref<128x128xf32, #tpu.memory_space<vmem>>) offsets(%dma_start3A_458 : memref<128xi32, #tpu.memory_space<vmem>>) semaphore(%arg16 : memref<!tpu.dma_semaphore, #tpu.memory_space<semaphore_mem>>)
      } else {
      }
      %mul3A_374 = arith.constant 4 : i32
      %mul3A_375 = arith.muli %mul3A_374, %scan3A_350 : i32
      %add3A_376 = arith.constant 1 : i32
      %add3A_377 = arith.addi %mul3A_375, %add3A_376 : i32
      %dma_wait3A_378 = arith.constant 0 : i32
      %dma_wait3A_379 = arith.constant 0 : i32
      %dma_wait3A_380 = tpu.memref_slice %arg2[%dma_wait3A_378, %dma_wait3A_379] : memref<10240x128xf32, #tpu.memory_space<hbm>> -> memref<128x128xf32, #tpu.memory_space<hbm>>
      %dma_wait3A_381 = arith.constant 0 : i32
      %dma_wait3A_382 = arith.constant 0 : i32
      %dma_wait3A_383 = tpu.memref_slice %arg2[%dma_wait3A_381, %dma_wait3A_382] : memref<10240x128xf32, #tpu.memory_space<hbm>> -> memref<128x128xf32, #tpu.memory_space<hbm>>
      tpu.wait_dma2 semaphore(%arg17 : memref<!tpu.dma_semaphore, #tpu.memory_space<semaphore_mem>>) src(%dma_wait3A_383 : memref<128x128xf32, #tpu.memory_space<hbm>>) dst(%arg15 : memref<128x128xf32, #tpu.memory_space<vmem>>)
      %run_scoped3A_384 = arith.constant 1 : i32
      "tpu.region"() ({
        %run_scoped3A_449 = tpu.sem_alloc : memref<!tpu.dma_semaphore, #tpu.memory_space<semaphore_mem>>
        %dma_start3A_450 = arith.constant 0 : i32
        %dma_start3A_451 = tpu.memref_slice %arg7[%run_scoped3A_384, %dma_start3A_450] : memref<2x128xi32, #tpu.memory_space<vmem>> -> memref<1x128xi32, #tpu.memory_space<vmem>>
        %dma_start3A_452 = tpu.memref_squeeze %dma_start3A_451 : memref<1x128xi32, #tpu.memory_space<vmem>> -> memref<128xi32, #tpu.memory_space<vmem>>
        %dma_start3A_453 = arith.constant 0 : i32
        %dma_start3A_454 = arith.constant 0 : i32
        %dma_start3A_455 = tpu.memref_slice %arg18[%dma_start3A_453, %dma_start3A_454] : memref<10240x128xf32, #tpu.memory_space<vmem_shared>> -> memref<10240x128xf32, #tpu.memory_space<vmem_shared>>
        tpu.enqueue_indirect_dma source(%arg15 : memref<128x128xf32, #tpu.memory_space<vmem>>) target(%dma_start3A_455 : memref<10240x128xf32, #tpu.memory_space<vmem_shared>>) offsets(%dma_start3A_452 : memref<128xi32, #tpu.memory_space<vmem>>) semaphore(%run_scoped3A_449 : memref<!tpu.dma_semaphore, #tpu.memory_space<semaphore_mem>>) {add = true}
        %dma_wait3A_456 = arith.constant 0 : i32
        %dma_wait3A_457 = tpu.memref_slice %arg7[%run_scoped3A_384, %dma_wait3A_456] : memref<2x128xi32, #tpu.memory_space<vmem>> -> memref<1x128xi32, #tpu.memory_space<vmem>>
        %dma_wait3A_458 = tpu.memref_squeeze %dma_wait3A_457 : memref<1x128xi32, #tpu.memory_space<vmem>> -> memref<128xi32, #tpu.memory_space<vmem>>
        %dma_wait3A_459 = arith.constant 0 : i32
        %dma_wait3A_460 = arith.constant 0 : i32
        %dma_wait3A_461 = tpu.memref_slice %arg18[%dma_wait3A_459, %dma_wait3A_460] : memref<10240x128xf32, #tpu.memory_space<vmem_shared>> -> memref<10240x128xf32, #tpu.memory_space<vmem_shared>>
        tpu.wait_indirect_dma semaphore(%run_scoped3A_449 : memref<!tpu.dma_semaphore, #tpu.memory_space<semaphore_mem>>) src(%arg15 : memref<128x128xf32, #tpu.memory_space<vmem>>) dst(%dma_wait3A_461 : memref<10240x128xf32, #tpu.memory_space<vmem_shared>>)
        tpu.yield
      }) : () -> ()
      %add3A_385 = arith.constant 4 : i32
      %add3A_386 = arith.addi %add3A_377, %add3A_385 : i32
      %lt3A_387 = arith.constant 80 : i32
      %lt3A_388 = arith.cmpi slt, %add3A_386, %lt3A_387 : i32
      %convert_element_type3A_389 = arith.extui %lt3A_388 : i1 to i32
      %cond3A_390 = arith.constant 0 : i32
      %cond3A_391 = arith.cmpi ne, %convert_element_type3A_389, %cond3A_390 : i32
      scf.if %cond3A_391 {
        %add3A_449 = arith.constant 4 : i32
        %add3A_450 = arith.addi %add3A_377, %add3A_449 : i32
        %mul3A_451 = arith.constant 10240 : i32
        %mul3A_452 = arith.muli %add3A, %mul3A_451 : i32
        %mul3A_453 = arith.constant 128 : i32
        %mul3A_454 = arith.muli %add3A_450, %mul3A_453 : i32
        %add3A_455 = arith.addi %mul3A_452, %mul3A_454 : i32
        %dma_start3A_456 = arith.constant 0 : i32
        %dma_start3A_457 = tpu.memref_slice %arg3[%dma_start3A_456, %add3A_455] : memref<2x327680xi32, #tpu.memory_space<hbm>> -> memref<2x128xi32, #tpu.memory_space<hbm>>
        %dma_start3A_458 = arith.constant 0 : i32
        %dma_start3A_459 = tpu.memref_slice %arg3[%dma_start3A_458, %add3A_455] : memref<2x327680xi32, #tpu.memory_space<hbm>> -> memref<2x128xi32, #tpu.memory_space<hbm>>
        tpu.enqueue_dma source(%dma_start3A_459 : memref<2x128xi32, #tpu.memory_space<hbm>>) target(%arg7 : memref<2x128xi32, #tpu.memory_space<vmem>>) target_semaphore(%arg11 : memref<!tpu.dma_semaphore, #tpu.memory_space<semaphore_mem>>)
      } else {
      }
      %add3A_392 = arith.constant 2 : i32
      %add3A_393 = arith.addi %add3A_377, %add3A_392 : i32
      %lt3A_394 = arith.constant 80 : i32
      %lt3A_395 = arith.cmpi slt, %add3A_393, %lt3A_394 : i32
      %convert_element_type3A_396 = arith.extui %lt3A_395 : i1 to i32
      %cond3A_397 = arith.constant 0 : i32
      %cond3A_398 = arith.cmpi ne, %convert_element_type3A_396, %cond3A_397 : i32
      scf.if %cond3A_398 {
        %dma_wait3A_449 = arith.constant 0 : i32
        %dma_wait3A_450 = arith.constant 0 : i32
        %dma_wait3A_451 = tpu.memref_slice %arg3[%dma_wait3A_449, %dma_wait3A_450] : memref<2x327680xi32, #tpu.memory_space<hbm>> -> memref<2x128xi32, #tpu.memory_space<hbm>>
        %dma_wait3A_452 = arith.constant 0 : i32
        %dma_wait3A_453 = arith.constant 0 : i32
        %dma_wait3A_454 = tpu.memref_slice %arg3[%dma_wait3A_452, %dma_wait3A_453] : memref<2x327680xi32, #tpu.memory_space<hbm>> -> memref<2x128xi32, #tpu.memory_space<hbm>>
        tpu.wait_dma2 semaphore(%arg13 : memref<!tpu.dma_semaphore, #tpu.memory_space<semaphore_mem>>) src(%dma_wait3A_454 : memref<2x128xi32, #tpu.memory_space<hbm>>) dst(%arg9 : memref<2x128xi32, #tpu.memory_space<vmem>>)
        %dma_start3A_455 = arith.constant 0 : i32
        %dma_start3A_456 = arith.constant 0 : i32
        %dma_start3A_457 = tpu.memref_slice %arg9[%dma_start3A_455, %dma_start3A_456] : memref<2x128xi32, #tpu.memory_space<vmem>> -> memref<1x128xi32, #tpu.memory_space<vmem>>
        %dma_start3A_458 = tpu.memref_squeeze %dma_start3A_457 : memref<1x128xi32, #tpu.memory_space<vmem>> -> memref<128xi32, #tpu.memory_space<vmem>>
        %dma_start3A_459 = arith.constant 0 : i32
        %dma_start3A_460 = arith.constant 0 : i32
        %dma_start3A_461 = tpu.memref_slice %arg2[%dma_start3A_459, %dma_start3A_460] : memref<10240x128xf32, #tpu.memory_space<hbm>> -> memref<10240x128xf32, #tpu.memory_space<hbm>>
        tpu.enqueue_indirect_dma source(%dma_start3A_461 : memref<10240x128xf32, #tpu.memory_space<hbm>>) target(%arg15 : memref<128x128xf32, #tpu.memory_space<vmem>>) offsets(%dma_start3A_458 : memref<128xi32, #tpu.memory_space<vmem>>) semaphore(%arg17 : memref<!tpu.dma_semaphore, #tpu.memory_space<semaphore_mem>>)
      } else {
      }
      %mul3A_399 = arith.constant 4 : i32
      %mul3A_400 = arith.muli %mul3A_399, %scan3A_350 : i32
      %add3A_401 = arith.constant 2 : i32
      %add3A_402 = arith.addi %mul3A_400, %add3A_401 : i32
      %dma_wait3A_403 = arith.constant 0 : i32
      %dma_wait3A_404 = arith.constant 0 : i32
      %dma_wait3A_405 = tpu.memref_slice %arg2[%dma_wait3A_403, %dma_wait3A_404] : memref<10240x128xf32, #tpu.memory_space<hbm>> -> memref<128x128xf32, #tpu.memory_space<hbm>>
      %dma_wait3A_406 = arith.constant 0 : i32
      %dma_wait3A_407 = arith.constant 0 : i32
      %dma_wait3A_408 = tpu.memref_slice %arg2[%dma_wait3A_406, %dma_wait3A_407] : memref<10240x128xf32, #tpu.memory_space<hbm>> -> memref<128x128xf32, #tpu.memory_space<hbm>>
      tpu.wait_dma2 semaphore(%arg16 : memref<!tpu.dma_semaphore, #tpu.memory_space<semaphore_mem>>) src(%dma_wait3A_408 : memref<128x128xf32, #tpu.memory_space<hbm>>) dst(%arg14 : memref<128x128xf32, #tpu.memory_space<vmem>>)
      %run_scoped3A_409 = arith.constant 1 : i32
      "tpu.region"() ({
        %run_scoped3A_449 = tpu.sem_alloc : memref<!tpu.dma_semaphore, #tpu.memory_space<semaphore_mem>>
        %dma_start3A_450 = arith.constant 0 : i32
        %dma_start3A_451 = tpu.memref_slice %arg8[%run_scoped3A_409, %dma_start3A_450] : memref<2x128xi32, #tpu.memory_space<vmem>> -> memref<1x128xi32, #tpu.memory_space<vmem>>
        %dma_start3A_452 = tpu.memref_squeeze %dma_start3A_451 : memref<1x128xi32, #tpu.memory_space<vmem>> -> memref<128xi32, #tpu.memory_space<vmem>>
        %dma_start3A_453 = arith.constant 0 : i32
        %dma_start3A_454 = arith.constant 0 : i32
        %dma_start3A_455 = tpu.memref_slice %arg18[%dma_start3A_453, %dma_start3A_454] : memref<10240x128xf32, #tpu.memory_space<vmem_shared>> -> memref<10240x128xf32, #tpu.memory_space<vmem_shared>>
        tpu.enqueue_indirect_dma source(%arg14 : memref<128x128xf32, #tpu.memory_space<vmem>>) target(%dma_start3A_455 : memref<10240x128xf32, #tpu.memory_space<vmem_shared>>) offsets(%dma_start3A_452 : memref<128xi32, #tpu.memory_space<vmem>>) semaphore(%run_scoped3A_449 : memref<!tpu.dma_semaphore, #tpu.memory_space<semaphore_mem>>) {add = true}
        %dma_wait3A_456 = arith.constant 0 : i32
        %dma_wait3A_457 = tpu.memref_slice %arg8[%run_scoped3A_409, %dma_wait3A_456] : memref<2x128xi32, #tpu.memory_space<vmem>> -> memref<1x128xi32, #tpu.memory_space<vmem>>
        %dma_wait3A_458 = tpu.memref_squeeze %dma_wait3A_457 : memref<1x128xi32, #tpu.memory_space<vmem>> -> memref<128xi32, #tpu.memory_space<vmem>>
        %dma_wait3A_459 = arith.constant 0 : i32
        %dma_wait3A_460 = arith.constant 0 : i32
        %dma_wait3A_461 = tpu.memref_slice %arg18[%dma_wait3A_459, %dma_wait3A_460] : memref<10240x128xf32, #tpu.memory_space<vmem_shared>> -> memref<10240x128xf32, #tpu.memory_space<vmem_shared>>
        tpu.wait_indirect_dma semaphore(%run_scoped3A_449 : memref<!tpu.dma_semaphore, #tpu.memory_space<semaphore_mem>>) src(%arg14 : memref<128x128xf32, #tpu.memory_space<vmem>>) dst(%dma_wait3A_461 : memref<10240x128xf32, #tpu.memory_space<vmem_shared>>)
        tpu.yield
      }) : () -> ()
      %add3A_410 = arith.constant 4 : i32
      %add3A_411 = arith.addi %add3A_402, %add3A_410 : i32
      %lt3A_412 = arith.constant 80 : i32
      %lt3A_413 = arith.cmpi slt, %add3A_411, %lt3A_412 : i32
      %convert_element_type3A_414 = arith.extui %lt3A_413 : i1 to i32
      %cond3A_415 = arith.constant 0 : i32
      %cond3A_416 = arith.cmpi ne, %convert_element_type3A_414, %cond3A_415 : i32
      scf.if %cond3A_416 {
        %add3A_449 = arith.constant 4 : i32
        %add3A_450 = arith.addi %add3A_402, %add3A_449 : i32
        %mul3A_451 = arith.constant 10240 : i32
        %mul3A_452 = arith.muli %add3A, %mul3A_451 : i32
        %mul3A_453 = arith.constant 128 : i32
        %mul3A_454 = arith.muli %add3A_450, %mul3A_453 : i32
        %add3A_455 = arith.addi %mul3A_452, %mul3A_454 : i32
        %dma_start3A_456 = arith.constant 0 : i32
        %dma_start3A_457 = tpu.memref_slice %arg3[%dma_start3A_456, %add3A_455] : memref<2x327680xi32, #tpu.memory_space<hbm>> -> memref<2x128xi32, #tpu.memory_space<hbm>>
        %dma_start3A_458 = arith.constant 0 : i32
        %dma_start3A_459 = tpu.memref_slice %arg3[%dma_start3A_458, %add3A_455] : memref<2x327680xi32, #tpu.memory_space<hbm>> -> memref<2x128xi32, #tpu.memory_space<hbm>>
        tpu.enqueue_dma source(%dma_start3A_459 : memref<2x128xi32, #tpu.memory_space<hbm>>) target(%arg8 : memref<2x128xi32, #tpu.memory_space<vmem>>) target_semaphore(%arg12 : memref<!tpu.dma_semaphore, #tpu.memory_space<semaphore_mem>>)
      } else {
      }
      %add3A_417 = arith.constant 2 : i32
      %add3A_418 = arith.addi %add3A_402, %add3A_417 : i32
      %lt3A_419 = arith.constant 80 : i32
      %lt3A_420 = arith.cmpi slt, %add3A_418, %lt3A_419 : i32
      %convert_element_type3A_421 = arith.extui %lt3A_420 : i1 to i32
      %cond3A_422 = arith.constant 0 : i32
      %cond3A_423 = arith.cmpi ne, %convert_element_type3A_421, %cond3A_422 : i32
      scf.if %cond3A_423 {
        %dma_wait3A_449 = arith.constant 0 : i32
        %dma_wait3A_450 = arith.constant 0 : i32
        %dma_wait3A_451 = tpu.memref_slice %arg3[%dma_wait3A_449, %dma_wait3A_450] : memref<2x327680xi32, #tpu.memory_space<hbm>> -> memref<2x128xi32, #tpu.memory_space<hbm>>
        %dma_wait3A_452 = arith.constant 0 : i32
        %dma_wait3A_453 = arith.constant 0 : i32
        %dma_wait3A_454 = tpu.memref_slice %arg3[%dma_wait3A_452, %dma_wait3A_453] : memref<2x327680xi32, #tpu.memory_space<hbm>> -> memref<2x128xi32, #tpu.memory_space<hbm>>
        tpu.wait_dma2 semaphore(%arg10 : memref<!tpu.dma_semaphore, #tpu.memory_space<semaphore_mem>>) src(%dma_wait3A_454 : memref<2x128xi32, #tpu.memory_space<hbm>>) dst(%arg6 : memref<2x128xi32, #tpu.memory_space<vmem>>)
        %dma_start3A_455 = arith.constant 0 : i32
        %dma_start3A_456 = arith.constant 0 : i32
        %dma_start3A_457 = tpu.memref_slice %arg6[%dma_start3A_455, %dma_start3A_456] : memref<2x128xi32, #tpu.memory_space<vmem>> -> memref<1x128xi32, #tpu.memory_space<vmem>>
        %dma_start3A_458 = tpu.memref_squeeze %dma_start3A_457 : memref<1x128xi32, #tpu.memory_space<vmem>> -> memref<128xi32, #tpu.memory_space<vmem>>
        %dma_start3A_459 = arith.constant 0 : i32
        %dma_start3A_460 = arith.constant 0 : i32
        %dma_start3A_461 = tpu.memref_slice %arg2[%dma_start3A_459, %dma_start3A_460] : memref<10240x128xf32, #tpu.memory_space<hbm>> -> memref<10240x128xf32, #tpu.memory_space<hbm>>
        tpu.enqueue_indirect_dma source(%dma_start3A_461 : memref<10240x128xf32, #tpu.memory_space<hbm>>) target(%arg14 : memref<128x128xf32, #tpu.memory_space<vmem>>) offsets(%dma_start3A_458 : memref<128xi32, #tpu.memory_space<vmem>>) semaphore(%arg16 : memref<!tpu.dma_semaphore, #tpu.memory_space<semaphore_mem>>)
      } else {
      }
      %mul3A_424 = arith.constant 4 : i32
      %mul3A_425 = arith.muli %mul3A_424, %scan3A_350 : i32
      %add3A_426 = arith.constant 3 : i32
      %add3A_427 = arith.addi %mul3A_425, %add3A_426 : i32
      %dma_wait3A_428 = arith.constant 0 : i32
      %dma_wait3A_429 = arith.constant 0 : i32
      %dma_wait3A_430 = tpu.memref_slice %arg2[%dma_wait3A_428, %dma_wait3A_429] : memref<10240x128xf32, #tpu.memory_space<hbm>> -> memref<128x128xf32, #tpu.memory_space<hbm>>
      %dma_wait3A_431 = arith.constant 0 : i32
      %dma_wait3A_432 = arith.constant 0 : i32
      %dma_wait3A_433 = tpu.memref_slice %arg2[%dma_wait3A_431, %dma_wait3A_432] : memref<10240x128xf32, #tpu.memory_space<hbm>> -> memref<128x128xf32, #tpu.memory_space<hbm>>
      tpu.wait_dma2 semaphore(%arg17 : memref<!tpu.dma_semaphore, #tpu.memory_space<semaphore_mem>>) src(%dma_wait3A_433 : memref<128x128xf32, #tpu.memory_space<hbm>>) dst(%arg15 : memref<128x128xf32, #tpu.memory_space<vmem>>)
      %run_scoped3A_434 = arith.constant 1 : i32
      "tpu.region"() ({
        %run_scoped3A_449 = tpu.sem_alloc : memref<!tpu.dma_semaphore, #tpu.memory_space<semaphore_mem>>
        %dma_start3A_450 = arith.constant 0 : i32
        %dma_start3A_451 = tpu.memref_slice %arg9[%run_scoped3A_434, %dma_start3A_450] : memref<2x128xi32, #tpu.memory_space<vmem>> -> memref<1x128xi32, #tpu.memory_space<vmem>>
        %dma_start3A_452 = tpu.memref_squeeze %dma_start3A_451 : memref<1x128xi32, #tpu.memory_space<vmem>> -> memref<128xi32, #tpu.memory_space<vmem>>
        %dma_start3A_453 = arith.constant 0 : i32
        %dma_start3A_454 = arith.constant 0 : i32
        %dma_start3A_455 = tpu.memref_slice %arg18[%dma_start3A_453, %dma_start3A_454] : memref<10240x128xf32, #tpu.memory_space<vmem_shared>> -> memref<10240x128xf32, #tpu.memory_space<vmem_shared>>
        tpu.enqueue_indirect_dma source(%arg15 : memref<128x128xf32, #tpu.memory_space<vmem>>) target(%dma_start3A_455 : memref<10240x128xf32, #tpu.memory_space<vmem_shared>>) offsets(%dma_start3A_452 : memref<128xi32, #tpu.memory_space<vmem>>) semaphore(%run_scoped3A_449 : memref<!tpu.dma_semaphore, #tpu.memory_space<semaphore_mem>>) {add = true}
        %dma_wait3A_456 = arith.constant 0 : i32
        %dma_wait3A_457 = tpu.memref_slice %arg9[%run_scoped3A_434, %dma_wait3A_456] : memref<2x128xi32, #tpu.memory_space<vmem>> -> memref<1x128xi32, #tpu.memory_space<vmem>>
        %dma_wait3A_458 = tpu.memref_squeeze %dma_wait3A_457 : memref<1x128xi32, #tpu.memory_space<vmem>> -> memref<128xi32, #tpu.memory_space<vmem>>
        %dma_wait3A_459 = arith.constant 0 : i32
        %dma_wait3A_460 = arith.constant 0 : i32
        %dma_wait3A_461 = tpu.memref_slice %arg18[%dma_wait3A_459, %dma_wait3A_460] : memref<10240x128xf32, #tpu.memory_space<vmem_shared>> -> memref<10240x128xf32, #tpu.memory_space<vmem_shared>>
        tpu.wait_indirect_dma semaphore(%run_scoped3A_449 : memref<!tpu.dma_semaphore, #tpu.memory_space<semaphore_mem>>) src(%arg15 : memref<128x128xf32, #tpu.memory_space<vmem>>) dst(%dma_wait3A_461 : memref<10240x128xf32, #tpu.memory_space<vmem_shared>>)
        tpu.yield
      }) : () -> ()
      %add3A_435 = arith.constant 4 : i32
      %add3A_436 = arith.addi %add3A_427, %add3A_435 : i32
      %lt3A_437 = arith.constant 80 : i32
      %lt3A_438 = arith.cmpi slt, %add3A_436, %lt3A_437 : i32
      %convert_element_type3A_439 = arith.extui %lt3A_438 : i1 to i32
      %cond3A_440 = arith.constant 0 : i32
      %cond3A_441 = arith.cmpi ne, %convert_element_type3A_439, %cond3A_440 : i32
      scf.if %cond3A_441 {
        %add3A_449 = arith.constant 4 : i32
        %add3A_450 = arith.addi %add3A_427, %add3A_449 : i32
        %mul3A_451 = arith.constant 10240 : i32
        %mul3A_452 = arith.muli %add3A, %mul3A_451 : i32
        %mul3A_453 = arith.constant 128 : i32
        %mul3A_454 = arith.muli %add3A_450, %mul3A_453 : i32
        %add3A_455 = arith.addi %mul3A_452, %mul3A_454 : i32
        %dma_start3A_456 = arith.constant 0 : i32
        %dma_start3A_457 = tpu.memref_slice %arg3[%dma_start3A_456, %add3A_455] : memref<2x327680xi32, #tpu.memory_space<hbm>> -> memref<2x128xi32, #tpu.memory_space<hbm>>
        %dma_start3A_458 = arith.constant 0 : i32
        %dma_start3A_459 = tpu.memref_slice %arg3[%dma_start3A_458, %add3A_455] : memref<2x327680xi32, #tpu.memory_space<hbm>> -> memref<2x128xi32, #tpu.memory_space<hbm>>
        tpu.enqueue_dma source(%dma_start3A_459 : memref<2x128xi32, #tpu.memory_space<hbm>>) target(%arg9 : memref<2x128xi32, #tpu.memory_space<vmem>>) target_semaphore(%arg13 : memref<!tpu.dma_semaphore, #tpu.memory_space<semaphore_mem>>)
      } else {
      }
      %add3A_442 = arith.constant 2 : i32
      %add3A_443 = arith.addi %add3A_427, %add3A_442 : i32
      %lt3A_444 = arith.constant 80 : i32
      %lt3A_445 = arith.cmpi slt, %add3A_443, %lt3A_444 : i32
      %convert_element_type3A_446 = arith.extui %lt3A_445 : i1 to i32
      %cond3A_447 = arith.constant 0 : i32
      %cond3A_448 = arith.cmpi ne, %convert_element_type3A_446, %cond3A_447 : i32
      scf.if %cond3A_448 {
        %dma_wait3A_449 = arith.constant 0 : i32
        %dma_wait3A_450 = arith.constant 0 : i32
        %dma_wait3A_451 = tpu.memref_slice %arg3[%dma_wait3A_449, %dma_wait3A_450] : memref<2x327680xi32, #tpu.memory_space<hbm>> -> memref<2x128xi32, #tpu.memory_space<hbm>>
        %dma_wait3A_452 = arith.constant 0 : i32
        %dma_wait3A_453 = arith.constant 0 : i32
        %dma_wait3A_454 = tpu.memref_slice %arg3[%dma_wait3A_452, %dma_wait3A_453] : memref<2x327680xi32, #tpu.memory_space<hbm>> -> memref<2x128xi32, #tpu.memory_space<hbm>>
        tpu.wait_dma2 semaphore(%arg11 : memref<!tpu.dma_semaphore, #tpu.memory_space<semaphore_mem>>) src(%dma_wait3A_454 : memref<2x128xi32, #tpu.memory_space<hbm>>) dst(%arg7 : memref<2x128xi32, #tpu.memory_space<vmem>>)
        %dma_start3A_455 = arith.constant 0 : i32
        %dma_start3A_456 = arith.constant 0 : i32
        %dma_start3A_457 = tpu.memref_slice %arg7[%dma_start3A_455, %dma_start3A_456] : memref<2x128xi32, #tpu.memory_space<vmem>> -> memref<1x128xi32, #tpu.memory_space<vmem>>
        %dma_start3A_458 = tpu.memref_squeeze %dma_start3A_457 : memref<1x128xi32, #tpu.memory_space<vmem>> -> memref<128xi32, #tpu.memory_space<vmem>>
        %dma_start3A_459 = arith.constant 0 : i32
        %dma_start3A_460 = arith.constant 0 : i32
        %dma_start3A_461 = tpu.memref_slice %arg2[%dma_start3A_459, %dma_start3A_460] : memref<10240x128xf32, #tpu.memory_space<hbm>> -> memref<10240x128xf32, #tpu.memory_space<hbm>>
        tpu.enqueue_indirect_dma source(%dma_start3A_461 : memref<10240x128xf32, #tpu.memory_space<hbm>>) target(%arg15 : memref<128x128xf32, #tpu.memory_space<vmem>>) offsets(%dma_start3A_458 : memref<128xi32, #tpu.memory_space<vmem>>) semaphore(%arg17 : memref<!tpu.dma_semaphore, #tpu.memory_space<semaphore_mem>>)
      } else {
      }
    }
    %scan3A_188 = arith.constant 20 : i32
    %barrier3A_189 = arith.constant 0 : index
    tpu.barrier barrier_id(%barrier3A_189)
    %mul3A_190 = arith.constant 640 : i32
    %mul3A_191 = arith.muli %arg1, %mul3A_190 : i32
    %add3A_192 = arith.constant 0 : i32
    %add3A_193 = arith.addi %mul3A_191, %add3A_192 : i32
    "tpu.region"() ({
      %run_scoped3A = tpu.sem_alloc : memref<!tpu.dma_semaphore, #tpu.memory_space<semaphore_mem>>
      %dma_start3A_350 = arith.constant 0 : i32
      %dma_start3A_351 = arith.constant 0 : i32
      %dma_start3A_352 = tpu.memref_slice %arg14[%dma_start3A_350, %dma_start3A_351] : memref<128x128xf32, #tpu.memory_space<vmem>> -> memref<128x128xf32, #tpu.memory_space<vmem>>
      %dma_start3A_353 = arith.constant 0 : i32
      %dma_start3A_354 = tpu.memref_slice %arg18[%add3A_193, %dma_start3A_353] : memref<10240x128xf32, #tpu.memory_space<vmem_shared>> -> memref<128x128xf32, #tpu.memory_space<vmem_shared>>
      %dma_start3A_355 = arith.constant 0 : i32
      %dma_start3A_356 = arith.constant 0 : i32
      %dma_start3A_357 = tpu.memref_slice %arg14[%dma_start3A_355, %dma_start3A_356] : memref<128x128xf32, #tpu.memory_space<vmem>> -> memref<128x128xf32, #tpu.memory_space<vmem>>
      %dma_start3A_358 = arith.constant 0 : i32
      %dma_start3A_359 = tpu.memref_slice %arg18[%add3A_193, %dma_start3A_358] : memref<10240x128xf32, #tpu.memory_space<vmem_shared>> -> memref<128x128xf32, #tpu.memory_space<vmem_shared>>
      tpu.enqueue_dma source(%dma_start3A_359 : memref<128x128xf32, #tpu.memory_space<vmem_shared>>) target(%dma_start3A_357 : memref<128x128xf32, #tpu.memory_space<vmem>>) target_semaphore(%run_scoped3A : memref<!tpu.dma_semaphore, #tpu.memory_space<semaphore_mem>>)
      %dma_wait3A_360 = arith.constant 0 : i32
      %dma_wait3A_361 = arith.constant 0 : i32
      %dma_wait3A_362 = tpu.memref_slice %arg14[%dma_wait3A_360, %dma_wait3A_361] : memref<128x128xf32, #tpu.memory_space<vmem>> -> memref<128x128xf32, #tpu.memory_space<vmem>>
      %dma_wait3A_363 = arith.constant 0 : i32
      %dma_wait3A_364 = tpu.memref_slice %arg18[%add3A_193, %dma_wait3A_363] : memref<10240x128xf32, #tpu.memory_space<vmem_shared>> -> memref<128x128xf32, #tpu.memory_space<vmem_shared>>
      %dma_wait3A_365 = arith.constant 0 : i32
      %dma_wait3A_366 = arith.constant 0 : i32
      %dma_wait3A_367 = tpu.memref_slice %arg14[%dma_wait3A_365, %dma_wait3A_366] : memref<128x128xf32, #tpu.memory_space<vmem>> -> memref<128x128xf32, #tpu.memory_space<vmem>>
      %dma_wait3A_368 = arith.constant 0 : i32
      %dma_wait3A_369 = tpu.memref_slice %arg18[%add3A_193, %dma_wait3A_368] : memref<10240x128xf32, #tpu.memory_space<vmem_shared>> -> memref<128x128xf32, #tpu.memory_space<vmem_shared>>
      tpu.wait_dma2 semaphore(%run_scoped3A : memref<!tpu.dma_semaphore, #tpu.memory_space<semaphore_mem>>) src(%dma_wait3A_369 : memref<128x128xf32, #tpu.memory_space<vmem_shared>>) dst(%dma_wait3A_367 : memref<128x128xf32, #tpu.memory_space<vmem>>)
      tpu.yield
    }) : () -> ()
    %mul3A_194 = arith.constant 640 : i32
    %mul3A_195 = arith.muli %arg1, %mul3A_194 : i32
    %add3A_196 = arith.constant 0 : i32
    %add3A_197 = arith.addi %mul3A_195, %add3A_196 : i32
    %dma_start3A_198 = arith.constant 0 : i32
    %dma_start3A_199 = arith.constant 0 : i32
    %dma_start3A_200 = tpu.memref_slice %arg14[%dma_start3A_198, %dma_start3A_199] : memref<128x128xf32, #tpu.memory_space<vmem>> -> memref<128x128xf32, #tpu.memory_space<vmem>>
    %dma_start3A_201 = arith.constant 0 : i32
    %dma_start3A_202 = tpu.memref_slice %arg5[%arg0, %add3A_197, %dma_start3A_201] : memref<2x10240x128xf32, #tpu.memory_space<hbm>> -> memref<1x128x128xf32, #tpu.memory_space<hbm>>
    %dma_start3A_203 = tpu.memref_squeeze %dma_start3A_202 : memref<1x128x128xf32, #tpu.memory_space<hbm>> -> memref<128x128xf32, #tpu.memory_space<hbm>>
    %dma_start3A_204 = arith.constant 0 : i32
    %dma_start3A_205 = tpu.memref_slice %arg5[%arg0, %add3A_197, %dma_start3A_204] : memref<2x10240x128xf32, #tpu.memory_space<hbm>> -> memref<1x128x128xf32, #tpu.memory_space<hbm>>
    %dma_start3A_206 = tpu.memref_squeeze %dma_start3A_205 : memref<1x128x128xf32, #tpu.memory_space<hbm>> -> memref<128x128xf32, #tpu.memory_space<hbm>>
    %dma_start3A_207 = arith.constant 0 : i32
    %dma_start3A_208 = arith.constant 0 : i32
    %dma_start3A_209 = tpu.memref_slice %arg14[%dma_start3A_207, %dma_start3A_208] : memref<128x128xf32, #tpu.memory_space<vmem>> -> memref<128x128xf32, #tpu.memory_space<vmem>>
    tpu.enqueue_dma source(%dma_start3A_209 : memref<128x128xf32, #tpu.memory_space<vmem>>) target(%dma_start3A_206 : memref<128x128xf32, #tpu.memory_space<hbm>>) target_semaphore(%arg16 : memref<!tpu.dma_semaphore, #tpu.memory_space<semaphore_mem>>)
    %mul3A_210 = arith.constant 640 : i32
    %mul3A_211 = arith.muli %arg1, %mul3A_210 : i32
    %add3A_212 = arith.constant 128 : i32
    %add3A_213 = arith.addi %mul3A_211, %add3A_212 : i32
    "tpu.region"() ({
      %run_scoped3A = tpu.sem_alloc : memref<!tpu.dma_semaphore, #tpu.memory_space<semaphore_mem>>
      %dma_start3A_350 = arith.constant 0 : i32
      %dma_start3A_351 = arith.constant 0 : i32
      %dma_start3A_352 = tpu.memref_slice %arg15[%dma_start3A_350, %dma_start3A_351] : memref<128x128xf32, #tpu.memory_space<vmem>> -> memref<128x128xf32, #tpu.memory_space<vmem>>
      %dma_start3A_353 = arith.constant 0 : i32
      %dma_start3A_354 = tpu.memref_slice %arg18[%add3A_213, %dma_start3A_353] : memref<10240x128xf32, #tpu.memory_space<vmem_shared>> -> memref<128x128xf32, #tpu.memory_space<vmem_shared>>
      %dma_start3A_355 = arith.constant 0 : i32
      %dma_start3A_356 = arith.constant 0 : i32
      %dma_start3A_357 = tpu.memref_slice %arg15[%dma_start3A_355, %dma_start3A_356] : memref<128x128xf32, #tpu.memory_space<vmem>> -> memref<128x128xf32, #tpu.memory_space<vmem>>
      %dma_start3A_358 = arith.constant 0 : i32
      %dma_start3A_359 = tpu.memref_slice %arg18[%add3A_213, %dma_start3A_358] : memref<10240x128xf32, #tpu.memory_space<vmem_shared>> -> memref<128x128xf32, #tpu.memory_space<vmem_shared>>
      tpu.enqueue_dma source(%dma_start3A_359 : memref<128x128xf32, #tpu.memory_space<vmem_shared>>) target(%dma_start3A_357 : memref<128x128xf32, #tpu.memory_space<vmem>>) target_semaphore(%run_scoped3A : memref<!tpu.dma_semaphore, #tpu.memory_space<semaphore_mem>>)
      %dma_wait3A_360 = arith.constant 0 : i32
      %dma_wait3A_361 = arith.constant 0 : i32
      %dma_wait3A_362 = tpu.memref_slice %arg15[%dma_wait3A_360, %dma_wait3A_361] : memref<128x128xf32, #tpu.memory_space<vmem>> -> memref<128x128xf32, #tpu.memory_space<vmem>>
      %dma_wait3A_363 = arith.constant 0 : i32
      %dma_wait3A_364 = tpu.memref_slice %arg18[%add3A_213, %dma_wait3A_363] : memref<10240x128xf32, #tpu.memory_space<vmem_shared>> -> memref<128x128xf32, #tpu.memory_space<vmem_shared>>
      %dma_wait3A_365 = arith.constant 0 : i32
      %dma_wait3A_366 = arith.constant 0 : i32
      %dma_wait3A_367 = tpu.memref_slice %arg15[%dma_wait3A_365, %dma_wait3A_366] : memref<128x128xf32, #tpu.memory_space<vmem>> -> memref<128x128xf32, #tpu.memory_space<vmem>>
      %dma_wait3A_368 = arith.constant 0 : i32
      %dma_wait3A_369 = tpu.memref_slice %arg18[%add3A_213, %dma_wait3A_368] : memref<10240x128xf32, #tpu.memory_space<vmem_shared>> -> memref<128x128xf32, #tpu.memory_space<vmem_shared>>
      tpu.wait_dma2 semaphore(%run_scoped3A : memref<!tpu.dma_semaphore, #tpu.memory_space<semaphore_mem>>) src(%dma_wait3A_369 : memref<128x128xf32, #tpu.memory_space<vmem_shared>>) dst(%dma_wait3A_367 : memref<128x128xf32, #tpu.memory_space<vmem>>)
      tpu.yield
    }) : () -> ()
    %mul3A_214 = arith.constant 640 : i32
    %mul3A_215 = arith.muli %arg1, %mul3A_214 : i32
    %add3A_216 = arith.constant 128 : i32
    %add3A_217 = arith.addi %mul3A_215, %add3A_216 : i32
    %dma_start3A_218 = arith.constant 0 : i32
    %dma_start3A_219 = arith.constant 0 : i32
    %dma_start3A_220 = tpu.memref_slice %arg15[%dma_start3A_218, %dma_start3A_219] : memref<128x128xf32, #tpu.memory_space<vmem>> -> memref<128x128xf32, #tpu.memory_space<vmem>>
    %dma_start3A_221 = arith.constant 0 : i32
    %dma_start3A_222 = tpu.memref_slice %arg5[%arg0, %add3A_217, %dma_start3A_221] : memref<2x10240x128xf32, #tpu.memory_space<hbm>> -> memref<1x128x128xf32, #tpu.memory_space<hbm>>
    %dma_start3A_223 = tpu.memref_squeeze %dma_start3A_222 : memref<1x128x128xf32, #tpu.memory_space<hbm>> -> memref<128x128xf32, #tpu.memory_space<hbm>>
    %dma_start3A_224 = arith.constant 0 : i32
    %dma_start3A_225 = tpu.memref_slice %arg5[%arg0, %add3A_217, %dma_start3A_224] : memref<2x10240x128xf32, #tpu.memory_space<hbm>> -> memref<1x128x128xf32, #tpu.memory_space<hbm>>
    %dma_start3A_226 = tpu.memref_squeeze %dma_start3A_225 : memref<1x128x128xf32, #tpu.memory_space<hbm>> -> memref<128x128xf32, #tpu.memory_space<hbm>>
    %dma_start3A_227 = arith.constant 0 : i32
    %dma_start3A_228 = arith.constant 0 : i32
    %dma_start3A_229 = tpu.memref_slice %arg15[%dma_start3A_227, %dma_start3A_228] : memref<128x128xf32, #tpu.memory_space<vmem>> -> memref<128x128xf32, #tpu.memory_space<vmem>>
    tpu.enqueue_dma source(%dma_start3A_229 : memref<128x128xf32, #tpu.memory_space<vmem>>) target(%dma_start3A_226 : memref<128x128xf32, #tpu.memory_space<hbm>>) target_semaphore(%arg17 : memref<!tpu.dma_semaphore, #tpu.memory_space<semaphore_mem>>)
    %dma_wait3A_230 = arith.constant 0 : i32
    %dma_wait3A_231 = arith.constant 0 : i32
    %dma_wait3A_232 = tpu.memref_slice %arg14[%dma_wait3A_230, %dma_wait3A_231] : memref<128x128xf32, #tpu.memory_space<vmem>> -> memref<128x128xf32, #tpu.memory_space<vmem>>
    %dma_wait3A_233 = arith.constant 0 : i32
    %dma_wait3A_234 = arith.constant 0 : i32
    %dma_wait3A_235 = tpu.memref_slice %arg2[%dma_wait3A_233, %dma_wait3A_234] : memref<10240x128xf32, #tpu.memory_space<hbm>> -> memref<128x128xf32, #tpu.memory_space<hbm>>
    %dma_wait3A_236 = arith.constant 0 : i32
    %dma_wait3A_237 = arith.constant 0 : i32
    %dma_wait3A_238 = tpu.memref_slice %arg14[%dma_wait3A_236, %dma_wait3A_237] : memref<128x128xf32, #tpu.memory_space<vmem>> -> memref<128x128xf32, #tpu.memory_space<vmem>>
    %dma_wait3A_239 = arith.constant 0 : i32
    %dma_wait3A_240 = arith.constant 0 : i32
    %dma_wait3A_241 = tpu.memref_slice %arg2[%dma_wait3A_239, %dma_wait3A_240] : memref<10240x128xf32, #tpu.memory_space<hbm>> -> memref<128x128xf32, #tpu.memory_space<hbm>>
    tpu.wait_dma2 semaphore(%arg16 : memref<!tpu.dma_semaphore, #tpu.memory_space<semaphore_mem>>) src(%dma_wait3A_241 : memref<128x128xf32, #tpu.memory_space<hbm>>) dst(%dma_wait3A_238 : memref<128x128xf32, #tpu.memory_space<vmem>>)
    %mul3A_242 = arith.constant 640 : i32
    %mul3A_243 = arith.muli %arg1, %mul3A_242 : i32
    %add3A_244 = arith.constant 256 : i32
    %add3A_245 = arith.addi %mul3A_243, %add3A_244 : i32
    "tpu.region"() ({
      %run_scoped3A = tpu.sem_alloc : memref<!tpu.dma_semaphore, #tpu.memory_space<semaphore_mem>>
      %dma_start3A_350 = arith.constant 0 : i32
      %dma_start3A_351 = arith.constant 0 : i32
      %dma_start3A_352 = tpu.memref_slice %arg14[%dma_start3A_350, %dma_start3A_351] : memref<128x128xf32, #tpu.memory_space<vmem>> -> memref<128x128xf32, #tpu.memory_space<vmem>>
      %dma_start3A_353 = arith.constant 0 : i32
      %dma_start3A_354 = tpu.memref_slice %arg18[%add3A_245, %dma_start3A_353] : memref<10240x128xf32, #tpu.memory_space<vmem_shared>> -> memref<128x128xf32, #tpu.memory_space<vmem_shared>>
      %dma_start3A_355 = arith.constant 0 : i32
      %dma_start3A_356 = arith.constant 0 : i32
      %dma_start3A_357 = tpu.memref_slice %arg14[%dma_start3A_355, %dma_start3A_356] : memref<128x128xf32, #tpu.memory_space<vmem>> -> memref<128x128xf32, #tpu.memory_space<vmem>>
      %dma_start3A_358 = arith.constant 0 : i32
      %dma_start3A_359 = tpu.memref_slice %arg18[%add3A_245, %dma_start3A_358] : memref<10240x128xf32, #tpu.memory_space<vmem_shared>> -> memref<128x128xf32, #tpu.memory_space<vmem_shared>>
      tpu.enqueue_dma source(%dma_start3A_359 : memref<128x128xf32, #tpu.memory_space<vmem_shared>>) target(%dma_start3A_357 : memref<128x128xf32, #tpu.memory_space<vmem>>) target_semaphore(%run_scoped3A : memref<!tpu.dma_semaphore, #tpu.memory_space<semaphore_mem>>)
      %dma_wait3A_360 = arith.constant 0 : i32
      %dma_wait3A_361 = arith.constant 0 : i32
      %dma_wait3A_362 = tpu.memref_slice %arg14[%dma_wait3A_360, %dma_wait3A_361] : memref<128x128xf32, #tpu.memory_space<vmem>> -> memref<128x128xf32, #tpu.memory_space<vmem>>
      %dma_wait3A_363 = arith.constant 0 : i32
      %dma_wait3A_364 = tpu.memref_slice %arg18[%add3A_245, %dma_wait3A_363] : memref<10240x128xf32, #tpu.memory_space<vmem_shared>> -> memref<128x128xf32, #tpu.memory_space<vmem_shared>>
      %dma_wait3A_365 = arith.constant 0 : i32
      %dma_wait3A_366 = arith.constant 0 : i32
      %dma_wait3A_367 = tpu.memref_slice %arg14[%dma_wait3A_365, %dma_wait3A_366] : memref<128x128xf32, #tpu.memory_space<vmem>> -> memref<128x128xf32, #tpu.memory_space<vmem>>
      %dma_wait3A_368 = arith.constant 0 : i32
      %dma_wait3A_369 = tpu.memref_slice %arg18[%add3A_245, %dma_wait3A_368] : memref<10240x128xf32, #tpu.memory_space<vmem_shared>> -> memref<128x128xf32, #tpu.memory_space<vmem_shared>>
      tpu.wait_dma2 semaphore(%run_scoped3A : memref<!tpu.dma_semaphore, #tpu.memory_space<semaphore_mem>>) src(%dma_wait3A_369 : memref<128x128xf32, #tpu.memory_space<vmem_shared>>) dst(%dma_wait3A_367 : memref<128x128xf32, #tpu.memory_space<vmem>>)
      tpu.yield
    }) : () -> ()
    %mul3A_246 = arith.constant 640 : i32
    %mul3A_247 = arith.muli %arg1, %mul3A_246 : i32
    %add3A_248 = arith.constant 256 : i32
    %add3A_249 = arith.addi %mul3A_247, %add3A_248 : i32
    %dma_start3A_250 = arith.constant 0 : i32
    %dma_start3A_251 = arith.constant 0 : i32
    %dma_start3A_252 = tpu.memref_slice %arg14[%dma_start3A_250, %dma_start3A_251] : memref<128x128xf32, #tpu.memory_space<vmem>> -> memref<128x128xf32, #tpu.memory_space<vmem>>
    %dma_start3A_253 = arith.constant 0 : i32
    %dma_start3A_254 = tpu.memref_slice %arg5[%arg0, %add3A_249, %dma_start3A_253] : memref<2x10240x128xf32, #tpu.memory_space<hbm>> -> memref<1x128x128xf32, #tpu.memory_space<hbm>>
    %dma_start3A_255 = tpu.memref_squeeze %dma_start3A_254 : memref<1x128x128xf32, #tpu.memory_space<hbm>> -> memref<128x128xf32, #tpu.memory_space<hbm>>
    %dma_start3A_256 = arith.constant 0 : i32
    %dma_start3A_257 = tpu.memref_slice %arg5[%arg0, %add3A_249, %dma_start3A_256] : memref<2x10240x128xf32, #tpu.memory_space<hbm>> -> memref<1x128x128xf32, #tpu.memory_space<hbm>>
    %dma_start3A_258 = tpu.memref_squeeze %dma_start3A_257 : memref<1x128x128xf32, #tpu.memory_space<hbm>> -> memref<128x128xf32, #tpu.memory_space<hbm>>
    %dma_start3A_259 = arith.constant 0 : i32
    %dma_start3A_260 = arith.constant 0 : i32
    %dma_start3A_261 = tpu.memref_slice %arg14[%dma_start3A_259, %dma_start3A_260] : memref<128x128xf32, #tpu.memory_space<vmem>> -> memref<128x128xf32, #tpu.memory_space<vmem>>
    tpu.enqueue_dma source(%dma_start3A_261 : memref<128x128xf32, #tpu.memory_space<vmem>>) target(%dma_start3A_258 : memref<128x128xf32, #tpu.memory_space<hbm>>) target_semaphore(%arg16 : memref<!tpu.dma_semaphore, #tpu.memory_space<semaphore_mem>>)
    %dma_wait3A_262 = arith.constant 0 : i32
    %dma_wait3A_263 = arith.constant 0 : i32
    %dma_wait3A_264 = tpu.memref_slice %arg15[%dma_wait3A_262, %dma_wait3A_263] : memref<128x128xf32, #tpu.memory_space<vmem>> -> memref<128x128xf32, #tpu.memory_space<vmem>>
    %dma_wait3A_265 = arith.constant 0 : i32
    %dma_wait3A_266 = arith.constant 0 : i32
    %dma_wait3A_267 = tpu.memref_slice %arg2[%dma_wait3A_265, %dma_wait3A_266] : memref<10240x128xf32, #tpu.memory_space<hbm>> -> memref<128x128xf32, #tpu.memory_space<hbm>>
    %dma_wait3A_268 = arith.constant 0 : i32
    %dma_wait3A_269 = arith.constant 0 : i32
    %dma_wait3A_270 = tpu.memref_slice %arg15[%dma_wait3A_268, %dma_wait3A_269] : memref<128x128xf32, #tpu.memory_space<vmem>> -> memref<128x128xf32, #tpu.memory_space<vmem>>
    %dma_wait3A_271 = arith.constant 0 : i32
    %dma_wait3A_272 = arith.constant 0 : i32
    %dma_wait3A_273 = tpu.memref_slice %arg2[%dma_wait3A_271, %dma_wait3A_272] : memref<10240x128xf32, #tpu.memory_space<hbm>> -> memref<128x128xf32, #tpu.memory_space<hbm>>
    tpu.wait_dma2 semaphore(%arg17 : memref<!tpu.dma_semaphore, #tpu.memory_space<semaphore_mem>>) src(%dma_wait3A_273 : memref<128x128xf32, #tpu.memory_space<hbm>>) dst(%dma_wait3A_270 : memref<128x128xf32, #tpu.memory_space<vmem>>)
    %mul3A_274 = arith.constant 640 : i32
    %mul3A_275 = arith.muli %arg1, %mul3A_274 : i32
    %add3A_276 = arith.constant 384 : i32
    %add3A_277 = arith.addi %mul3A_275, %add3A_276 : i32
    "tpu.region"() ({
      %run_scoped3A = tpu.sem_alloc : memref<!tpu.dma_semaphore, #tpu.memory_space<semaphore_mem>>
      %dma_start3A_350 = arith.constant 0 : i32
      %dma_start3A_351 = arith.constant 0 : i32
      %dma_start3A_352 = tpu.memref_slice %arg15[%dma_start3A_350, %dma_start3A_351] : memref<128x128xf32, #tpu.memory_space<vmem>> -> memref<128x128xf32, #tpu.memory_space<vmem>>
      %dma_start3A_353 = arith.constant 0 : i32
      %dma_start3A_354 = tpu.memref_slice %arg18[%add3A_277, %dma_start3A_353] : memref<10240x128xf32, #tpu.memory_space<vmem_shared>> -> memref<128x128xf32, #tpu.memory_space<vmem_shared>>
      %dma_start3A_355 = arith.constant 0 : i32
      %dma_start3A_356 = arith.constant 0 : i32
      %dma_start3A_357 = tpu.memref_slice %arg15[%dma_start3A_355, %dma_start3A_356] : memref<128x128xf32, #tpu.memory_space<vmem>> -> memref<128x128xf32, #tpu.memory_space<vmem>>
      %dma_start3A_358 = arith.constant 0 : i32
      %dma_start3A_359 = tpu.memref_slice %arg18[%add3A_277, %dma_start3A_358] : memref<10240x128xf32, #tpu.memory_space<vmem_shared>> -> memref<128x128xf32, #tpu.memory_space<vmem_shared>>
      tpu.enqueue_dma source(%dma_start3A_359 : memref<128x128xf32, #tpu.memory_space<vmem_shared>>) target(%dma_start3A_357 : memref<128x128xf32, #tpu.memory_space<vmem>>) target_semaphore(%run_scoped3A : memref<!tpu.dma_semaphore, #tpu.memory_space<semaphore_mem>>)
      %dma_wait3A_360 = arith.constant 0 : i32
      %dma_wait3A_361 = arith.constant 0 : i32
      %dma_wait3A_362 = tpu.memref_slice %arg15[%dma_wait3A_360, %dma_wait3A_361] : memref<128x128xf32, #tpu.memory_space<vmem>> -> memref<128x128xf32, #tpu.memory_space<vmem>>
      %dma_wait3A_363 = arith.constant 0 : i32
      %dma_wait3A_364 = tpu.memref_slice %arg18[%add3A_277, %dma_wait3A_363] : memref<10240x128xf32, #tpu.memory_space<vmem_shared>> -> memref<128x128xf32, #tpu.memory_space<vmem_shared>>
      %dma_wait3A_365 = arith.constant 0 : i32
      %dma_wait3A_366 = arith.constant 0 : i32
      %dma_wait3A_367 = tpu.memref_slice %arg15[%dma_wait3A_365, %dma_wait3A_366] : memref<128x128xf32, #tpu.memory_space<vmem>> -> memref<128x128xf32, #tpu.memory_space<vmem>>
      %dma_wait3A_368 = arith.constant 0 : i32
      %dma_wait3A_369 = tpu.memref_slice %arg18[%add3A_277, %dma_wait3A_368] : memref<10240x128xf32, #tpu.memory_space<vmem_shared>> -> memref<128x128xf32, #tpu.memory_space<vmem_shared>>
      tpu.wait_dma2 semaphore(%run_scoped3A : memref<!tpu.dma_semaphore, #tpu.memory_space<semaphore_mem>>) src(%dma_wait3A_369 : memref<128x128xf32, #tpu.memory_space<vmem_shared>>) dst(%dma_wait3A_367 : memref<128x128xf32, #tpu.memory_space<vmem>>)
      tpu.yield
    }) : () -> ()
    %mul3A_278 = arith.constant 640 : i32
    %mul3A_279 = arith.muli %arg1, %mul3A_278 : i32
    %add3A_280 = arith.constant 384 : i32
    %add3A_281 = arith.addi %mul3A_279, %add3A_280 : i32
    %dma_start3A_282 = arith.constant 0 : i32
    %dma_start3A_283 = arith.constant 0 : i32
    %dma_start3A_284 = tpu.memref_slice %arg15[%dma_start3A_282, %dma_start3A_283] : memref<128x128xf32, #tpu.memory_space<vmem>> -> memref<128x128xf32, #tpu.memory_space<vmem>>
    %dma_start3A_285 = arith.constant 0 : i32
    %dma_start3A_286 = tpu.memref_slice %arg5[%arg0, %add3A_281, %dma_start3A_285] : memref<2x10240x128xf32, #tpu.memory_space<hbm>> -> memref<1x128x128xf32, #tpu.memory_space<hbm>>
    %dma_start3A_287 = tpu.memref_squeeze %dma_start3A_286 : memref<1x128x128xf32, #tpu.memory_space<hbm>> -> memref<128x128xf32, #tpu.memory_space<hbm>>
    %dma_start3A_288 = arith.constant 0 : i32
    %dma_start3A_289 = tpu.memref_slice %arg5[%arg0, %add3A_281, %dma_start3A_288] : memref<2x10240x128xf32, #tpu.memory_space<hbm>> -> memref<1x128x128xf32, #tpu.memory_space<hbm>>
    %dma_start3A_290 = tpu.memref_squeeze %dma_start3A_289 : memref<1x128x128xf32, #tpu.memory_space<hbm>> -> memref<128x128xf32, #tpu.memory_space<hbm>>
    %dma_start3A_291 = arith.constant 0 : i32
    %dma_start3A_292 = arith.constant 0 : i32
    %dma_start3A_293 = tpu.memref_slice %arg15[%dma_start3A_291, %dma_start3A_292] : memref<128x128xf32, #tpu.memory_space<vmem>> -> memref<128x128xf32, #tpu.memory_space<vmem>>
    tpu.enqueue_dma source(%dma_start3A_293 : memref<128x128xf32, #tpu.memory_space<vmem>>) target(%dma_start3A_290 : memref<128x128xf32, #tpu.memory_space<hbm>>) target_semaphore(%arg17 : memref<!tpu.dma_semaphore, #tpu.memory_space<semaphore_mem>>)
    %dma_wait3A_294 = arith.constant 0 : i32
    %dma_wait3A_295 = arith.constant 0 : i32
    %dma_wait3A_296 = tpu.memref_slice %arg14[%dma_wait3A_294, %dma_wait3A_295] : memref<128x128xf32, #tpu.memory_space<vmem>> -> memref<128x128xf32, #tpu.memory_space<vmem>>
    %dma_wait3A_297 = arith.constant 0 : i32
    %dma_wait3A_298 = arith.constant 0 : i32
    %dma_wait3A_299 = tpu.memref_slice %arg2[%dma_wait3A_297, %dma_wait3A_298] : memref<10240x128xf32, #tpu.memory_space<hbm>> -> memref<128x128xf32, #tpu.memory_space<hbm>>
    %dma_wait3A_300 = arith.constant 0 : i32
    %dma_wait3A_301 = arith.constant 0 : i32
    %dma_wait3A_302 = tpu.memref_slice %arg14[%dma_wait3A_300, %dma_wait3A_301] : memref<128x128xf32, #tpu.memory_space<vmem>> -> memref<128x128xf32, #tpu.memory_space<vmem>>
    %dma_wait3A_303 = arith.constant 0 : i32
    %dma_wait3A_304 = arith.constant 0 : i32
    %dma_wait3A_305 = tpu.memref_slice %arg2[%dma_wait3A_303, %dma_wait3A_304] : memref<10240x128xf32, #tpu.memory_space<hbm>> -> memref<128x128xf32, #tpu.memory_space<hbm>>
    tpu.wait_dma2 semaphore(%arg16 : memref<!tpu.dma_semaphore, #tpu.memory_space<semaphore_mem>>) src(%dma_wait3A_305 : memref<128x128xf32, #tpu.memory_space<hbm>>) dst(%dma_wait3A_302 : memref<128x128xf32, #tpu.memory_space<vmem>>)
    %mul3A_306 = arith.constant 640 : i32
    %mul3A_307 = arith.muli %arg1, %mul3A_306 : i32
    %add3A_308 = arith.constant 512 : i32
    %add3A_309 = arith.addi %mul3A_307, %add3A_308 : i32
    "tpu.region"() ({
      %run_scoped3A = tpu.sem_alloc : memref<!tpu.dma_semaphore, #tpu.memory_space<semaphore_mem>>
      %dma_start3A_350 = arith.constant 0 : i32
      %dma_start3A_351 = arith.constant 0 : i32
      %dma_start3A_352 = tpu.memref_slice %arg14[%dma_start3A_350, %dma_start3A_351] : memref<128x128xf32, #tpu.memory_space<vmem>> -> memref<128x128xf32, #tpu.memory_space<vmem>>
      %dma_start3A_353 = arith.constant 0 : i32
      %dma_start3A_354 = tpu.memref_slice %arg18[%add3A_309, %dma_start3A_353] : memref<10240x128xf32, #tpu.memory_space<vmem_shared>> -> memref<128x128xf32, #tpu.memory_space<vmem_shared>>
      %dma_start3A_355 = arith.constant 0 : i32
      %dma_start3A_356 = arith.constant 0 : i32
      %dma_start3A_357 = tpu.memref_slice %arg14[%dma_start3A_355, %dma_start3A_356] : memref<128x128xf32, #tpu.memory_space<vmem>> -> memref<128x128xf32, #tpu.memory_space<vmem>>
      %dma_start3A_358 = arith.constant 0 : i32
      %dma_start3A_359 = tpu.memref_slice %arg18[%add3A_309, %dma_start3A_358] : memref<10240x128xf32, #tpu.memory_space<vmem_shared>> -> memref<128x128xf32, #tpu.memory_space<vmem_shared>>
      tpu.enqueue_dma source(%dma_start3A_359 : memref<128x128xf32, #tpu.memory_space<vmem_shared>>) target(%dma_start3A_357 : memref<128x128xf32, #tpu.memory_space<vmem>>) target_semaphore(%run_scoped3A : memref<!tpu.dma_semaphore, #tpu.memory_space<semaphore_mem>>)
      %dma_wait3A_360 = arith.constant 0 : i32
      %dma_wait3A_361 = arith.constant 0 : i32
      %dma_wait3A_362 = tpu.memref_slice %arg14[%dma_wait3A_360, %dma_wait3A_361] : memref<128x128xf32, #tpu.memory_space<vmem>> -> memref<128x128xf32, #tpu.memory_space<vmem>>
      %dma_wait3A_363 = arith.constant 0 : i32
      %dma_wait3A_364 = tpu.memref_slice %arg18[%add3A_309, %dma_wait3A_363] : memref<10240x128xf32, #tpu.memory_space<vmem_shared>> -> memref<128x128xf32, #tpu.memory_space<vmem_shared>>
      %dma_wait3A_365 = arith.constant 0 : i32
      %dma_wait3A_366 = arith.constant 0 : i32
      %dma_wait3A_367 = tpu.memref_slice %arg14[%dma_wait3A_365, %dma_wait3A_366] : memref<128x128xf32, #tpu.memory_space<vmem>> -> memref<128x128xf32, #tpu.memory_space<vmem>>
      %dma_wait3A_368 = arith.constant 0 : i32
      %dma_wait3A_369 = tpu.memref_slice %arg18[%add3A_309, %dma_wait3A_368] : memref<10240x128xf32, #tpu.memory_space<vmem_shared>> -> memref<128x128xf32, #tpu.memory_space<vmem_shared>>
      tpu.wait_dma2 semaphore(%run_scoped3A : memref<!tpu.dma_semaphore, #tpu.memory_space<semaphore_mem>>) src(%dma_wait3A_369 : memref<128x128xf32, #tpu.memory_space<vmem_shared>>) dst(%dma_wait3A_367 : memref<128x128xf32, #tpu.memory_space<vmem>>)
      tpu.yield
    }) : () -> ()
    %mul3A_310 = arith.constant 640 : i32
    %mul3A_311 = arith.muli %arg1, %mul3A_310 : i32
    %add3A_312 = arith.constant 512 : i32
    %add3A_313 = arith.addi %mul3A_311, %add3A_312 : i32
    %dma_start3A_314 = arith.constant 0 : i32
    %dma_start3A_315 = arith.constant 0 : i32
    %dma_start3A_316 = tpu.memref_slice %arg14[%dma_start3A_314, %dma_start3A_315] : memref<128x128xf32, #tpu.memory_space<vmem>> -> memref<128x128xf32, #tpu.memory_space<vmem>>
    %dma_start3A_317 = arith.constant 0 : i32
    %dma_start3A_318 = tpu.memref_slice %arg5[%arg0, %add3A_313, %dma_start3A_317] : memref<2x10240x128xf32, #tpu.memory_space<hbm>> -> memref<1x128x128xf32, #tpu.memory_space<hbm>>
    %dma_start3A_319 = tpu.memref_squeeze %dma_start3A_318 : memref<1x128x128xf32, #tpu.memory_space<hbm>> -> memref<128x128xf32, #tpu.memory_space<hbm>>
    %dma_start3A_320 = arith.constant 0 : i32
    %dma_start3A_321 = tpu.memref_slice %arg5[%arg0, %add3A_313, %dma_start3A_320] : memref<2x10240x128xf32, #tpu.memory_space<hbm>> -> memref<1x128x128xf32, #tpu.memory_space<hbm>>
    %dma_start3A_322 = tpu.memref_squeeze %dma_start3A_321 : memref<1x128x128xf32, #tpu.memory_space<hbm>> -> memref<128x128xf32, #tpu.memory_space<hbm>>
    %dma_start3A_323 = arith.constant 0 : i32
    %dma_start3A_324 = arith.constant 0 : i32
    %dma_start3A_325 = tpu.memref_slice %arg14[%dma_start3A_323, %dma_start3A_324] : memref<128x128xf32, #tpu.memory_space<vmem>> -> memref<128x128xf32, #tpu.memory_space<vmem>>
    tpu.enqueue_dma source(%dma_start3A_325 : memref<128x128xf32, #tpu.memory_space<vmem>>) target(%dma_start3A_322 : memref<128x128xf32, #tpu.memory_space<hbm>>) target_semaphore(%arg16 : memref<!tpu.dma_semaphore, #tpu.memory_space<semaphore_mem>>)
    %dma_wait3A_326 = arith.constant 0 : i32
    %dma_wait3A_327 = arith.constant 0 : i32
    %dma_wait3A_328 = tpu.memref_slice %arg15[%dma_wait3A_326, %dma_wait3A_327] : memref<128x128xf32, #tpu.memory_space<vmem>> -> memref<128x128xf32, #tpu.memory_space<vmem>>
    %dma_wait3A_329 = arith.constant 0 : i32
    %dma_wait3A_330 = arith.constant 0 : i32
    %dma_wait3A_331 = tpu.memref_slice %arg2[%dma_wait3A_329, %dma_wait3A_330] : memref<10240x128xf32, #tpu.memory_space<hbm>> -> memref<128x128xf32, #tpu.memory_space<hbm>>
    %dma_wait3A_332 = arith.constant 0 : i32
    %dma_wait3A_333 = arith.constant 0 : i32
    %dma_wait3A_334 = tpu.memref_slice %arg15[%dma_wait3A_332, %dma_wait3A_333] : memref<128x128xf32, #tpu.memory_space<vmem>> -> memref<128x128xf32, #tpu.memory_space<vmem>>
    %dma_wait3A_335 = arith.constant 0 : i32
    %dma_wait3A_336 = arith.constant 0 : i32
    %dma_wait3A_337 = tpu.memref_slice %arg2[%dma_wait3A_335, %dma_wait3A_336] : memref<10240x128xf32, #tpu.memory_space<hbm>> -> memref<128x128xf32, #tpu.memory_space<hbm>>
    tpu.wait_dma2 semaphore(%arg17 : memref<!tpu.dma_semaphore, #tpu.memory_space<semaphore_mem>>) src(%dma_wait3A_337 : memref<128x128xf32, #tpu.memory_space<hbm>>) dst(%dma_wait3A_334 : memref<128x128xf32, #tpu.memory_space<vmem>>)
    %dma_wait3A_338 = arith.constant 0 : i32
    %dma_wait3A_339 = arith.constant 0 : i32
    %dma_wait3A_340 = tpu.memref_slice %arg14[%dma_wait3A_338, %dma_wait3A_339] : memref<128x128xf32, #tpu.memory_space<vmem>> -> memref<128x128xf32, #tpu.memory_space<vmem>>
    %dma_wait3A_341 = arith.constant 0 : i32
    %dma_wait3A_342 = arith.constant 0 : i32
    %dma_wait3A_343 = tpu.memref_slice %arg2[%dma_wait3A_341, %dma_wait3A_342] : memref<10240x128xf32, #tpu.memory_space<hbm>> -> memref<128x128xf32, #tpu.memory_space<hbm>>
    %dma_wait3A_344 = arith.constant 0 : i32
    %dma_wait3A_345 = arith.constant 0 : i32
    %dma_wait3A_346 = tpu.memref_slice %arg14[%dma_wait3A_344, %dma_wait3A_345] : memref<128x128xf32, #tpu.memory_space<vmem>> -> memref<128x128xf32, #tpu.memory_space<vmem>>
    %dma_wait3A_347 = arith.constant 0 : i32
    %dma_wait3A_348 = arith.constant 0 : i32
    %dma_wait3A_349 = tpu.memref_slice %arg2[%dma_wait3A_347, %dma_wait3A_348] : memref<10240x128xf32, #tpu.memory_space<hbm>> -> memref<128x128xf32, #tpu.memory_space<hbm>>
    tpu.wait_dma2 semaphore(%arg16 : memref<!tpu.dma_semaphore, #tpu.memory_space<semaphore_mem>>) src(%dma_wait3A_349 : memref<128x128xf32, #tpu.memory_space<hbm>>) dst(%dma_wait3A_346 : memref<128x128xf32, #tpu.memory_space<vmem>>)
    return
  }
}

module attributes {stable_mosaic.version = 14 : i64} {
  func.func @_scale_body(%arg0: memref<20480xf32, #tpu.memory_space<vmem>>, %arg1: memref<10000x128xf32, #tpu.memory_space<vmem>>, %arg2: memref<128x128xf32, #tpu.memory_space<vmem>>, %arg3: memref<10000x1xf32, #tpu.memory_space<vmem>>, %arg4: memref<10240x128xf32, #tpu.memory_space<vmem>>) attributes {dimension_semantics = [], scalar_prefetch = 0 : i64, scratch_operands = 0 : i64, tpu.core_type = #tpu.core_type<tc>} {
    %get3A = arith.constant 0 : index
    %get3A_0 = vector.load %arg0[%get3A] : memref<20480xf32, #tpu.memory_space<vmem>>, vector<20480xf32>
    %slice3A = vector.extract_strided_slice %get3A_0 {offsets = [0], sizes = [10000], strides = [1]} : vector<20480xf32> to vector<10000xf32>
    %slice3A_1 = vector.extract_strided_slice %get3A_0 {offsets = [10240], sizes = [10000], strides = [1]} : vector<20480xf32> to vector<10000xf32>
    %add3A = arith.addf %slice3A, %slice3A_1 : vector<10000xf32>
    %add3A_2 = arith.constant 1.000000e+00 : f32
    %add3A_3 = vector.broadcast %add3A_2 : f32 to vector<10000xf32>
    %add3A_4 = arith.addf %add3A, %add3A_3 : vector<10000xf32>
    %max3A = arith.constant 1.000000e+00 : f32
    %max3A_5 = vector.broadcast %max3A : f32 to vector<10000xf32>
    %max3A_6 = arith.maximumf %add3A_4, %max3A_5 : vector<10000xf32>
    %rsqrt3A = math.rsqrt %max3A_6 : vector<10000xf32>
    %broadcast_in_dim3A = vector.shape_cast %rsqrt3A : vector<10000xf32> to vector<10000x1xf32>
    %swap3A = arith.constant 0 : index
    %swap3A_7 = arith.constant 0 : index
    %swap3A_8 = vector.load %arg3[%swap3A, %swap3A_7] : memref<10000x1xf32, #tpu.memory_space<vmem>>, vector<10000x1xf32>
    tpu.vector_store %arg3[%swap3A, %swap3A_7], %broadcast_in_dim3A {strides = array<i32>} : memref<10000x1xf32, #tpu.memory_space<vmem>>, vector<10000x1xf32>,
    %get3A_9 = arith.constant 0 : index
    %get3A_10 = arith.constant 0 : index
    %get3A_11 = vector.load %arg1[%get3A_9, %get3A_10] : memref<10000x128xf32, #tpu.memory_space<vmem>>, vector<10000x128xf32>
    %get3A_12 = arith.constant 0 : index
    %get3A_13 = arith.constant 0 : index
    %get3A_14 = vector.load %arg2[%get3A_12, %get3A_13] : memref<128x128xf32, #tpu.memory_space<vmem>>, vector<128x128xf32>
    %dot_general3A = arith.constant dense<0.000000e+00> : vector<10000x128xf32>
    %dot_general3A_15 = tpu.matmul %get3A_11, %get3A_14, %dot_general3A {dimension_numbers = #tpu.dot_dimension_numbers<[1], [0], [0], [1], [0, 0, 1, 1], [], []>, precision = #tpu.contract_precision<fp32>, transpose_lhs_hint = false} : vector<10000x128xf32>, vector<128x128xf32>, vector<10000x128xf32> -> vector<10000x128xf32>
    %mul3A = vector.broadcast %broadcast_in_dim3A : vector<10000x1xf32> to vector<10000x128xf32>
    %mul3A_16 = arith.mulf %dot_general3A_15, %mul3A : vector<10000x128xf32>
    %swap3A_17 = arith.constant 0 : index
    %swap3A_18 = arith.constant 0 : index
    %swap3A_19 = vector.load %arg4[%swap3A_17, %swap3A_18] : memref<10240x128xf32, #tpu.memory_space<vmem>>, vector<10000x128xf32>
    tpu.vector_store %arg4[%swap3A_17, %swap3A_18], %mul3A_16 {strides = array<i32>} : memref<10240x128xf32, #tpu.memory_space<vmem>>, vector<10000x128xf32>,
    %broadcast_in_dim3A_20 = arith.constant 0.000000e+00 : f32
    %broadcast_in_dim3A_21 = vector.broadcast %broadcast_in_dim3A_20 : f32 to vector<240x128xf32>
    %swap3A_22 = arith.constant 10000 : index
    %swap3A_23 = arith.constant 0 : index
    %swap3A_24 = vector.load %arg4[%swap3A_22, %swap3A_23] : memref<10240x128xf32, #tpu.memory_space<vmem>>, vector<240x128xf32>
    tpu.vector_store %arg4[%swap3A_22, %swap3A_23], %broadcast_in_dim3A_21 {strides = array<i32>} : memref<10240x128xf32, #tpu.memory_space<vmem>>, vector<240x128xf32>,
    return
  }
}

module attributes {stable_mosaic.version = 14 : i64} {
  func.func @_layer_body(%arg0: memref<2x10240x128xf32, #tpu.memory_space<vmem>>, %arg1: memref<10000x1xf32, #tpu.memory_space<vmem>>, %arg2: memref<1x128xf32, #tpu.memory_space<vmem>>, %arg3: memref<1x128xf32, #tpu.memory_space<vmem>>, %arg4: memref<1x128xf32, #tpu.memory_space<vmem>>, %arg5: memref<128x128xf32, #tpu.memory_space<vmem>>, %arg6: memref<10240x128xf32, #tpu.memory_space<vmem>>) attributes {dimension_semantics = [], scalar_prefetch = 0 : i64, scratch_operands = 0 : i64, tpu.core_type = #tpu.core_type<tc>} {
    %get3A = arith.constant 0 : index
    %get3A_0 = arith.constant 0 : index
    %get3A_1 = vector.load %arg1[%get3A, %get3A_0] : memref<10000x1xf32, #tpu.memory_space<vmem>>, vector<10000x1xf32>
    %get3A_2 = arith.constant 0 : index
    %get3A_3 = arith.constant 0 : index
    %get3A_4 = arith.constant 0 : index
    %get3A_5 = vector.load %arg0[%get3A_2, %get3A_3, %get3A_4] : memref<2x10240x128xf32, #tpu.memory_space<vmem>>, vector<1x10240x128xf32>
    %get3A_6 = vector.shape_cast %get3A_5 : vector<1x10240x128xf32> to vector<10240x128xf32>
    %get3A_7 = arith.constant 1 : index
    %get3A_8 = arith.constant 0 : index
    %get3A_9 = arith.constant 0 : index
    %get3A_10 = vector.load %arg0[%get3A_7, %get3A_8, %get3A_9] : memref<2x10240x128xf32, #tpu.memory_space<vmem>>, vector<1x10240x128xf32>
    %get3A_11 = vector.shape_cast %get3A_10 : vector<1x10240x128xf32> to vector<10240x128xf32>
    %add3A = arith.addf %get3A_6, %get3A_11 : vector<10240x128xf32>
    %slice3A = vector.extract_strided_slice %add3A {offsets = [0, 0], sizes = [10000, 128], strides = [1, 1]} : vector<10240x128xf32> to vector<10000x128xf32>
    %mul3A = vector.broadcast %get3A_1 : vector<10000x1xf32> to vector<10000x128xf32>
    %mul3A_12 = arith.mulf %slice3A, %mul3A : vector<10000x128xf32>
    %get3A_13 = arith.constant 0 : index
    %get3A_14 = arith.constant 0 : index
    %get3A_15 = vector.load %arg2[%get3A_13, %get3A_14] : memref<1x128xf32, #tpu.memory_space<vmem>>, vector<1x128xf32>
    %add3A_16 = vector.broadcast %get3A_15 : vector<1x128xf32> to vector<10000x128xf32>
    %add3A_17 = arith.addf %mul3A_12, %add3A_16 : vector<10000x128xf32>
    %reduce_sum3A = arith.constant dense<0.000000e+00> : vector<128xf32>
    %reduce_sum3A_18 = vector.multi_reduction <add>, %add3A_17, %reduce_sum3A [0] : vector<10000x128xf32> to vector<128xf32>
    %broadcast_in_dim3A = vector.shape_cast %reduce_sum3A_18 : vector<128xf32> to vector<1x128xf32>
    %div3A = arith.constant 1.000000e+04 : f32
    %div3A_19 = vector.broadcast %div3A : f32 to vector<1x128xf32>
    %div3A_20 = arith.divf %broadcast_in_dim3A, %div3A_19 : vector<1x128xf32>
    %sub3A = vector.broadcast %div3A_20 : vector<1x128xf32> to vector<10000x128xf32>
    %sub3A_21 = arith.subf %add3A_17, %sub3A : vector<10000x128xf32>
    %mul3A_22 = arith.mulf %sub3A_21, %sub3A_21 : vector<10000x128xf32>
    %reduce_sum3A_23 = arith.constant dense<0.000000e+00> : vector<128xf32>
    %reduce_sum3A_24 = vector.multi_reduction <add>, %mul3A_22, %reduce_sum3A_23 [0] : vector<10000x128xf32> to vector<128xf32>
    %broadcast_in_dim3A_25 = vector.shape_cast %reduce_sum3A_24 : vector<128xf32> to vector<1x128xf32>
    %div3A_26 = arith.constant 1.000000e+04 : f32
    %div3A_27 = vector.broadcast %div3A_26 : f32 to vector<1x128xf32>
    %div3A_28 = arith.divf %broadcast_in_dim3A_25, %div3A_27 : vector<1x128xf32>
    %add3A_29 = arith.constant 9.99999974E-6 : f32
    %add3A_30 = vector.broadcast %add3A_29 : f32 to vector<1x128xf32>
    %add3A_31 = arith.addf %div3A_28, %add3A_30 : vector<1x128xf32>
    %rsqrt3A = math.rsqrt %add3A_31 : vector<1x128xf32>
    %mul3A_32 = vector.broadcast %rsqrt3A : vector<1x128xf32> to vector<10000x128xf32>
    %mul3A_33 = arith.mulf %sub3A_21, %mul3A_32 : vector<10000x128xf32>
    %get3A_34 = arith.constant 0 : index
    %get3A_35 = arith.constant 0 : index
    %get3A_36 = vector.load %arg3[%get3A_34, %get3A_35] : memref<1x128xf32, #tpu.memory_space<vmem>>, vector<1x128xf32>
    %mul3A_37 = vector.broadcast %get3A_36 : vector<1x128xf32> to vector<10000x128xf32>
    %mul3A_38 = arith.mulf %mul3A_33, %mul3A_37 : vector<10000x128xf32>
    %get3A_39 = arith.constant 0 : index
    %get3A_40 = arith.constant 0 : index
    %get3A_41 = vector.load %arg4[%get3A_39, %get3A_40] : memref<1x128xf32, #tpu.memory_space<vmem>>, vector<1x128xf32>
    %add3A_42 = vector.broadcast %get3A_41 : vector<1x128xf32> to vector<10000x128xf32>
    %add3A_43 = arith.addf %mul3A_38, %add3A_42 : vector<10000x128xf32>
    %max3A = arith.constant 0.000000e+00 : f32
    %max3A_44 = vector.broadcast %max3A : f32 to vector<10000x128xf32>
    %max3A_45 = arith.maximumf %add3A_43, %max3A_44 : vector<10000x128xf32>
    %get3A_46 = arith.constant 0 : index
    %get3A_47 = arith.constant 0 : index
    %get3A_48 = vector.load %arg5[%get3A_46, %get3A_47] : memref<128x128xf32, #tpu.memory_space<vmem>>, vector<128x128xf32>
    %dot_general3A = arith.constant dense<0.000000e+00> : vector<10000x128xf32>
    %dot_general3A_49 = tpu.matmul %max3A_45, %get3A_48, %dot_general3A {dimension_numbers = #tpu.dot_dimension_numbers<[1], [0], [0], [1], [0, 0, 1, 1], [], []>, precision = #tpu.contract_precision<fp32>, transpose_lhs_hint = false} : vector<10000x128xf32>, vector<128x128xf32>, vector<10000x128xf32> -> vector<10000x128xf32>
    %mul3A_50 = vector.broadcast %get3A_1 : vector<10000x1xf32> to vector<10000x128xf32>
    %mul3A_51 = arith.mulf %dot_general3A_49, %mul3A_50 : vector<10000x128xf32>
    %swap3A = arith.constant 0 : index
    %swap3A_52 = arith.constant 0 : index
    %swap3A_53 = vector.load %arg6[%swap3A, %swap3A_52] : memref<10240x128xf32, #tpu.memory_space<vmem>>, vector<10000x128xf32>
    tpu.vector_store %arg6[%swap3A, %swap3A_52], %mul3A_51 {strides = array<i32>} : memref<10240x128xf32, #tpu.memory_space<vmem>>, vector<10000x128xf32>,
    %broadcast_in_dim3A_54 = arith.constant 0.000000e+00 : f32
    %broadcast_in_dim3A_55 = vector.broadcast %broadcast_in_dim3A_54 : f32 to vector<240x128xf32>
    %swap3A_56 = arith.constant 10000 : index
    %swap3A_57 = arith.constant 0 : index
    %swap3A_58 = vector.load %arg6[%swap3A_56, %swap3A_57] : memref<10240x128xf32, #tpu.memory_space<vmem>>, vector<240x128xf32>
    tpu.vector_store %arg6[%swap3A_56, %swap3A_57], %broadcast_in_dim3A_55 {strides = array<i32>} : memref<10240x128xf32, #tpu.memory_space<vmem>>, vector<240x128xf32>,
    return
  }
}

module attributes {stable_mosaic.version = 14 : i64} {
  func.func @_final_body(%arg0: memref<2x10240x128xf32, #tpu.memory_space<vmem>>, %arg1: memref<10000x1xf32, #tpu.memory_space<vmem>>, %arg2: memref<1x128xf32, #tpu.memory_space<vmem>>, %arg3: memref<10000x128xf32, #tpu.memory_space<vmem>>) attributes {dimension_semantics = [], scalar_prefetch = 0 : i64, scratch_operands = 0 : i64, tpu.core_type = #tpu.core_type<tc>} {
    %get3A = arith.constant 0 : index
    %get3A_0 = arith.constant 0 : index
    %get3A_1 = arith.constant 0 : index
    %get3A_2 = vector.load %arg0[%get3A, %get3A_0, %get3A_1] : memref<2x10240x128xf32, #tpu.memory_space<vmem>>, vector<1x10240x128xf32>
    %get3A_3 = vector.shape_cast %get3A_2 : vector<1x10240x128xf32> to vector<10240x128xf32>
    %get3A_4 = arith.constant 1 : index
    %get3A_5 = arith.constant 0 : index
    %get3A_6 = arith.constant 0 : index
    %get3A_7 = vector.load %arg0[%get3A_4, %get3A_5, %get3A_6] : memref<2x10240x128xf32, #tpu.memory_space<vmem>>, vector<1x10240x128xf32>
    %get3A_8 = vector.shape_cast %get3A_7 : vector<1x10240x128xf32> to vector<10240x128xf32>
    %add3A = arith.addf %get3A_3, %get3A_8 : vector<10240x128xf32>
    %slice3A = vector.extract_strided_slice %add3A {offsets = [0, 0], sizes = [10000, 128], strides = [1, 1]} : vector<10240x128xf32> to vector<10000x128xf32>
    %get3A_9 = arith.constant 0 : index
    %get3A_10 = arith.constant 0 : index
    %get3A_11 = vector.load %arg1[%get3A_9, %get3A_10] : memref<10000x1xf32, #tpu.memory_space<vmem>>, vector<10000x1xf32>
    %mul3A = vector.broadcast %get3A_11 : vector<10000x1xf32> to vector<10000x128xf32>
    %mul3A_12 = arith.mulf %slice3A, %mul3A : vector<10000x128xf32>
    %get3A_13 = arith.constant 0 : index
    %get3A_14 = arith.constant 0 : index
    %get3A_15 = vector.load %arg2[%get3A_13, %get3A_14] : memref<1x128xf32, #tpu.memory_space<vmem>>, vector<1x128xf32>
    %add3A_16 = vector.broadcast %get3A_15 : vector<1x128xf32> to vector<10000x128xf32>
    %add3A_17 = arith.addf %mul3A_12, %add3A_16 : vector<10000x128xf32>
    %swap3A = arith.constant 0 : index
    %swap3A_18 = arith.constant 0 : index
    %swap3A_19 = vector.load %arg3[%swap3A, %swap3A_18] : memref<10000x128xf32, #tpu.memory_space<vmem>>, vector<10000x128xf32>
    tpu.vector_store %arg3[%swap3A, %swap3A_18], %add3A_17 {strides = array<i32>} : memref<10000x128xf32, #tpu.memory_space<vmem>>, vector<10000x128xf32>,
    return
  }
}

</mosaic_0001>

<sc_bundles>
// kernel: kernel.10.cloned.1.call-start
scs
__scs_entry_jumppad:
0x0: {  	(pc) =	sbr.rel $0x88, $3  }
0x1: {  	(tag) =	ssettag $0x0;
	lr =	simm.s32 $0x1  }
0x2: {  	[smem:$0x3F95] =	sst lr;
	_ =	strace $0xD0000000  }
0x3: {  	_ = 	snop  }
0x4: {  	_ = 	snop  }
0x5: {  	_ = 	snop  }
0x6: {  	_ = 	snop  }
0x7: {  	_ = 	snop  }
__scs_overlays_trampoline_lowered:
0x8: {  	[smem:$0x3FA4] =	sst s0  }
0x9: {  	[smem:$0x3FA5] =	sst s1  }
0xa: {  	[smem:$0x3FA6] =	sst s2  }
0xb: {  	[smem:$0x3FA7] =	sst s3  }
0xc: {  	[smem:$0x3FA8] =	sst s4  }
0xd: {  	[smem:$0x3FA9] =	sst s5  }
0xe: {  	[smem:$0x3FAA] =	sst s6  }
0xf: {  	[smem:$0x3FAB] =	sst s7  }
0x10: {  	[smem:$0x3FAC] =	sst s8  }
0x11: {  	[smem:$0x3FAD] =	sst s9;
	s0 =	simm.s32 @!p0 $0x0  }
0x12: {  	s1 =	sld [smem:$0x3F93];
	s0 =	simm.s32 @p0 $0x1  }
0x13: {  	[smem:$0x3FAE] =	sst s0;
	s0 =	simm.s32 @!p1 $0x0  }
0x14: {  	s2 =	sld [smem:$0x3F92];
	s0 =	simm.s32 @p1 $0x1  }
0x15: {  	[smem:$0x3FAF] =	sst s0;
	s0 =	simm.s32 @!p2 $0x0  }
0x16: {  	s3 =	sld [smem:$0x3FDB];
	s0 =	simm.s32 @p2 $0x1  }
0x17: {  	s4 =	simm.s32 $0x1BF5;
	[smem:$0x3FB1] =	sst s0  }
0x18: {  	s0 =	sld [smem:$0x3F94];
	_ =	swait.ge [sflag:s4], $0x0  }
0x19: {  	s7 =	sld [smem:$0x3F95]  }
0x1a: {  	s8 =	sadd.s32 $0xFFFFE003, lr  }
0x1b: {  	s9 =	sadd.s32 $0xFFFFFEF7, lr;
	s5 =	simm.s32 $0xFFFFFFFF;
	p2 =	slt.u32 s8, $0xFFFFF086  }
0x1c: {  	p1 =	slt.u32 s9, $0xF7A;
	s5 =	simm.s32 @!p2 $0x0  }
0x1d: {  	s5 =	simm.s32 @p1 $0x1;
	p0 =	seq.s32 s7, s2  }
0x1e: {  	s7 =	smul.u32 @!p0 $0xF7A, s2;
	p2 =	seq.s32 @!p0 s5, $0x0  }
0x1f: {  	s9 =	smul.u32 $0xF7A, s1;
	s8 =	simm.s32 @!p0 $0x1BF5;
	p2 =	por !p2, p0  }
0x20: {  	[sflag:s8] =	ssyncset.s32 @!p0 $0xFFFFF086;
	s6 =	sadd.s32 @!p0 s3, s7;
	s7 =	simm.s32 @!p0 $0x108  }
0x21: {  	s3 =	sadd.s32 s3, s9;
	s6 =	sadd.s32 @!p0 $0x88, s6;
	s7 =	simm.s32 @p2 $0x1082  }
0x22: {  	[simem:s7], [sflag:s8] =	dma.local @!p0 [hbm:s6], $0xF7A  }
0x23: {  	s9 =	sor.u32 $0xD0000000, s2;
	s6 =	simm.s32 $0x108;
	_ =	swait.ge @!p0 [sflag:s8], $0x0  }
0x24: {  	s3 =	sadd.s32 $0x88, s3;
	s6 =	simm.s32 @!p1 $0x1082;
	[sflag:s4] =	ssyncset.s32 $0xFFFFF086  }
0x25: {  	[simem:s6], [sflag:s4] =	dma.local [hbm:s3], $0xF7A  }
0x26: {  	[smem:$0x3F95] =	sst s1;
	(tag) =	ssettag s2;
	_ =	strace s9  }
0x27: {  	s1 =	sld [smem:$0x3FA5]  }
0x28: {  	s2 =	sld [smem:$0x3FA6]  }
0x29: {  	s4 =	sld [smem:$0x3FA8]  }
0x2a: {  	p0 =	seq.s32 s5, $0x0;
	s5 =	sld [smem:$0x3FA9]  }
0x2b: {  	s6 =	sld [smem:$0x3FAA]  }
0x2c: {  	s7 =	sld [smem:$0x3FAB]  }
0x2d: {  	s3 =	simm.s32 $0x108;
	s8 =	sld [smem:$0x3FAC]  }
0x2e: {  	s3 =	simm.s32 @!p0 $0x1082;
	s9 =	sld [smem:$0x3FAD]  }
0x2f: {  	lr =	sadd.s32 s0, s3;
	s0 =	sld [smem:$0x3FA4]  }
0x30: {  	s3 =	sld [smem:$0x3FA7]  }
0x31: {  	[smem:$0x3FB0] =	sst s10  }
0x32: {  	s10 =	sld [smem:$0x3FAE];
	_ =	sdelay $0x3  }
0x33: {  	p0 =	seq.s32 s10, $0x1;
	s10 =	sld [smem:$0x3FB0];
	_ =	sdelay $0x3  }
0x34: {  	[smem:$0x3FB0] =	sst s10  }
0x35: {  	s10 =	sld [smem:$0x3FAF];
	_ =	sdelay $0x3  }
0x36: {  	p1 =	seq.s32 s10, $0x1;
	s10 =	sld [smem:$0x3FB0];
	_ =	sdelay $0x3  }
0x37: {  	[smem:$0x3FB0] =	sst s10  }
0x38: {  	s10 =	sld [smem:$0x3FB1]  }
0x39: {  	_ = 	snop;
	(pc) =	sbr.ind lr, $3  }
0x3a: {  	_ = 	snop  }
0x3b: {  	_ = 	snop  }
0x3c: {  	p2 =	seq.s32 s10, $0x1;
	s10 =	sld [smem:$0x3FB0]  }
0x3d: {  	_ =	shalt  }
0x3e: {  	_ =	shalt  }
0x3f: {  	_ =	shalt  }
0x40: {  	_ =	shalt  }
0x41: {  	_ =	shalt  }
0x42: {  	_ =	shalt  }
0x43: {  	_ =	shalt  }
0x44: {  	_ =	shalt  }
0x45: {  	_ =	shalt  }
0x46: {  	_ =	shalt  }
0x47: {  	_ =	shalt  }
0x48: {  	_ =	shalt  }
0x49: {  	_ =	shalt  }
0x4a: {  	_ =	shalt  }
0x4b: {  	_ =	shalt  }
0x4c: {  	_ =	shalt  }
0x4d: {  	_ =	shalt  }
0x4e: {  	_ =	shalt  }
0x4f: {  	_ =	shalt  }
0x50: {  	_ =	shalt  }
0x51: {  	_ =	shalt  }
0x52: {  	_ =	shalt  }
0x53: {  	_ =	shalt  }
0x54: {  	_ =	shalt  }
0x55: {  	_ =	shalt  }
0x56: {  	_ =	shalt  }
0x57: {  	_ =	shalt  }
0x58: {  	_ =	shalt  }
0x59: {  	_ =	shalt  }
0x5a: {  	_ =	shalt  }
0x5b: {  	_ =	shalt  }
0x5c: {  	_ =	shalt  }
0x5d: {  	_ =	shalt  }
0x5e: {  	_ =	shalt  }
0x5f: {  	_ =	shalt  }
0x60: {  	_ =	shalt  }
0x61: {  	_ =	shalt  }
0x62: {  	_ =	shalt  }
0x63: {  	_ =	shalt  }
0x64: {  	_ =	shalt  }
0x65: {  	_ =	shalt  }
0x66: {  	_ =	shalt  }
0x67: {  	_ =	shalt  }
0x68: {  	_ =	shalt  }
0x69: {  	_ =	shalt  }
0x6a: {  	_ =	shalt  }
0x6b: {  	_ =	shalt  }
0x6c: {  	_ =	shalt  }
0x6d: {  	_ =	shalt  }
0x6e: {  	_ =	shalt  }
0x6f: {  	_ =	shalt  }
0x70: {  	_ =	shalt  }
0x71: {  	_ =	shalt  }
0x72: {  	_ =	shalt  }
0x73: {  	_ =	shalt  }
0x74: {  	_ =	shalt  }
0x75: {  	_ =	shalt  }
0x76: {  	_ =	shalt  }
0x77: {  	_ =	shalt  }
0x78: {  	_ =	shalt  }
0x79: {  	_ =	shalt  }
0x7a: {  	_ =	shalt  }
0x7b: {  	_ =	shalt  }
0x7c: {  	_ =	shalt  }
0x7d: {  	_ =	shalt  }
0x7e: {  	_ =	shalt  }
0x7f: {  	_ =	shalt  }
0x80: {  	_ =	shalt  }
0x81: {  	_ =	shalt  }
0x82: {  	_ =	shalt  }
0x83: {  	_ =	shalt  }
0x84: {  	_ =	shalt  }
0x85: {  	_ =	shalt  }
0x86: {  	_ =	shalt  }
0x87: {  	_ =	shalt  }
.Lfunc_end0:
.L_simem_size_0:
called_computation_lowered:
.L_overlay_start_0:
0x88: {  	s2 =	sld [smem:$0x3FD9]  }
0x89: {  	s3 =	sld [smem:$0x3FFE];
	_ =	sdelay $0x1  }
0x8a: {  	s1 =	srdreg.scid  }
0x8b: {  	s0 =	sand.u32 $0x1, s1  }
0x8c: {  	s17 =	sshll.u32 s0, $0xA;
	s2 =	sadd.s32 s3, s2  }
0x8d: {  	s2 =	sadd.s32 s2, s17  }
0x8e: {  	[smem:$0x3FBC] =	sst s2  }
0x8f: {  	_ = 	snop  }
0x90: {  	s2 =	sld [smem:$0x3FD0];
	(tm) =	ssettm $0x1  }
0x91: {  	s18 =	sld [smem:$0x3FFB];
	_ =	sdelay $0x3  }
0x92: {  	_ =	strace s18  }
0x93: {  	s3 =	sld [smem:$0x3FFC];
	_ =	sdelay $0x3  }
0x94: {  	_ =	strace s3  }
0x95: {  	s3 =	sld [smem:$0x3FFD];
	_ =	sdelay $0x3  }
0x96: {  	_ =	strace s3  }
0x97: {  	_ =	strace $0x8FFFFFFF  }
0x98: {  	s19 =	sld [smem:$0x3FDB];
	_ =	sdelay $0x1  }
0x99: {  	s4 =	simm.s32 $_scs_section_size  }
0x9a: {  	s5 =	simm.s32 $_size__tile_overlayer_lowered;
	s6 =	simm.s32 $_tile_overlayer_lowered  }
0x9b: {  	s22 =	simm.s32 $0x1BFF;
	s21 =	sshll.u32 s6, $0x1;
	s3 =	sadd.s32 s4, s19  }
0x9c: {  	s7 =	simm.s32 $0x0;
	s20 =	sshll.u32 s5, $0x1;
	s5 =	sadd.s32 s21, s3  }
0x9d: {  	[timem:s7], [sflag:s22] =	dma.local [hbm:s5], s20  }
0x9e: {  	_ =	swait.ge [sflag:s22], s20  }
0x9f: {  	s4 =	ssub.s32 $0x0, s20;
	[sflag:s22] =	ssyncset.done $0x0  }
0xa0: {  	[sflag:s22] =	ssyncadd.s32 s4;
	_ =	sdelay $0x1  }
0xa1: {  	s23 =	simm.s32 $0x1B8B  }
0xa2: {  	_ =	swait.ge [sflag:s23], $0x1  }
0xa3: {  	[sflag:s23] =	ssyncset.done $0x0  }
0xa4: {  	s25 =	simm.s32 $0x1B8E;
	s24 =	sld [smem:$0x3FFE];
	[sflag:s23] =	ssyncadd.s32 $0xFFFFFFFF  }
0xa5: {  	s26 =	simm.s32 $execute0_lowered;
	[smem:$0x3FD2] =	sst s25  }
0xa6: {  	s5 =	sshll.u32 s26, $0x1;
	_ =	strace $0x80000046;
	[dreg:$0x1] =	wrdreg $0xFFFFFFFF  }
0xa7: {  	s28 =	simm.s32 $_size_execute0_lowered;
	s3 =	sadd.s32 s3, s5;
	[dreg:$0x0] =	wrdreg $0x0  }
0xa8: {  	s5 =	sshll.u32 s28, $0x1;
	[dreg:$0x2] =	wrdreg s3  }
0xa9: {  	[dreg:$0x3] =	wrdreg s5  }
0xaa: {  	[dreg:$0x4] =	wrdreg $0xC0  }
0xab: {  	_ =	task [dreg:s7], $0x5FFFF  }
0xac: {  	[dreg:$0x1] =	wrdreg $0xFFFFFFFF  }
0xad: {  	[dreg:$0x0] =	wrdreg $0x60  }
0xae: {  	[dreg:$0x2] =	wrdreg s2  }
0xaf: {  	[dreg:$0x3] =	wrdreg s24  }
0xb0: {  	[dreg:$0x4] =	wrdreg $0x7000  }
0xb1: {  	[dreg:$0x5] =	wrdreg $0x9  }
0xb2: {  	_ =	task.clear_ibuf [dreg:s7], $0x6FFFF;
	_ =	strace $0x90000046  }
0xb3: {  	s29 =	simm.s32 $0x9;
	_ =	strace $0x80000048  }
0xb4: {  	_ =	swait.ge [sflag:s29], $0x1  }
0xb5: {  	[sflag:s29] =	ssyncadd.s32 $0xFFFFFFFF  }
0xb6: {  	_ =	strace $0x90000048  }
0xb7: {  	_ =	sfence  }
0xb8: {  	s30 =	sld [smem:$0x0];
	_ =	sdelay $0x2  }
0xb9: {  	s31 =	sshll.u32 s1, $0xD;
	s1 =	sshrl.u32 s1, $0x2  }
0xba: {  	s3 =	sand.u32 $0x4000, s31;
	s1 =	sadd.s32 s1, s30  }
0xbb: {  	s0 =	sor.u32 s3, s0;
	s1 =	sshll.u32 s1, $0x11  }
0xbc: {  	s0 =	sor.u32 s1, s0  }
0xbd: {  	s0 =	sadd.s32 $0x8F2B, s0  }
0xbe: {  	[sflag:s0] =	ssyncadd.remote.s32 $0x1  }
0xbf: {  	_ =	sfence.sel $0xFFFF  }
0xc0: {  	[dreg:$0x0] =	wrdreg $0xFFFFFFFF;
	(pc) =	sbr.abs _section_cstart, $3  }
0xc1: {  	[dreg:$0x1] =	wrdreg $0xFFFFFFFF  }
0xc2: {  	_ =	task.clear_ibuf [dreg:s7], $0x2FFFF;
	_ =	strace $0x9FFFFFFF  }
0xc3: {  	(tm) =	ssettm $0x7FFFFFFF  }
tec
execute0_lowered:
.L_overlay_start_1:
0x0: {  	(tag) =	ssettag $0x1  }
0x1: {  	s13 =	rddreg [dreg:$0x0]  }
0x2: {  	s5 =	rddreg [dreg:$0x1]  }
0x3: {  	s2 =	rddreg [dreg:$0x2]  }
0x4: {  	s3 =	simm.s32 $0x0;
	s0 =	stileid.u32;
	s4 =	srdreg.scid  }
0x5: {  	s17 =	simm.s32 $0x5;
	s18 =	simm.s32 $0x400;
	s20 =	simm.s32 $0x200  }
0x6: {  	s21 =	simm.s32 $0x300;
	s22 =	simm.s32 $0x1;
	s23 =	simm.s32 $0x80  }
0x7: {  	s24 =	simm.s32 $0x3;
	s25 =	simm.s32 $0x280;
	s26 =	simm.s32 $0x4  }
0x8: {  	s28 =	simm.s32 $0x380;
	s29 =	simm.s32 $0x0;
	s7 =	smul.u32 $0x280, s0  }
0x9: {  	[smem:$0x7FF] =	sst s3;
	s6 =	sand.u32 $0x1, s4;
	s15 =	smul.u32 $0x50, s0  }
0xa: {  	s4 =	sadd.s32 $0x3E00, s5;
	_ =	strace $0x80000047;
	s8 =	smul.u32 $0x2800, s6  }
0xb: {  	s9 =	sshll.u32 s6, $0x4;
	s11 =	ssub.s32 $0x2, s6;
	s12 =	smul.u32 $0x500, s6  }
0xc: {  	s10 =	sshrl.u32 s7, $0x3;
	s9 =	sor.u32 s0, s9;
	s30 =	sshrl.u32 s11, $0x1  }
0xd: {  	s10 =	sadd.s32 s10, s5;
	s8 =	sadd.s32 s7, s8;
	s9 =	smul.u32 $0xA00, s9  }
0xe: {  	s16 =	ssub.s32 s11, s30;
	s7 =	sadd.s32 s7, s2;
	s31 =	sadd.s32 s15, s12  }
.Ltmp0:
0xf: {  	s8 =	sshrl.u32 s8, $0x3;
	s15 =	sshll.u32 s31, $0x5;
	(pc) =	sbr.rel .LBB2_1-.Ltmp0, $4  }
0x10: {  	s12 =	smax.u32 s16, $0x1;
	s16 =	simm.s32 $0x480;
	s14 =	sadd.s32 s8, s5  }
0x11: {  	s5 =	sadd.s32 $0x4000, s10;
	s6 =	sadd.s32 s13, s9;
	s13 =	sadd.s32 s15, s13  }
0x12: {  	s8 =	sadd.s32 $0x20, s6;
	s9 =	sadd.s32 $0x40, s6;
	s10 =	sadd.s32 $0x60, s6  }
0x13: {  	s11 =	sadd.s32 $0x4600, s14;
	s14 =	sadd.s32 $0xC0, s13;
	s15 =	sadd.s32 $0x80, s13  }
.LBB2_4:
0x14: {  	_ =	swait.ge [sflag:s26], $0x100  }
0x15: {  	[sflag:s26] =	ssyncset.done $0x0  }
0x16: {  	[sflag:s26] =	ssyncadd.s32 $0xFFFFFF00  }
0x17: {  	[spmem:s2] =	stream.indirect.scatter.add.f32 [tilespmem:s18], [sflag:$0x5], $0x1, s28, s23, $0xb8;
	[tilespmem:$0x980] =	vst v63  }
0x18: {  	_ =	swait.ge [sflag:s17], $0x80  }
0x19: {  	[sflag:s17] =	ssyncset.done $0x0  }
0x1a: {  	[sflag:s17] =	ssyncadd.s32 $0xFFFFFF80  }
0x1b: {  	[bflag:$0x0] =	sbarrier.arrive $0xFFFF  }
0x1c: {  	[tilespmem:s16], [sflag:$0x5] =	stream.linear.gather [spmem:s7], $0x280, $0x38;
	[tilespmem:$0x980] =	vst v63  }
0x1d: {  	s29 =	sadd.s32 $0x1, s29;
	_ =	swait.ge [sflag:s17], $0x280  }
0x1e: {  	p0 =	sne.s32 s29, s12;
	[sflag:s17] =	ssyncset.done $0x0  }
.Ltmp1:
0x1f: {  	[sflag:s17] =	ssyncadd.s32 $0xFFFFFD80;
	(pc) =	sbr.rel @!p0 .LBB2_5-.Ltmp1, $4  }
0x20: {  	[hbm4b:s11+s3] =	stream.linear.scatter [tilespmem:s16], [sflag:$0x5], $0x280, $0x38;
	[tilespmem:$0x980] =	vst v63  }
0x21: {  	_ =	swait.ge [sflag:s17], $0x280  }
0x22: {  	[sflag:s17] =	ssyncset.done $0x0  }
0x23: {  	[sflag:s17] =	ssyncadd.s32 $0xFFFFFD80  }
.LBB2_1:
0x24: {  	[tilespmem:s16], [sflag:$0x5] =	stream.linear.gather [hbm4b:s5+s3], $0x280, $0x38;
	[tilespmem:$0x980] =	vst v63  }
0x25: {  	_ =	swait.ge [sflag:s17], $0x280  }
0x26: {  	[sflag:s17] =	ssyncset.done $0x0  }
0x27: {  	[sflag:s17] =	ssyncadd.s32 $0xFFFFFD80  }
0x28: {  	[spmem:s7] =	stream.linear.scatter [tilespmem:s16], [sflag:$0x5], $0x280, $0x38;
	[tilespmem:$0x980] =	vst v63  }
0x29: {  	_ =	swait.ge [sflag:s17], $0x280  }
0x2a: {  	[sflag:s17] =	ssyncset.done $0x0  }
0x2b: {  	[sflag:s17] =	ssyncadd.s32 $0xFFFFFD80  }
0x2c: {  	[tilespmem:s18], [sflag:$0x5] =	stream.linear.gather [hbm4b:s4+s3], $0x80, $0x38;
	[tilespmem:$0x980] =	vst v63  }
0x2d: {  	_ =	swait.ge [sflag:s17], $0x80  }
0x2e: {  	[sflag:s17] =	ssyncset.done $0x0  }
0x2f: {  	[sflag:s17] =	ssyncadd.s32 $0xFFFFFF80  }
0x30: {  	[bflag:$0x0] =	sbarrier.arrive $0xFFFF  }
0x31: {  	[tilespmem:s3], [sflag:$0x1] =	stream.linear.gather [hbm4b:s6+s3], $0x100, $0x38;
	[tilespmem:$0x980] =	vst v63  }
0x32: {  	s0 =	simm.s32 $0x100  }
0x33: {  	[tilespmem:s0], [sflag:$0x2] =	stream.linear.gather [hbm4b:s8+s3], $0x100, $0x38;
	[tilespmem:$0x980] =	vst v63  }
0x34: {  	_ = 	snop  }
0x35: {  	[tilespmem:s20], [sflag:$0x3] =	stream.linear.gather [hbm4b:s9+s3], $0x100, $0x38;
	[tilespmem:$0x980] =	vst v63  }
0x36: {  	s30 =	simm.s32 $0x0  }
0x37: {  	[tilespmem:s21], [sflag:$0x4] =	stream.linear.gather [hbm4b:s10+s3], $0x100, $0x38;
	[tilespmem:$0x980] =	vst v63  }
.LBB2_2:
0x38: {  	_ =	swait.ge [sflag:s22], $0x100  }
0x39: {  	[sflag:s22] =	ssyncset.done $0x0  }
0x3a: {  	[sflag:s22] =	ssyncadd.s32 $0xFFFFFF00  }
0x3b: {  	[spmem:s2] =	stream.indirect.scatter.add.f32 [tilespmem:s18], [sflag:$0x5], $0x1, s23, s23, $0xb8;
	[tilespmem:$0x980] =	vst v63  }
0x3c: {  	_ =	swait.ge [sflag:s17], $0x80  }
0x3d: {  	p0 =	seq.s32 s30, $0x980;
	[sflag:s17] =	ssyncset.done $0x0  }
0x3e: {  	s31 =	simm.s32 @p0 $0x2;
	[sflag:s17] =	ssyncadd.s32 $0xFFFFFF80  }
0x3f: {  	_ =	swait.ge @p0 [sflag:s31], $0x100  }
0x40: {  	s0 =	simm.s32 @p0 $0x180;
	[sflag:s31] =	ssyncset.done @p0 $0x0  }
0x41: {  	s1 =	simm.s32 @p0 $0x400;
	[sflag:s31] =	ssyncadd.s32 @p0 $0xFFFFFF00;
	s31 =	simm.s32 @p0 $0x80  }
0x42: {  	[spmem:s2] =	stream.indirect.scatter.add.f32 @p0 [tilespmem:s1], [sflag:$0x5], $0x1, s0, s31, $0xb8;
	[tilespmem:$0x980] =	vst v63  }
0x43: {  	s0 =	simm.s32 @p0 $0x5  }
0x44: {  	_ =	swait.ge @p0 [sflag:s0], $0x80  }
0x45: {  	[sflag:s0] =	ssyncset.done @p0 $0x0  }
0x46: {  	s1 =	simm.s32 @!p0 $0x0;
	[sflag:s0] =	ssyncadd.s32 @p0 $0xFFFFFF80;
	s0 =	sadd.s32 @!p0 s30, s15  }
0x47: {  	[tilespmem:s1], [sflag:$0x1] =	stream.linear.gather @!p0 [hbm4b:s0+s1], $0x100, $0x38;
	[tilespmem:$0x980] =	vst v63  }
0x48: {  	s0 =	simm.s32 @!p0 $0x2  }
0x49: {  	_ =	swait.ge @!p0 [sflag:s0], $0x100  }
0x4a: {  	s19 =	simm.s32 @!p0 $0x400;
	[sflag:s0] =	ssyncset.done @!p0 $0x0  }
0x4b: {  	s31 =	simm.s32 @!p0 $0x180;
	[sflag:s0] =	ssyncadd.s32 @!p0 $0xFFFFFF00;
	s0 =	simm.s32 @!p0 $0x80  }
0x4c: {  	[spmem:s2] =	stream.indirect.scatter.add.f32 @!p0 [tilespmem:s19], [sflag:$0x5], $0x1, s31, s0, $0xb8;
	[tilespmem:$0x980] =	vst v63  }
0x4d: {  	s0 =	simm.s32 @!p0 $0x5  }
0x4e: {  	_ =	swait.ge @!p0 [sflag:s0], $0x80  }
0x4f: {  	s19 =	sadd.s32 @!p0 s30, s13;
	[sflag:s0] =	ssyncset.done @!p0 $0x0  }
0x50: {  	[sflag:s0] =	ssyncadd.s32 @!p0 $0xFFFFFF80;
	s0 =	sadd.s32 @!p0 $0xA0, s19;
	s19 =	simm.s32 @!p0 $0x100  }
0x51: {  	[tilespmem:s19], [sflag:$0x2] =	stream.linear.gather @!p0 [hbm4b:s0+s1], $0x100, $0x38;
	[tilespmem:$0x980] =	vst v63  }
0x52: {  	_ =	swait.ge [sflag:s24], $0x100  }
0x53: {  	[sflag:s24] =	ssyncset.done $0x0  }
.Ltmp2:
0x54: {  	[sflag:s24] =	ssyncadd.s32 $0xFFFFFF00;
	(pc) =	sbr.rel @p0 .LBB2_4-.Ltmp2, $4  }
0x55: {  	[spmem:s2] =	stream.indirect.scatter.add.f32 [tilespmem:s18], [sflag:$0x5], $0x1, s25, s23, $0xb8;
	[tilespmem:$0x980] =	vst v63  }
0x56: {  	_ =	swait.ge [sflag:s17], $0x80  }
0x57: {  	[sflag:s17] =	ssyncset.done $0x0  }
0x58: {  	[sflag:s17] =	ssyncadd.s32 $0xFFFFFF80  }
0x59: {  	s0 =	sadd.s32 s30, s14  }
0x5a: {  	[tilespmem:s20], [sflag:$0x3] =	stream.linear.gather [hbm4b:s0+s3], $0x100, $0x38;
	[tilespmem:$0x980] =	vst v63  }
0x5b: {  	_ =	swait.ge [sflag:s26], $0x100  }
0x5c: {  	[sflag:s26] =	ssyncset.done $0x0  }
0x5d: {  	[sflag:s26] =	ssyncadd.s32 $0xFFFFFF00  }
0x5e: {  	[spmem:s2] =	stream.indirect.scatter.add.f32 [tilespmem:s18], [sflag:$0x5], $0x1, s28, s23, $0xb8;
	[tilespmem:$0x980] =	vst v63  }
.Ltmp3:
0x5f: {  	_ = 	snop;
	(pc) =	sbr.rel .LBB2_2-.Ltmp3, $4  }
0x60: {  	_ =	swait.ge [sflag:s17], $0x80  }
0x61: {  	s31 =	sadd.s32 s30, s13;
	[sflag:s17] =	ssyncset.done $0x0  }
0x62: {  	s30 =	sadd.s32 $0x80, s30;
	s0 =	sadd.s32 $0xE0, s31;
	[sflag:s17] =	ssyncadd.s32 $0xFFFFFF80  }
0x63: {  	[tilespmem:s21], [sflag:$0x4] =	stream.linear.gather [hbm4b:s0+s3], $0x100, $0x38;
	[tilespmem:$0x980] =	vst v63  }
.LBB2_5:
0x64: {  	_ =	sfence.sel $0x180000  }
0x65: {  	[bflag:$0x0] =	sbarrier.arrive $0xFFFF  }
0x66: {  	_ =	strace $0x90000047  }
0x67: {  	s0 =	stileid.u32;
	[bflag:$0x2] =	sbarrier.arrive $0xFFFF  }
0x68: {  	p0 =	sne.s32 s0, $0x0;
	s0 =	rddreg [dreg:$0x3]  }
0x69: {  	s0 =	sadd.s32 @!p0 $0x100000, s0  }
0x6a: {  	[sflag:s0] =	ssyncadd.tile.s32 @!p0 $0x1;
	_ =	shalt  }
.Lfunc_end2:
_tile_overlayer_lowered:
.L_overlay_start_2:
0x6b: {  	(tag) =	ssettag $0x2  }
0x6c: {  	s0 =	rddreg [dreg:$0x0];
	s2 =	stileid.u32  }
0x6d: {  	s1 =	rddreg [dreg:$0x1];
	p0 =	sne.s32 s2, $0x0  }
0x6e: {  	s3 =	rddreg [dreg:$0x2];
	[bflag:$0x3] =	sbarrier.arrive $0xFFFF;
	s2 =	simm.s32 @!p0 $0x1C05  }
0x6f: {  	[timem:s3], [sflag:s2] =	dma.local @!p0 [hbm:s0], s1  }
0x70: {  	s0 =	simm.s32 @!p0 $0x5  }
0x71: {  	_ =	swait.ge @!p0 [sflag:s0], s1  }
0x72: {  	s1 =	ssub.s32 @!p0 $0x0, s1;
	[sflag:s0] =	ssyncset.done @!p0 $0x0  }
0x73: {  	[sflag:s0] =	ssyncadd.s32 @!p0 s1  }
0x74: {  	[bflag:$0x3] =	sbarrier.arrive $0xFFFF  }
0x75: {  	_ =	shalt  }

// kernel: kernel.13.cloned.1.call-start
scs
__scs_entry_jumppad:
0x0: {  	(pc) =	sbr.rel $0x88, $3  }
0x1: {  	(tag) =	ssettag $0x0;
	lr =	simm.s32 $0x1  }
0x2: {  	[smem:$0x3F95] =	sst lr;
	_ =	strace $0xD0000000  }
0x3: {  	_ = 	snop  }
0x4: {  	_ = 	snop  }
0x5: {  	_ = 	snop  }
0x6: {  	_ = 	snop  }
0x7: {  	_ = 	snop  }
__scs_overlays_trampoline_lowered:
0x8: {  	[smem:$0x3FA4] =	sst s0  }
0x9: {  	[smem:$0x3FA5] =	sst s1  }
0xa: {  	[smem:$0x3FA6] =	sst s2  }
0xb: {  	[smem:$0x3FA7] =	sst s3  }
0xc: {  	[smem:$0x3FA8] =	sst s4  }
0xd: {  	[smem:$0x3FA9] =	sst s5  }
0xe: {  	[smem:$0x3FAA] =	sst s6  }
0xf: {  	[smem:$0x3FAB] =	sst s7  }
0x10: {  	[smem:$0x3FAC] =	sst s8  }
0x11: {  	[smem:$0x3FAD] =	sst s9;
	s0 =	simm.s32 @!p0 $0x0  }
0x12: {  	s1 =	sld [smem:$0x3F93];
	s0 =	simm.s32 @p0 $0x1  }
0x13: {  	[smem:$0x3FAE] =	sst s0;
	s0 =	simm.s32 @!p1 $0x0  }
0x14: {  	s2 =	sld [smem:$0x3F92];
	s0 =	simm.s32 @p1 $0x1  }
0x15: {  	[smem:$0x3FAF] =	sst s0;
	s0 =	simm.s32 @!p2 $0x0  }
0x16: {  	s3 =	sld [smem:$0x3FDB];
	s0 =	simm.s32 @p2 $0x1  }
0x17: {  	s4 =	simm.s32 $0x1BF5;
	[smem:$0x3FB1] =	sst s0  }
0x18: {  	s0 =	sld [smem:$0x3F94];
	_ =	swait.ge [sflag:s4], $0x0  }
0x19: {  	s7 =	sld [smem:$0x3F95]  }
0x1a: {  	s8 =	sadd.s32 $0xFFFFE003, lr  }
0x1b: {  	s9 =	sadd.s32 $0xFFFFFEF7, lr;
	s5 =	simm.s32 $0xFFFFFFFF;
	p2 =	slt.u32 s8, $0xFFFFF086  }
0x1c: {  	p1 =	slt.u32 s9, $0xF7A;
	s5 =	simm.s32 @!p2 $0x0  }
0x1d: {  	s5 =	simm.s32 @p1 $0x1;
	p0 =	seq.s32 s7, s2  }
0x1e: {  	s7 =	smul.u32 @!p0 $0xF7A, s2;
	p2 =	seq.s32 @!p0 s5, $0x0  }
0x1f: {  	s9 =	smul.u32 $0xF7A, s1;
	s8 =	simm.s32 @!p0 $0x1BF5;
	p2 =	por !p2, p0  }
0x20: {  	[sflag:s8] =	ssyncset.s32 @!p0 $0xFFFFF086;
	s6 =	sadd.s32 @!p0 s3, s7;
	s7 =	simm.s32 @!p0 $0x108  }
0x21: {  	s3 =	sadd.s32 s3, s9;
	s6 =	sadd.s32 @!p0 $0x88, s6;
	s7 =	simm.s32 @p2 $0x1082  }
0x22: {  	[simem:s7], [sflag:s8] =	dma.local @!p0 [hbm:s6], $0xF7A  }
0x23: {  	s9 =	sor.u32 $0xD0000000, s2;
	s6 =	simm.s32 $0x108;
	_ =	swait.ge @!p0 [sflag:s8], $0x0  }
0x24: {  	s3 =	sadd.s32 $0x88, s3;
	s6 =	simm.s32 @!p1 $0x1082;
	[sflag:s4] =	ssyncset.s32 $0xFFFFF086  }
0x25: {  	[simem:s6], [sflag:s4] =	dma.local [hbm:s3], $0xF7A  }
0x26: {  	[smem:$0x3F95] =	sst s1;
	(tag) =	ssettag s2;
	_ =	strace s9  }
0x27: {  	s1 =	sld [smem:$0x3FA5]  }
0x28: {  	s2 =	sld [smem:$0x3FA6]  }
0x29: {  	s4 =	sld [smem:$0x3FA8]  }
0x2a: {  	p0 =	seq.s32 s5, $0x0;
	s5 =	sld [smem:$0x3FA9]  }
0x2b: {  	s6 =	sld [smem:$0x3FAA]  }
0x2c: {  	s7 =	sld [smem:$0x3FAB]  }
0x2d: {  	s3 =	simm.s32 $0x108;
	s8 =	sld [smem:$0x3FAC]  }
0x2e: {  	s3 =	simm.s32 @!p0 $0x1082;
	s9 =	sld [smem:$0x3FAD]  }
0x2f: {  	lr =	sadd.s32 s0, s3;
	s0 =	sld [smem:$0x3FA4]  }
0x30: {  	s3 =	sld [smem:$0x3FA7]  }
0x31: {  	[smem:$0x3FB0] =	sst s10  }
0x32: {  	s10 =	sld [smem:$0x3FAE];
	_ =	sdelay $0x3  }
0x33: {  	p0 =	seq.s32 s10, $0x1;
	s10 =	sld [smem:$0x3FB0];
	_ =	sdelay $0x3  }
0x34: {  	[smem:$0x3FB0] =	sst s10  }
0x35: {  	s10 =	sld [smem:$0x3FAF];
	_ =	sdelay $0x3  }
0x36: {  	p1 =	seq.s32 s10, $0x1;
	s10 =	sld [smem:$0x3FB0];
	_ =	sdelay $0x3  }
0x37: {  	[smem:$0x3FB0] =	sst s10  }
0x38: {  	s10 =	sld [smem:$0x3FB1]  }
0x39: {  	_ = 	snop;
	(pc) =	sbr.ind lr, $3  }
0x3a: {  	_ = 	snop  }
0x3b: {  	_ = 	snop  }
0x3c: {  	p2 =	seq.s32 s10, $0x1;
	s10 =	sld [smem:$0x3FB0]  }
0x3d: {  	_ =	shalt  }
0x3e: {  	_ =	shalt  }
0x3f: {  	_ =	shalt  }
0x40: {  	_ =	shalt  }
0x41: {  	_ =	shalt  }
0x42: {  	_ =	shalt  }
0x43: {  	_ =	shalt  }
0x44: {  	_ =	shalt  }
0x45: {  	_ =	shalt  }
0x46: {  	_ =	shalt  }
0x47: {  	_ =	shalt  }
0x48: {  	_ =	shalt  }
0x49: {  	_ =	shalt  }
0x4a: {  	_ =	shalt  }
0x4b: {  	_ =	shalt  }
0x4c: {  	_ =	shalt  }
0x4d: {  	_ =	shalt  }
0x4e: {  	_ =	shalt  }
0x4f: {  	_ =	shalt  }
0x50: {  	_ =	shalt  }
0x51: {  	_ =	shalt  }
0x52: {  	_ =	shalt  }
0x53: {  	_ =	shalt  }
0x54: {  	_ =	shalt  }
0x55: {  	_ =	shalt  }
0x56: {  	_ =	shalt  }
0x57: {  	_ =	shalt  }
0x58: {  	_ =	shalt  }
0x59: {  	_ =	shalt  }
0x5a: {  	_ =	shalt  }
0x5b: {  	_ =	shalt  }
0x5c: {  	_ =	shalt  }
0x5d: {  	_ =	shalt  }
0x5e: {  	_ =	shalt  }
0x5f: {  	_ =	shalt  }
0x60: {  	_ =	shalt  }
0x61: {  	_ =	shalt  }
0x62: {  	_ =	shalt  }
0x63: {  	_ =	shalt  }
0x64: {  	_ =	shalt  }
0x65: {  	_ =	shalt  }
0x66: {  	_ =	shalt  }
0x67: {  	_ =	shalt  }
0x68: {  	_ =	shalt  }
0x69: {  	_ =	shalt  }
0x6a: {  	_ =	shalt  }
0x6b: {  	_ =	shalt  }
0x6c: {  	_ =	shalt  }
0x6d: {  	_ =	shalt  }
0x6e: {  	_ =	shalt  }
0x6f: {  	_ =	shalt  }
0x70: {  	_ =	shalt  }
0x71: {  	_ =	shalt  }
0x72: {  	_ =	shalt  }
0x73: {  	_ =	shalt  }
0x74: {  	_ =	shalt  }
0x75: {  	_ =	shalt  }
0x76: {  	_ =	shalt  }
0x77: {  	_ =	shalt  }
0x78: {  	_ =	shalt  }
0x79: {  	_ =	shalt  }
0x7a: {  	_ =	shalt  }
0x7b: {  	_ =	shalt  }
0x7c: {  	_ =	shalt  }
0x7d: {  	_ =	shalt  }
0x7e: {  	_ =	shalt  }
0x7f: {  	_ =	shalt  }
0x80: {  	_ =	shalt  }
0x81: {  	_ =	shalt  }
0x82: {  	_ =	shalt  }
0x83: {  	_ =	shalt  }
0x84: {  	_ =	shalt  }
0x85: {  	_ =	shalt  }
0x86: {  	_ =	shalt  }
0x87: {  	_ =	shalt  }
.Lfunc_end0:
.L_simem_size_0:
called_computation.1_lowered:
.L_overlay_start_0:
0x88: {  	s2 =	sld [smem:$0x3FD9]  }
0x89: {  	s3 =	sld [smem:$0x3FFE];
	_ =	sdelay $0x1  }
0x8a: {  	s1 =	srdreg.scid  }
0x8b: {  	s0 =	sand.u32 $0x1, s1  }
0x8c: {  	s17 =	sshll.u32 s0, $0xA;
	s2 =	sadd.s32 s3, s2  }
0x8d: {  	s2 =	sadd.s32 s2, s17  }
0x8e: {  	[smem:$0x3FBC] =	sst s2  }
0x8f: {  	_ = 	snop  }
0x90: {  	s2 =	sld [smem:$0x3FD0];
	(tm) =	ssettm $0x1  }
0x91: {  	s18 =	sld [smem:$0x3FFB];
	_ =	sdelay $0x3  }
0x92: {  	_ =	strace s18  }
0x93: {  	s3 =	sld [smem:$0x3FFC];
	_ =	sdelay $0x3  }
0x94: {  	_ =	strace s3  }
0x95: {  	s3 =	sld [smem:$0x3FFD];
	_ =	sdelay $0x3  }
0x96: {  	_ =	strace s3  }
0x97: {  	_ =	strace $0x8FFFFFFF  }
0x98: {  	s19 =	sld [smem:$0x3FDB];
	_ =	sdelay $0x1  }
0x99: {  	s4 =	simm.s32 $_scs_section_size  }
0x9a: {  	s5 =	simm.s32 $_size__tile_overlayer_lowered;
	s6 =	simm.s32 $_tile_overlayer_lowered  }
0x9b: {  	s22 =	simm.s32 $0x1BFF;
	s21 =	sshll.u32 s6, $0x1;
	s3 =	sadd.s32 s4, s19  }
0x9c: {  	s7 =	simm.s32 $0x0;
	s20 =	sshll.u32 s5, $0x1;
	s5 =	sadd.s32 s21, s3  }
0x9d: {  	[timem:s7], [sflag:s22] =	dma.local [hbm:s5], s20  }
0x9e: {  	_ =	swait.ge [sflag:s22], s20  }
0x9f: {  	s4 =	ssub.s32 $0x0, s20;
	[sflag:s22] =	ssyncset.done $0x0  }
0xa0: {  	[sflag:s22] =	ssyncadd.s32 s4;
	_ =	sdelay $0x1  }
0xa1: {  	s23 =	simm.s32 $0x1B8B  }
0xa2: {  	_ =	swait.ge [sflag:s23], $0x1  }
0xa3: {  	[sflag:s23] =	ssyncset.done $0x0  }
0xa4: {  	s25 =	simm.s32 $0x1B8E;
	s24 =	sld [smem:$0x3FFE];
	[sflag:s23] =	ssyncadd.s32 $0xFFFFFFFF  }
0xa5: {  	s26 =	simm.s32 $execute0_lowered;
	[smem:$0x3FD2] =	sst s25  }
0xa6: {  	s5 =	sshll.u32 s26, $0x1;
	_ =	strace $0x80000049;
	[dreg:$0x1] =	wrdreg $0xFFFFFFFF  }
0xa7: {  	s28 =	simm.s32 $_size_execute0_lowered;
	s3 =	sadd.s32 s3, s5;
	[dreg:$0x0] =	wrdreg $0x0  }
0xa8: {  	s5 =	sshll.u32 s28, $0x1;
	[dreg:$0x2] =	wrdreg s3  }
0xa9: {  	[dreg:$0x3] =	wrdreg s5  }
0xaa: {  	[dreg:$0x4] =	wrdreg $0xC0  }
0xab: {  	_ =	task [dreg:s7], $0x5FFFF  }
0xac: {  	[dreg:$0x1] =	wrdreg $0xFFFFFFFF  }
0xad: {  	[dreg:$0x0] =	wrdreg $0x60  }
0xae: {  	[dreg:$0x2] =	wrdreg s24  }
0xaf: {  	[dreg:$0x3] =	wrdreg s2  }
0xb0: {  	[dreg:$0x4] =	wrdreg $0x84000  }
0xb1: {  	[dreg:$0x5] =	wrdreg $0x9  }
0xb2: {  	_ =	task.clear_ibuf [dreg:s7], $0x6FFFF;
	_ =	strace $0x90000049  }
0xb3: {  	s29 =	simm.s32 $0x9;
	_ =	strace $0x8000004B  }
0xb4: {  	_ =	swait.ge [sflag:s29], $0x1  }
0xb5: {  	[sflag:s29] =	ssyncadd.s32 $0xFFFFFFFF  }
0xb6: {  	_ =	strace $0x9000004B  }
0xb7: {  	_ =	sfence  }
0xb8: {  	s30 =	sld [smem:$0x0];
	_ =	sdelay $0x2  }
0xb9: {  	s31 =	sshll.u32 s1, $0xD;
	s1 =	sshrl.u32 s1, $0x2  }
0xba: {  	s3 =	sand.u32 $0x4000, s31;
	s1 =	sadd.s32 s1, s30  }
0xbb: {  	s0 =	sor.u32 s3, s0;
	s1 =	sshll.u32 s1, $0x11  }
0xbc: {  	s0 =	sor.u32 s1, s0  }
0xbd: {  	s0 =	sadd.s32 $0x8F2B, s0  }
0xbe: {  	[sflag:s0] =	ssyncadd.remote.s32 $0x1  }
0xbf: {  	_ =	sfence.sel $0xFFFF  }
0xc0: {  	[dreg:$0x0] =	wrdreg $0xFFFFFFFF;
	(pc) =	sbr.abs _section_cstart, $3  }
0xc1: {  	[dreg:$0x1] =	wrdreg $0xFFFFFFFF  }
0xc2: {  	_ =	task.clear_ibuf [dreg:s7], $0x2FFFF;
	_ =	strace $0x9FFFFFFF  }
0xc3: {  	(tm) =	ssettm $0x7FFFFFFF  }
tec
execute0_lowered:
.L_overlay_start_1:
0x0: {  	(tag) =	ssettag $0x1  }
0x1: {  	s3 =	rddreg [dreg:$0x0]  }
0x2: {  	s0 =	rddreg [dreg:$0x1]  }
0x3: {  	s1 =	rddreg [dreg:$0x2];
	s2 =	simm.s32 $0x0  }
0x4: {  	s5 =	srdreg.scid;
	s24 =	stileid.u32;
	s29 =	simm.s32 $0x400  }
0x5: {  	s30 =	simm.s32 $0x4400;
	s31 =	simm.s32 $0x5;
	[smem:$0x7FF] =	sst s2  }
0x6: {  	s4 =	sadd.s32 $0x3E00, s3;
	s10 =	sand.u32 $0x1, s5;
	s12 =	smul.u32 $0x14000, s24  }
0x7: {  	s11 =	sadd.s32 $0x2BE00, s3;
	s3 =	sadd.s32 $0x53E00, s3;
	s23 =	smul.u32 $0x50000, s24  }
0x8: {  	s14 =	smul.u32 $0x2800, s24;
	_ =	strace $0x8000004A;
	s5 =	ssub.s32 $0x2, s10  }
0x9: {  	s22 =	sshll.u32 s10, $0x4;
	p0 =	seq.s32 s10, $0x0;
	s6 =	sshrl.u32 s5, $0x1  }
0xa: {  	s8 =	sor.u32 s24, s22;
	s15 =	sadd.s32 $0x4000, s12;
	s25 =	sshrl.u32 s23, $0x2  }
0xb: {  	s16 =	sadd.s32 $0x8000, s12;
	s9 =	sshrl.u32 s12, $0x3;
	s11 =	smov.u32 @p0 s4  }
0xc: {  	s21 =	sadd.s32 $0xC000, s12;
	s22 =	sadd.s32 $0x10000, s12;
	s23 =	smul.u32 $0x140000, s10  }
0xd: {  	s10 =	smul.u32 $0x500, s10;
	s13 =	ssub.s32 s5, s6;
	s17 =	sshrl.u32 s15, $0x3  }
0xe: {  	s5 =	sadd.s32 s25, s1;
	s18 =	sshrl.u32 s16, $0x3;
	s25 =	sadd.s32 s15, s1  }
0xf: {  	s26 =	sadd.s32 s16, s1;
	s19 =	sadd.s32 s11, s9;
	s20 =	smul.u32 $0xA00, s8  }
0x10: {  	s7 =	sadd.s32 s21, s1;
	s8 =	sadd.s32 s22, s1;
	s12 =	sadd.s32 s12, s23  }
0x11: {  	s15 =	sadd.s32 s23, s15;
	s16 =	sadd.s32 s23, s16;
	[dreg:$0x4] =	wrdreg s5  }
0x12: {  	s9 =	sadd.s32 s0, s20;
	s12 =	sshrl.u32 s12, $0x3;
	s15 =	sshrl.u32 s15, $0x3  }
0x13: {  	s16 =	sshrl.u32 s16, $0x3;
	s20 =	sadd.s32 s23, s21;
	s21 =	sadd.s32 s23, s22  }
0x14: {  	s22 =	smov.u32 s26;
	s12 =	sadd.s32 s3, s12;
	[dreg:$0x5] =	wrdreg s9  }
0x15: {  	s23 =	smul.u32 $0x50, s24;
	s15 =	sadd.s32 s3, s15;
	[dreg:$0x6] =	wrdreg s12  }
0x16: {  	s24 =	smov.u32 s7;
	s16 =	sadd.s32 s3, s16;
	[dreg:$0x7] =	wrdreg s15  }
0x17: {  	s7 =	sadd.s32 $0x20, s9;
	[dreg:$0x8] =	wrdreg s16;
	s12 =	sshrl.u32 s20, $0x3  }
0x18: {  	s15 =	sshrl.u32 s21, $0x3;
	[dreg:$0xb] =	wrdreg s7;
	s16 =	sadd.s32 s11, s17  }
0x19: {  	s10 =	sadd.s32 s23, s10;
	s17 =	sadd.s32 s11, s18;
	[dreg:$0xe] =	wrdreg s16  }
0x1a: {  	s18 =	sadd.s32 $0x60, s9;
	s20 =	smax.u32 s13, $0x1;
	[dreg:$0xf] =	wrdreg s17  }
0x1b: {  	s21 =	sadd.s32 $0x1800, s19;
	s13 =	simm.s32 $0x300;
	[dreg:$0x10] =	wrdreg s18  }
0x1c: {  	s26 =	sadd.s32 s3, s12;
	s3 =	sadd.s32 s3, s15;
	[dreg:$0x11] =	wrdreg s20  }
0x1d: {  	s12 =	sadd.s32 $0x40, s9;
	s15 =	sadd.s32 s11, s14;
	[dreg:$0x12] =	wrdreg s21  }
0x1e: {  	s11 =	simm.s32 $0x100;
	s14 =	simm.s32 $0x1;
	[dreg:$0x9] =	wrdreg s26  }
0x1f: {  	s16 =	simm.s32 $0x2;
	s17 =	simm.s32 $0x3;
	[dreg:$0xa] =	wrdreg s3  }
0x20: {  	s18 =	simm.s32 $0x4;
	s20 =	simm.s32 $0x380;
	[dreg:$0xc] =	wrdreg s12  }
.Ltmp0:
0x21: {  	s21 =	simm.s32 $0x0;
	[dreg:$0xd] =	wrdreg s15;
	(pc) =	sbr.rel .LBB2_1-.Ltmp0, $4  }
0x22: {  	s3 =	sshll.u32 s10, $0x5;
	s26 =	sadd.s32 $0x2000, s19;
	s12 =	simm.s32 $0x200  }
0x23: {  	s15 =	simm.s32 $0x80;
	s10 =	simm.s32 $0x180;
	s19 =	simm.s32 $0x280  }
0x24: {  	s23 =	sadd.s32 s3, s0;
	[dreg:$0x13] =	wrdreg s26;
	s0 =	simm.s32 $0x7  }
0x25: {  	s3 =	simm.s32 $0x6;
	s26 =	sadd.s32 $0xC0, s23;
	s28 =	sadd.s32 $0x80, s23  }
.LBB2_4:
0x26: {  	_ =	swait.ge [sflag:s3], $0x4000  }
0x27: {  	[sflag:s3] =	ssyncset.done $0x0  }
0x28: {  	[sflag:s3] =	ssyncadd.s32 $0xFFFFC000  }
0x29: {  	[spmem:s1] =	stream.indirect.scatter.add.f32 [tilespmem:s30], [sflag:$0x7], $0x80, s20, s15, $0xb8;
	[tilespmem:$0x1C400] =	vst v63  }
0x2a: {  	_ =	swait.ge [sflag:s0], $0x4000  }
0x2b: {  	[sflag:s0] =	ssyncset.done $0x0  }
0x2c: {  	[sflag:s0] =	ssyncadd.s32 $0xFFFFC000  }
0x2d: {  	[bflag:$0x0] =	sbarrier.arrive $0xFFFF  }
0x2e: {  	s5 =	rddreg [dreg:$0x4]  }
0x2f: {  	[tilespmem:s29], [sflag:$0x7] =	stream.linear.gather [spmem:s5], $0x4000, $0x38;
	[tilespmem:$0x1C400] =	vst v63  }
0x30: {  	_ =	swait.ge [sflag:s0], $0x4000  }
0x31: {  	[sflag:s0] =	ssyncset.done $0x0  }
0x32: {  	s22 =	rddreg [dreg:$0x6];
	[sflag:s0] =	ssyncadd.s32 $0xFFFFC000  }
0x33: {  	[hbm4b:s22+s2] =	stream.linear.scatter [tilespmem:s29], [sflag:$0x5], $0x4000, $0x38;
	[tilespmem:$0x1C400] =	vst v63  }
0x34: {  	_ = 	snop  }
0x35: {  	[tilespmem:s30], [sflag:$0x7] =	stream.linear.gather [spmem:s7], $0x4000, $0x38;
	[tilespmem:$0x1C400] =	vst v63  }
0x36: {  	_ =	swait.ge [sflag:s0], $0x4000  }
0x37: {  	[sflag:s0] =	ssyncset.done $0x0  }
0x38: {  	s24 =	rddreg [dreg:$0x7];
	[sflag:s0] =	ssyncadd.s32 $0xFFFFC000  }
0x39: {  	[hbm4b:s24+s2] =	stream.linear.scatter [tilespmem:s30], [sflag:$0x6], $0x4000, $0x38;
	[tilespmem:$0x1C400] =	vst v63  }
0x3a: {  	_ =	swait.ge [sflag:s31], $0x4000  }
0x3b: {  	[sflag:s31] =	ssyncset.done $0x0  }
0x3c: {  	[sflag:s31] =	ssyncadd.s32 $0xFFFFC000  }
0x3d: {  	[tilespmem:s29], [sflag:$0x7] =	stream.linear.gather [spmem:s8], $0x4000, $0x38;
	[tilespmem:$0x1C400] =	vst v63  }
0x3e: {  	_ =	swait.ge [sflag:s0], $0x4000  }
0x3f: {  	[sflag:s0] =	ssyncset.done $0x0  }
0x40: {  	s22 =	smov.u32 s8;
	s8 =	rddreg [dreg:$0x8];
	[sflag:s0] =	ssyncadd.s32 $0xFFFFC000  }
0x41: {  	[hbm4b:s8+s2] =	stream.linear.scatter [tilespmem:s29], [sflag:$0x5], $0x4000, $0x38;
	[tilespmem:$0x1C400] =	vst v63  }
0x42: {  	_ =	swait.ge [sflag:s3], $0x4000  }
0x43: {  	[sflag:s3] =	ssyncset.done $0x0  }
0x44: {  	[sflag:s3] =	ssyncadd.s32 $0xFFFFC000  }
0x45: {  	[tilespmem:s30], [sflag:$0x7] =	stream.linear.gather [spmem:s9], $0x4000, $0x38;
	[tilespmem:$0x1C400] =	vst v63  }
0x46: {  	_ =	swait.ge [sflag:s0], $0x4000  }
0x47: {  	[sflag:s0] =	ssyncset.done $0x0  }
0x48: {  	s24 =	smov.u32 s9;
	s9 =	rddreg [dreg:$0x9];
	[sflag:s0] =	ssyncadd.s32 $0xFFFFC000  }
0x49: {  	[hbm4b:s9+s2] =	stream.linear.scatter [tilespmem:s30], [sflag:$0x6], $0x4000, $0x38;
	[tilespmem:$0x1C400] =	vst v63  }
0x4a: {  	_ =	swait.ge [sflag:s31], $0x4000  }
0x4b: {  	[sflag:s31] =	ssyncset.done $0x0  }
0x4c: {  	[sflag:s31] =	ssyncadd.s32 $0xFFFFC000  }
0x4d: {  	[tilespmem:s29], [sflag:$0x7] =	stream.linear.gather [spmem:s6], $0x4000, $0x38;
	[tilespmem:$0x1C400] =	vst v63  }
0x4e: {  	_ =	swait.ge [sflag:s0], $0x4000  }
0x4f: {  	[sflag:s0] =	ssyncset.done $0x0  }
0x50: {  	s25 =	smov.u32 s7;
	s7 =	rddreg [dreg:$0xa];
	[sflag:s0] =	ssyncadd.s32 $0xFFFFC000  }
0x51: {  	[hbm4b:s7+s2] =	stream.linear.scatter [tilespmem:s29], [sflag:$0x5], $0x4000, $0x38;
	[tilespmem:$0x1C400] =	vst v63  }
0x52: {  	_ =	swait.ge [sflag:s3], $0x4000  }
0x53: {  	[sflag:s3] =	ssyncset.done $0x0  }
0x54: {  	[sflag:s3] =	ssyncadd.s32 $0xFFFFC000  }
0x55: {  	_ =	swait.ge [sflag:s31], $0x4000  }
0x56: {  	s21 =	sadd.s32 $0x1, s21;
	s9 =	rddreg [dreg:$0x11]  }
0x57: {  	p0 =	sne.s32 s21, s9  }
.Ltmp1:
0x58: {  	_ = 	snop;
	(pc) =	sbr.rel @!p0 .LBB2_5-.Ltmp1, $3  }
0x59: {  	_ =	sdelay $0x1  }
0x5a: {  	[sflag:s31] =	ssyncset.done $0x0  }
0x5b: {  	s8 =	smov.u32 s6;
	[sflag:s31] =	ssyncadd.s32 $0xFFFFC000  }
.LBB2_1:
0x5c: {  	s6 =	rddreg [dreg:$0xd]  }
0x5d: {  	[tilespmem:s29], [sflag:$0x5] =	stream.linear.gather [hbm4b:s6+s2], $0x4000, $0x38;
	[tilespmem:$0x1C400] =	vst v63  }
0x5e: {  	s9 =	rddreg [dreg:$0xe]  }
0x5f: {  	[tilespmem:s30], [sflag:$0x6] =	stream.linear.gather [hbm4b:s9+s2], $0x4000, $0x38;
	[tilespmem:$0x1C400] =	vst v63  }
0x60: {  	_ =	swait.ge [sflag:s31], $0x4000  }
0x61: {  	[sflag:s31] =	ssyncset.done $0x0  }
0x62: {  	[sflag:s31] =	ssyncadd.s32 $0xFFFFC000  }
0x63: {  	[spmem:s5] =	stream.linear.scatter [tilespmem:s29], [sflag:$0x7], $0x4000, $0x38;
	[tilespmem:$0x1C400] =	vst v63  }
0x64: {  	_ =	swait.ge [sflag:s0], $0x4000  }
0x65: {  	[sflag:s0] =	ssyncset.done $0x0  }
0x66: {  	s7 =	rddreg [dreg:$0xf];
	[sflag:s0] =	ssyncadd.s32 $0xFFFFC000  }
0x67: {  	[tilespmem:s29], [sflag:$0x5] =	stream.linear.gather [hbm4b:s7+s2], $0x4000, $0x38;
	[tilespmem:$0x1C400] =	vst v63  }
0x68: {  	_ =	swait.ge [sflag:s3], $0x4000  }
0x69: {  	[sflag:s3] =	ssyncset.done $0x0  }
0x6a: {  	[sflag:s3] =	ssyncadd.s32 $0xFFFFC000  }
0x6b: {  	[spmem:s25] =	stream.linear.scatter [tilespmem:s30], [sflag:$0x7], $0x4000, $0x38;
	[tilespmem:$0x1C400] =	vst v63  }
0x6c: {  	_ =	swait.ge [sflag:s0], $0x4000  }
0x6d: {  	[sflag:s0] =	ssyncset.done $0x0  }
0x6e: {  	s9 =	rddreg [dreg:$0x12];
	[sflag:s0] =	ssyncadd.s32 $0xFFFFC000  }
0x6f: {  	[tilespmem:s30], [sflag:$0x6] =	stream.linear.gather [hbm4b:s9+s2], $0x4000, $0x38;
	[tilespmem:$0x1C400] =	vst v63  }
0x70: {  	_ =	swait.ge [sflag:s31], $0x4000  }
0x71: {  	[sflag:s31] =	ssyncset.done $0x0  }
0x72: {  	[sflag:s31] =	ssyncadd.s32 $0xFFFFC000  }
0x73: {  	[spmem:s22] =	stream.linear.scatter [tilespmem:s29], [sflag:$0x7], $0x4000, $0x38;
	[tilespmem:$0x1C400] =	vst v63  }
0x74: {  	_ =	swait.ge [sflag:s0], $0x4000  }
0x75: {  	s7 =	smov.u32 s25;
	s25 =	smov.u32 s8;
	[sflag:s0] =	ssyncset.done $0x0  }
0x76: {  	s8 =	smov.u32 s22;
	s22 =	rddreg [dreg:$0x13];
	[sflag:s0] =	ssyncadd.s32 $0xFFFFC000  }
0x77: {  	[tilespmem:s29], [sflag:$0x5] =	stream.linear.gather [hbm4b:s22+s2], $0x4000, $0x38;
	[tilespmem:$0x1C400] =	vst v63  }
0x78: {  	_ =	swait.ge [sflag:s3], $0x4000  }
0x79: {  	[sflag:s3] =	ssyncset.done $0x0  }
0x7a: {  	[sflag:s3] =	ssyncadd.s32 $0xFFFFC000  }
0x7b: {  	[spmem:s24] =	stream.linear.scatter [tilespmem:s30], [sflag:$0x7], $0x4000, $0x38;
	[tilespmem:$0x1C400] =	vst v63  }
0x7c: {  	_ =	swait.ge [sflag:s0], $0x4000  }
0x7d: {  	[sflag:s0] =	ssyncset.done $0x0  }
0x7e: {  	[sflag:s0] =	ssyncadd.s32 $0xFFFFC000  }
0x7f: {  	_ =	swait.ge [sflag:s31], $0x4000  }
0x80: {  	[sflag:s31] =	ssyncset.done $0x0  }
0x81: {  	[sflag:s31] =	ssyncadd.s32 $0xFFFFC000  }
0x82: {  	[spmem:s25] =	stream.linear.scatter [tilespmem:s29], [sflag:$0x7], $0x4000, $0x38;
	[tilespmem:$0x1C400] =	vst v63  }
0x83: {  	_ =	swait.ge [sflag:s0], $0x4000  }
0x84: {  	[sflag:s0] =	ssyncset.done $0x0  }
0x85: {  	[sflag:s0] =	ssyncadd.s32 $0xFFFFC000  }
0x86: {  	[bflag:$0x0] =	sbarrier.arrive $0xFFFF  }
0x87: {  	s6 =	smov.u32 s25;
	s25 =	rddreg [dreg:$0x5]  }
0x88: {  	[tilespmem:s2], [sflag:$0x1] =	stream.linear.gather [hbm4b:s25+s2], $0x100, $0x38;
	[tilespmem:$0x1C400] =	vst v63  }
0x89: {  	s22 =	rddreg [dreg:$0xb]  }
0x8a: {  	[tilespmem:s11], [sflag:$0x2] =	stream.linear.gather [hbm4b:s22+s2], $0x100, $0x38;
	[tilespmem:$0x1C400] =	vst v63  }
0x8b: {  	s9 =	smov.u32 s24;
	s24 =	rddreg [dreg:$0xc]  }
0x8c: {  	[tilespmem:s12], [sflag:$0x3] =	stream.linear.gather [hbm4b:s24+s2], $0x100, $0x38;
	[tilespmem:$0x1C400] =	vst v63  }
0x8d: {  	s25 =	rddreg [dreg:$0x10]  }
0x8e: {  	[tilespmem:s13], [sflag:$0x4] =	stream.linear.gather [hbm4b:s25+s2], $0x100, $0x38;
	[tilespmem:$0x1C400] =	vst v63  }
0x8f: {  	_ =	swait.ge [sflag:s14], $0x100  }
0x90: {  	[sflag:s14] =	ssyncset.done $0x0  }
0x91: {  	[sflag:s14] =	ssyncadd.s32 $0xFFFFFF00  }
0x92: {  	[tilespmem:s29], [sflag:$0x5] =	stream.indirect.gather [hbm4b:s4+s15], $0x80, s2, s15, $0xb8;
	[tilespmem:$0x1C400] =	vst v63  }
0x93: {  	_ =	swait.ge [sflag:s16], $0x100  }
0x94: {  	[sflag:s16] =	ssyncset.done $0x0  }
0x95: {  	s22 =	simm.s32 $0x0;
	[sflag:s16] =	ssyncadd.s32 $0xFFFFFF00  }
0x96: {  	[tilespmem:s30], [sflag:$0x6] =	stream.indirect.gather [hbm4b:s4+s15], $0x80, s11, s15, $0xb8;
	[tilespmem:$0x1C400] =	vst v63  }
.LBB2_2:
0x97: {  	_ =	swait.ge [sflag:s31], $0x4000  }
0x98: {  	[sflag:s31] =	ssyncset.done $0x0  }
0x99: {  	[sflag:s31] =	ssyncadd.s32 $0xFFFFC000  }
0x9a: {  	[spmem:s1] =	stream.indirect.scatter.add.f32 [tilespmem:s29], [sflag:$0x7], $0x80, s15, s15, $0xb8;
	[tilespmem:$0x1C400] =	vst v63  }
0x9b: {  	_ =	swait.ge [sflag:s0], $0x4000  }
0x9c: {  	p0 =	seq.s32 s22, $0x980;
	[sflag:s0] =	ssyncset.done $0x0  }
0x9d: {  	s24 =	sadd.s32 @!p0 s22, s28;
	s25 =	simm.s32 @!p0 $0x0;
	[sflag:s0] =	ssyncadd.s32 $0xFFFFC000  }
0x9e: {  	[tilespmem:s25], [sflag:$0x1] =	stream.linear.gather @!p0 [hbm4b:s24+s25], $0x100, $0x38;
	[tilespmem:$0x1C400] =	vst v63  }
0x9f: {  	_ =	swait.ge [sflag:s17], $0x100  }
0xa0: {  	[sflag:s17] =	ssyncset.done $0x0  }
0xa1: {  	[sflag:s17] =	ssyncadd.s32 $0xFFFFFF00  }
0xa2: {  	[tilespmem:s29], [sflag:$0x5] =	stream.indirect.gather [hbm4b:s4+s15], $0x80, s12, s15, $0xb8;
	[tilespmem:$0x1C400] =	vst v63  }
0xa3: {  	_ =	swait.ge [sflag:s3], $0x4000  }
0xa4: {  	[sflag:s3] =	ssyncset.done $0x0  }
0xa5: {  	[sflag:s3] =	ssyncadd.s32 $0xFFFFC000  }
0xa6: {  	[spmem:s1] =	stream.indirect.scatter.add.f32 [tilespmem:s30], [sflag:$0x7], $0x80, s10, s15, $0xb8;
	[tilespmem:$0x1C400] =	vst v63  }
0xa7: {  	_ =	swait.ge [sflag:s0], $0x4000  }
0xa8: {  	s24 =	sadd.s32 @!p0 s22, s23;
	[sflag:s0] =	ssyncset.done $0x0  }
0xa9: {  	s5 =	simm.s32 @!p0 $0x100;
	s24 =	sadd.s32 @!p0 $0xA0, s24;
	[sflag:s0] =	ssyncadd.s32 $0xFFFFC000  }
0xaa: {  	[tilespmem:s5], [sflag:$0x2] =	stream.linear.gather @!p0 [hbm4b:s24+s25], $0x100, $0x38;
	[tilespmem:$0x1C400] =	vst v63  }
0xab: {  	_ =	swait.ge [sflag:s18], $0x100  }
0xac: {  	[sflag:s18] =	ssyncset.done $0x0  }
0xad: {  	[sflag:s18] =	ssyncadd.s32 $0xFFFFFF00  }
0xae: {  	[tilespmem:s30], [sflag:$0x6] =	stream.indirect.gather [hbm4b:s4+s15], $0x80, s13, s15, $0xb8;
	[tilespmem:$0x1C400] =	vst v63  }
0xaf: {  	_ =	swait.ge [sflag:s31], $0x4000  }
0xb0: {  	[sflag:s31] =	ssyncset.done $0x0  }
.Ltmp2:
0xb1: {  	[sflag:s31] =	ssyncadd.s32 $0xFFFFC000;
	(pc) =	sbr.rel @p0 .LBB2_4-.Ltmp2, $4  }
0xb2: {  	[spmem:s1] =	stream.indirect.scatter.add.f32 [tilespmem:s29], [sflag:$0x7], $0x80, s19, s15, $0xb8;
	[tilespmem:$0x1C400] =	vst v63  }
0xb3: {  	_ =	swait.ge [sflag:s0], $0x4000  }
0xb4: {  	[sflag:s0] =	ssyncset.done $0x0  }
0xb5: {  	[sflag:s0] =	ssyncadd.s32 $0xFFFFC000  }
0xb6: {  	s5 =	sadd.s32 s22, s26  }
0xb7: {  	[tilespmem:s12], [sflag:$0x3] =	stream.linear.gather [hbm4b:s5+s2], $0x100, $0x38;
	[tilespmem:$0x1C400] =	vst v63  }
0xb8: {  	_ =	swait.ge [sflag:s14], $0x100  }
0xb9: {  	[sflag:s14] =	ssyncset.done $0x0  }
0xba: {  	[sflag:s14] =	ssyncadd.s32 $0xFFFFFF00  }
0xbb: {  	[tilespmem:s29], [sflag:$0x5] =	stream.indirect.gather [hbm4b:s4+s15], $0x80, s2, s15, $0xb8;
	[tilespmem:$0x1C400] =	vst v63  }
0xbc: {  	_ =	swait.ge [sflag:s3], $0x4000  }
0xbd: {  	[sflag:s3] =	ssyncset.done $0x0  }
0xbe: {  	[sflag:s3] =	ssyncadd.s32 $0xFFFFC000  }
0xbf: {  	[spmem:s1] =	stream.indirect.scatter.add.f32 [tilespmem:s30], [sflag:$0x7], $0x80, s20, s15, $0xb8;
	[tilespmem:$0x1C400] =	vst v63  }
0xc0: {  	_ =	swait.ge [sflag:s0], $0x4000  }
0xc1: {  	s25 =	sadd.s32 s22, s23;
	[sflag:s0] =	ssyncset.done $0x0  }
0xc2: {  	s5 =	sadd.s32 $0xE0, s25;
	[sflag:s0] =	ssyncadd.s32 $0xFFFFC000  }
0xc3: {  	[tilespmem:s13], [sflag:$0x4] =	stream.linear.gather [hbm4b:s5+s2], $0x100, $0x38;
	[tilespmem:$0x1C400] =	vst v63  }
.Ltmp3:
0xc4: {  	_ = 	snop;
	(pc) =	sbr.rel .LBB2_2-.Ltmp3, $4  }
0xc5: {  	_ =	swait.ge [sflag:s16], $0x100  }
0xc6: {  	[sflag:s16] =	ssyncset.done $0x0  }
0xc7: {  	s22 =	sadd.s32 $0x80, s22;
	[sflag:s16] =	ssyncadd.s32 $0xFFFFFF00  }
0xc8: {  	[tilespmem:s30], [sflag:$0x6] =	stream.indirect.gather [hbm4b:s4+s15], $0x80, s11, s15, $0xb8;
	[tilespmem:$0x1C400] =	vst v63  }
.LBB2_5:
0xc9: {  	_ =	sfence.sel $0x180000  }
0xca: {  	[bflag:$0x0] =	sbarrier.arrive $0xFFFF  }
0xcb: {  	_ =	strace $0x9000004A  }
0xcc: {  	s0 =	stileid.u32;
	[bflag:$0x2] =	sbarrier.arrive $0xFFFF  }
0xcd: {  	p0 =	sne.s32 s0, $0x0;
	s0 =	rddreg [dreg:$0x3]  }
0xce: {  	s0 =	sadd.s32 @!p0 $0x100000, s0  }
0xcf: {  	[sflag:s0] =	ssyncadd.tile.s32 @!p0 $0x1;
	_ =	shalt  }
.Lfunc_end2:
_tile_overlayer_lowered:
.L_overlay_start_2:
0xd0: {  	(tag) =	ssettag $0x2  }
0xd1: {  	s0 =	rddreg [dreg:$0x0];
	s2 =	stileid.u32  }
0xd2: {  	s1 =	rddreg [dreg:$0x1];
	p0 =	sne.s32 s2, $0x0  }
0xd3: {  	s3 =	rddreg [dreg:$0x2];
	[bflag:$0x3] =	sbarrier.arrive $0xFFFF;
	s2 =	simm.s32 @!p0 $0x1C07  }
0xd4: {  	[timem:s3], [sflag:s2] =	dma.local @!p0 [hbm:s0], s1  }
0xd5: {  	s0 =	simm.s32 @!p0 $0x7  }
0xd6: {  	_ =	swait.ge @!p0 [sflag:s0], s1  }
0xd7: {  	s1 =	ssub.s32 @!p0 $0x0, s1;
	[sflag:s0] =	ssyncset.done @!p0 $0x0  }
0xd8: {  	[sflag:s0] =	ssyncadd.s32 @!p0 s1  }
0xd9: {  	[bflag:$0x3] =	sbarrier.arrive $0xFFFF  }
0xda: {  	_ =	shalt  }

// kernel: kernel.16.cloned.1.call-start
scs
__scs_entry_jumppad:
0x0: {  	(pc) =	sbr.rel $0x88, $3  }
0x1: {  	(tag) =	ssettag $0x0;
	lr =	simm.s32 $0x1  }
0x2: {  	[smem:$0x3F95] =	sst lr;
	_ =	strace $0xD0000000  }
0x3: {  	_ = 	snop  }
0x4: {  	_ = 	snop  }
0x5: {  	_ = 	snop  }
0x6: {  	_ = 	snop  }
0x7: {  	_ = 	snop  }
__scs_overlays_trampoline_lowered:
0x8: {  	[smem:$0x3FA4] =	sst s0  }
0x9: {  	[smem:$0x3FA5] =	sst s1  }
0xa: {  	[smem:$0x3FA6] =	sst s2  }
0xb: {  	[smem:$0x3FA7] =	sst s3  }
0xc: {  	[smem:$0x3FA8] =	sst s4  }
0xd: {  	[smem:$0x3FA9] =	sst s5  }
0xe: {  	[smem:$0x3FAA] =	sst s6  }
0xf: {  	[smem:$0x3FAB] =	sst s7  }
0x10: {  	[smem:$0x3FAC] =	sst s8  }
0x11: {  	[smem:$0x3FAD] =	sst s9;
	s0 =	simm.s32 @!p0 $0x0  }
0x12: {  	s1 =	sld [smem:$0x3F93];
	s0 =	simm.s32 @p0 $0x1  }
0x13: {  	[smem:$0x3FAE] =	sst s0;
	s0 =	simm.s32 @!p1 $0x0  }
0x14: {  	s2 =	sld [smem:$0x3F92];
	s0 =	simm.s32 @p1 $0x1  }
0x15: {  	[smem:$0x3FAF] =	sst s0;
	s0 =	simm.s32 @!p2 $0x0  }
0x16: {  	s3 =	sld [smem:$0x3FDB];
	s0 =	simm.s32 @p2 $0x1  }
0x17: {  	s4 =	simm.s32 $0x1BF5;
	[smem:$0x3FB1] =	sst s0  }
0x18: {  	s0 =	sld [smem:$0x3F94];
	_ =	swait.ge [sflag:s4], $0x0  }
0x19: {  	s7 =	sld [smem:$0x3F95]  }
0x1a: {  	s8 =	sadd.s32 $0xFFFFE003, lr  }
0x1b: {  	s9 =	sadd.s32 $0xFFFFFEF7, lr;
	s5 =	simm.s32 $0xFFFFFFFF;
	p2 =	slt.u32 s8, $0xFFFFF086  }
0x1c: {  	p1 =	slt.u32 s9, $0xF7A;
	s5 =	simm.s32 @!p2 $0x0  }
0x1d: {  	s5 =	simm.s32 @p1 $0x1;
	p0 =	seq.s32 s7, s2  }
0x1e: {  	s7 =	smul.u32 @!p0 $0xF7A, s2;
	p2 =	seq.s32 @!p0 s5, $0x0  }
0x1f: {  	s9 =	smul.u32 $0xF7A, s1;
	s8 =	simm.s32 @!p0 $0x1BF5;
	p2 =	por !p2, p0  }
0x20: {  	[sflag:s8] =	ssyncset.s32 @!p0 $0xFFFFF086;
	s6 =	sadd.s32 @!p0 s3, s7;
	s7 =	simm.s32 @!p0 $0x108  }
0x21: {  	s3 =	sadd.s32 s3, s9;
	s6 =	sadd.s32 @!p0 $0x88, s6;
	s7 =	simm.s32 @p2 $0x1082  }
0x22: {  	[simem:s7], [sflag:s8] =	dma.local @!p0 [hbm:s6], $0xF7A  }
0x23: {  	s9 =	sor.u32 $0xD0000000, s2;
	s6 =	simm.s32 $0x108;
	_ =	swait.ge @!p0 [sflag:s8], $0x0  }
0x24: {  	s3 =	sadd.s32 $0x88, s3;
	s6 =	simm.s32 @!p1 $0x1082;
	[sflag:s4] =	ssyncset.s32 $0xFFFFF086  }
0x25: {  	[simem:s6], [sflag:s4] =	dma.local [hbm:s3], $0xF7A  }
0x26: {  	[smem:$0x3F95] =	sst s1;
	(tag) =	ssettag s2;
	_ =	strace s9  }
0x27: {  	s1 =	sld [smem:$0x3FA5]  }
0x28: {  	s2 =	sld [smem:$0x3FA6]  }
0x29: {  	s4 =	sld [smem:$0x3FA8]  }
0x2a: {  	p0 =	seq.s32 s5, $0x0;
	s5 =	sld [smem:$0x3FA9]  }
0x2b: {  	s6 =	sld [smem:$0x3FAA]  }
0x2c: {  	s7 =	sld [smem:$0x3FAB]  }
0x2d: {  	s3 =	simm.s32 $0x108;
	s8 =	sld [smem:$0x3FAC]  }
0x2e: {  	s3 =	simm.s32 @!p0 $0x1082;
	s9 =	sld [smem:$0x3FAD]  }
0x2f: {  	lr =	sadd.s32 s0, s3;
	s0 =	sld [smem:$0x3FA4]  }
0x30: {  	s3 =	sld [smem:$0x3FA7]  }
0x31: {  	[smem:$0x3FB0] =	sst s10  }
0x32: {  	s10 =	sld [smem:$0x3FAE];
	_ =	sdelay $0x3  }
0x33: {  	p0 =	seq.s32 s10, $0x1;
	s10 =	sld [smem:$0x3FB0];
	_ =	sdelay $0x3  }
0x34: {  	[smem:$0x3FB0] =	sst s10  }
0x35: {  	s10 =	sld [smem:$0x3FAF];
	_ =	sdelay $0x3  }
0x36: {  	p1 =	seq.s32 s10, $0x1;
	s10 =	sld [smem:$0x3FB0];
	_ =	sdelay $0x3  }
0x37: {  	[smem:$0x3FB0] =	sst s10  }
0x38: {  	s10 =	sld [smem:$0x3FB1]  }
0x39: {  	_ = 	snop;
	(pc) =	sbr.ind lr, $3  }
0x3a: {  	_ = 	snop  }
0x3b: {  	_ = 	snop  }
0x3c: {  	p2 =	seq.s32 s10, $0x1;
	s10 =	sld [smem:$0x3FB0]  }
0x3d: {  	_ =	shalt  }
0x3e: {  	_ =	shalt  }
0x3f: {  	_ =	shalt  }
0x40: {  	_ =	shalt  }
0x41: {  	_ =	shalt  }
0x42: {  	_ =	shalt  }
0x43: {  	_ =	shalt  }
0x44: {  	_ =	shalt  }
0x45: {  	_ =	shalt  }
0x46: {  	_ =	shalt  }
0x47: {  	_ =	shalt  }
0x48: {  	_ =	shalt  }
0x49: {  	_ =	shalt  }
0x4a: {  	_ =	shalt  }
0x4b: {  	_ =	shalt  }
0x4c: {  	_ =	shalt  }
0x4d: {  	_ =	shalt  }
0x4e: {  	_ =	shalt  }
0x4f: {  	_ =	shalt  }
0x50: {  	_ =	shalt  }
0x51: {  	_ =	shalt  }
0x52: {  	_ =	shalt  }
0x53: {  	_ =	shalt  }
0x54: {  	_ =	shalt  }
0x55: {  	_ =	shalt  }
0x56: {  	_ =	shalt  }
0x57: {  	_ =	shalt  }
0x58: {  	_ =	shalt  }
0x59: {  	_ =	shalt  }
0x5a: {  	_ =	shalt  }
0x5b: {  	_ =	shalt  }
0x5c: {  	_ =	shalt  }
0x5d: {  	_ =	shalt  }
0x5e: {  	_ =	shalt  }
0x5f: {  	_ =	shalt  }
0x60: {  	_ =	shalt  }
0x61: {  	_ =	shalt  }
0x62: {  	_ =	shalt  }
0x63: {  	_ =	shalt  }
0x64: {  	_ =	shalt  }
0x65: {  	_ =	shalt  }
0x66: {  	_ =	shalt  }
0x67: {  	_ =	shalt  }
0x68: {  	_ =	shalt  }
0x69: {  	_ =	shalt  }
0x6a: {  	_ =	shalt  }
0x6b: {  	_ =	shalt  }
0x6c: {  	_ =	shalt  }
0x6d: {  	_ =	shalt  }
0x6e: {  	_ =	shalt  }
0x6f: {  	_ =	shalt  }
0x70: {  	_ =	shalt  }
0x71: {  	_ =	shalt  }
0x72: {  	_ =	shalt  }
0x73: {  	_ =	shalt  }
0x74: {  	_ =	shalt  }
0x75: {  	_ =	shalt  }
0x76: {  	_ =	shalt  }
0x77: {  	_ =	shalt  }
0x78: {  	_ =	shalt  }
0x79: {  	_ =	shalt  }
0x7a: {  	_ =	shalt  }
0x7b: {  	_ =	shalt  }
0x7c: {  	_ =	shalt  }
0x7d: {  	_ =	shalt  }
0x7e: {  	_ =	shalt  }
0x7f: {  	_ =	shalt  }
0x80: {  	_ =	shalt  }
0x81: {  	_ =	shalt  }
0x82: {  	_ =	shalt  }
0x83: {  	_ =	shalt  }
0x84: {  	_ =	shalt  }
0x85: {  	_ =	shalt  }
0x86: {  	_ =	shalt  }
0x87: {  	_ =	shalt  }
.Lfunc_end0:
.L_simem_size_0:
called_computation.2_lowered:
.L_overlay_start_0:
0x88: {  	s2 =	sld [smem:$0x3FD9]  }
0x89: {  	s3 =	sld [smem:$0x3FFE];
	_ =	sdelay $0x1  }
0x8a: {  	s1 =	srdreg.scid  }
0x8b: {  	s0 =	sand.u32 $0x1, s1  }
0x8c: {  	s17 =	sshll.u32 s0, $0xA;
	s2 =	sadd.s32 s3, s2  }
0x8d: {  	s2 =	sadd.s32 s2, s17  }
0x8e: {  	[smem:$0x3FBC] =	sst s2  }
0x8f: {  	_ = 	snop  }
0x90: {  	s2 =	sld [smem:$0x3FD0];
	(tm) =	ssettm $0x1  }
0x91: {  	s18 =	sld [smem:$0x3FFB];
	_ =	sdelay $0x3  }
0x92: {  	_ =	strace s18  }
0x93: {  	s3 =	sld [smem:$0x3FFC];
	_ =	sdelay $0x3  }
0x94: {  	_ =	strace s3  }
0x95: {  	s3 =	sld [smem:$0x3FFD];
	_ =	sdelay $0x3  }
0x96: {  	_ =	strace s3  }
0x97: {  	_ =	strace $0x8FFFFFFF  }
0x98: {  	s19 =	sld [smem:$0x3FDB];
	_ =	sdelay $0x1  }
0x99: {  	s4 =	simm.s32 $_scs_section_size  }
0x9a: {  	s5 =	simm.s32 $_size__tile_overlayer_lowered;
	s6 =	simm.s32 $_tile_overlayer_lowered  }
0x9b: {  	s22 =	simm.s32 $0x1BFF;
	s21 =	sshll.u32 s6, $0x1;
	s3 =	sadd.s32 s4, s19  }
0x9c: {  	s7 =	simm.s32 $0x0;
	s20 =	sshll.u32 s5, $0x1;
	s5 =	sadd.s32 s21, s3  }
0x9d: {  	[timem:s7], [sflag:s22] =	dma.local [hbm:s5], s20  }
0x9e: {  	_ =	swait.ge [sflag:s22], s20  }
0x9f: {  	s4 =	ssub.s32 $0x0, s20;
	[sflag:s22] =	ssyncset.done $0x0  }
0xa0: {  	[sflag:s22] =	ssyncadd.s32 s4;
	_ =	sdelay $0x1  }
0xa1: {  	s23 =	simm.s32 $0x1B8B  }
0xa2: {  	_ =	swait.ge [sflag:s23], $0x1  }
0xa3: {  	[sflag:s23] =	ssyncset.done $0x0  }
0xa4: {  	s25 =	simm.s32 $0x1B8E;
	s24 =	sld [smem:$0x3FFE];
	[sflag:s23] =	ssyncadd.s32 $0xFFFFFFFF  }
0xa5: {  	s26 =	simm.s32 $execute0_lowered;
	[smem:$0x3FD2] =	sst s25  }
0xa6: {  	s5 =	sshll.u32 s26, $0x1;
	_ =	strace $0x8000004C;
	[dreg:$0x1] =	wrdreg $0xFFFFFFFF  }
0xa7: {  	s28 =	simm.s32 $_size_execute0_lowered;
	s3 =	sadd.s32 s3, s5;
	[dreg:$0x0] =	wrdreg $0x0  }
0xa8: {  	s5 =	sshll.u32 s28, $0x1;
	[dreg:$0x2] =	wrdreg s3  }
0xa9: {  	[dreg:$0x3] =	wrdreg s5  }
0xaa: {  	[dreg:$0x4] =	wrdreg $0xC0  }
0xab: {  	_ =	task [dreg:s7], $0x5FFFF  }
0xac: {  	[dreg:$0x1] =	wrdreg $0xFFFFFFFF  }
0xad: {  	[dreg:$0x0] =	wrdreg $0x60  }
0xae: {  	[dreg:$0x2] =	wrdreg s24  }
0xaf: {  	[dreg:$0x3] =	wrdreg s2  }
0xb0: {  	[dreg:$0x4] =	wrdreg $0x84000  }
0xb1: {  	[dreg:$0x5] =	wrdreg $0x9  }
0xb2: {  	_ =	task.clear_ibuf [dreg:s7], $0x6FFFF;
	_ =	strace $0x9000004C  }
0xb3: {  	s29 =	simm.s32 $0x9;
	_ =	strace $0x8000004E  }
0xb4: {  	_ =	swait.ge [sflag:s29], $0x1  }
0xb5: {  	[sflag:s29] =	ssyncadd.s32 $0xFFFFFFFF  }
0xb6: {  	_ =	strace $0x9000004E  }
0xb7: {  	_ =	sfence  }
0xb8: {  	s30 =	sld [smem:$0x0];
	_ =	sdelay $0x2  }
0xb9: {  	s31 =	sshll.u32 s1, $0xD;
	s1 =	sshrl.u32 s1, $0x2  }
0xba: {  	s3 =	sand.u32 $0x4000, s31;
	s1 =	sadd.s32 s1, s30  }
0xbb: {  	s0 =	sor.u32 s3, s0;
	s1 =	sshll.u32 s1, $0x11  }
0xbc: {  	s0 =	sor.u32 s1, s0  }
0xbd: {  	s0 =	sadd.s32 $0x8F2B, s0  }
0xbe: {  	[sflag:s0] =	ssyncadd.remote.s32 $0x1  }
0xbf: {  	_ =	sfence.sel $0xFFFF  }
0xc0: {  	[dreg:$0x0] =	wrdreg $0xFFFFFFFF;
	(pc) =	sbr.abs _section_cstart, $3  }
0xc1: {  	[dreg:$0x1] =	wrdreg $0xFFFFFFFF  }
0xc2: {  	_ =	task.clear_ibuf [dreg:s7], $0x2FFFF;
	_ =	strace $0x9FFFFFFF  }
0xc3: {  	(tm) =	ssettm $0x7FFFFFFF  }
tec
execute0_lowered:
.L_overlay_start_1:
0x0: {  	(tag) =	ssettag $0x1  }
0x1: {  	s3 =	rddreg [dreg:$0x0]  }
0x2: {  	s0 =	rddreg [dreg:$0x1]  }
0x3: {  	s1 =	rddreg [dreg:$0x2];
	s2 =	simm.s32 $0x0  }
0x4: {  	s5 =	srdreg.scid;
	s24 =	stileid.u32;
	s29 =	simm.s32 $0x400  }
0x5: {  	s30 =	simm.s32 $0x4400;
	s31 =	simm.s32 $0x5;
	[smem:$0x7FF] =	sst s2  }
0x6: {  	s4 =	sadd.s32 $0x3E00, s3;
	s10 =	sand.u32 $0x1, s5;
	s12 =	smul.u32 $0x14000, s24  }
0x7: {  	s11 =	sadd.s32 $0x2BE00, s3;
	s3 =	sadd.s32 $0x53E00, s3;
	s23 =	smul.u32 $0x50000, s24  }
0x8: {  	s14 =	smul.u32 $0x2800, s24;
	_ =	strace $0x8000004D;
	s5 =	ssub.s32 $0x2, s10  }
0x9: {  	s22 =	sshll.u32 s10, $0x4;
	p0 =	seq.s32 s10, $0x0;
	s6 =	sshrl.u32 s5, $0x1  }
0xa: {  	s8 =	sor.u32 s24, s22;
	s15 =	sadd.s32 $0x4000, s12;
	s25 =	sshrl.u32 s23, $0x2  }
0xb: {  	s16 =	sadd.s32 $0x8000, s12;
	s9 =	sshrl.u32 s12, $0x3;
	s11 =	smov.u32 @p0 s4  }
0xc: {  	s21 =	sadd.s32 $0xC000, s12;
	s22 =	sadd.s32 $0x10000, s12;
	s23 =	smul.u32 $0x140000, s10  }
0xd: {  	s10 =	smul.u32 $0x500, s10;
	s13 =	ssub.s32 s5, s6;
	s17 =	sshrl.u32 s15, $0x3  }
0xe: {  	s5 =	sadd.s32 s25, s1;
	s18 =	sshrl.u32 s16, $0x3;
	s25 =	sadd.s32 s15, s1  }
0xf: {  	s26 =	sadd.s32 s16, s1;
	s19 =	sadd.s32 s11, s9;
	s20 =	smul.u32 $0xA00, s8  }
0x10: {  	s7 =	sadd.s32 s21, s1;
	s8 =	sadd.s32 s22, s1;
	s12 =	sadd.s32 s12, s23  }
0x11: {  	s15 =	sadd.s32 s23, s15;
	s16 =	sadd.s32 s23, s16;
	[dreg:$0x4] =	wrdreg s5  }
0x12: {  	s9 =	sadd.s32 s0, s20;
	s12 =	sshrl.u32 s12, $0x3;
	s15 =	sshrl.u32 s15, $0x3  }
0x13: {  	s16 =	sshrl.u32 s16, $0x3;
	s20 =	sadd.s32 s23, s21;
	s21 =	sadd.s32 s23, s22  }
0x14: {  	s22 =	smov.u32 s26;
	s12 =	sadd.s32 s3, s12;
	[dreg:$0x5] =	wrdreg s9  }
0x15: {  	s23 =	smul.u32 $0x50, s24;
	s15 =	sadd.s32 s3, s15;
	[dreg:$0x6] =	wrdreg s12  }
0x16: {  	s24 =	smov.u32 s7;
	s16 =	sadd.s32 s3, s16;
	[dreg:$0x7] =	wrdreg s15  }
0x17: {  	s7 =	sadd.s32 $0x20, s9;
	[dreg:$0x8] =	wrdreg s16;
	s12 =	sshrl.u32 s20, $0x3  }
0x18: {  	s15 =	sshrl.u32 s21, $0x3;
	[dreg:$0xb] =	wrdreg s7;
	s16 =	sadd.s32 s11, s17  }
0x19: {  	s10 =	sadd.s32 s23, s10;
	s17 =	sadd.s32 s11, s18;
	[dreg:$0xe] =	wrdreg s16  }
0x1a: {  	s18 =	sadd.s32 $0x60, s9;
	s20 =	smax.u32 s13, $0x1;
	[dreg:$0xf] =	wrdreg s17  }
0x1b: {  	s21 =	sadd.s32 $0x1800, s19;
	s13 =	simm.s32 $0x300;
	[dreg:$0x10] =	wrdreg s18  }
0x1c: {  	s26 =	sadd.s32 s3, s12;
	s3 =	sadd.s32 s3, s15;
	[dreg:$0x11] =	wrdreg s20  }
0x1d: {  	s12 =	sadd.s32 $0x40, s9;
	s15 =	sadd.s32 s11, s14;
	[dreg:$0x12] =	wrdreg s21  }
0x1e: {  	s11 =	simm.s32 $0x100;
	s14 =	simm.s32 $0x1;
	[dreg:$0x9] =	wrdreg s26  }
0x1f: {  	s16 =	simm.s32 $0x2;
	s17 =	simm.s32 $0x3;
	[dreg:$0xa] =	wrdreg s3  }
0x20: {  	s18 =	simm.s32 $0x4;
	s20 =	simm.s32 $0x380;
	[dreg:$0xc] =	wrdreg s12  }
.Ltmp0:
0x21: {  	s21 =	simm.s32 $0x0;
	[dreg:$0xd] =	wrdreg s15;
	(pc) =	sbr.rel .LBB2_1-.Ltmp0, $4  }
0x22: {  	s3 =	sshll.u32 s10, $0x5;
	s26 =	sadd.s32 $0x2000, s19;
	s12 =	simm.s32 $0x200  }
0x23: {  	s15 =	simm.s32 $0x80;
	s10 =	simm.s32 $0x180;
	s19 =	simm.s32 $0x280  }
0x24: {  	s23 =	sadd.s32 s3, s0;
	[dreg:$0x13] =	wrdreg s26;
	s0 =	simm.s32 $0x7  }
0x25: {  	s3 =	simm.s32 $0x6;
	s26 =	sadd.s32 $0xC0, s23;
	s28 =	sadd.s32 $0x80, s23  }
.LBB2_4:
0x26: {  	_ =	swait.ge [sflag:s3], $0x4000  }
0x27: {  	[sflag:s3] =	ssyncset.done $0x0  }
0x28: {  	[sflag:s3] =	ssyncadd.s32 $0xFFFFC000  }
0x29: {  	[spmem:s1] =	stream.indirect.scatter.add.f32 [tilespmem:s30], [sflag:$0x7], $0x80, s20, s15, $0xb8;
	[tilespmem:$0x1C400] =	vst v63  }
0x2a: {  	_ =	swait.ge [sflag:s0], $0x4000  }
0x2b: {  	[sflag:s0] =	ssyncset.done $0x0  }
0x2c: {  	[sflag:s0] =	ssyncadd.s32 $0xFFFFC000  }
0x2d: {  	[bflag:$0x0] =	sbarrier.arrive $0xFFFF  }
0x2e: {  	s5 =	rddreg [dreg:$0x4]  }
0x2f: {  	[tilespmem:s29], [sflag:$0x7] =	stream.linear.gather [spmem:s5], $0x4000, $0x38;
	[tilespmem:$0x1C400] =	vst v63  }
0x30: {  	_ =	swait.ge [sflag:s0], $0x4000  }
0x31: {  	[sflag:s0] =	ssyncset.done $0x0  }
0x32: {  	s22 =	rddreg [dreg:$0x6];
	[sflag:s0] =	ssyncadd.s32 $0xFFFFC000  }
0x33: {  	[hbm4b:s22+s2] =	stream.linear.scatter [tilespmem:s29], [sflag:$0x5], $0x4000, $0x38;
	[tilespmem:$0x1C400] =	vst v63  }
0x34: {  	_ = 	snop  }
0x35: {  	[tilespmem:s30], [sflag:$0x7] =	stream.linear.gather [spmem:s7], $0x4000, $0x38;
	[tilespmem:$0x1C400] =	vst v63  }
0x36: {  	_ =	swait.ge [sflag:s0], $0x4000  }
0x37: {  	[sflag:s0] =	ssyncset.done $0x0  }
0x38: {  	s24 =	rddreg [dreg:$0x7];
	[sflag:s0] =	ssyncadd.s32 $0xFFFFC000  }
0x39: {  	[hbm4b:s24+s2] =	stream.linear.scatter [tilespmem:s30], [sflag:$0x6], $0x4000, $0x38;
	[tilespmem:$0x1C400] =	vst v63  }
0x3a: {  	_ =	swait.ge [sflag:s31], $0x4000  }
0x3b: {  	[sflag:s31] =	ssyncset.done $0x0  }
0x3c: {  	[sflag:s31] =	ssyncadd.s32 $0xFFFFC000  }
0x3d: {  	[tilespmem:s29], [sflag:$0x7] =	stream.linear.gather [spmem:s8], $0x4000, $0x38;
	[tilespmem:$0x1C400] =	vst v63  }
0x3e: {  	_ =	swait.ge [sflag:s0], $0x4000  }
0x3f: {  	[sflag:s0] =	ssyncset.done $0x0  }
0x40: {  	s22 =	smov.u32 s8;
	s8 =	rddreg [dreg:$0x8];
	[sflag:s0] =	ssyncadd.s32 $0xFFFFC000  }
0x41: {  	[hbm4b:s8+s2] =	stream.linear.scatter [tilespmem:s29], [sflag:$0x5], $0x4000, $0x38;
	[tilespmem:$0x1C400] =	vst v63  }
0x42: {  	_ =	swait.ge [sflag:s3], $0x4000  }
0x43: {  	[sflag:s3] =	ssyncset.done $0x0  }
0x44: {  	[sflag:s3] =	ssyncadd.s32 $0xFFFFC000  }
0x45: {  	[tilespmem:s30], [sflag:$0x7] =	stream.linear.gather [spmem:s9], $0x4000, $0x38;
	[tilespmem:$0x1C400] =	vst v63  }
0x46: {  	_ =	swait.ge [sflag:s0], $0x4000  }
0x47: {  	[sflag:s0] =	ssyncset.done $0x0  }
0x48: {  	s24 =	smov.u32 s9;
	s9 =	rddreg [dreg:$0x9];
	[sflag:s0] =	ssyncadd.s32 $0xFFFFC000  }
0x49: {  	[hbm4b:s9+s2] =	stream.linear.scatter [tilespmem:s30], [sflag:$0x6], $0x4000, $0x38;
	[tilespmem:$0x1C400] =	vst v63  }
0x4a: {  	_ =	swait.ge [sflag:s31], $0x4000  }
0x4b: {  	[sflag:s31] =	ssyncset.done $0x0  }
0x4c: {  	[sflag:s31] =	ssyncadd.s32 $0xFFFFC000  }
0x4d: {  	[tilespmem:s29], [sflag:$0x7] =	stream.linear.gather [spmem:s6], $0x4000, $0x38;
	[tilespmem:$0x1C400] =	vst v63  }
0x4e: {  	_ =	swait.ge [sflag:s0], $0x4000  }
0x4f: {  	[sflag:s0] =	ssyncset.done $0x0  }
0x50: {  	s25 =	smov.u32 s7;
	s7 =	rddreg [dreg:$0xa];
	[sflag:s0] =	ssyncadd.s32 $0xFFFFC000  }
0x51: {  	[hbm4b:s7+s2] =	stream.linear.scatter [tilespmem:s29], [sflag:$0x5], $0x4000, $0x38;
	[tilespmem:$0x1C400] =	vst v63  }
0x52: {  	_ =	swait.ge [sflag:s3], $0x4000  }
0x53: {  	[sflag:s3] =	ssyncset.done $0x0  }
0x54: {  	[sflag:s3] =	ssyncadd.s32 $0xFFFFC000  }
0x55: {  	_ =	swait.ge [sflag:s31], $0x4000  }
0x56: {  	s21 =	sadd.s32 $0x1, s21;
	s9 =	rddreg [dreg:$0x11]  }
0x57: {  	p0 =	sne.s32 s21, s9  }
.Ltmp1:
0x58: {  	_ = 	snop;
	(pc) =	sbr.rel @!p0 .LBB2_5-.Ltmp1, $3  }
0x59: {  	_ =	sdelay $0x1  }
0x5a: {  	[sflag:s31] =	ssyncset.done $0x0  }
0x5b: {  	s8 =	smov.u32 s6;
	[sflag:s31] =	ssyncadd.s32 $0xFFFFC000  }
.LBB2_1:
0x5c: {  	s6 =	rddreg [dreg:$0xd]  }
0x5d: {  	[tilespmem:s29], [sflag:$0x5] =	stream.linear.gather [hbm4b:s6+s2], $0x4000, $0x38;
	[tilespmem:$0x1C400] =	vst v63  }
0x5e: {  	s9 =	rddreg [dreg:$0xe]  }
0x5f: {  	[tilespmem:s30], [sflag:$0x6] =	stream.linear.gather [hbm4b:s9+s2], $0x4000, $0x38;
	[tilespmem:$0x1C400] =	vst v63  }
0x60: {  	_ =	swait.ge [sflag:s31], $0x4000  }
0x61: {  	[sflag:s31] =	ssyncset.done $0x0  }
0x62: {  	[sflag:s31] =	ssyncadd.s32 $0xFFFFC000  }
0x63: {  	[spmem:s5] =	stream.linear.scatter [tilespmem:s29], [sflag:$0x7], $0x4000, $0x38;
	[tilespmem:$0x1C400] =	vst v63  }
0x64: {  	_ =	swait.ge [sflag:s0], $0x4000  }
0x65: {  	[sflag:s0] =	ssyncset.done $0x0  }
0x66: {  	s7 =	rddreg [dreg:$0xf];
	[sflag:s0] =	ssyncadd.s32 $0xFFFFC000  }
0x67: {  	[tilespmem:s29], [sflag:$0x5] =	stream.linear.gather [hbm4b:s7+s2], $0x4000, $0x38;
	[tilespmem:$0x1C400] =	vst v63  }
0x68: {  	_ =	swait.ge [sflag:s3], $0x4000  }
0x69: {  	[sflag:s3] =	ssyncset.done $0x0  }
0x6a: {  	[sflag:s3] =	ssyncadd.s32 $0xFFFFC000  }
0x6b: {  	[spmem:s25] =	stream.linear.scatter [tilespmem:s30], [sflag:$0x7], $0x4000, $0x38;
	[tilespmem:$0x1C400] =	vst v63  }
0x6c: {  	_ =	swait.ge [sflag:s0], $0x4000  }
0x6d: {  	[sflag:s0] =	ssyncset.done $0x0  }
0x6e: {  	s9 =	rddreg [dreg:$0x12];
	[sflag:s0] =	ssyncadd.s32 $0xFFFFC000  }
0x6f: {  	[tilespmem:s30], [sflag:$0x6] =	stream.linear.gather [hbm4b:s9+s2], $0x4000, $0x38;
	[tilespmem:$0x1C400] =	vst v63  }
0x70: {  	_ =	swait.ge [sflag:s31], $0x4000  }
0x71: {  	[sflag:s31] =	ssyncset.done $0x0  }
0x72: {  	[sflag:s31] =	ssyncadd.s32 $0xFFFFC000  }
0x73: {  	[spmem:s22] =	stream.linear.scatter [tilespmem:s29], [sflag:$0x7], $0x4000, $0x38;
	[tilespmem:$0x1C400] =	vst v63  }
0x74: {  	_ =	swait.ge [sflag:s0], $0x4000  }
0x75: {  	s7 =	smov.u32 s25;
	s25 =	smov.u32 s8;
	[sflag:s0] =	ssyncset.done $0x0  }
0x76: {  	s8 =	smov.u32 s22;
	s22 =	rddreg [dreg:$0x13];
	[sflag:s0] =	ssyncadd.s32 $0xFFFFC000  }
0x77: {  	[tilespmem:s29], [sflag:$0x5] =	stream.linear.gather [hbm4b:s22+s2], $0x4000, $0x38;
	[tilespmem:$0x1C400] =	vst v63  }
0x78: {  	_ =	swait.ge [sflag:s3], $0x4000  }
0x79: {  	[sflag:s3] =	ssyncset.done $0x0  }
0x7a: {  	[sflag:s3] =	ssyncadd.s32 $0xFFFFC000  }
0x7b: {  	[spmem:s24] =	stream.linear.scatter [tilespmem:s30], [sflag:$0x7], $0x4000, $0x38;
	[tilespmem:$0x1C400] =	vst v63  }
0x7c: {  	_ =	swait.ge [sflag:s0], $0x4000  }
0x7d: {  	[sflag:s0] =	ssyncset.done $0x0  }
0x7e: {  	[sflag:s0] =	ssyncadd.s32 $0xFFFFC000  }
0x7f: {  	_ =	swait.ge [sflag:s31], $0x4000  }
0x80: {  	[sflag:s31] =	ssyncset.done $0x0  }
0x81: {  	[sflag:s31] =	ssyncadd.s32 $0xFFFFC000  }
0x82: {  	[spmem:s25] =	stream.linear.scatter [tilespmem:s29], [sflag:$0x7], $0x4000, $0x38;
	[tilespmem:$0x1C400] =	vst v63  }
0x83: {  	_ =	swait.ge [sflag:s0], $0x4000  }
0x84: {  	[sflag:s0] =	ssyncset.done $0x0  }
0x85: {  	[sflag:s0] =	ssyncadd.s32 $0xFFFFC000  }
0x86: {  	[bflag:$0x0] =	sbarrier.arrive $0xFFFF  }
0x87: {  	s6 =	smov.u32 s25;
	s25 =	rddreg [dreg:$0x5]  }
0x88: {  	[tilespmem:s2], [sflag:$0x1] =	stream.linear.gather [hbm4b:s25+s2], $0x100, $0x38;
	[tilespmem:$0x1C400] =	vst v63  }
0x89: {  	s22 =	rddreg [dreg:$0xb]  }
0x8a: {  	[tilespmem:s11], [sflag:$0x2] =	stream.linear.gather [hbm4b:s22+s2], $0x100, $0x38;
	[tilespmem:$0x1C400] =	vst v63  }
0x8b: {  	s9 =	smov.u32 s24;
	s24 =	rddreg [dreg:$0xc]  }
0x8c: {  	[tilespmem:s12], [sflag:$0x3] =	stream.linear.gather [hbm4b:s24+s2], $0x100, $0x38;
	[tilespmem:$0x1C400] =	vst v63  }
0x8d: {  	s25 =	rddreg [dreg:$0x10]  }
0x8e: {  	[tilespmem:s13], [sflag:$0x4] =	stream.linear.gather [hbm4b:s25+s2], $0x100, $0x38;
	[tilespmem:$0x1C400] =	vst v63  }
0x8f: {  	_ =	swait.ge [sflag:s14], $0x100  }
0x90: {  	[sflag:s14] =	ssyncset.done $0x0  }
0x91: {  	[sflag:s14] =	ssyncadd.s32 $0xFFFFFF00  }
0x92: {  	[tilespmem:s29], [sflag:$0x5] =	stream.indirect.gather [hbm4b:s4+s15], $0x80, s2, s15, $0xb8;
	[tilespmem:$0x1C400] =	vst v63  }
0x93: {  	_ =	swait.ge [sflag:s16], $0x100  }
0x94: {  	[sflag:s16] =	ssyncset.done $0x0  }
0x95: {  	s22 =	simm.s32 $0x0;
	[sflag:s16] =	ssyncadd.s32 $0xFFFFFF00  }
0x96: {  	[tilespmem:s30], [sflag:$0x6] =	stream.indirect.gather [hbm4b:s4+s15], $0x80, s11, s15, $0xb8;
	[tilespmem:$0x1C400] =	vst v63  }
.LBB2_2:
0x97: {  	_ =	swait.ge [sflag:s31], $0x4000  }
0x98: {  	[sflag:s31] =	ssyncset.done $0x0  }
0x99: {  	[sflag:s31] =	ssyncadd.s32 $0xFFFFC000  }
0x9a: {  	[spmem:s1] =	stream.indirect.scatter.add.f32 [tilespmem:s29], [sflag:$0x7], $0x80, s15, s15, $0xb8;
	[tilespmem:$0x1C400] =	vst v63  }
0x9b: {  	_ =	swait.ge [sflag:s0], $0x4000  }
0x9c: {  	p0 =	seq.s32 s22, $0x980;
	[sflag:s0] =	ssyncset.done $0x0  }
0x9d: {  	s24 =	sadd.s32 @!p0 s22, s28;
	s25 =	simm.s32 @!p0 $0x0;
	[sflag:s0] =	ssyncadd.s32 $0xFFFFC000  }
0x9e: {  	[tilespmem:s25], [sflag:$0x1] =	stream.linear.gather @!p0 [hbm4b:s24+s25], $0x100, $0x38;
	[tilespmem:$0x1C400] =	vst v63  }
0x9f: {  	_ =	swait.ge [sflag:s17], $0x100  }
0xa0: {  	[sflag:s17] =	ssyncset.done $0x0  }
0xa1: {  	[sflag:s17] =	ssyncadd.s32 $0xFFFFFF00  }
0xa2: {  	[tilespmem:s29], [sflag:$0x5] =	stream.indirect.gather [hbm4b:s4+s15], $0x80, s12, s15, $0xb8;
	[tilespmem:$0x1C400] =	vst v63  }
0xa3: {  	_ =	swait.ge [sflag:s3], $0x4000  }
0xa4: {  	[sflag:s3] =	ssyncset.done $0x0  }
0xa5: {  	[sflag:s3] =	ssyncadd.s32 $0xFFFFC000  }
0xa6: {  	[spmem:s1] =	stream.indirect.scatter.add.f32 [tilespmem:s30], [sflag:$0x7], $0x80, s10, s15, $0xb8;
	[tilespmem:$0x1C400] =	vst v63  }
0xa7: {  	_ =	swait.ge [sflag:s0], $0x4000  }
0xa8: {  	s24 =	sadd.s32 @!p0 s22, s23;
	[sflag:s0] =	ssyncset.done $0x0  }
0xa9: {  	s5 =	simm.s32 @!p0 $0x100;
	s24 =	sadd.s32 @!p0 $0xA0, s24;
	[sflag:s0] =	ssyncadd.s32 $0xFFFFC000  }
0xaa: {  	[tilespmem:s5], [sflag:$0x2] =	stream.linear.gather @!p0 [hbm4b:s24+s25], $0x100, $0x38;
	[tilespmem:$0x1C400] =	vst v63  }
0xab: {  	_ =	swait.ge [sflag:s18], $0x100  }
0xac: {  	[sflag:s18] =	ssyncset.done $0x0  }
0xad: {  	[sflag:s18] =	ssyncadd.s32 $0xFFFFFF00  }
0xae: {  	[tilespmem:s30], [sflag:$0x6] =	stream.indirect.gather [hbm4b:s4+s15], $0x80, s13, s15, $0xb8;
	[tilespmem:$0x1C400] =	vst v63  }
0xaf: {  	_ =	swait.ge [sflag:s31], $0x4000  }
0xb0: {  	[sflag:s31] =	ssyncset.done $0x0  }
.Ltmp2:
0xb1: {  	[sflag:s31] =	ssyncadd.s32 $0xFFFFC000;
	(pc) =	sbr.rel @p0 .LBB2_4-.Ltmp2, $4  }
0xb2: {  	[spmem:s1] =	stream.indirect.scatter.add.f32 [tilespmem:s29], [sflag:$0x7], $0x80, s19, s15, $0xb8;
	[tilespmem:$0x1C400] =	vst v63  }
0xb3: {  	_ =	swait.ge [sflag:s0], $0x4000  }
0xb4: {  	[sflag:s0] =	ssyncset.done $0x0  }
0xb5: {  	[sflag:s0] =	ssyncadd.s32 $0xFFFFC000  }
0xb6: {  	s5 =	sadd.s32 s22, s26  }
0xb7: {  	[tilespmem:s12], [sflag:$0x3] =	stream.linear.gather [hbm4b:s5+s2], $0x100, $0x38;
	[tilespmem:$0x1C400] =	vst v63  }
0xb8: {  	_ =	swait.ge [sflag:s14], $0x100  }
0xb9: {  	[sflag:s14] =	ssyncset.done $0x0  }
0xba: {  	[sflag:s14] =	ssyncadd.s32 $0xFFFFFF00  }
0xbb: {  	[tilespmem:s29], [sflag:$0x5] =	stream.indirect.gather [hbm4b:s4+s15], $0x80, s2, s15, $0xb8;
	[tilespmem:$0x1C400] =	vst v63  }
0xbc: {  	_ =	swait.ge [sflag:s3], $0x4000  }
0xbd: {  	[sflag:s3] =	ssyncset.done $0x0  }
0xbe: {  	[sflag:s3] =	ssyncadd.s32 $0xFFFFC000  }
0xbf: {  	[spmem:s1] =	stream.indirect.scatter.add.f32 [tilespmem:s30], [sflag:$0x7], $0x80, s20, s15, $0xb8;
	[tilespmem:$0x1C400] =	vst v63  }
0xc0: {  	_ =	swait.ge [sflag:s0], $0x4000  }
0xc1: {  	s25 =	sadd.s32 s22, s23;
	[sflag:s0] =	ssyncset.done $0x0  }
0xc2: {  	s5 =	sadd.s32 $0xE0, s25;
	[sflag:s0] =	ssyncadd.s32 $0xFFFFC000  }
0xc3: {  	[tilespmem:s13], [sflag:$0x4] =	stream.linear.gather [hbm4b:s5+s2], $0x100, $0x38;
	[tilespmem:$0x1C400] =	vst v63  }
.Ltmp3:
0xc4: {  	_ = 	snop;
	(pc) =	sbr.rel .LBB2_2-.Ltmp3, $4  }
0xc5: {  	_ =	swait.ge [sflag:s16], $0x100  }
0xc6: {  	[sflag:s16] =	ssyncset.done $0x0  }
0xc7: {  	s22 =	sadd.s32 $0x80, s22;
	[sflag:s16] =	ssyncadd.s32 $0xFFFFFF00  }
0xc8: {  	[tilespmem:s30], [sflag:$0x6] =	stream.indirect.gather [hbm4b:s4+s15], $0x80, s11, s15, $0xb8;
	[tilespmem:$0x1C400] =	vst v63  }
.LBB2_5:
0xc9: {  	_ =	sfence.sel $0x180000  }
0xca: {  	[bflag:$0x0] =	sbarrier.arrive $0xFFFF  }
0xcb: {  	_ =	strace $0x9000004D  }
0xcc: {  	s0 =	stileid.u32;
	[bflag:$0x2] =	sbarrier.arrive $0xFFFF  }
0xcd: {  	p0 =	sne.s32 s0, $0x0;
	s0 =	rddreg [dreg:$0x3]  }
0xce: {  	s0 =	sadd.s32 @!p0 $0x100000, s0  }
0xcf: {  	[sflag:s0] =	ssyncadd.tile.s32 @!p0 $0x1;
	_ =	shalt  }
.Lfunc_end2:
_tile_overlayer_lowered:
.L_overlay_start_2:
0xd0: {  	(tag) =	ssettag $0x2  }
0xd1: {  	s0 =	rddreg [dreg:$0x0];
	s2 =	stileid.u32  }
0xd2: {  	s1 =	rddreg [dreg:$0x1];
	p0 =	sne.s32 s2, $0x0  }
0xd3: {  	s3 =	rddreg [dreg:$0x2];
	[bflag:$0x3] =	sbarrier.arrive $0xFFFF;
	s2 =	simm.s32 @!p0 $0x1C07  }
0xd4: {  	[timem:s3], [sflag:s2] =	dma.local @!p0 [hbm:s0], s1  }
0xd5: {  	s0 =	simm.s32 @!p0 $0x7  }
0xd6: {  	_ =	swait.ge @!p0 [sflag:s0], s1  }
0xd7: {  	s1 =	ssub.s32 @!p0 $0x0, s1;
	[sflag:s0] =	ssyncset.done @!p0 $0x0  }
0xd8: {  	[sflag:s0] =	ssyncadd.s32 @!p0 s1  }
0xd9: {  	[bflag:$0x3] =	sbarrier.arrive $0xFFFF  }
0xda: {  	_ =	shalt  }

// kernel: kernel.19.cloned.1.call-start
scs
__scs_entry_jumppad:
0x0: {  	(pc) =	sbr.rel $0x88, $3  }
0x1: {  	(tag) =	ssettag $0x0;
	lr =	simm.s32 $0x1  }
0x2: {  	[smem:$0x3F95] =	sst lr;
	_ =	strace $0xD0000000  }
0x3: {  	_ = 	snop  }
0x4: {  	_ = 	snop  }
0x5: {  	_ = 	snop  }
0x6: {  	_ = 	snop  }
0x7: {  	_ = 	snop  }
__scs_overlays_trampoline_lowered:
0x8: {  	[smem:$0x3FA4] =	sst s0  }
0x9: {  	[smem:$0x3FA5] =	sst s1  }
0xa: {  	[smem:$0x3FA6] =	sst s2  }
0xb: {  	[smem:$0x3FA7] =	sst s3  }
0xc: {  	[smem:$0x3FA8] =	sst s4  }
0xd: {  	[smem:$0x3FA9] =	sst s5  }
0xe: {  	[smem:$0x3FAA] =	sst s6  }
0xf: {  	[smem:$0x3FAB] =	sst s7  }
0x10: {  	[smem:$0x3FAC] =	sst s8  }
0x11: {  	[smem:$0x3FAD] =	sst s9;
	s0 =	simm.s32 @!p0 $0x0  }
0x12: {  	s1 =	sld [smem:$0x3F93];
	s0 =	simm.s32 @p0 $0x1  }
0x13: {  	[smem:$0x3FAE] =	sst s0;
	s0 =	simm.s32 @!p1 $0x0  }
0x14: {  	s2 =	sld [smem:$0x3F92];
	s0 =	simm.s32 @p1 $0x1  }
0x15: {  	[smem:$0x3FAF] =	sst s0;
	s0 =	simm.s32 @!p2 $0x0  }
0x16: {  	s3 =	sld [smem:$0x3FDB];
	s0 =	simm.s32 @p2 $0x1  }
0x17: {  	s4 =	simm.s32 $0x1BF5;
	[smem:$0x3FB1] =	sst s0  }
0x18: {  	s0 =	sld [smem:$0x3F94];
	_ =	swait.ge [sflag:s4], $0x0  }
0x19: {  	s7 =	sld [smem:$0x3F95]  }
0x1a: {  	s8 =	sadd.s32 $0xFFFFE003, lr  }
0x1b: {  	s9 =	sadd.s32 $0xFFFFFEF7, lr;
	s5 =	simm.s32 $0xFFFFFFFF;
	p2 =	slt.u32 s8, $0xFFFFF086  }
0x1c: {  	p1 =	slt.u32 s9, $0xF7A;
	s5 =	simm.s32 @!p2 $0x0  }
0x1d: {  	s5 =	simm.s32 @p1 $0x1;
	p0 =	seq.s32 s7, s2  }
0x1e: {  	s7 =	smul.u32 @!p0 $0xF7A, s2;
	p2 =	seq.s32 @!p0 s5, $0x0  }
0x1f: {  	s9 =	smul.u32 $0xF7A, s1;
	s8 =	simm.s32 @!p0 $0x1BF5;
	p2 =	por !p2, p0  }
0x20: {  	[sflag:s8] =	ssyncset.s32 @!p0 $0xFFFFF086;
	s6 =	sadd.s32 @!p0 s3, s7;
	s7 =	simm.s32 @!p0 $0x108  }
0x21: {  	s3 =	sadd.s32 s3, s9;
	s6 =	sadd.s32 @!p0 $0x88, s6;
	s7 =	simm.s32 @p2 $0x1082  }
0x22: {  	[simem:s7], [sflag:s8] =	dma.local @!p0 [hbm:s6], $0xF7A  }
0x23: {  	s9 =	sor.u32 $0xD0000000, s2;
	s6 =	simm.s32 $0x108;
	_ =	swait.ge @!p0 [sflag:s8], $0x0  }
0x24: {  	s3 =	sadd.s32 $0x88, s3;
	s6 =	simm.s32 @!p1 $0x1082;
	[sflag:s4] =	ssyncset.s32 $0xFFFFF086  }
0x25: {  	[simem:s6], [sflag:s4] =	dma.local [hbm:s3], $0xF7A  }
0x26: {  	[smem:$0x3F95] =	sst s1;
	(tag) =	ssettag s2;
	_ =	strace s9  }
0x27: {  	s1 =	sld [smem:$0x3FA5]  }
0x28: {  	s2 =	sld [smem:$0x3FA6]  }
0x29: {  	s4 =	sld [smem:$0x3FA8]  }
0x2a: {  	p0 =	seq.s32 s5, $0x0;
	s5 =	sld [smem:$0x3FA9]  }
0x2b: {  	s6 =	sld [smem:$0x3FAA]  }
0x2c: {  	s7 =	sld [smem:$0x3FAB]  }
0x2d: {  	s3 =	simm.s32 $0x108;
	s8 =	sld [smem:$0x3FAC]  }
0x2e: {  	s3 =	simm.s32 @!p0 $0x1082;
	s9 =	sld [smem:$0x3FAD]  }
0x2f: {  	lr =	sadd.s32 s0, s3;
	s0 =	sld [smem:$0x3FA4]  }
0x30: {  	s3 =	sld [smem:$0x3FA7]  }
0x31: {  	[smem:$0x3FB0] =	sst s10  }
0x32: {  	s10 =	sld [smem:$0x3FAE];
	_ =	sdelay $0x3  }
0x33: {  	p0 =	seq.s32 s10, $0x1;
	s10 =	sld [smem:$0x3FB0];
	_ =	sdelay $0x3  }
0x34: {  	[smem:$0x3FB0] =	sst s10  }
0x35: {  	s10 =	sld [smem:$0x3FAF];
	_ =	sdelay $0x3  }
0x36: {  	p1 =	seq.s32 s10, $0x1;
	s10 =	sld [smem:$0x3FB0];
	_ =	sdelay $0x3  }
0x37: {  	[smem:$0x3FB0] =	sst s10  }
0x38: {  	s10 =	sld [smem:$0x3FB1]  }
0x39: {  	_ = 	snop;
	(pc) =	sbr.ind lr, $3  }
0x3a: {  	_ = 	snop  }
0x3b: {  	_ = 	snop  }
0x3c: {  	p2 =	seq.s32 s10, $0x1;
	s10 =	sld [smem:$0x3FB0]  }
0x3d: {  	_ =	shalt  }
0x3e: {  	_ =	shalt  }
0x3f: {  	_ =	shalt  }
0x40: {  	_ =	shalt  }
0x41: {  	_ =	shalt  }
0x42: {  	_ =	shalt  }
0x43: {  	_ =	shalt  }
0x44: {  	_ =	shalt  }
0x45: {  	_ =	shalt  }
0x46: {  	_ =	shalt  }
0x47: {  	_ =	shalt  }
0x48: {  	_ =	shalt  }
0x49: {  	_ =	shalt  }
0x4a: {  	_ =	shalt  }
0x4b: {  	_ =	shalt  }
0x4c: {  	_ =	shalt  }
0x4d: {  	_ =	shalt  }
0x4e: {  	_ =	shalt  }
0x4f: {  	_ =	shalt  }
0x50: {  	_ =	shalt  }
0x51: {  	_ =	shalt  }
0x52: {  	_ =	shalt  }
0x53: {  	_ =	shalt  }
0x54: {  	_ =	shalt  }
0x55: {  	_ =	shalt  }
0x56: {  	_ =	shalt  }
0x57: {  	_ =	shalt  }
0x58: {  	_ =	shalt  }
0x59: {  	_ =	shalt  }
0x5a: {  	_ =	shalt  }
0x5b: {  	_ =	shalt  }
0x5c: {  	_ =	shalt  }
0x5d: {  	_ =	shalt  }
0x5e: {  	_ =	shalt  }
0x5f: {  	_ =	shalt  }
0x60: {  	_ =	shalt  }
0x61: {  	_ =	shalt  }
0x62: {  	_ =	shalt  }
0x63: {  	_ =	shalt  }
0x64: {  	_ =	shalt  }
0x65: {  	_ =	shalt  }
0x66: {  	_ =	shalt  }
0x67: {  	_ =	shalt  }
0x68: {  	_ =	shalt  }
0x69: {  	_ =	shalt  }
0x6a: {  	_ =	shalt  }
0x6b: {  	_ =	shalt  }
0x6c: {  	_ =	shalt  }
0x6d: {  	_ =	shalt  }
0x6e: {  	_ =	shalt  }
0x6f: {  	_ =	shalt  }
0x70: {  	_ =	shalt  }
0x71: {  	_ =	shalt  }
0x72: {  	_ =	shalt  }
0x73: {  	_ =	shalt  }
0x74: {  	_ =	shalt  }
0x75: {  	_ =	shalt  }
0x76: {  	_ =	shalt  }
0x77: {  	_ =	shalt  }
0x78: {  	_ =	shalt  }
0x79: {  	_ =	shalt  }
0x7a: {  	_ =	shalt  }
0x7b: {  	_ =	shalt  }
0x7c: {  	_ =	shalt  }
0x7d: {  	_ =	shalt  }
0x7e: {  	_ =	shalt  }
0x7f: {  	_ =	shalt  }
0x80: {  	_ =	shalt  }
0x81: {  	_ =	shalt  }
0x82: {  	_ =	shalt  }
0x83: {  	_ =	shalt  }
0x84: {  	_ =	shalt  }
0x85: {  	_ =	shalt  }
0x86: {  	_ =	shalt  }
0x87: {  	_ =	shalt  }
.Lfunc_end0:
.L_simem_size_0:
called_computation.3_lowered:
.L_overlay_start_0:
0x88: {  	s2 =	sld [smem:$0x3FD9]  }
0x89: {  	s3 =	sld [smem:$0x3FFE];
	_ =	sdelay $0x1  }
0x8a: {  	s1 =	srdreg.scid  }
0x8b: {  	s0 =	sand.u32 $0x1, s1  }
0x8c: {  	s17 =	sshll.u32 s0, $0xA;
	s2 =	sadd.s32 s3, s2  }
0x8d: {  	s2 =	sadd.s32 s2, s17  }
0x8e: {  	[smem:$0x3FBC] =	sst s2  }
0x8f: {  	_ = 	snop  }
0x90: {  	s2 =	sld [smem:$0x3FD0];
	(tm) =	ssettm $0x1  }
0x91: {  	s18 =	sld [smem:$0x3FFB];
	_ =	sdelay $0x3  }
0x92: {  	_ =	strace s18  }
0x93: {  	s3 =	sld [smem:$0x3FFC];
	_ =	sdelay $0x3  }
0x94: {  	_ =	strace s3  }
0x95: {  	s3 =	sld [smem:$0x3FFD];
	_ =	sdelay $0x3  }
0x96: {  	_ =	strace s3  }
0x97: {  	_ =	strace $0x8FFFFFFF  }
0x98: {  	s19 =	sld [smem:$0x3FDB];
	_ =	sdelay $0x1  }
0x99: {  	s4 =	simm.s32 $_scs_section_size  }
0x9a: {  	s5 =	simm.s32 $_size__tile_overlayer_lowered;
	s6 =	simm.s32 $_tile_overlayer_lowered  }
0x9b: {  	s22 =	simm.s32 $0x1BFF;
	s21 =	sshll.u32 s6, $0x1;
	s3 =	sadd.s32 s4, s19  }
0x9c: {  	s7 =	simm.s32 $0x0;
	s20 =	sshll.u32 s5, $0x1;
	s5 =	sadd.s32 s21, s3  }
0x9d: {  	[timem:s7], [sflag:s22] =	dma.local [hbm:s5], s20  }
0x9e: {  	_ =	swait.ge [sflag:s22], s20  }
0x9f: {  	s4 =	ssub.s32 $0x0, s20;
	[sflag:s22] =	ssyncset.done $0x0  }
0xa0: {  	[sflag:s22] =	ssyncadd.s32 s4;
	_ =	sdelay $0x1  }
0xa1: {  	s23 =	simm.s32 $0x1B8B  }
0xa2: {  	_ =	swait.ge [sflag:s23], $0x1  }
0xa3: {  	[sflag:s23] =	ssyncset.done $0x0  }
0xa4: {  	s25 =	simm.s32 $0x1B8E;
	s24 =	sld [smem:$0x3FFE];
	[sflag:s23] =	ssyncadd.s32 $0xFFFFFFFF  }
0xa5: {  	s26 =	simm.s32 $execute0_lowered;
	[smem:$0x3FD2] =	sst s25  }
0xa6: {  	s5 =	sshll.u32 s26, $0x1;
	_ =	strace $0x8000004F;
	[dreg:$0x1] =	wrdreg $0xFFFFFFFF  }
0xa7: {  	s28 =	simm.s32 $_size_execute0_lowered;
	s3 =	sadd.s32 s3, s5;
	[dreg:$0x0] =	wrdreg $0x0  }
0xa8: {  	s5 =	sshll.u32 s28, $0x1;
	[dreg:$0x2] =	wrdreg s3  }
0xa9: {  	[dreg:$0x3] =	wrdreg s5  }
0xaa: {  	[dreg:$0x4] =	wrdreg $0xC0  }
0xab: {  	_ =	task [dreg:s7], $0x5FFFF  }
0xac: {  	[dreg:$0x1] =	wrdreg $0xFFFFFFFF  }
0xad: {  	[dreg:$0x0] =	wrdreg $0x60  }
0xae: {  	[dreg:$0x2] =	wrdreg s24  }
0xaf: {  	[dreg:$0x3] =	wrdreg s2  }
0xb0: {  	[dreg:$0x4] =	wrdreg $0x84000  }
0xb1: {  	[dreg:$0x5] =	wrdreg $0x9  }
0xb2: {  	_ =	task.clear_ibuf [dreg:s7], $0x6FFFF;
	_ =	strace $0x9000004F  }
0xb3: {  	s29 =	simm.s32 $0x9;
	_ =	strace $0x80000051  }
0xb4: {  	_ =	swait.ge [sflag:s29], $0x1  }
0xb5: {  	[sflag:s29] =	ssyncadd.s32 $0xFFFFFFFF  }
0xb6: {  	_ =	strace $0x90000051  }
0xb7: {  	_ =	sfence  }
0xb8: {  	s30 =	sld [smem:$0x0];
	_ =	sdelay $0x2  }
0xb9: {  	s31 =	sshll.u32 s1, $0xD;
	s1 =	sshrl.u32 s1, $0x2  }
0xba: {  	s3 =	sand.u32 $0x4000, s31;
	s1 =	sadd.s32 s1, s30  }
0xbb: {  	s0 =	sor.u32 s3, s0;
	s1 =	sshll.u32 s1, $0x11  }
0xbc: {  	s0 =	sor.u32 s1, s0  }
0xbd: {  	s0 =	sadd.s32 $0x8F2B, s0  }
0xbe: {  	[sflag:s0] =	ssyncadd.remote.s32 $0x1  }
0xbf: {  	_ =	sfence.sel $0xFFFF  }
0xc0: {  	[dreg:$0x0] =	wrdreg $0xFFFFFFFF;
	(pc) =	sbr.abs _section_cstart, $3  }
0xc1: {  	[dreg:$0x1] =	wrdreg $0xFFFFFFFF  }
0xc2: {  	_ =	task.clear_ibuf [dreg:s7], $0x2FFFF;
	_ =	strace $0x9FFFFFFF  }
0xc3: {  	(tm) =	ssettm $0x7FFFFFFF  }
tec
execute0_lowered:
.L_overlay_start_1:
0x0: {  	(tag) =	ssettag $0x1  }
0x1: {  	s3 =	rddreg [dreg:$0x0]  }
0x2: {  	s0 =	rddreg [dreg:$0x1]  }
0x3: {  	s1 =	rddreg [dreg:$0x2];
	s2 =	simm.s32 $0x0  }
0x4: {  	s5 =	srdreg.scid;
	s24 =	stileid.u32;
	s29 =	simm.s32 $0x400  }
0x5: {  	s30 =	simm.s32 $0x4400;
	s31 =	simm.s32 $0x5;
	[smem:$0x7FF] =	sst s2  }
0x6: {  	s4 =	sadd.s32 $0x3E00, s3;
	s10 =	sand.u32 $0x1, s5;
	s12 =	smul.u32 $0x14000, s24  }
0x7: {  	s11 =	sadd.s32 $0x2BE00, s3;
	s3 =	sadd.s32 $0x53E00, s3;
	s23 =	smul.u32 $0x50000, s24  }
0x8: {  	s14 =	smul.u32 $0x2800, s24;
	_ =	strace $0x80000050;
	s5 =	ssub.s32 $0x2, s10  }
0x9: {  	s22 =	sshll.u32 s10, $0x4;
	p0 =	seq.s32 s10, $0x0;
	s6 =	sshrl.u32 s5, $0x1  }
0xa: {  	s8 =	sor.u32 s24, s22;
	s15 =	sadd.s32 $0x4000, s12;
	s25 =	sshrl.u32 s23, $0x2  }
0xb: {  	s16 =	sadd.s32 $0x8000, s12;
	s9 =	sshrl.u32 s12, $0x3;
	s11 =	smov.u32 @p0 s4  }
0xc: {  	s21 =	sadd.s32 $0xC000, s12;
	s22 =	sadd.s32 $0x10000, s12;
	s23 =	smul.u32 $0x140000, s10  }
0xd: {  	s10 =	smul.u32 $0x500, s10;
	s13 =	ssub.s32 s5, s6;
	s17 =	sshrl.u32 s15, $0x3  }
0xe: {  	s5 =	sadd.s32 s25, s1;
	s18 =	sshrl.u32 s16, $0x3;
	s25 =	sadd.s32 s15, s1  }
0xf: {  	s26 =	sadd.s32 s16, s1;
	s19 =	sadd.s32 s11, s9;
	s20 =	smul.u32 $0xA00, s8  }
0x10: {  	s7 =	sadd.s32 s21, s1;
	s8 =	sadd.s32 s22, s1;
	s12 =	sadd.s32 s12, s23  }
0x11: {  	s15 =	sadd.s32 s23, s15;
	s16 =	sadd.s32 s23, s16;
	[dreg:$0x4] =	wrdreg s5  }
0x12: {  	s9 =	sadd.s32 s0, s20;
	s12 =	sshrl.u32 s12, $0x3;
	s15 =	sshrl.u32 s15, $0x3  }
0x13: {  	s16 =	sshrl.u32 s16, $0x3;
	s20 =	sadd.s32 s23, s21;
	s21 =	sadd.s32 s23, s22  }
0x14: {  	s22 =	smov.u32 s26;
	s12 =	sadd.s32 s3, s12;
	[dreg:$0x5] =	wrdreg s9  }
0x15: {  	s23 =	smul.u32 $0x50, s24;
	s15 =	sadd.s32 s3, s15;
	[dreg:$0x6] =	wrdreg s12  }
0x16: {  	s24 =	smov.u32 s7;
	s16 =	sadd.s32 s3, s16;
	[dreg:$0x7] =	wrdreg s15  }
0x17: {  	s7 =	sadd.s32 $0x20, s9;
	[dreg:$0x8] =	wrdreg s16;
	s12 =	sshrl.u32 s20, $0x3  }
0x18: {  	s15 =	sshrl.u32 s21, $0x3;
	[dreg:$0xb] =	wrdreg s7;
	s16 =	sadd.s32 s11, s17  }
0x19: {  	s10 =	sadd.s32 s23, s10;
	s17 =	sadd.s32 s11, s18;
	[dreg:$0xe] =	wrdreg s16  }
0x1a: {  	s18 =	sadd.s32 $0x60, s9;
	s20 =	smax.u32 s13, $0x1;
	[dreg:$0xf] =	wrdreg s17  }
0x1b: {  	s21 =	sadd.s32 $0x1800, s19;
	s13 =	simm.s32 $0x300;
	[dreg:$0x10] =	wrdreg s18  }
0x1c: {  	s26 =	sadd.s32 s3, s12;
	s3 =	sadd.s32 s3, s15;
	[dreg:$0x11] =	wrdreg s20  }
0x1d: {  	s12 =	sadd.s32 $0x40, s9;
	s15 =	sadd.s32 s11, s14;
	[dreg:$0x12] =	wrdreg s21  }
0x1e: {  	s11 =	simm.s32 $0x100;
	s14 =	simm.s32 $0x1;
	[dreg:$0x9] =	wrdreg s26  }
0x1f: {  	s16 =	simm.s32 $0x2;
	s17 =	simm.s32 $0x3;
	[dreg:$0xa] =	wrdreg s3  }
0x20: {  	s18 =	simm.s32 $0x4;
	s20 =	simm.s32 $0x380;
	[dreg:$0xc] =	wrdreg s12  }
.Ltmp0:
0x21: {  	s21 =	simm.s32 $0x0;
	[dreg:$0xd] =	wrdreg s15;
	(pc) =	sbr.rel .LBB2_1-.Ltmp0, $4  }
0x22: {  	s3 =	sshll.u32 s10, $0x5;
	s26 =	sadd.s32 $0x2000, s19;
	s12 =	simm.s32 $0x200  }
0x23: {  	s15 =	simm.s32 $0x80;
	s10 =	simm.s32 $0x180;
	s19 =	simm.s32 $0x280  }
0x24: {  	s23 =	sadd.s32 s3, s0;
	[dreg:$0x13] =	wrdreg s26;
	s0 =	simm.s32 $0x7  }
0x25: {  	s3 =	simm.s32 $0x6;
	s26 =	sadd.s32 $0xC0, s23;
	s28 =	sadd.s32 $0x80, s23  }
.LBB2_4:
0x26: {  	_ =	swait.ge [sflag:s3], $0x4000  }
0x27: {  	[sflag:s3] =	ssyncset.done $0x0  }
0x28: {  	[sflag:s3] =	ssyncadd.s32 $0xFFFFC000  }
0x29: {  	[spmem:s1] =	stream.indirect.scatter.add.f32 [tilespmem:s30], [sflag:$0x7], $0x80, s20, s15, $0xb8;
	[tilespmem:$0x1C400] =	vst v63  }
0x2a: {  	_ =	swait.ge [sflag:s0], $0x4000  }
0x2b: {  	[sflag:s0] =	ssyncset.done $0x0  }
0x2c: {  	[sflag:s0] =	ssyncadd.s32 $0xFFFFC000  }
0x2d: {  	[bflag:$0x0] =	sbarrier.arrive $0xFFFF  }
0x2e: {  	s5 =	rddreg [dreg:$0x4]  }
0x2f: {  	[tilespmem:s29], [sflag:$0x7] =	stream.linear.gather [spmem:s5], $0x4000, $0x38;
	[tilespmem:$0x1C400] =	vst v63  }
0x30: {  	_ =	swait.ge [sflag:s0], $0x4000  }
0x31: {  	[sflag:s0] =	ssyncset.done $0x0  }
0x32: {  	s22 =	rddreg [dreg:$0x6];
	[sflag:s0] =	ssyncadd.s32 $0xFFFFC000  }
0x33: {  	[hbm4b:s22+s2] =	stream.linear.scatter [tilespmem:s29], [sflag:$0x5], $0x4000, $0x38;
	[tilespmem:$0x1C400] =	vst v63  }
0x34: {  	_ = 	snop  }
0x35: {  	[tilespmem:s30], [sflag:$0x7] =	stream.linear.gather [spmem:s7], $0x4000, $0x38;
	[tilespmem:$0x1C400] =	vst v63  }
0x36: {  	_ =	swait.ge [sflag:s0], $0x4000  }
0x37: {  	[sflag:s0] =	ssyncset.done $0x0  }
0x38: {  	s24 =	rddreg [dreg:$0x7];
	[sflag:s0] =	ssyncadd.s32 $0xFFFFC000  }
0x39: {  	[hbm4b:s24+s2] =	stream.linear.scatter [tilespmem:s30], [sflag:$0x6], $0x4000, $0x38;
	[tilespmem:$0x1C400] =	vst v63  }
0x3a: {  	_ =	swait.ge [sflag:s31], $0x4000  }
0x3b: {  	[sflag:s31] =	ssyncset.done $0x0  }
0x3c: {  	[sflag:s31] =	ssyncadd.s32 $0xFFFFC000  }
0x3d: {  	[tilespmem:s29], [sflag:$0x7] =	stream.linear.gather [spmem:s8], $0x4000, $0x38;
	[tilespmem:$0x1C400] =	vst v63  }
0x3e: {  	_ =	swait.ge [sflag:s0], $0x4000  }
0x3f: {  	[sflag:s0] =	ssyncset.done $0x0  }
0x40: {  	s22 =	smov.u32 s8;
	s8 =	rddreg [dreg:$0x8];
	[sflag:s0] =	ssyncadd.s32 $0xFFFFC000  }
0x41: {  	[hbm4b:s8+s2] =	stream.linear.scatter [tilespmem:s29], [sflag:$0x5], $0x4000, $0x38;
	[tilespmem:$0x1C400] =	vst v63  }
0x42: {  	_ =	swait.ge [sflag:s3], $0x4000  }
0x43: {  	[sflag:s3] =	ssyncset.done $0x0  }
0x44: {  	[sflag:s3] =	ssyncadd.s32 $0xFFFFC000  }
0x45: {  	[tilespmem:s30], [sflag:$0x7] =	stream.linear.gather [spmem:s9], $0x4000, $0x38;
	[tilespmem:$0x1C400] =	vst v63  }
0x46: {  	_ =	swait.ge [sflag:s0], $0x4000  }
0x47: {  	[sflag:s0] =	ssyncset.done $0x0  }
0x48: {  	s24 =	smov.u32 s9;
	s9 =	rddreg [dreg:$0x9];
	[sflag:s0] =	ssyncadd.s32 $0xFFFFC000  }
0x49: {  	[hbm4b:s9+s2] =	stream.linear.scatter [tilespmem:s30], [sflag:$0x6], $0x4000, $0x38;
	[tilespmem:$0x1C400] =	vst v63  }
0x4a: {  	_ =	swait.ge [sflag:s31], $0x4000  }
0x4b: {  	[sflag:s31] =	ssyncset.done $0x0  }
0x4c: {  	[sflag:s31] =	ssyncadd.s32 $0xFFFFC000  }
0x4d: {  	[tilespmem:s29], [sflag:$0x7] =	stream.linear.gather [spmem:s6], $0x4000, $0x38;
	[tilespmem:$0x1C400] =	vst v63  }
0x4e: {  	_ =	swait.ge [sflag:s0], $0x4000  }
0x4f: {  	[sflag:s0] =	ssyncset.done $0x0  }
0x50: {  	s25 =	smov.u32 s7;
	s7 =	rddreg [dreg:$0xa];
	[sflag:s0] =	ssyncadd.s32 $0xFFFFC000  }
0x51: {  	[hbm4b:s7+s2] =	stream.linear.scatter [tilespmem:s29], [sflag:$0x5], $0x4000, $0x38;
	[tilespmem:$0x1C400] =	vst v63  }
0x52: {  	_ =	swait.ge [sflag:s3], $0x4000  }
0x53: {  	[sflag:s3] =	ssyncset.done $0x0  }
0x54: {  	[sflag:s3] =	ssyncadd.s32 $0xFFFFC000  }
0x55: {  	_ =	swait.ge [sflag:s31], $0x4000  }
0x56: {  	s21 =	sadd.s32 $0x1, s21;
	s9 =	rddreg [dreg:$0x11]  }
0x57: {  	p0 =	sne.s32 s21, s9  }
.Ltmp1:
0x58: {  	_ = 	snop;
	(pc) =	sbr.rel @!p0 .LBB2_5-.Ltmp1, $3  }
0x59: {  	_ =	sdelay $0x1  }
0x5a: {  	[sflag:s31] =	ssyncset.done $0x0  }
0x5b: {  	s8 =	smov.u32 s6;
	[sflag:s31] =	ssyncadd.s32 $0xFFFFC000  }
.LBB2_1:
0x5c: {  	s6 =	rddreg [dreg:$0xd]  }
0x5d: {  	[tilespmem:s29], [sflag:$0x5] =	stream.linear.gather [hbm4b:s6+s2], $0x4000, $0x38;
	[tilespmem:$0x1C400] =	vst v63  }
0x5e: {  	s9 =	rddreg [dreg:$0xe]  }
0x5f: {  	[tilespmem:s30], [sflag:$0x6] =	stream.linear.gather [hbm4b:s9+s2], $0x4000, $0x38;
	[tilespmem:$0x1C400] =	vst v63  }
0x60: {  	_ =	swait.ge [sflag:s31], $0x4000  }
0x61: {  	[sflag:s31] =	ssyncset.done $0x0  }
0x62: {  	[sflag:s31] =	ssyncadd.s32 $0xFFFFC000  }
0x63: {  	[spmem:s5] =	stream.linear.scatter [tilespmem:s29], [sflag:$0x7], $0x4000, $0x38;
	[tilespmem:$0x1C400] =	vst v63  }
0x64: {  	_ =	swait.ge [sflag:s0], $0x4000  }
0x65: {  	[sflag:s0] =	ssyncset.done $0x0  }
0x66: {  	s7 =	rddreg [dreg:$0xf];
	[sflag:s0] =	ssyncadd.s32 $0xFFFFC000  }
0x67: {  	[tilespmem:s29], [sflag:$0x5] =	stream.linear.gather [hbm4b:s7+s2], $0x4000, $0x38;
	[tilespmem:$0x1C400] =	vst v63  }
0x68: {  	_ =	swait.ge [sflag:s3], $0x4000  }
0x69: {  	[sflag:s3] =	ssyncset.done $0x0  }
0x6a: {  	[sflag:s3] =	ssyncadd.s32 $0xFFFFC000  }
0x6b: {  	[spmem:s25] =	stream.linear.scatter [tilespmem:s30], [sflag:$0x7], $0x4000, $0x38;
	[tilespmem:$0x1C400] =	vst v63  }
0x6c: {  	_ =	swait.ge [sflag:s0], $0x4000  }
0x6d: {  	[sflag:s0] =	ssyncset.done $0x0  }
0x6e: {  	s9 =	rddreg [dreg:$0x12];
	[sflag:s0] =	ssyncadd.s32 $0xFFFFC000  }
0x6f: {  	[tilespmem:s30], [sflag:$0x6] =	stream.linear.gather [hbm4b:s9+s2], $0x4000, $0x38;
	[tilespmem:$0x1C400] =	vst v63  }
0x70: {  	_ =	swait.ge [sflag:s31], $0x4000  }
0x71: {  	[sflag:s31] =	ssyncset.done $0x0  }
0x72: {  	[sflag:s31] =	ssyncadd.s32 $0xFFFFC000  }
0x73: {  	[spmem:s22] =	stream.linear.scatter [tilespmem:s29], [sflag:$0x7], $0x4000, $0x38;
	[tilespmem:$0x1C400] =	vst v63  }
0x74: {  	_ =	swait.ge [sflag:s0], $0x4000  }
0x75: {  	s7 =	smov.u32 s25;
	s25 =	smov.u32 s8;
	[sflag:s0] =	ssyncset.done $0x0  }
0x76: {  	s8 =	smov.u32 s22;
	s22 =	rddreg [dreg:$0x13];
	[sflag:s0] =	ssyncadd.s32 $0xFFFFC000  }
0x77: {  	[tilespmem:s29], [sflag:$0x5] =	stream.linear.gather [hbm4b:s22+s2], $0x4000, $0x38;
	[tilespmem:$0x1C400] =	vst v63  }
0x78: {  	_ =	swait.ge [sflag:s3], $0x4000  }
0x79: {  	[sflag:s3] =	ssyncset.done $0x0  }
0x7a: {  	[sflag:s3] =	ssyncadd.s32 $0xFFFFC000  }
0x7b: {  	[spmem:s24] =	stream.linear.scatter [tilespmem:s30], [sflag:$0x7], $0x4000, $0x38;
	[tilespmem:$0x1C400] =	vst v63  }
0x7c: {  	_ =	swait.ge [sflag:s0], $0x4000  }
0x7d: {  	[sflag:s0] =	ssyncset.done $0x0  }
0x7e: {  	[sflag:s0] =	ssyncadd.s32 $0xFFFFC000  }
0x7f: {  	_ =	swait.ge [sflag:s31], $0x4000  }
0x80: {  	[sflag:s31] =	ssyncset.done $0x0  }
0x81: {  	[sflag:s31] =	ssyncadd.s32 $0xFFFFC000  }
0x82: {  	[spmem:s25] =	stream.linear.scatter [tilespmem:s29], [sflag:$0x7], $0x4000, $0x38;
	[tilespmem:$0x1C400] =	vst v63  }
0x83: {  	_ =	swait.ge [sflag:s0], $0x4000  }
0x84: {  	[sflag:s0] =	ssyncset.done $0x0  }
0x85: {  	[sflag:s0] =	ssyncadd.s32 $0xFFFFC000  }
0x86: {  	[bflag:$0x0] =	sbarrier.arrive $0xFFFF  }
0x87: {  	s6 =	smov.u32 s25;
	s25 =	rddreg [dreg:$0x5]  }
0x88: {  	[tilespmem:s2], [sflag:$0x1] =	stream.linear.gather [hbm4b:s25+s2], $0x100, $0x38;
	[tilespmem:$0x1C400] =	vst v63  }
0x89: {  	s22 =	rddreg [dreg:$0xb]  }
0x8a: {  	[tilespmem:s11], [sflag:$0x2] =	stream.linear.gather [hbm4b:s22+s2], $0x100, $0x38;
	[tilespmem:$0x1C400] =	vst v63  }
0x8b: {  	s9 =	smov.u32 s24;
	s24 =	rddreg [dreg:$0xc]  }
0x8c: {  	[tilespmem:s12], [sflag:$0x3] =	stream.linear.gather [hbm4b:s24+s2], $0x100, $0x38;
	[tilespmem:$0x1C400] =	vst v63  }
0x8d: {  	s25 =	rddreg [dreg:$0x10]  }
0x8e: {  	[tilespmem:s13], [sflag:$0x4] =	stream.linear.gather [hbm4b:s25+s2], $0x100, $0x38;
	[tilespmem:$0x1C400] =	vst v63  }
0x8f: {  	_ =	swait.ge [sflag:s14], $0x100  }
0x90: {  	[sflag:s14] =	ssyncset.done $0x0  }
0x91: {  	[sflag:s14] =	ssyncadd.s32 $0xFFFFFF00  }
0x92: {  	[tilespmem:s29], [sflag:$0x5] =	stream.indirect.gather [hbm4b:s4+s15], $0x80, s2, s15, $0xb8;
	[tilespmem:$0x1C400] =	vst v63  }
0x93: {  	_ =	swait.ge [sflag:s16], $0x100  }
0x94: {  	[sflag:s16] =	ssyncset.done $0x0  }
0x95: {  	s22 =	simm.s32 $0x0;
	[sflag:s16] =	ssyncadd.s32 $0xFFFFFF00  }
0x96: {  	[tilespmem:s30], [sflag:$0x6] =	stream.indirect.gather [hbm4b:s4+s15], $0x80, s11, s15, $0xb8;
	[tilespmem:$0x1C400] =	vst v63  }
.LBB2_2:
0x97: {  	_ =	swait.ge [sflag:s31], $0x4000  }
0x98: {  	[sflag:s31] =	ssyncset.done $0x0  }
0x99: {  	[sflag:s31] =	ssyncadd.s32 $0xFFFFC000  }
0x9a: {  	[spmem:s1] =	stream.indirect.scatter.add.f32 [tilespmem:s29], [sflag:$0x7], $0x80, s15, s15, $0xb8;
	[tilespmem:$0x1C400] =	vst v63  }
0x9b: {  	_ =	swait.ge [sflag:s0], $0x4000  }
0x9c: {  	p0 =	seq.s32 s22, $0x980;
	[sflag:s0] =	ssyncset.done $0x0  }
0x9d: {  	s24 =	sadd.s32 @!p0 s22, s28;
	s25 =	simm.s32 @!p0 $0x0;
	[sflag:s0] =	ssyncadd.s32 $0xFFFFC000  }
0x9e: {  	[tilespmem:s25], [sflag:$0x1] =	stream.linear.gather @!p0 [hbm4b:s24+s25], $0x100, $0x38;
	[tilespmem:$0x1C400] =	vst v63  }
0x9f: {  	_ =	swait.ge [sflag:s17], $0x100  }
0xa0: {  	[sflag:s17] =	ssyncset.done $0x0  }
0xa1: {  	[sflag:s17] =	ssyncadd.s32 $0xFFFFFF00  }
0xa2: {  	[tilespmem:s29], [sflag:$0x5] =	stream.indirect.gather [hbm4b:s4+s15], $0x80, s12, s15, $0xb8;
	[tilespmem:$0x1C400] =	vst v63  }
0xa3: {  	_ =	swait.ge [sflag:s3], $0x4000  }
0xa4: {  	[sflag:s3] =	ssyncset.done $0x0  }
0xa5: {  	[sflag:s3] =	ssyncadd.s32 $0xFFFFC000  }
0xa6: {  	[spmem:s1] =	stream.indirect.scatter.add.f32 [tilespmem:s30], [sflag:$0x7], $0x80, s10, s15, $0xb8;
	[tilespmem:$0x1C400] =	vst v63  }
0xa7: {  	_ =	swait.ge [sflag:s0], $0x4000  }
0xa8: {  	s24 =	sadd.s32 @!p0 s22, s23;
	[sflag:s0] =	ssyncset.done $0x0  }
0xa9: {  	s5 =	simm.s32 @!p0 $0x100;
	s24 =	sadd.s32 @!p0 $0xA0, s24;
	[sflag:s0] =	ssyncadd.s32 $0xFFFFC000  }
0xaa: {  	[tilespmem:s5], [sflag:$0x2] =	stream.linear.gather @!p0 [hbm4b:s24+s25], $0x100, $0x38;
	[tilespmem:$0x1C400] =	vst v63  }
0xab: {  	_ =	swait.ge [sflag:s18], $0x100  }
0xac: {  	[sflag:s18] =	ssyncset.done $0x0  }
0xad: {  	[sflag:s18] =	ssyncadd.s32 $0xFFFFFF00  }
0xae: {  	[tilespmem:s30], [sflag:$0x6] =	stream.indirect.gather [hbm4b:s4+s15], $0x80, s13, s15, $0xb8;
	[tilespmem:$0x1C400] =	vst v63  }
0xaf: {  	_ =	swait.ge [sflag:s31], $0x4000  }
0xb0: {  	[sflag:s31] =	ssyncset.done $0x0  }
.Ltmp2:
0xb1: {  	[sflag:s31] =	ssyncadd.s32 $0xFFFFC000;
	(pc) =	sbr.rel @p0 .LBB2_4-.Ltmp2, $4  }
0xb2: {  	[spmem:s1] =	stream.indirect.scatter.add.f32 [tilespmem:s29], [sflag:$0x7], $0x80, s19, s15, $0xb8;
	[tilespmem:$0x1C400] =	vst v63  }
0xb3: {  	_ =	swait.ge [sflag:s0], $0x4000  }
0xb4: {  	[sflag:s0] =	ssyncset.done $0x0  }
0xb5: {  	[sflag:s0] =	ssyncadd.s32 $0xFFFFC000  }
0xb6: {  	s5 =	sadd.s32 s22, s26  }
0xb7: {  	[tilespmem:s12], [sflag:$0x3] =	stream.linear.gather [hbm4b:s5+s2], $0x100, $0x38;
	[tilespmem:$0x1C400] =	vst v63  }
0xb8: {  	_ =	swait.ge [sflag:s14], $0x100  }
0xb9: {  	[sflag:s14] =	ssyncset.done $0x0  }
0xba: {  	[sflag:s14] =	ssyncadd.s32 $0xFFFFFF00  }
0xbb: {  	[tilespmem:s29], [sflag:$0x5] =	stream.indirect.gather [hbm4b:s4+s15], $0x80, s2, s15, $0xb8;
	[tilespmem:$0x1C400] =	vst v63  }
0xbc: {  	_ =	swait.ge [sflag:s3], $0x4000  }
0xbd: {  	[sflag:s3] =	ssyncset.done $0x0  }
0xbe: {  	[sflag:s3] =	ssyncadd.s32 $0xFFFFC000  }
0xbf: {  	[spmem:s1] =	stream.indirect.scatter.add.f32 [tilespmem:s30], [sflag:$0x7], $0x80, s20, s15, $0xb8;
	[tilespmem:$0x1C400] =	vst v63  }
0xc0: {  	_ =	swait.ge [sflag:s0], $0x4000  }
0xc1: {  	s25 =	sadd.s32 s22, s23;
	[sflag:s0] =	ssyncset.done $0x0  }
0xc2: {  	s5 =	sadd.s32 $0xE0, s25;
	[sflag:s0] =	ssyncadd.s32 $0xFFFFC000  }
0xc3: {  	[tilespmem:s13], [sflag:$0x4] =	stream.linear.gather [hbm4b:s5+s2], $0x100, $0x38;
	[tilespmem:$0x1C400] =	vst v63  }
.Ltmp3:
0xc4: {  	_ = 	snop;
	(pc) =	sbr.rel .LBB2_2-.Ltmp3, $4  }
0xc5: {  	_ =	swait.ge [sflag:s16], $0x100  }
0xc6: {  	[sflag:s16] =	ssyncset.done $0x0  }
0xc7: {  	s22 =	sadd.s32 $0x80, s22;
	[sflag:s16] =	ssyncadd.s32 $0xFFFFFF00  }
0xc8: {  	[tilespmem:s30], [sflag:$0x6] =	stream.indirect.gather [hbm4b:s4+s15], $0x80, s11, s15, $0xb8;
	[tilespmem:$0x1C400] =	vst v63  }
.LBB2_5:
0xc9: {  	_ =	sfence.sel $0x180000  }
0xca: {  	[bflag:$0x0] =	sbarrier.arrive $0xFFFF  }
0xcb: {  	_ =	strace $0x90000050  }
0xcc: {  	s0 =	stileid.u32;
	[bflag:$0x2] =	sbarrier.arrive $0xFFFF  }
0xcd: {  	p0 =	sne.s32 s0, $0x0;
	s0 =	rddreg [dreg:$0x3]  }
0xce: {  	s0 =	sadd.s32 @!p0 $0x100000, s0  }
0xcf: {  	[sflag:s0] =	ssyncadd.tile.s32 @!p0 $0x1;
	_ =	shalt  }
.Lfunc_end2:
_tile_overlayer_lowered:
.L_overlay_start_2:
0xd0: {  	(tag) =	ssettag $0x2  }
0xd1: {  	s0 =	rddreg [dreg:$0x0];
	s2 =	stileid.u32  }
0xd2: {  	s1 =	rddreg [dreg:$0x1];
	p0 =	sne.s32 s2, $0x0  }
0xd3: {  	s3 =	rddreg [dreg:$0x2];
	[bflag:$0x3] =	sbarrier.arrive $0xFFFF;
	s2 =	simm.s32 @!p0 $0x1C07  }
0xd4: {  	[timem:s3], [sflag:s2] =	dma.local @!p0 [hbm:s0], s1  }
0xd5: {  	s0 =	simm.s32 @!p0 $0x7  }
0xd6: {  	_ =	swait.ge @!p0 [sflag:s0], s1  }
0xd7: {  	s1 =	ssub.s32 @!p0 $0x0, s1;
	[sflag:s0] =	ssyncset.done @!p0 $0x0  }
0xd8: {  	[sflag:s0] =	ssyncadd.s32 @!p0 s1  }
0xd9: {  	[bflag:$0x3] =	sbarrier.arrive $0xFFFF  }
0xda: {  	_ =	shalt  }

</sc_bundles>
